<compile_context>
chip_gen: v7x
topology: tpu7x:2x2x1
jax: 0.10.2.dev20260603
libtpu: 0.0.44.dev20260713+nightly
codegen_flags: <defaults>
</compile_context>

<pallas_src>
import functools

import jax
import jax.numpy as jnp
from jax import lax
from jax.experimental import pallas as pl
from jax.experimental.pallas import tpu as pltpu
from jax.experimental.pallas import tpu_sc as plsc

N = 10000
E = 320000
D = 128
DE = 16
EPS = 1e-5

NC = 2
NS = 16
NW = NC * NS
EP = E // NW
C = 80
EPP = 10240
NCHUNK = EPP // C
E_PAD = NW * EPP
G = NW * NCHUNK
NPAD = 10240
ROWS_PER_TILE = NPAD // NS

_EB = 2560


def _emb_body(ea_ref, we0_ref, we1_ref, we2_ref, e0_ref, e1_ref, e2_ref):
    ea = ea_ref[...]
    e0_ref[...] = jnp.dot(ea, we0_ref[...], preferred_element_type=jnp.float32)
    e1_ref[...] = jnp.dot(ea, we1_ref[...], preferred_element_type=jnp.float32)
    e2_ref[...] = jnp.dot(ea, we2_ref[...], preferred_element_type=jnp.float32)


def _edge_embeddings(edge_attr_pad, We0, We1, We2):
    grid = (E_PAD // _EB,)
    eb_spec = pl.BlockSpec((_EB, DE), lambda i: (i, 0))
    w_spec = pl.BlockSpec((DE, D), lambda i: (0, 0))
    out_spec = pl.BlockSpec((_EB, D), lambda i: (i, 0))
    return pl.pallas_call(
        _emb_body,
        grid=grid,
        in_specs=[eb_spec, w_spec, w_spec, w_spec],
        out_specs=[out_spec, out_spec, out_spec],
        out_shape=[jax.ShapeDtypeStruct((E_PAD, D), jnp.float32)] * 3,
    )(edge_attr_pad, We0, We1, We2)


_sc_mesh = plsc.VectorSubcoreMesh(core_axis_name="c", subcore_axis_name="s")


@functools.partial(
    pl.kernel,
    out_type=jax.ShapeDtypeStruct((NC, NPAD, D), jnp.float32),
    mesh=_sc_mesh,
    scratch_types=[
        pltpu.VMEM_SHARED((NPAD, D), jnp.float32),
        pltpu.VMEM((2, 2, 128), jnp.int32),
        pltpu.VMEM((2, C), jnp.int32),
        pltpu.VMEM((2, C, D), jnp.float32),
        pltpu.VMEM((2, C, D), jnp.float32),
        pltpu.SemaphoreType.DMA,
        pltpu.SemaphoreType.DMA,
        pltpu.SemaphoreType.DMA,
        pltpu.SemaphoreType.DMA,
        pltpu.SemaphoreType.DMA,
        pltpu.SemaphoreType.DMA,
        pltpu.SemaphoreType.DMA,
        pltpu.SemaphoreType.DMA,
    ],
)
def _sc_aggregate(x_hbm, idx_hbm, emb_hbm, zero_hbm, out_hbm,
                  agg, idxv, dstc, xg, ev,
                  isem0, isem1, gsem0, gsem1, esem0, esem1, ssem0, ssem1):
    cid = lax.axis_index("c")
    sid = lax.axis_index("s")
    wid = sid * NC + cid
    e0 = wid * EPP
    g0 = wid * NCHUNK
    isem = (isem0, isem1)
    gsem = (gsem0, gsem1)
    esem = (esem0, esem1)
    ssem = (ssem0, ssem1)

    def _copy_dst_row(s):
        for j in range(C // 16):
            dstc[s, pl.ds(j * 16, 16)] = idxv[s, 1, pl.ds(j * 16, 16)]

    pltpu.sync_copy(idx_hbm.at[g0], idxv.at[0])
    pltpu.sync_copy(idx_hbm.at[g0 + 1], idxv.at[1])
    _copy_dst_row(0)
    _copy_dst_row(1)
    pltpu.async_copy(x_hbm.at[idxv.at[0, 0, pl.ds(0, C)]], xg.at[0], gsem[0])
    pltpu.async_copy(emb_hbm.at[pl.ds(e0, C), :], ev.at[0], esem[0])

    r0 = sid * ROWS_PER_TILE
    pltpu.sync_copy(zero_hbm.at[pl.ds(r0, ROWS_PER_TILE), :],
                    agg.at[pl.ds(r0, ROWS_PER_TILE), :])
    plsc.subcore_barrier()

    def _pair(jj, _):
        for b in (0, 1):
            k = 2 * jj + b
            nb = 1 - b
            @pl.when(k > 0)
            def _():
                pltpu.make_async_copy(
                    xg.at[nb], agg.at[dstc.at[nb]], ssem[nb]).wait()
            @pl.when(jnp.logical_and(k > 0, k + 1 < NCHUNK))
            def _():
                pltpu.make_async_copy(
                    idx_hbm.at[g0], idxv.at[nb], isem[nb]).wait()
            @pl.when(k + 1 < NCHUNK)
            def _():
                pltpu.async_copy(
                    x_hbm.at[idxv.at[nb, 0, pl.ds(0, C)]], xg.at[nb], gsem[nb])
                pltpu.async_copy(
                    emb_hbm.at[pl.ds(e0 + (k + 1) * C, C), :], ev.at[nb], esem[nb])
            @pl.when(jnp.logical_and(k > 0, k + 1 < NCHUNK))
            def _():
                _copy_dst_row(nb)
            @pl.when(k + 2 < NCHUNK)
            def _():
                pltpu.async_copy(idx_hbm.at[g0 + k + 2], idxv.at[b], isem[b])
            pltpu.make_async_copy(
                x_hbm.at[idxv.at[b, 0, pl.ds(0, C)]], xg.at[b], gsem[b]).wait()
            pltpu.make_async_copy(
                emb_hbm.at[pl.ds(e0, C), :], ev.at[b], esem[b]).wait()

            @plsc.parallel_loop(0, C, unroll=4)
            def _row(i):
                for j in range(D // 16):
                    sl = pl.ds(j * 16, 16)
                    xg[b, i, sl] = jnp.maximum(xg[b, i, sl] + ev[b, i, sl], 0.0)

            pltpu.async_copy(xg.at[b], agg.at[dstc.at[b]], ssem[b], add=True)
        return 0

    lax.fori_loop(0, NCHUNK // 2, _pair, 0)
    pltpu.make_async_copy(xg.at[1], agg.at[dstc.at[1]], ssem[1]).wait()
    plsc.subcore_barrier()

    pltpu.sync_copy(agg.at[pl.ds(r0, ROWS_PER_TILE), :],
                    out_hbm.at[cid, pl.ds(r0, ROWS_PER_TILE), :])


def _dense_bn_body(x_ref, p0_ref, p1_ref, w_ref, g_ref, b_ref, o_ref):
    y = x_ref[...] + p0_ref[0] + p1_ref[0]
    h = jnp.maximum(jnp.dot(y, w_ref[...], preferred_element_type=jnp.float32), 0.0)
    mu = jnp.mean(h, axis=0, keepdims=True)
    var = jnp.mean(h * h, axis=0, keepdims=True) - mu * mu
    inv = lax.rsqrt(var + EPS)
    o_ref[...] = (h - mu) * inv * g_ref[...] + b_ref[...] + x_ref[...]


def _dense_bn(x, partial, W, gamma, beta):
    x_spec = pl.BlockSpec((N, D), lambda i: (0, 0))
    p0_spec = pl.BlockSpec((1, N, D), lambda i: (0, 0, 0))
    p1_spec = pl.BlockSpec((1, N, D), lambda i: (1, 0, 0))
    w_spec = pl.BlockSpec((D, D), lambda i: (0, 0))
    row = pl.BlockSpec((1, D), lambda i: (0, 0))
    return pl.pallas_call(
        _dense_bn_body,
        grid=(1,),
        in_specs=[x_spec, p0_spec, p1_spec, w_spec, row, row],
        out_specs=x_spec,
        out_shape=jax.ShapeDtypeStruct((N, D), jnp.float32),
    )(x, partial, partial, W, gamma, beta)


def kernel(x, edge_index, edge_attr, batch,
           We0, W0, gamma0, beta0,
           We1, W1, gamma1, beta1,
           We2, W2, gamma2, beta2):
    del batch
    pad = EPP - EP
    src = jnp.pad(edge_index[0].reshape(NW, EP), ((0, 0), (0, pad)))
    dst = jnp.pad(edge_index[1].reshape(NW, EP), ((0, 0), (0, pad)),
                  constant_values=N)
    s3 = jnp.pad(src.reshape(NW, NCHUNK, C), ((0, 0), (0, 0), (0, 128 - C)))
    d3 = jnp.pad(dst.reshape(NW, NCHUNK, C), ((0, 0), (0, 0), (0, 128 - C)),
                 constant_values=N)
    idx = jnp.stack([s3, d3], axis=2).reshape(G, 2, 128)
    ea_pad = jnp.pad(edge_attr.reshape(NW, EP, DE),
                     ((0, 0), (0, pad), (0, 0))).reshape(-1, DE)
    zeros = jnp.zeros((NPAD, D), jnp.float32)
    embs = _edge_embeddings(ea_pad, We0, We1, We2)
    params = [(W0, gamma0, beta0), (W1, gamma1, beta1), (W2, gamma2, beta2)]
    for emb, (W, g, b) in zip(embs, params):
        partial = _sc_aggregate(x, idx, emb, zeros)
        x = _dense_bn(x, partial, W, g.reshape(1, D), b.reshape(1, D))
    return x

# --- scband reference (transcript-rebuilt; emitter-appended) ---
"""Pipeline reference for scband-gnn-3582002725394 (READ-ONLY COPY).

The authoritative reference and input builder live on the scoring server;
editing this copy changes nothing except your own understanding.
"""

import jax, jax.numpy as jnp
import numpy as np

N = 10000
E = 320000
D = 128
DE = 16
L = 3


def setup_inputs(seed: int = 0) -> dict:
    key = jax.random.key(seed)
    ks = jax.random.split(key, 3 + 2 * L)
    x = jax.random.normal(ks[0], (N, D), dtype=jnp.float32)
    edge_index = jax.random.randint(ks[1], (2, E), 0, N, dtype=jnp.int32)
    edge_attr = jax.random.normal(ks[2], (E, DE), dtype=jnp.float32) * 0.1
    batch = jnp.zeros((N,), dtype=jnp.int32)
    inp = {"x": x, "edge_index": edge_index, "edge_attr": edge_attr, "batch": batch}
    for l in range(L):
        inp[f"We{l}"] = jax.random.normal(ks[3 + 2 * l], (DE, D), dtype=jnp.float32) * 0.1
        inp[f"W{l}"] = jax.random.normal(ks[4 + 2 * l], (D, D), dtype=jnp.float32) * (1.0 / np.sqrt(D))
        inp[f"gamma{l}"] = jnp.ones((D,), dtype=jnp.float32)
        inp[f"beta{l}"] = jnp.zeros((D,), dtype=jnp.float32)
    return inp


def _gine_conv(x, src, dst, edge_attr, We, W):
    # GINE-style conv, bias=False: message = relu(x_j + edge_emb); sum-aggregate to dst; linear transform
    m = jax.nn.relu(x[src] + edge_attr @ We)
    agg = jax.ops.segment_sum(m, dst, num_segments=x.shape[0])
    return (x + agg) @ W


def _batchnorm(h, gamma, beta, eps=1e-5):
    mu = h.mean(axis=0)
    var = h.var(axis=0)
    return (h - mu) / jnp.sqrt(var + eps) * gamma + beta


def reference(x, edge_index, edge_attr, batch, We0, W0, gamma0, beta0, We1, W1, gamma1, beta1, We2, W2, gamma2, beta2):
    params = [(We0, W0, gamma0, beta0), (We1, W1, gamma1, beta1), (We2, W2, gamma2, beta2)]
    src = edge_index[0]
    dst = edge_index[1]
    prev = x
    for We, W, g, b in params:
        h = _gine_conv(x, src, dst, edge_attr, We, W)
        h = jax.nn.relu(h)
        h = _batchnorm(h, g, b)
        # dropout=0 -> no-op; res=True
        x = h + prev
        prev = x
    # nin == nout -> output_encoder is Identity
    return x

if __name__ == "__main__":
    import jax
    _d = setup_inputs()
    print(jax.jit(kernel)(*tuple(_d.values())))

</pallas_src>

<mosaic_0001>
#map = affine_map<(d0, d1) -> (0, 0)>
#map1 = affine_map<(d0, d1) -> (0, 0, 0)>
module attributes {stable_mosaic.version = 14 : i64} {
  func.func @_sc_aggregate(%arg0: i32, %arg1: i32, %arg2: memref<10000x128xf32, #tpu.memory_space<hbm>>, %arg3: memref<4096x2x128xi32, #tpu.memory_space<hbm>>, %arg4: memref<327680x128xf32, #tpu.memory_space<hbm>>, %arg5: memref<10240x128xf32, #tpu.memory_space<hbm>>, %arg6: memref<2x10240x128xf32, #tpu.memory_space<hbm>>, %arg7: memref<10240x128xf32, #tpu.memory_space<vmem_shared>>, %arg8: memref<2x2x128xi32, #tpu.memory_space<vmem>>, %arg9: memref<2x80xi32, #tpu.memory_space<vmem>>, %arg10: memref<2x80x128xf32, #tpu.memory_space<vmem>>, %arg11: memref<2x80x128xf32, #tpu.memory_space<vmem>>, %arg12: memref<!tpu.dma_semaphore, #tpu.memory_space<semaphore_mem>>, %arg13: memref<!tpu.dma_semaphore, #tpu.memory_space<semaphore_mem>>, %arg14: memref<!tpu.dma_semaphore, #tpu.memory_space<semaphore_mem>>, %arg15: memref<!tpu.dma_semaphore, #tpu.memory_space<semaphore_mem>>, %arg16: memref<!tpu.dma_semaphore, #tpu.memory_space<semaphore_mem>>, %arg17: memref<!tpu.dma_semaphore, #tpu.memory_space<semaphore_mem>>, %arg18: memref<!tpu.dma_semaphore, #tpu.memory_space<semaphore_mem>>, %arg19: memref<!tpu.dma_semaphore, #tpu.memory_space<semaphore_mem>>) attributes {dimension_semantics = [#tpu.dimension_semantics<core_parallel>, #tpu.dimension_semantics<subcore_parallel>], iteration_bounds = array<i64: 2, 16>, scalar_prefetch = 0 : i64, scratch_operands = 13 : i64, tpu.core_type = #tpu.core_type<sc_vector_subcore>, window_params = [{transform_indices = #map}, {transform_indices = #map1}, {transform_indices = #map}, {transform_indices = #map}, {transform_indices = #map1}]} {
    %mul3A = arith.constant 2 : i32
    %mul3A_0 = arith.muli %arg1, %mul3A : i32
    %add3A = arith.addi %mul3A_0, %arg0 : i32
    %mul3A_1 = arith.constant 10240 : i32
    %mul3A_2 = arith.muli %add3A, %mul3A_1 : i32
    %mul3A_3 = arith.constant 128 : i32
    %mul3A_4 = arith.muli %add3A, %mul3A_3 : i32
    %run_scoped3A = arith.constant 0 : i32
    "tpu.region"() ({
      %run_scoped3A_181 = tpu.sem_alloc : memref<!tpu.dma_semaphore, #tpu.memory_space<semaphore_mem>>
      %dma_start3A_182 = arith.constant 0 : i32
      %dma_start3A_183 = arith.constant 0 : i32
      %dma_start3A_184 = tpu.memref_slice %arg8[%run_scoped3A, %dma_start3A_182, %dma_start3A_183] : memref<2x2x128xi32, #tpu.memory_space<vmem>> -> memref<1x2x128xi32, #tpu.memory_space<vmem>>
      %dma_start3A_185 = tpu.memref_squeeze %dma_start3A_184 : memref<1x2x128xi32, #tpu.memory_space<vmem>> -> memref<2x128xi32, #tpu.memory_space<vmem>>
      %dma_start3A_186 = arith.constant 0 : i32
      %dma_start3A_187 = arith.constant 0 : i32
      %dma_start3A_188 = tpu.memref_slice %arg3[%mul3A_4, %dma_start3A_186, %dma_start3A_187] : memref<4096x2x128xi32, #tpu.memory_space<hbm>> -> memref<1x2x128xi32, #tpu.memory_space<hbm>>
      %dma_start3A_189 = tpu.memref_squeeze %dma_start3A_188 : memref<1x2x128xi32, #tpu.memory_space<hbm>> -> memref<2x128xi32, #tpu.memory_space<hbm>>
      %dma_start3A_190 = arith.constant 0 : i32
      %dma_start3A_191 = arith.constant 0 : i32
      %dma_start3A_192 = tpu.memref_slice %arg8[%run_scoped3A, %dma_start3A_190, %dma_start3A_191] : memref<2x2x128xi32, #tpu.memory_space<vmem>> -> memref<1x2x128xi32, #tpu.memory_space<vmem>>
      %dma_start3A_193 = tpu.memref_squeeze %dma_start3A_192 : memref<1x2x128xi32, #tpu.memory_space<vmem>> -> memref<2x128xi32, #tpu.memory_space<vmem>>
      %dma_start3A_194 = arith.constant 0 : i32
      %dma_start3A_195 = arith.constant 0 : i32
      %dma_start3A_196 = tpu.memref_slice %arg3[%mul3A_4, %dma_start3A_194, %dma_start3A_195] : memref<4096x2x128xi32, #tpu.memory_space<hbm>> -> memref<1x2x128xi32, #tpu.memory_space<hbm>>
      %dma_start3A_197 = tpu.memref_squeeze %dma_start3A_196 : memref<1x2x128xi32, #tpu.memory_space<hbm>> -> memref<2x128xi32, #tpu.memory_space<hbm>>
      tpu.enqueue_dma source(%dma_start3A_197 : memref<2x128xi32, #tpu.memory_space<hbm>>) target(%dma_start3A_193 : memref<2x128xi32, #tpu.memory_space<vmem>>) target_semaphore(%run_scoped3A_181 : memref<!tpu.dma_semaphore, #tpu.memory_space<semaphore_mem>>)
      %dma_wait3A_198 = arith.constant 0 : i32
      %dma_wait3A_199 = arith.constant 0 : i32
      %dma_wait3A_200 = tpu.memref_slice %arg8[%run_scoped3A, %dma_wait3A_198, %dma_wait3A_199] : memref<2x2x128xi32, #tpu.memory_space<vmem>> -> memref<1x2x128xi32, #tpu.memory_space<vmem>>
      %dma_wait3A_201 = tpu.memref_squeeze %dma_wait3A_200 : memref<1x2x128xi32, #tpu.memory_space<vmem>> -> memref<2x128xi32, #tpu.memory_space<vmem>>
      %dma_wait3A_202 = arith.constant 0 : i32
      %dma_wait3A_203 = arith.constant 0 : i32
      %dma_wait3A_204 = tpu.memref_slice %arg3[%mul3A_4, %dma_wait3A_202, %dma_wait3A_203] : memref<4096x2x128xi32, #tpu.memory_space<hbm>> -> memref<1x2x128xi32, #tpu.memory_space<hbm>>
      %dma_wait3A_205 = tpu.memref_squeeze %dma_wait3A_204 : memref<1x2x128xi32, #tpu.memory_space<hbm>> -> memref<2x128xi32, #tpu.memory_space<hbm>>
      %dma_wait3A_206 = arith.constant 0 : i32
      %dma_wait3A_207 = arith.constant 0 : i32
      %dma_wait3A_208 = tpu.memref_slice %arg8[%run_scoped3A, %dma_wait3A_206, %dma_wait3A_207] : memref<2x2x128xi32, #tpu.memory_space<vmem>> -> memref<1x2x128xi32, #tpu.memory_space<vmem>>
      %dma_wait3A_209 = tpu.memref_squeeze %dma_wait3A_208 : memref<1x2x128xi32, #tpu.memory_space<vmem>> -> memref<2x128xi32, #tpu.memory_space<vmem>>
      %dma_wait3A_210 = arith.constant 0 : i32
      %dma_wait3A_211 = arith.constant 0 : i32
      %dma_wait3A_212 = tpu.memref_slice %arg3[%mul3A_4, %dma_wait3A_210, %dma_wait3A_211] : memref<4096x2x128xi32, #tpu.memory_space<hbm>> -> memref<1x2x128xi32, #tpu.memory_space<hbm>>
      %dma_wait3A_213 = tpu.memref_squeeze %dma_wait3A_212 : memref<1x2x128xi32, #tpu.memory_space<hbm>> -> memref<2x128xi32, #tpu.memory_space<hbm>>
      tpu.wait_dma2 semaphore(%run_scoped3A_181 : memref<!tpu.dma_semaphore, #tpu.memory_space<semaphore_mem>>) src(%dma_wait3A_213 : memref<2x128xi32, #tpu.memory_space<hbm>>) dst(%dma_wait3A_209 : memref<2x128xi32, #tpu.memory_space<vmem>>)
      tpu.yield
    }) : () -> ()
    %add3A_5 = arith.constant 1 : i32
    %add3A_6 = arith.addi %mul3A_4, %add3A_5 : i32
    %run_scoped3A_7 = arith.constant 1 : i32
    "tpu.region"() ({
      %run_scoped3A_181 = tpu.sem_alloc : memref<!tpu.dma_semaphore, #tpu.memory_space<semaphore_mem>>
      %dma_start3A_182 = arith.constant 0 : i32
      %dma_start3A_183 = arith.constant 0 : i32
      %dma_start3A_184 = tpu.memref_slice %arg8[%run_scoped3A_7, %dma_start3A_182, %dma_start3A_183] : memref<2x2x128xi32, #tpu.memory_space<vmem>> -> memref<1x2x128xi32, #tpu.memory_space<vmem>>
      %dma_start3A_185 = tpu.memref_squeeze %dma_start3A_184 : memref<1x2x128xi32, #tpu.memory_space<vmem>> -> memref<2x128xi32, #tpu.memory_space<vmem>>
      %dma_start3A_186 = arith.constant 0 : i32
      %dma_start3A_187 = arith.constant 0 : i32
      %dma_start3A_188 = tpu.memref_slice %arg3[%add3A_6, %dma_start3A_186, %dma_start3A_187] : memref<4096x2x128xi32, #tpu.memory_space<hbm>> -> memref<1x2x128xi32, #tpu.memory_space<hbm>>
      %dma_start3A_189 = tpu.memref_squeeze %dma_start3A_188 : memref<1x2x128xi32, #tpu.memory_space<hbm>> -> memref<2x128xi32, #tpu.memory_space<hbm>>
      %dma_start3A_190 = arith.constant 0 : i32
      %dma_start3A_191 = arith.constant 0 : i32
      %dma_start3A_192 = tpu.memref_slice %arg8[%run_scoped3A_7, %dma_start3A_190, %dma_start3A_191] : memref<2x2x128xi32, #tpu.memory_space<vmem>> -> memref<1x2x128xi32, #tpu.memory_space<vmem>>
      %dma_start3A_193 = tpu.memref_squeeze %dma_start3A_192 : memref<1x2x128xi32, #tpu.memory_space<vmem>> -> memref<2x128xi32, #tpu.memory_space<vmem>>
      %dma_start3A_194 = arith.constant 0 : i32
      %dma_start3A_195 = arith.constant 0 : i32
      %dma_start3A_196 = tpu.memref_slice %arg3[%add3A_6, %dma_start3A_194, %dma_start3A_195] : memref<4096x2x128xi32, #tpu.memory_space<hbm>> -> memref<1x2x128xi32, #tpu.memory_space<hbm>>
      %dma_start3A_197 = tpu.memref_squeeze %dma_start3A_196 : memref<1x2x128xi32, #tpu.memory_space<hbm>> -> memref<2x128xi32, #tpu.memory_space<hbm>>
      tpu.enqueue_dma source(%dma_start3A_197 : memref<2x128xi32, #tpu.memory_space<hbm>>) target(%dma_start3A_193 : memref<2x128xi32, #tpu.memory_space<vmem>>) target_semaphore(%run_scoped3A_181 : memref<!tpu.dma_semaphore, #tpu.memory_space<semaphore_mem>>)
      %dma_wait3A_198 = arith.constant 0 : i32
      %dma_wait3A_199 = arith.constant 0 : i32
      %dma_wait3A_200 = tpu.memref_slice %arg8[%run_scoped3A_7, %dma_wait3A_198, %dma_wait3A_199] : memref<2x2x128xi32, #tpu.memory_space<vmem>> -> memref<1x2x128xi32, #tpu.memory_space<vmem>>
      %dma_wait3A_201 = tpu.memref_squeeze %dma_wait3A_200 : memref<1x2x128xi32, #tpu.memory_space<vmem>> -> memref<2x128xi32, #tpu.memory_space<vmem>>
      %dma_wait3A_202 = arith.constant 0 : i32
      %dma_wait3A_203 = arith.constant 0 : i32
      %dma_wait3A_204 = tpu.memref_slice %arg3[%add3A_6, %dma_wait3A_202, %dma_wait3A_203] : memref<4096x2x128xi32, #tpu.memory_space<hbm>> -> memref<1x2x128xi32, #tpu.memory_space<hbm>>
      %dma_wait3A_205 = tpu.memref_squeeze %dma_wait3A_204 : memref<1x2x128xi32, #tpu.memory_space<hbm>> -> memref<2x128xi32, #tpu.memory_space<hbm>>
      %dma_wait3A_206 = arith.constant 0 : i32
      %dma_wait3A_207 = arith.constant 0 : i32
      %dma_wait3A_208 = tpu.memref_slice %arg8[%run_scoped3A_7, %dma_wait3A_206, %dma_wait3A_207] : memref<2x2x128xi32, #tpu.memory_space<vmem>> -> memref<1x2x128xi32, #tpu.memory_space<vmem>>
      %dma_wait3A_209 = tpu.memref_squeeze %dma_wait3A_208 : memref<1x2x128xi32, #tpu.memory_space<vmem>> -> memref<2x128xi32, #tpu.memory_space<vmem>>
      %dma_wait3A_210 = arith.constant 0 : i32
      %dma_wait3A_211 = arith.constant 0 : i32
      %dma_wait3A_212 = tpu.memref_slice %arg3[%add3A_6, %dma_wait3A_210, %dma_wait3A_211] : memref<4096x2x128xi32, #tpu.memory_space<hbm>> -> memref<1x2x128xi32, #tpu.memory_space<hbm>>
      %dma_wait3A_213 = tpu.memref_squeeze %dma_wait3A_212 : memref<1x2x128xi32, #tpu.memory_space<hbm>> -> memref<2x128xi32, #tpu.memory_space<hbm>>
      tpu.wait_dma2 semaphore(%run_scoped3A_181 : memref<!tpu.dma_semaphore, #tpu.memory_space<semaphore_mem>>) src(%dma_wait3A_213 : memref<2x128xi32, #tpu.memory_space<hbm>>) dst(%dma_wait3A_209 : memref<2x128xi32, #tpu.memory_space<vmem>>)
      tpu.yield
    }) : () -> ()
    %get3A = arith.constant 0 : i32
    %get3A_8 = arith.constant 1 : i32
    %get3A_9 = arith.index_cast %get3A : i32 to index
    %get3A_10 = arith.index_cast %get3A_8 : i32 to index
    %get3A_11 = arith.constant 0 : index
    %get3A_12 = tpu.vector_load %arg8[%get3A_9, %get3A_10, %get3A_11] {strides = array<i32>} : memref<2x2x128xi32, #tpu.memory_space<vmem>>, vector<1x1x16xi32>,
    %get3A_13 = vector.shape_cast %get3A_12 : vector<1x1x16xi32> to vector<16xi32>
    %swap3A = arith.constant 0 : i32
    %swap3A_14 = arith.index_cast %swap3A : i32 to index
    %swap3A_15 = arith.constant 0 : index
    %swap3A_16 = tpu.vector_load %arg9[%swap3A_14, %swap3A_15] {strides = array<i32>} : memref<2x80xi32, #tpu.memory_space<vmem>>, vector<1x16xi32>,
    %swap3A_17 = vector.shape_cast %swap3A_16 : vector<1x16xi32> to vector<16xi32>
    %swap3A_18 = vector.shape_cast %get3A_13 : vector<16xi32> to vector<1x16xi32>
    tpu.vector_store %arg9[%swap3A_14, %swap3A_15], %swap3A_18 {strides = array<i32>} : memref<2x80xi32, #tpu.memory_space<vmem>>, vector<1x16xi32>,
    %get3A_19 = arith.constant 0 : i32
    %get3A_20 = arith.constant 1 : i32
    %get3A_21 = arith.index_cast %get3A_19 : i32 to index
    %get3A_22 = arith.index_cast %get3A_20 : i32 to index
    %get3A_23 = arith.constant 16 : index
    %get3A_24 = tpu.vector_load %arg8[%get3A_21, %get3A_22, %get3A_23] {strides = array<i32>} : memref<2x2x128xi32, #tpu.memory_space<vmem>>, vector<1x1x16xi32>,
    %get3A_25 = vector.shape_cast %get3A_24 : vector<1x1x16xi32> to vector<16xi32>
    %swap3A_26 = arith.constant 0 : i32
    %swap3A_27 = arith.index_cast %swap3A_26 : i32 to index
    %swap3A_28 = arith.constant 16 : index
    %swap3A_29 = tpu.vector_load %arg9[%swap3A_27, %swap3A_28] {strides = array<i32>} : memref<2x80xi32, #tpu.memory_space<vmem>>, vector<1x16xi32>,
    %swap3A_30 = vector.shape_cast %swap3A_29 : vector<1x16xi32> to vector<16xi32>
    %swap3A_31 = vector.shape_cast %get3A_25 : vector<16xi32> to vector<1x16xi32>
    tpu.vector_store %arg9[%swap3A_27, %swap3A_28], %swap3A_31 {strides = array<i32>} : memref<2x80xi32, #tpu.memory_space<vmem>>, vector<1x16xi32>,
    %get3A_32 = arith.constant 0 : i32
    %get3A_33 = arith.constant 1 : i32
    %get3A_34 = arith.index_cast %get3A_32 : i32 to index
    %get3A_35 = arith.index_cast %get3A_33 : i32 to index
    %get3A_36 = arith.constant 32 : index
    %get3A_37 = tpu.vector_load %arg8[%get3A_34, %get3A_35, %get3A_36] {strides = array<i32>} : memref<2x2x128xi32, #tpu.memory_space<vmem>>, vector<1x1x16xi32>,
    %get3A_38 = vector.shape_cast %get3A_37 : vector<1x1x16xi32> to vector<16xi32>
    %swap3A_39 = arith.constant 0 : i32
    %swap3A_40 = arith.index_cast %swap3A_39 : i32 to index
    %swap3A_41 = arith.constant 32 : index
    %swap3A_42 = tpu.vector_load %arg9[%swap3A_40, %swap3A_41] {strides = array<i32>} : memref<2x80xi32, #tpu.memory_space<vmem>>, vector<1x16xi32>,
    %swap3A_43 = vector.shape_cast %swap3A_42 : vector<1x16xi32> to vector<16xi32>
    %swap3A_44 = vector.shape_cast %get3A_38 : vector<16xi32> to vector<1x16xi32>
    tpu.vector_store %arg9[%swap3A_40, %swap3A_41], %swap3A_44 {strides = array<i32>} : memref<2x80xi32, #tpu.memory_space<vmem>>, vector<1x16xi32>,
    %get3A_45 = arith.constant 0 : i32
    %get3A_46 = arith.constant 1 : i32
    %get3A_47 = arith.index_cast %get3A_45 : i32 to index
    %get3A_48 = arith.index_cast %get3A_46 : i32 to index
    %get3A_49 = arith.constant 48 : index
    %get3A_50 = tpu.vector_load %arg8[%get3A_47, %get3A_48, %get3A_49] {strides = array<i32>} : memref<2x2x128xi32, #tpu.memory_space<vmem>>, vector<1x1x16xi32>,
    %get3A_51 = vector.shape_cast %get3A_50 : vector<1x1x16xi32> to vector<16xi32>
    %swap3A_52 = arith.constant 0 : i32
    %swap3A_53 = arith.index_cast %swap3A_52 : i32 to index
    %swap3A_54 = arith.constant 48 : index
    %swap3A_55 = tpu.vector_load %arg9[%swap3A_53, %swap3A_54] {strides = array<i32>} : memref<2x80xi32, #tpu.memory_space<vmem>>, vector<1x16xi32>,
    %swap3A_56 = vector.shape_cast %swap3A_55 : vector<1x16xi32> to vector<16xi32>
    %swap3A_57 = vector.shape_cast %get3A_51 : vector<16xi32> to vector<1x16xi32>
    tpu.vector_store %arg9[%swap3A_53, %swap3A_54], %swap3A_57 {strides = array<i32>} : memref<2x80xi32, #tpu.memory_space<vmem>>, vector<1x16xi32>,
    %get3A_58 = arith.constant 0 : i32
    %get3A_59 = arith.constant 1 : i32
    %get3A_60 = arith.index_cast %get3A_58 : i32 to index
    %get3A_61 = arith.index_cast %get3A_59 : i32 to index
    %get3A_62 = arith.constant 64 : index
    %get3A_63 = tpu.vector_load %arg8[%get3A_60, %get3A_61, %get3A_62] {strides = array<i32>} : memref<2x2x128xi32, #tpu.memory_space<vmem>>, vector<1x1x16xi32>,
    %get3A_64 = vector.shape_cast %get3A_63 : vector<1x1x16xi32> to vector<16xi32>
    %swap3A_65 = arith.constant 0 : i32
    %swap3A_66 = arith.index_cast %swap3A_65 : i32 to index
    %swap3A_67 = arith.constant 64 : index
    %swap3A_68 = tpu.vector_load %arg9[%swap3A_66, %swap3A_67] {strides = array<i32>} : memref<2x80xi32, #tpu.memory_space<vmem>>, vector<1x16xi32>,
    %swap3A_69 = vector.shape_cast %swap3A_68 : vector<1x16xi32> to vector<16xi32>
    %swap3A_70 = vector.shape_cast %get3A_64 : vector<16xi32> to vector<1x16xi32>
    tpu.vector_store %arg9[%swap3A_66, %swap3A_67], %swap3A_70 {strides = array<i32>} : memref<2x80xi32, #tpu.memory_space<vmem>>, vector<1x16xi32>,
    %get3A_71 = arith.constant 1 : i32
    %get3A_72 = arith.constant 1 : i32
    %get3A_73 = arith.index_cast %get3A_71 : i32 to index
    %get3A_74 = arith.index_cast %get3A_72 : i32 to index
    %get3A_75 = arith.constant 0 : index
    %get3A_76 = tpu.vector_load %arg8[%get3A_73, %get3A_74, %get3A_75] {strides = array<i32>} : memref<2x2x128xi32, #tpu.memory_space<vmem>>, vector<1x1x16xi32>,
    %get3A_77 = vector.shape_cast %get3A_76 : vector<1x1x16xi32> to vector<16xi32>
    %swap3A_78 = arith.constant 1 : i32
    %swap3A_79 = arith.index_cast %swap3A_78 : i32 to index
    %swap3A_80 = arith.constant 0 : index
    %swap3A_81 = tpu.vector_load %arg9[%swap3A_79, %swap3A_80] {strides = array<i32>} : memref<2x80xi32, #tpu.memory_space<vmem>>, vector<1x16xi32>,
    %swap3A_82 = vector.shape_cast %swap3A_81 : vector<1x16xi32> to vector<16xi32>
    %swap3A_83 = vector.shape_cast %get3A_77 : vector<16xi32> to vector<1x16xi32>
    tpu.vector_store %arg9[%swap3A_79, %swap3A_80], %swap3A_83 {strides = array<i32>} : memref<2x80xi32, #tpu.memory_space<vmem>>, vector<1x16xi32>,
    %get3A_84 = arith.constant 1 : i32
    %get3A_85 = arith.constant 1 : i32
    %get3A_86 = arith.index_cast %get3A_84 : i32 to index
    %get3A_87 = arith.index_cast %get3A_85 : i32 to index
    %get3A_88 = arith.constant 16 : index
    %get3A_89 = tpu.vector_load %arg8[%get3A_86, %get3A_87, %get3A_88] {strides = array<i32>} : memref<2x2x128xi32, #tpu.memory_space<vmem>>, vector<1x1x16xi32>,
    %get3A_90 = vector.shape_cast %get3A_89 : vector<1x1x16xi32> to vector<16xi32>
    %swap3A_91 = arith.constant 1 : i32
    %swap3A_92 = arith.index_cast %swap3A_91 : i32 to index
    %swap3A_93 = arith.constant 16 : index
    %swap3A_94 = tpu.vector_load %arg9[%swap3A_92, %swap3A_93] {strides = array<i32>} : memref<2x80xi32, #tpu.memory_space<vmem>>, vector<1x16xi32>,
    %swap3A_95 = vector.shape_cast %swap3A_94 : vector<1x16xi32> to vector<16xi32>
    %swap3A_96 = vector.shape_cast %get3A_90 : vector<16xi32> to vector<1x16xi32>
    tpu.vector_store %arg9[%swap3A_92, %swap3A_93], %swap3A_96 {strides = array<i32>} : memref<2x80xi32, #tpu.memory_space<vmem>>, vector<1x16xi32>,
    %get3A_97 = arith.constant 1 : i32
    %get3A_98 = arith.constant 1 : i32
    %get3A_99 = arith.index_cast %get3A_97 : i32 to index
    %get3A_100 = arith.index_cast %get3A_98 : i32 to index
    %get3A_101 = arith.constant 32 : index
    %get3A_102 = tpu.vector_load %arg8[%get3A_99, %get3A_100, %get3A_101] {strides = array<i32>} : memref<2x2x128xi32, #tpu.memory_space<vmem>>, vector<1x1x16xi32>,
    %get3A_103 = vector.shape_cast %get3A_102 : vector<1x1x16xi32> to vector<16xi32>
    %swap3A_104 = arith.constant 1 : i32
    %swap3A_105 = arith.index_cast %swap3A_104 : i32 to index
    %swap3A_106 = arith.constant 32 : index
    %swap3A_107 = tpu.vector_load %arg9[%swap3A_105, %swap3A_106] {strides = array<i32>} : memref<2x80xi32, #tpu.memory_space<vmem>>, vector<1x16xi32>,
    %swap3A_108 = vector.shape_cast %swap3A_107 : vector<1x16xi32> to vector<16xi32>
    %swap3A_109 = vector.shape_cast %get3A_103 : vector<16xi32> to vector<1x16xi32>
    tpu.vector_store %arg9[%swap3A_105, %swap3A_106], %swap3A_109 {strides = array<i32>} : memref<2x80xi32, #tpu.memory_space<vmem>>, vector<1x16xi32>,
    %get3A_110 = arith.constant 1 : i32
    %get3A_111 = arith.constant 1 : i32
    %get3A_112 = arith.index_cast %get3A_110 : i32 to index
    %get3A_113 = arith.index_cast %get3A_111 : i32 to index
    %get3A_114 = arith.constant 48 : index
    %get3A_115 = tpu.vector_load %arg8[%get3A_112, %get3A_113, %get3A_114] {strides = array<i32>} : memref<2x2x128xi32, #tpu.memory_space<vmem>>, vector<1x1x16xi32>,
    %get3A_116 = vector.shape_cast %get3A_115 : vector<1x1x16xi32> to vector<16xi32>
    %swap3A_117 = arith.constant 1 : i32
    %swap3A_118 = arith.index_cast %swap3A_117 : i32 to index
    %swap3A_119 = arith.constant 48 : index
    %swap3A_120 = tpu.vector_load %arg9[%swap3A_118, %swap3A_119] {strides = array<i32>} : memref<2x80xi32, #tpu.memory_space<vmem>>, vector<1x16xi32>,
    %swap3A_121 = vector.shape_cast %swap3A_120 : vector<1x16xi32> to vector<16xi32>
    %swap3A_122 = vector.shape_cast %get3A_116 : vector<16xi32> to vector<1x16xi32>
    tpu.vector_store %arg9[%swap3A_118, %swap3A_119], %swap3A_122 {strides = array<i32>} : memref<2x80xi32, #tpu.memory_space<vmem>>, vector<1x16xi32>,
    %get3A_123 = arith.constant 1 : i32
    %get3A_124 = arith.constant 1 : i32
    %get3A_125 = arith.index_cast %get3A_123 : i32 to index
    %get3A_126 = arith.index_cast %get3A_124 : i32 to index
    %get3A_127 = arith.constant 64 : index
    %get3A_128 = tpu.vector_load %arg8[%get3A_125, %get3A_126, %get3A_127] {strides = array<i32>} : memref<2x2x128xi32, #tpu.memory_space<vmem>>, vector<1x1x16xi32>,
    %get3A_129 = vector.shape_cast %get3A_128 : vector<1x1x16xi32> to vector<16xi32>
    %swap3A_130 = arith.constant 1 : i32
    %swap3A_131 = arith.index_cast %swap3A_130 : i32 to index
    %swap3A_132 = arith.constant 64 : index
    %swap3A_133 = tpu.vector_load %arg9[%swap3A_131, %swap3A_132] {strides = array<i32>} : memref<2x80xi32, #tpu.memory_space<vmem>>, vector<1x16xi32>,
    %swap3A_134 = vector.shape_cast %swap3A_133 : vector<1x16xi32> to vector<16xi32>
    %swap3A_135 = vector.shape_cast %get3A_129 : vector<16xi32> to vector<1x16xi32>
    tpu.vector_store %arg9[%swap3A_131, %swap3A_132], %swap3A_135 {strides = array<i32>} : memref<2x80xi32, #tpu.memory_space<vmem>>, vector<1x16xi32>,
    %dma_start3A = arith.constant 0 : i32
    %dma_start3A_136 = arith.constant 0 : i32
    %dma_start3A_137 = arith.constant 0 : i32
    %dma_start3A_138 = arith.constant 0 : i32
    %dma_start3A_139 = arith.constant 0 : i32
    %dma_start3A_140 = tpu.memref_slice %arg10[%dma_start3A_137, %dma_start3A_138, %dma_start3A_139] : memref<2x80x128xf32, #tpu.memory_space<vmem>> -> memref<1x80x128xf32, #tpu.memory_space<vmem>>
    %dma_start3A_141 = tpu.memref_squeeze %dma_start3A_140 : memref<1x80x128xf32, #tpu.memory_space<vmem>> -> memref<80x128xf32, #tpu.memory_space<vmem>>
    %dma_start3A_142 = arith.constant 0 : i32
    %dma_start3A_143 = tpu.memref_slice %arg8[%dma_start3A, %dma_start3A_136, %dma_start3A_142] : memref<2x2x128xi32, #tpu.memory_space<vmem>> -> memref<1x1x80xi32, #tpu.memory_space<vmem>>
    %dma_start3A_144 = tpu.memref_squeeze %dma_start3A_143 : memref<1x1x80xi32, #tpu.memory_space<vmem>> -> memref<80xi32, #tpu.memory_space<vmem>>
    %dma_start3A_145 = arith.constant 0 : i32
    %dma_start3A_146 = arith.constant 0 : i32
    %dma_start3A_147 = tpu.memref_slice %arg2[%dma_start3A_145, %dma_start3A_146] : memref<10000x128xf32, #tpu.memory_space<hbm>> -> memref<10000x128xf32, #tpu.memory_space<hbm>>
    tpu.enqueue_indirect_dma source(%dma_start3A_147 : memref<10000x128xf32, #tpu.memory_space<hbm>>) target(%dma_start3A_141 : memref<80x128xf32, #tpu.memory_space<vmem>>) offsets(%dma_start3A_144 : memref<80xi32, #tpu.memory_space<vmem>>) semaphore(%arg14 : memref<!tpu.dma_semaphore, #tpu.memory_space<semaphore_mem>>)
    %dma_start3A_148 = arith.constant 0 : i32
    %dma_start3A_149 = arith.constant 0 : i32
    %dma_start3A_150 = arith.constant 0 : i32
    %dma_start3A_151 = tpu.memref_slice %arg11[%dma_start3A_148, %dma_start3A_149, %dma_start3A_150] : memref<2x80x128xf32, #tpu.memory_space<vmem>> -> memref<1x80x128xf32, #tpu.memory_space<vmem>>
    %dma_start3A_152 = tpu.memref_squeeze %dma_start3A_151 : memref<1x80x128xf32, #tpu.memory_space<vmem>> -> memref<80x128xf32, #tpu.memory_space<vmem>>
    %dma_start3A_153 = arith.constant 0 : i32
    %dma_start3A_154 = tpu.memref_slice %arg4[%mul3A_2, %dma_start3A_153] : memref<327680x128xf32, #tpu.memory_space<hbm>> -> memref<80x128xf32, #tpu.memory_space<hbm>>
    %dma_start3A_155 = arith.constant 0 : i32
    %dma_start3A_156 = arith.constant 0 : i32
    %dma_start3A_157 = tpu.memref_slice %arg11[%dma_start3A_148, %dma_start3A_155, %dma_start3A_156] : memref<2x80x128xf32, #tpu.memory_space<vmem>> -> memref<1x80x128xf32, #tpu.memory_space<vmem>>
    %dma_start3A_158 = tpu.memref_squeeze %dma_start3A_157 : memref<1x80x128xf32, #tpu.memory_space<vmem>> -> memref<80x128xf32, #tpu.memory_space<vmem>>
    %dma_start3A_159 = arith.constant 0 : i32
    %dma_start3A_160 = tpu.memref_slice %arg4[%mul3A_2, %dma_start3A_159] : memref<327680x128xf32, #tpu.memory_space<hbm>> -> memref<80x128xf32, #tpu.memory_space<hbm>>
    tpu.enqueue_dma source(%dma_start3A_160 : memref<80x128xf32, #tpu.memory_space<hbm>>) target(%dma_start3A_158 : memref<80x128xf32, #tpu.memory_space<vmem>>) target_semaphore(%arg16 : memref<!tpu.dma_semaphore, #tpu.memory_space<semaphore_mem>>)
    %mul3A_161 = arith.constant 640 : i32
    %mul3A_162 = arith.muli %arg1, %mul3A_161 : i32
    "tpu.region"() ({
      %run_scoped3A_181 = tpu.sem_alloc : memref<!tpu.dma_semaphore, #tpu.memory_space<semaphore_mem>>
      %dma_start3A_182 = arith.constant 0 : i32
      %dma_start3A_183 = tpu.memref_slice %arg7[%mul3A_162, %dma_start3A_182] : memref<10240x128xf32, #tpu.memory_space<vmem_shared>> -> memref<640x128xf32, #tpu.memory_space<vmem_shared>>
      %dma_start3A_184 = arith.constant 0 : i32
      %dma_start3A_185 = tpu.memref_slice %arg5[%mul3A_162, %dma_start3A_184] : memref<10240x128xf32, #tpu.memory_space<hbm>> -> memref<640x128xf32, #tpu.memory_space<hbm>>
      tpu.enqueue_dma source(%dma_start3A_185 : memref<640x128xf32, #tpu.memory_space<hbm>>) target(%dma_start3A_183 : memref<640x128xf32, #tpu.memory_space<vmem_shared>>) target_semaphore(%run_scoped3A_181 : memref<!tpu.dma_semaphore, #tpu.memory_space<semaphore_mem>>)
      %dma_wait3A_186 = arith.constant 0 : i32
      %dma_wait3A_187 = tpu.memref_slice %arg7[%mul3A_162, %dma_wait3A_186] : memref<10240x128xf32, #tpu.memory_space<vmem_shared>> -> memref<640x128xf32, #tpu.memory_space<vmem_shared>>
      %dma_wait3A_188 = arith.constant 0 : i32
      %dma_wait3A_189 = tpu.memref_slice %arg5[%mul3A_162, %dma_wait3A_188] : memref<10240x128xf32, #tpu.memory_space<hbm>> -> memref<640x128xf32, #tpu.memory_space<hbm>>
      tpu.wait_dma2 semaphore(%run_scoped3A_181 : memref<!tpu.dma_semaphore, #tpu.memory_space<semaphore_mem>>) src(%dma_wait3A_189 : memref<640x128xf32, #tpu.memory_space<hbm>>) dst(%dma_wait3A_187 : memref<640x128xf32, #tpu.memory_space<vmem_shared>>)
      tpu.yield
    }) : () -> ()
    %barrier3A = arith.constant 0 : index
    tpu.barrier barrier_id(%barrier3A)
    %scan3A = arith.constant 0 : i32
    %scan3A_163 = arith.constant 0 : i32
    %scan3A_164 = arith.constant 64 : i32
    %scan3A_165 = arith.addi %scan3A_163, %scan3A_164 : i32
    %scan3A_166 = arith.constant 1 : i32
    %scan3A_167 = scf.for %scan3A_181 = %scan3A_163 to %scan3A_165 step %scan3A_166 iter_args(%scan3A_182 = %scan3A) -> (i32)  : i32 {
      %mul3A_183 = arith.constant 2 : i32
      %mul3A_184 = arith.muli %mul3A_183, %scan3A_181 : i32
      %add3A_185 = arith.constant 0 : i32
      %add3A_186 = arith.addi %mul3A_184, %add3A_185 : i32
      %gt3A = arith.constant 0 : i32
      %gt3A_187 = arith.cmpi sgt, %add3A_186, %gt3A : i32
      %convert_element_type3A = arith.extui %gt3A_187 : i1 to i32
      %cond3A = arith.constant 0 : i32
      %cond3A_188 = arith.cmpi ne, %convert_element_type3A, %cond3A : i32
      scf.if %cond3A_188 {
        %dma_wait3A_346 = arith.constant 1 : i32
        %dma_wait3A_347 = arith.constant 1 : i32
        %dma_wait3A_348 = arith.constant 0 : i32
        %dma_wait3A_349 = arith.constant 0 : i32
        %dma_wait3A_350 = tpu.memref_slice %arg10[%dma_wait3A_346, %dma_wait3A_348, %dma_wait3A_349] : memref<2x80x128xf32, #tpu.memory_space<vmem>> -> memref<1x80x128xf32, #tpu.memory_space<vmem>>
        %dma_wait3A_351 = tpu.memref_squeeze %dma_wait3A_350 : memref<1x80x128xf32, #tpu.memory_space<vmem>> -> memref<80x128xf32, #tpu.memory_space<vmem>>
        %dma_wait3A_352 = arith.constant 0 : i32
        %dma_wait3A_353 = tpu.memref_slice %arg9[%dma_wait3A_347, %dma_wait3A_352] : memref<2x80xi32, #tpu.memory_space<vmem>> -> memref<1x80xi32, #tpu.memory_space<vmem>>
        %dma_wait3A_354 = tpu.memref_squeeze %dma_wait3A_353 : memref<1x80xi32, #tpu.memory_space<vmem>> -> memref<80xi32, #tpu.memory_space<vmem>>
        %dma_wait3A_355 = arith.constant 0 : i32
        %dma_wait3A_356 = arith.constant 0 : i32
        %dma_wait3A_357 = tpu.memref_slice %arg7[%dma_wait3A_355, %dma_wait3A_356] : memref<10240x128xf32, #tpu.memory_space<vmem_shared>> -> memref<10240x128xf32, #tpu.memory_space<vmem_shared>>
        tpu.wait_indirect_dma semaphore(%arg19 : memref<!tpu.dma_semaphore, #tpu.memory_space<semaphore_mem>>) src(%dma_wait3A_351 : memref<80x128xf32, #tpu.memory_space<vmem>>) dst(%dma_wait3A_357 : memref<10240x128xf32, #tpu.memory_space<vmem_shared>>)
      } else {
      }
      %gt3A_189 = arith.constant 0 : i32
      %gt3A_190 = arith.cmpi sgt, %add3A_186, %gt3A_189 : i32
      %add3A_191 = arith.constant 1 : i32
      %add3A_192 = arith.addi %add3A_186, %add3A_191 : i32
      %lt3A = arith.constant 128 : i32
      %lt3A_193 = arith.cmpi slt, %add3A_192, %lt3A : i32
      %and3A = arith.andi %gt3A_190, %lt3A_193 : i1
      %convert_element_type3A_194 = arith.extui %and3A : i1 to i32
      %cond3A_195 = arith.constant 0 : i32
      %cond3A_196 = arith.cmpi ne, %convert_element_type3A_194, %cond3A_195 : i32
      scf.if %cond3A_196 {
        %dma_wait3A_346 = arith.constant 1 : i32
        %dma_wait3A_347 = arith.constant 0 : i32
        %dma_wait3A_348 = arith.constant 0 : i32
        %dma_wait3A_349 = tpu.memref_slice %arg8[%dma_wait3A_346, %dma_wait3A_347, %dma_wait3A_348] : memref<2x2x128xi32, #tpu.memory_space<vmem>> -> memref<1x2x128xi32, #tpu.memory_space<vmem>>
        %dma_wait3A_350 = tpu.memref_squeeze %dma_wait3A_349 : memref<1x2x128xi32, #tpu.memory_space<vmem>> -> memref<2x128xi32, #tpu.memory_space<vmem>>
        %dma_wait3A_351 = arith.constant 0 : i32
        %dma_wait3A_352 = arith.constant 0 : i32
        %dma_wait3A_353 = tpu.memref_slice %arg3[%mul3A_4, %dma_wait3A_351, %dma_wait3A_352] : memref<4096x2x128xi32, #tpu.memory_space<hbm>> -> memref<1x2x128xi32, #tpu.memory_space<hbm>>
        %dma_wait3A_354 = tpu.memref_squeeze %dma_wait3A_353 : memref<1x2x128xi32, #tpu.memory_space<hbm>> -> memref<2x128xi32, #tpu.memory_space<hbm>>
        %dma_wait3A_355 = arith.constant 0 : i32
        %dma_wait3A_356 = arith.constant 0 : i32
        %dma_wait3A_357 = tpu.memref_slice %arg8[%dma_wait3A_346, %dma_wait3A_355, %dma_wait3A_356] : memref<2x2x128xi32, #tpu.memory_space<vmem>> -> memref<1x2x128xi32, #tpu.memory_space<vmem>>
        %dma_wait3A_358 = tpu.memref_squeeze %dma_wait3A_357 : memref<1x2x128xi32, #tpu.memory_space<vmem>> -> memref<2x128xi32, #tpu.memory_space<vmem>>
        %dma_wait3A_359 = arith.constant 0 : i32
        %dma_wait3A_360 = arith.constant 0 : i32
        %dma_wait3A_361 = tpu.memref_slice %arg3[%mul3A_4, %dma_wait3A_359, %dma_wait3A_360] : memref<4096x2x128xi32, #tpu.memory_space<hbm>> -> memref<1x2x128xi32, #tpu.memory_space<hbm>>
        %dma_wait3A_362 = tpu.memref_squeeze %dma_wait3A_361 : memref<1x2x128xi32, #tpu.memory_space<hbm>> -> memref<2x128xi32, #tpu.memory_space<hbm>>
        tpu.wait_dma2 semaphore(%arg13 : memref<!tpu.dma_semaphore, #tpu.memory_space<semaphore_mem>>) src(%dma_wait3A_362 : memref<2x128xi32, #tpu.memory_space<hbm>>) dst(%dma_wait3A_358 : memref<2x128xi32, #tpu.memory_space<vmem>>)
      } else {
      }
      %add3A_197 = arith.constant 1 : i32
      %add3A_198 = arith.addi %add3A_186, %add3A_197 : i32
      %lt3A_199 = arith.constant 128 : i32
      %lt3A_200 = arith.cmpi slt, %add3A_198, %lt3A_199 : i32
      %convert_element_type3A_201 = arith.extui %lt3A_200 : i1 to i32
      %cond3A_202 = arith.constant 0 : i32
      %cond3A_203 = arith.cmpi ne, %convert_element_type3A_201, %cond3A_202 : i32
      scf.if %cond3A_203 {
        %dma_start3A_346 = arith.constant 1 : i32
        %dma_start3A_347 = arith.constant 0 : i32
        %dma_start3A_348 = arith.constant 1 : i32
        %dma_start3A_349 = arith.constant 0 : i32
        %dma_start3A_350 = arith.constant 0 : i32
        %dma_start3A_351 = tpu.memref_slice %arg10[%dma_start3A_348, %dma_start3A_349, %dma_start3A_350] : memref<2x80x128xf32, #tpu.memory_space<vmem>> -> memref<1x80x128xf32, #tpu.memory_space<vmem>>
        %dma_start3A_352 = tpu.memref_squeeze %dma_start3A_351 : memref<1x80x128xf32, #tpu.memory_space<vmem>> -> memref<80x128xf32, #tpu.memory_space<vmem>>
        %dma_start3A_353 = arith.constant 0 : i32
        %dma_start3A_354 = tpu.memref_slice %arg8[%dma_start3A_346, %dma_start3A_347, %dma_start3A_353] : memref<2x2x128xi32, #tpu.memory_space<vmem>> -> memref<1x1x80xi32, #tpu.memory_space<vmem>>
        %dma_start3A_355 = tpu.memref_squeeze %dma_start3A_354 : memref<1x1x80xi32, #tpu.memory_space<vmem>> -> memref<80xi32, #tpu.memory_space<vmem>>
        %dma_start3A_356 = arith.constant 0 : i32
        %dma_start3A_357 = arith.constant 0 : i32
        %dma_start3A_358 = tpu.memref_slice %arg2[%dma_start3A_356, %dma_start3A_357] : memref<10000x128xf32, #tpu.memory_space<hbm>> -> memref<10000x128xf32, #tpu.memory_space<hbm>>
        tpu.enqueue_indirect_dma source(%dma_start3A_358 : memref<10000x128xf32, #tpu.memory_space<hbm>>) target(%dma_start3A_352 : memref<80x128xf32, #tpu.memory_space<vmem>>) offsets(%dma_start3A_355 : memref<80xi32, #tpu.memory_space<vmem>>) semaphore(%arg15 : memref<!tpu.dma_semaphore, #tpu.memory_space<semaphore_mem>>)
        %add3A_359 = arith.constant 1 : i32
        %add3A_360 = arith.addi %add3A_186, %add3A_359 : i32
        %mul3A_361 = arith.constant 80 : i32
        %mul3A_362 = arith.muli %add3A_360, %mul3A_361 : i32
        %add3A_363 = arith.addi %mul3A_2, %mul3A_362 : i32
        %dma_start3A_364 = arith.constant 1 : i32
        %dma_start3A_365 = arith.constant 0 : i32
        %dma_start3A_366 = arith.constant 0 : i32
        %dma_start3A_367 = tpu.memref_slice %arg11[%dma_start3A_364, %dma_start3A_365, %dma_start3A_366] : memref<2x80x128xf32, #tpu.memory_space<vmem>> -> memref<1x80x128xf32, #tpu.memory_space<vmem>>
        %dma_start3A_368 = tpu.memref_squeeze %dma_start3A_367 : memref<1x80x128xf32, #tpu.memory_space<vmem>> -> memref<80x128xf32, #tpu.memory_space<vmem>>
        %dma_start3A_369 = arith.constant 0 : i32
        %dma_start3A_370 = tpu.memref_slice %arg4[%add3A_363, %dma_start3A_369] : memref<327680x128xf32, #tpu.memory_space<hbm>> -> memref<80x128xf32, #tpu.memory_space<hbm>>
        %dma_start3A_371 = arith.constant 0 : i32
        %dma_start3A_372 = arith.constant 0 : i32
        %dma_start3A_373 = tpu.memref_slice %arg11[%dma_start3A_364, %dma_start3A_371, %dma_start3A_372] : memref<2x80x128xf32, #tpu.memory_space<vmem>> -> memref<1x80x128xf32, #tpu.memory_space<vmem>>
        %dma_start3A_374 = tpu.memref_squeeze %dma_start3A_373 : memref<1x80x128xf32, #tpu.memory_space<vmem>> -> memref<80x128xf32, #tpu.memory_space<vmem>>
        %dma_start3A_375 = arith.constant 0 : i32
        %dma_start3A_376 = tpu.memref_slice %arg4[%add3A_363, %dma_start3A_375] : memref<327680x128xf32, #tpu.memory_space<hbm>> -> memref<80x128xf32, #tpu.memory_space<hbm>>
        tpu.enqueue_dma source(%dma_start3A_376 : memref<80x128xf32, #tpu.memory_space<hbm>>) target(%dma_start3A_374 : memref<80x128xf32, #tpu.memory_space<vmem>>) target_semaphore(%arg17 : memref<!tpu.dma_semaphore, #tpu.memory_space<semaphore_mem>>)
      } else {
      }
      %gt3A_204 = arith.constant 0 : i32
      %gt3A_205 = arith.cmpi sgt, %add3A_186, %gt3A_204 : i32
      %add3A_206 = arith.constant 1 : i32
      %add3A_207 = arith.addi %add3A_186, %add3A_206 : i32
      %lt3A_208 = arith.constant 128 : i32
      %lt3A_209 = arith.cmpi slt, %add3A_207, %lt3A_208 : i32
      %and3A_210 = arith.andi %gt3A_205, %lt3A_209 : i1
      %convert_element_type3A_211 = arith.extui %and3A_210 : i1 to i32
      %cond3A_212 = arith.constant 0 : i32
      %cond3A_213 = arith.cmpi ne, %convert_element_type3A_211, %cond3A_212 : i32
      scf.if %cond3A_213 {
        %get3A_346 = arith.constant 1 : i32
        %get3A_347 = arith.constant 1 : i32
        %get3A_348 = arith.index_cast %get3A_346 : i32 to index
        %get3A_349 = arith.index_cast %get3A_347 : i32 to index
        %get3A_350 = arith.constant 0 : index
        %get3A_351 = tpu.vector_load %arg8[%get3A_348, %get3A_349, %get3A_350] {strides = array<i32>} : memref<2x2x128xi32, #tpu.memory_space<vmem>>, vector<1x1x16xi32>,
        %get3A_352 = vector.shape_cast %get3A_351 : vector<1x1x16xi32> to vector<16xi32>
        %swap3A_353 = arith.constant 1 : i32
        %swap3A_354 = arith.index_cast %swap3A_353 : i32 to index
        %swap3A_355 = arith.constant 0 : index
        %swap3A_356 = tpu.vector_load %arg9[%swap3A_354, %swap3A_355] {strides = array<i32>} : memref<2x80xi32, #tpu.memory_space<vmem>>, vector<1x16xi32>,
        %swap3A_357 = vector.shape_cast %swap3A_356 : vector<1x16xi32> to vector<16xi32>
        %swap3A_358 = vector.shape_cast %get3A_352 : vector<16xi32> to vector<1x16xi32>
        tpu.vector_store %arg9[%swap3A_354, %swap3A_355], %swap3A_358 {strides = array<i32>} : memref<2x80xi32, #tpu.memory_space<vmem>>, vector<1x16xi32>,
        %get3A_359 = arith.constant 1 : i32
        %get3A_360 = arith.constant 1 : i32
        %get3A_361 = arith.index_cast %get3A_359 : i32 to index
        %get3A_362 = arith.index_cast %get3A_360 : i32 to index
        %get3A_363 = arith.constant 16 : index
        %get3A_364 = tpu.vector_load %arg8[%get3A_361, %get3A_362, %get3A_363] {strides = array<i32>} : memref<2x2x128xi32, #tpu.memory_space<vmem>>, vector<1x1x16xi32>,
        %get3A_365 = vector.shape_cast %get3A_364 : vector<1x1x16xi32> to vector<16xi32>
        %swap3A_366 = arith.constant 1 : i32
        %swap3A_367 = arith.index_cast %swap3A_366 : i32 to index
        %swap3A_368 = arith.constant 16 : index
        %swap3A_369 = tpu.vector_load %arg9[%swap3A_367, %swap3A_368] {strides = array<i32>} : memref<2x80xi32, #tpu.memory_space<vmem>>, vector<1x16xi32>,
        %swap3A_370 = vector.shape_cast %swap3A_369 : vector<1x16xi32> to vector<16xi32>
        %swap3A_371 = vector.shape_cast %get3A_365 : vector<16xi32> to vector<1x16xi32>
        tpu.vector_store %arg9[%swap3A_367, %swap3A_368], %swap3A_371 {strides = array<i32>} : memref<2x80xi32, #tpu.memory_space<vmem>>, vector<1x16xi32>,
        %get3A_372 = arith.constant 1 : i32
        %get3A_373 = arith.constant 1 : i32
        %get3A_374 = arith.index_cast %get3A_372 : i32 to index
        %get3A_375 = arith.index_cast %get3A_373 : i32 to index
        %get3A_376 = arith.constant 32 : index
        %get3A_377 = tpu.vector_load %arg8[%get3A_374, %get3A_375, %get3A_376] {strides = array<i32>} : memref<2x2x128xi32, #tpu.memory_space<vmem>>, vector<1x1x16xi32>,
        %get3A_378 = vector.shape_cast %get3A_377 : vector<1x1x16xi32> to vector<16xi32>
        %swap3A_379 = arith.constant 1 : i32
        %swap3A_380 = arith.index_cast %swap3A_379 : i32 to index
        %swap3A_381 = arith.constant 32 : index
        %swap3A_382 = tpu.vector_load %arg9[%swap3A_380, %swap3A_381] {strides = array<i32>} : memref<2x80xi32, #tpu.memory_space<vmem>>, vector<1x16xi32>,
        %swap3A_383 = vector.shape_cast %swap3A_382 : vector<1x16xi32> to vector<16xi32>
        %swap3A_384 = vector.shape_cast %get3A_378 : vector<16xi32> to vector<1x16xi32>
        tpu.vector_store %arg9[%swap3A_380, %swap3A_381], %swap3A_384 {strides = array<i32>} : memref<2x80xi32, #tpu.memory_space<vmem>>, vector<1x16xi32>,
        %get3A_385 = arith.constant 1 : i32
        %get3A_386 = arith.constant 1 : i32
        %get3A_387 = arith.index_cast %get3A_385 : i32 to index
        %get3A_388 = arith.index_cast %get3A_386 : i32 to index
        %get3A_389 = arith.constant 48 : index
        %get3A_390 = tpu.vector_load %arg8[%get3A_387, %get3A_388, %get3A_389] {strides = array<i32>} : memref<2x2x128xi32, #tpu.memory_space<vmem>>, vector<1x1x16xi32>,
        %get3A_391 = vector.shape_cast %get3A_390 : vector<1x1x16xi32> to vector<16xi32>
        %swap3A_392 = arith.constant 1 : i32
        %swap3A_393 = arith.index_cast %swap3A_392 : i32 to index
        %swap3A_394 = arith.constant 48 : index
        %swap3A_395 = tpu.vector_load %arg9[%swap3A_393, %swap3A_394] {strides = array<i32>} : memref<2x80xi32, #tpu.memory_space<vmem>>, vector<1x16xi32>,
        %swap3A_396 = vector.shape_cast %swap3A_395 : vector<1x16xi32> to vector<16xi32>
        %swap3A_397 = vector.shape_cast %get3A_391 : vector<16xi32> to vector<1x16xi32>
        tpu.vector_store %arg9[%swap3A_393, %swap3A_394], %swap3A_397 {strides = array<i32>} : memref<2x80xi32, #tpu.memory_space<vmem>>, vector<1x16xi32>,
        %get3A_398 = arith.constant 1 : i32
        %get3A_399 = arith.constant 1 : i32
        %get3A_400 = arith.index_cast %get3A_398 : i32 to index
        %get3A_401 = arith.index_cast %get3A_399 : i32 to index
        %get3A_402 = arith.constant 64 : index
        %get3A_403 = tpu.vector_load %arg8[%get3A_400, %get3A_401, %get3A_402] {strides = array<i32>} : memref<2x2x128xi32, #tpu.memory_space<vmem>>, vector<1x1x16xi32>,
        %get3A_404 = vector.shape_cast %get3A_403 : vector<1x1x16xi32> to vector<16xi32>
        %swap3A_405 = arith.constant 1 : i32
        %swap3A_406 = arith.index_cast %swap3A_405 : i32 to index
        %swap3A_407 = arith.constant 64 : index
        %swap3A_408 = tpu.vector_load %arg9[%swap3A_406, %swap3A_407] {strides = array<i32>} : memref<2x80xi32, #tpu.memory_space<vmem>>, vector<1x16xi32>,
        %swap3A_409 = vector.shape_cast %swap3A_408 : vector<1x16xi32> to vector<16xi32>
        %swap3A_410 = vector.shape_cast %get3A_404 : vector<16xi32> to vector<1x16xi32>
        tpu.vector_store %arg9[%swap3A_406, %swap3A_407], %swap3A_410 {strides = array<i32>} : memref<2x80xi32, #tpu.memory_space<vmem>>, vector<1x16xi32>,
      } else {
      }
      %add3A_214 = arith.constant 2 : i32
      %add3A_215 = arith.addi %add3A_186, %add3A_214 : i32
      %lt3A_216 = arith.constant 128 : i32
      %lt3A_217 = arith.cmpi slt, %add3A_215, %lt3A_216 : i32
      %convert_element_type3A_218 = arith.extui %lt3A_217 : i1 to i32
      %cond3A_219 = arith.constant 0 : i32
      %cond3A_220 = arith.cmpi ne, %convert_element_type3A_218, %cond3A_219 : i32
      scf.if %cond3A_220 {
        %add3A_346 = arith.addi %mul3A_4, %add3A_186 : i32
        %add3A_347 = arith.constant 2 : i32
        %add3A_348 = arith.addi %add3A_346, %add3A_347 : i32
        %dma_start3A_349 = arith.constant 0 : i32
        %dma_start3A_350 = arith.constant 0 : i32
        %dma_start3A_351 = arith.constant 0 : i32
        %dma_start3A_352 = tpu.memref_slice %arg8[%dma_start3A_349, %dma_start3A_350, %dma_start3A_351] : memref<2x2x128xi32, #tpu.memory_space<vmem>> -> memref<1x2x128xi32, #tpu.memory_space<vmem>>
        %dma_start3A_353 = tpu.memref_squeeze %dma_start3A_352 : memref<1x2x128xi32, #tpu.memory_space<vmem>> -> memref<2x128xi32, #tpu.memory_space<vmem>>
        %dma_start3A_354 = arith.constant 0 : i32
        %dma_start3A_355 = arith.constant 0 : i32
        %dma_start3A_356 = tpu.memref_slice %arg3[%add3A_348, %dma_start3A_354, %dma_start3A_355] : memref<4096x2x128xi32, #tpu.memory_space<hbm>> -> memref<1x2x128xi32, #tpu.memory_space<hbm>>
        %dma_start3A_357 = tpu.memref_squeeze %dma_start3A_356 : memref<1x2x128xi32, #tpu.memory_space<hbm>> -> memref<2x128xi32, #tpu.memory_space<hbm>>
        %dma_start3A_358 = arith.constant 0 : i32
        %dma_start3A_359 = arith.constant 0 : i32
        %dma_start3A_360 = tpu.memref_slice %arg8[%dma_start3A_349, %dma_start3A_358, %dma_start3A_359] : memref<2x2x128xi32, #tpu.memory_space<vmem>> -> memref<1x2x128xi32, #tpu.memory_space<vmem>>
        %dma_start3A_361 = tpu.memref_squeeze %dma_start3A_360 : memref<1x2x128xi32, #tpu.memory_space<vmem>> -> memref<2x128xi32, #tpu.memory_space<vmem>>
        %dma_start3A_362 = arith.constant 0 : i32
        %dma_start3A_363 = arith.constant 0 : i32
        %dma_start3A_364 = tpu.memref_slice %arg3[%add3A_348, %dma_start3A_362, %dma_start3A_363] : memref<4096x2x128xi32, #tpu.memory_space<hbm>> -> memref<1x2x128xi32, #tpu.memory_space<hbm>>
        %dma_start3A_365 = tpu.memref_squeeze %dma_start3A_364 : memref<1x2x128xi32, #tpu.memory_space<hbm>> -> memref<2x128xi32, #tpu.memory_space<hbm>>
        tpu.enqueue_dma source(%dma_start3A_365 : memref<2x128xi32, #tpu.memory_space<hbm>>) target(%dma_start3A_361 : memref<2x128xi32, #tpu.memory_space<vmem>>) target_semaphore(%arg12 : memref<!tpu.dma_semaphore, #tpu.memory_space<semaphore_mem>>)
      } else {
      }
      %dma_wait3A_221 = arith.constant 0 : i32
      %dma_wait3A_222 = arith.constant 0 : i32
      %dma_wait3A_223 = arith.constant 0 : i32
      %dma_wait3A_224 = arith.constant 0 : i32
      %dma_wait3A_225 = arith.constant 0 : i32
      %dma_wait3A_226 = tpu.memref_slice %arg10[%dma_wait3A_223, %dma_wait3A_224, %dma_wait3A_225] : memref<2x80x128xf32, #tpu.memory_space<vmem>> -> memref<1x80x128xf32, #tpu.memory_space<vmem>>
      %dma_wait3A_227 = tpu.memref_squeeze %dma_wait3A_226 : memref<1x80x128xf32, #tpu.memory_space<vmem>> -> memref<80x128xf32, #tpu.memory_space<vmem>>
      %dma_wait3A_228 = arith.constant 0 : i32
      %dma_wait3A_229 = tpu.memref_slice %arg8[%dma_wait3A_221, %dma_wait3A_222, %dma_wait3A_228] : memref<2x2x128xi32, #tpu.memory_space<vmem>> -> memref<1x1x80xi32, #tpu.memory_space<vmem>>
      %dma_wait3A_230 = tpu.memref_squeeze %dma_wait3A_229 : memref<1x1x80xi32, #tpu.memory_space<vmem>> -> memref<80xi32, #tpu.memory_space<vmem>>
      %dma_wait3A_231 = arith.constant 0 : i32
      %dma_wait3A_232 = arith.constant 0 : i32
      %dma_wait3A_233 = tpu.memref_slice %arg2[%dma_wait3A_231, %dma_wait3A_232] : memref<10000x128xf32, #tpu.memory_space<hbm>> -> memref<10000x128xf32, #tpu.memory_space<hbm>>
      tpu.wait_indirect_dma semaphore(%arg14 : memref<!tpu.dma_semaphore, #tpu.memory_space<semaphore_mem>>) src(%dma_wait3A_233 : memref<10000x128xf32, #tpu.memory_space<hbm>>) dst(%dma_wait3A_227 : memref<80x128xf32, #tpu.memory_space<vmem>>)
      %dma_wait3A_234 = arith.constant 0 : i32
      %dma_wait3A_235 = arith.constant 0 : i32
      %dma_wait3A_236 = arith.constant 0 : i32
      %dma_wait3A_237 = tpu.memref_slice %arg11[%dma_wait3A_234, %dma_wait3A_235, %dma_wait3A_236] : memref<2x80x128xf32, #tpu.memory_space<vmem>> -> memref<1x80x128xf32, #tpu.memory_space<vmem>>
      %dma_wait3A_238 = tpu.memref_squeeze %dma_wait3A_237 : memref<1x80x128xf32, #tpu.memory_space<vmem>> -> memref<80x128xf32, #tpu.memory_space<vmem>>
      %dma_wait3A_239 = arith.constant 0 : i32
      %dma_wait3A_240 = tpu.memref_slice %arg4[%mul3A_2, %dma_wait3A_239] : memref<327680x128xf32, #tpu.memory_space<hbm>> -> memref<80x128xf32, #tpu.memory_space<hbm>>
      %dma_wait3A_241 = arith.constant 0 : i32
      %dma_wait3A_242 = arith.constant 0 : i32
      %dma_wait3A_243 = tpu.memref_slice %arg11[%dma_wait3A_234, %dma_wait3A_241, %dma_wait3A_242] : memref<2x80x128xf32, #tpu.memory_space<vmem>> -> memref<1x80x128xf32, #tpu.memory_space<vmem>>
      %dma_wait3A_244 = tpu.memref_squeeze %dma_wait3A_243 : memref<1x80x128xf32, #tpu.memory_space<vmem>> -> memref<80x128xf32, #tpu.memory_space<vmem>>
      %dma_wait3A_245 = arith.constant 0 : i32
      %dma_wait3A_246 = tpu.memref_slice %arg4[%mul3A_2, %dma_wait3A_245] : memref<327680x128xf32, #tpu.memory_space<hbm>> -> memref<80x128xf32, #tpu.memory_space<hbm>>
      tpu.wait_dma2 semaphore(%arg16 : memref<!tpu.dma_semaphore, #tpu.memory_space<semaphore_mem>>) src(%dma_wait3A_246 : memref<80x128xf32, #tpu.memory_space<hbm>>) dst(%dma_wait3A_244 : memref<80x128xf32, #tpu.memory_space<vmem>>)
      %parallel_loop3A = arith.constant 0 : i32
      %parallel_loop3A_247 = arith.constant 80 : i32
      %parallel_loop3A_248 = arith.constant 1 : i32
      scf.for %parallel_loop3A_346 = %parallel_loop3A to %parallel_loop3A_247 step %parallel_loop3A_248  : i32 {
        %parallel_loop3A_347 = arith.constant 0 : i32
        %parallel_loop3A_348 = arith.index_cast %parallel_loop3A_347 : i32 to index
        %parallel_loop3A_349 = arith.index_cast %parallel_loop3A_346 : i32 to index
        %parallel_loop3A_350 = arith.constant 0 : index
        %parallel_loop3A_351 = tpu.vector_load %arg10[%parallel_loop3A_348, %parallel_loop3A_349, %parallel_loop3A_350] {strides = array<i32>} : memref<2x80x128xf32, #tpu.memory_space<vmem>>, vector<1x1x16xf32>,
        %parallel_loop3A_352 = vector.shape_cast %parallel_loop3A_351 : vector<1x1x16xf32> to vector<16xf32>
        %parallel_loop3A_353 = arith.constant 0 : i32
        %parallel_loop3A_354 = arith.index_cast %parallel_loop3A_353 : i32 to index
        %parallel_loop3A_355 = arith.index_cast %parallel_loop3A_346 : i32 to index
        %parallel_loop3A_356 = arith.constant 0 : index
        %parallel_loop3A_357 = tpu.vector_load %arg11[%parallel_loop3A_354, %parallel_loop3A_355, %parallel_loop3A_356] {strides = array<i32>} : memref<2x80x128xf32, #tpu.memory_space<vmem>>, vector<1x1x16xf32>,
        %parallel_loop3A_358 = vector.shape_cast %parallel_loop3A_357 : vector<1x1x16xf32> to vector<16xf32>
        %parallel_loop3A_359 = arith.addf %parallel_loop3A_352, %parallel_loop3A_358 : vector<16xf32>
        %parallel_loop3A_360 = arith.constant 0.000000e+00 : f32
        %parallel_loop3A_361 = vector.broadcast %parallel_loop3A_360 : f32 to vector<16xf32>
        %parallel_loop3A_362 = arith.maximumf %parallel_loop3A_359, %parallel_loop3A_361 : vector<16xf32>
        %parallel_loop3A_363 = arith.constant 0 : i32
        %parallel_loop3A_364 = arith.index_cast %parallel_loop3A_363 : i32 to index
        %parallel_loop3A_365 = arith.index_cast %parallel_loop3A_346 : i32 to index
        %parallel_loop3A_366 = arith.constant 0 : index
        %parallel_loop3A_367 = tpu.vector_load %arg10[%parallel_loop3A_364, %parallel_loop3A_365, %parallel_loop3A_366] {strides = array<i32>} : memref<2x80x128xf32, #tpu.memory_space<vmem>>, vector<1x1x16xf32>,
        %parallel_loop3A_368 = vector.shape_cast %parallel_loop3A_367 : vector<1x1x16xf32> to vector<16xf32>
        %parallel_loop3A_369 = vector.shape_cast %parallel_loop3A_362 : vector<16xf32> to vector<1x1x16xf32>
        tpu.vector_store %arg10[%parallel_loop3A_364, %parallel_loop3A_365, %parallel_loop3A_366], %parallel_loop3A_369 {strides = array<i32>} : memref<2x80x128xf32, #tpu.memory_space<vmem>>, vector<1x1x16xf32>,
        %parallel_loop3A_370 = arith.constant 0 : i32
        %parallel_loop3A_371 = arith.index_cast %parallel_loop3A_370 : i32 to index
        %parallel_loop3A_372 = arith.index_cast %parallel_loop3A_346 : i32 to index
        %parallel_loop3A_373 = arith.constant 16 : index
        %parallel_loop3A_374 = tpu.vector_load %arg10[%parallel_loop3A_371, %parallel_loop3A_372, %parallel_loop3A_373] {strides = array<i32>} : memref<2x80x128xf32, #tpu.memory_space<vmem>>, vector<1x1x16xf32>,
        %parallel_loop3A_375 = vector.shape_cast %parallel_loop3A_374 : vector<1x1x16xf32> to vector<16xf32>
        %parallel_loop3A_376 = arith.constant 0 : i32
        %parallel_loop3A_377 = arith.index_cast %parallel_loop3A_376 : i32 to index
        %parallel_loop3A_378 = arith.index_cast %parallel_loop3A_346 : i32 to index
        %parallel_loop3A_379 = arith.constant 16 : index
        %parallel_loop3A_380 = tpu.vector_load %arg11[%parallel_loop3A_377, %parallel_loop3A_378, %parallel_loop3A_379] {strides = array<i32>} : memref<2x80x128xf32, #tpu.memory_space<vmem>>, vector<1x1x16xf32>,
        %parallel_loop3A_381 = vector.shape_cast %parallel_loop3A_380 : vector<1x1x16xf32> to vector<16xf32>
        %parallel_loop3A_382 = arith.addf %parallel_loop3A_375, %parallel_loop3A_381 : vector<16xf32>
        %parallel_loop3A_383 = arith.constant 0.000000e+00 : f32
        %parallel_loop3A_384 = vector.broadcast %parallel_loop3A_383 : f32 to vector<16xf32>
        %parallel_loop3A_385 = arith.maximumf %parallel_loop3A_382, %parallel_loop3A_384 : vector<16xf32>
        %parallel_loop3A_386 = arith.constant 0 : i32
        %parallel_loop3A_387 = arith.index_cast %parallel_loop3A_386 : i32 to index
        %parallel_loop3A_388 = arith.index_cast %parallel_loop3A_346 : i32 to index
        %parallel_loop3A_389 = arith.constant 16 : index
        %parallel_loop3A_390 = tpu.vector_load %arg10[%parallel_loop3A_387, %parallel_loop3A_388, %parallel_loop3A_389] {strides = array<i32>} : memref<2x80x128xf32, #tpu.memory_space<vmem>>, vector<1x1x16xf32>,
        %parallel_loop3A_391 = vector.shape_cast %parallel_loop3A_390 : vector<1x1x16xf32> to vector<16xf32>
        %parallel_loop3A_392 = vector.shape_cast %parallel_loop3A_385 : vector<16xf32> to vector<1x1x16xf32>
        tpu.vector_store %arg10[%parallel_loop3A_387, %parallel_loop3A_388, %parallel_loop3A_389], %parallel_loop3A_392 {strides = array<i32>} : memref<2x80x128xf32, #tpu.memory_space<vmem>>, vector<1x1x16xf32>,
        %parallel_loop3A_393 = arith.constant 0 : i32
        %parallel_loop3A_394 = arith.index_cast %parallel_loop3A_393 : i32 to index
        %parallel_loop3A_395 = arith.index_cast %parallel_loop3A_346 : i32 to index
        %parallel_loop3A_396 = arith.constant 32 : index
        %parallel_loop3A_397 = tpu.vector_load %arg10[%parallel_loop3A_394, %parallel_loop3A_395, %parallel_loop3A_396] {strides = array<i32>} : memref<2x80x128xf32, #tpu.memory_space<vmem>>, vector<1x1x16xf32>,
        %parallel_loop3A_398 = vector.shape_cast %parallel_loop3A_397 : vector<1x1x16xf32> to vector<16xf32>
        %parallel_loop3A_399 = arith.constant 0 : i32
        %parallel_loop3A_400 = arith.index_cast %parallel_loop3A_399 : i32 to index
        %parallel_loop3A_401 = arith.index_cast %parallel_loop3A_346 : i32 to index
        %parallel_loop3A_402 = arith.constant 32 : index
        %parallel_loop3A_403 = tpu.vector_load %arg11[%parallel_loop3A_400, %parallel_loop3A_401, %parallel_loop3A_402] {strides = array<i32>} : memref<2x80x128xf32, #tpu.memory_space<vmem>>, vector<1x1x16xf32>,
        %parallel_loop3A_404 = vector.shape_cast %parallel_loop3A_403 : vector<1x1x16xf32> to vector<16xf32>
        %parallel_loop3A_405 = arith.addf %parallel_loop3A_398, %parallel_loop3A_404 : vector<16xf32>
        %parallel_loop3A_406 = arith.constant 0.000000e+00 : f32
        %parallel_loop3A_407 = vector.broadcast %parallel_loop3A_406 : f32 to vector<16xf32>
        %parallel_loop3A_408 = arith.maximumf %parallel_loop3A_405, %parallel_loop3A_407 : vector<16xf32>
        %parallel_loop3A_409 = arith.constant 0 : i32
        %parallel_loop3A_410 = arith.index_cast %parallel_loop3A_409 : i32 to index
        %parallel_loop3A_411 = arith.index_cast %parallel_loop3A_346 : i32 to index
        %parallel_loop3A_412 = arith.constant 32 : index
        %parallel_loop3A_413 = tpu.vector_load %arg10[%parallel_loop3A_410, %parallel_loop3A_411, %parallel_loop3A_412] {strides = array<i32>} : memref<2x80x128xf32, #tpu.memory_space<vmem>>, vector<1x1x16xf32>,
        %parallel_loop3A_414 = vector.shape_cast %parallel_loop3A_413 : vector<1x1x16xf32> to vector<16xf32>
        %parallel_loop3A_415 = vector.shape_cast %parallel_loop3A_408 : vector<16xf32> to vector<1x1x16xf32>
        tpu.vector_store %arg10[%parallel_loop3A_410, %parallel_loop3A_411, %parallel_loop3A_412], %parallel_loop3A_415 {strides = array<i32>} : memref<2x80x128xf32, #tpu.memory_space<vmem>>, vector<1x1x16xf32>,
        %parallel_loop3A_416 = arith.constant 0 : i32
        %parallel_loop3A_417 = arith.index_cast %parallel_loop3A_416 : i32 to index
        %parallel_loop3A_418 = arith.index_cast %parallel_loop3A_346 : i32 to index
        %parallel_loop3A_419 = arith.constant 48 : index
        %parallel_loop3A_420 = tpu.vector_load %arg10[%parallel_loop3A_417, %parallel_loop3A_418, %parallel_loop3A_419] {strides = array<i32>} : memref<2x80x128xf32, #tpu.memory_space<vmem>>, vector<1x1x16xf32>,
        %parallel_loop3A_421 = vector.shape_cast %parallel_loop3A_420 : vector<1x1x16xf32> to vector<16xf32>
        %parallel_loop3A_422 = arith.constant 0 : i32
        %parallel_loop3A_423 = arith.index_cast %parallel_loop3A_422 : i32 to index
        %parallel_loop3A_424 = arith.index_cast %parallel_loop3A_346 : i32 to index
        %parallel_loop3A_425 = arith.constant 48 : index
        %parallel_loop3A_426 = tpu.vector_load %arg11[%parallel_loop3A_423, %parallel_loop3A_424, %parallel_loop3A_425] {strides = array<i32>} : memref<2x80x128xf32, #tpu.memory_space<vmem>>, vector<1x1x16xf32>,
        %parallel_loop3A_427 = vector.shape_cast %parallel_loop3A_426 : vector<1x1x16xf32> to vector<16xf32>
        %parallel_loop3A_428 = arith.addf %parallel_loop3A_421, %parallel_loop3A_427 : vector<16xf32>
        %parallel_loop3A_429 = arith.constant 0.000000e+00 : f32
        %parallel_loop3A_430 = vector.broadcast %parallel_loop3A_429 : f32 to vector<16xf32>
        %parallel_loop3A_431 = arith.maximumf %parallel_loop3A_428, %parallel_loop3A_430 : vector<16xf32>
        %parallel_loop3A_432 = arith.constant 0 : i32
        %parallel_loop3A_433 = arith.index_cast %parallel_loop3A_432 : i32 to index
        %parallel_loop3A_434 = arith.index_cast %parallel_loop3A_346 : i32 to index
        %parallel_loop3A_435 = arith.constant 48 : index
        %parallel_loop3A_436 = tpu.vector_load %arg10[%parallel_loop3A_433, %parallel_loop3A_434, %parallel_loop3A_435] {strides = array<i32>} : memref<2x80x128xf32, #tpu.memory_space<vmem>>, vector<1x1x16xf32>,
        %parallel_loop3A_437 = vector.shape_cast %parallel_loop3A_436 : vector<1x1x16xf32> to vector<16xf32>
        %parallel_loop3A_438 = vector.shape_cast %parallel_loop3A_431 : vector<16xf32> to vector<1x1x16xf32>
        tpu.vector_store %arg10[%parallel_loop3A_433, %parallel_loop3A_434, %parallel_loop3A_435], %parallel_loop3A_438 {strides = array<i32>} : memref<2x80x128xf32, #tpu.memory_space<vmem>>, vector<1x1x16xf32>,
        %parallel_loop3A_439 = arith.constant 0 : i32
        %parallel_loop3A_440 = arith.index_cast %parallel_loop3A_439 : i32 to index
        %parallel_loop3A_441 = arith.index_cast %parallel_loop3A_346 : i32 to index
        %parallel_loop3A_442 = arith.constant 64 : index
        %parallel_loop3A_443 = tpu.vector_load %arg10[%parallel_loop3A_440, %parallel_loop3A_441, %parallel_loop3A_442] {strides = array<i32>} : memref<2x80x128xf32, #tpu.memory_space<vmem>>, vector<1x1x16xf32>,
        %parallel_loop3A_444 = vector.shape_cast %parallel_loop3A_443 : vector<1x1x16xf32> to vector<16xf32>
        %parallel_loop3A_445 = arith.constant 0 : i32
        %parallel_loop3A_446 = arith.index_cast %parallel_loop3A_445 : i32 to index
        %parallel_loop3A_447 = arith.index_cast %parallel_loop3A_346 : i32 to index
        %parallel_loop3A_448 = arith.constant 64 : index
        %parallel_loop3A_449 = tpu.vector_load %arg11[%parallel_loop3A_446, %parallel_loop3A_447, %parallel_loop3A_448] {strides = array<i32>} : memref<2x80x128xf32, #tpu.memory_space<vmem>>, vector<1x1x16xf32>,
        %parallel_loop3A_450 = vector.shape_cast %parallel_loop3A_449 : vector<1x1x16xf32> to vector<16xf32>
        %parallel_loop3A_451 = arith.addf %parallel_loop3A_444, %parallel_loop3A_450 : vector<16xf32>
        %parallel_loop3A_452 = arith.constant 0.000000e+00 : f32
        %parallel_loop3A_453 = vector.broadcast %parallel_loop3A_452 : f32 to vector<16xf32>
        %parallel_loop3A_454 = arith.maximumf %parallel_loop3A_451, %parallel_loop3A_453 : vector<16xf32>
        %parallel_loop3A_455 = arith.constant 0 : i32
        %parallel_loop3A_456 = arith.index_cast %parallel_loop3A_455 : i32 to index
        %parallel_loop3A_457 = arith.index_cast %parallel_loop3A_346 : i32 to index
        %parallel_loop3A_458 = arith.constant 64 : index
        %parallel_loop3A_459 = tpu.vector_load %arg10[%parallel_loop3A_456, %parallel_loop3A_457, %parallel_loop3A_458] {strides = array<i32>} : memref<2x80x128xf32, #tpu.memory_space<vmem>>, vector<1x1x16xf32>,
        %parallel_loop3A_460 = vector.shape_cast %parallel_loop3A_459 : vector<1x1x16xf32> to vector<16xf32>
        %parallel_loop3A_461 = vector.shape_cast %parallel_loop3A_454 : vector<16xf32> to vector<1x1x16xf32>
        tpu.vector_store %arg10[%parallel_loop3A_456, %parallel_loop3A_457, %parallel_loop3A_458], %parallel_loop3A_461 {strides = array<i32>} : memref<2x80x128xf32, #tpu.memory_space<vmem>>, vector<1x1x16xf32>,
        %parallel_loop3A_462 = arith.constant 0 : i32
        %parallel_loop3A_463 = arith.index_cast %parallel_loop3A_462 : i32 to index
        %parallel_loop3A_464 = arith.index_cast %parallel_loop3A_346 : i32 to index
        %parallel_loop3A_465 = arith.constant 80 : index
        %parallel_loop3A_466 = tpu.vector_load %arg10[%parallel_loop3A_463, %parallel_loop3A_464, %parallel_loop3A_465] {strides = array<i32>} : memref<2x80x128xf32, #tpu.memory_space<vmem>>, vector<1x1x16xf32>,
        %parallel_loop3A_467 = vector.shape_cast %parallel_loop3A_466 : vector<1x1x16xf32> to vector<16xf32>
        %parallel_loop3A_468 = arith.constant 0 : i32
        %parallel_loop3A_469 = arith.index_cast %parallel_loop3A_468 : i32 to index
        %parallel_loop3A_470 = arith.index_cast %parallel_loop3A_346 : i32 to index
        %parallel_loop3A_471 = arith.constant 80 : index
        %parallel_loop3A_472 = tpu.vector_load %arg11[%parallel_loop3A_469, %parallel_loop3A_470, %parallel_loop3A_471] {strides = array<i32>} : memref<2x80x128xf32, #tpu.memory_space<vmem>>, vector<1x1x16xf32>,
        %parallel_loop3A_473 = vector.shape_cast %parallel_loop3A_472 : vector<1x1x16xf32> to vector<16xf32>
        %parallel_loop3A_474 = arith.addf %parallel_loop3A_467, %parallel_loop3A_473 : vector<16xf32>
        %parallel_loop3A_475 = arith.constant 0.000000e+00 : f32
        %parallel_loop3A_476 = vector.broadcast %parallel_loop3A_475 : f32 to vector<16xf32>
        %parallel_loop3A_477 = arith.maximumf %parallel_loop3A_474, %parallel_loop3A_476 : vector<16xf32>
        %parallel_loop3A_478 = arith.constant 0 : i32
        %parallel_loop3A_479 = arith.index_cast %parallel_loop3A_478 : i32 to index
        %parallel_loop3A_480 = arith.index_cast %parallel_loop3A_346 : i32 to index
        %parallel_loop3A_481 = arith.constant 80 : index
        %parallel_loop3A_482 = tpu.vector_load %arg10[%parallel_loop3A_479, %parallel_loop3A_480, %parallel_loop3A_481] {strides = array<i32>} : memref<2x80x128xf32, #tpu.memory_space<vmem>>, vector<1x1x16xf32>,
        %parallel_loop3A_483 = vector.shape_cast %parallel_loop3A_482 : vector<1x1x16xf32> to vector<16xf32>
        %parallel_loop3A_484 = vector.shape_cast %parallel_loop3A_477 : vector<16xf32> to vector<1x1x16xf32>
        tpu.vector_store %arg10[%parallel_loop3A_479, %parallel_loop3A_480, %parallel_loop3A_481], %parallel_loop3A_484 {strides = array<i32>} : memref<2x80x128xf32, #tpu.memory_space<vmem>>, vector<1x1x16xf32>,
        %parallel_loop3A_485 = arith.constant 0 : i32
        %parallel_loop3A_486 = arith.index_cast %parallel_loop3A_485 : i32 to index
        %parallel_loop3A_487 = arith.index_cast %parallel_loop3A_346 : i32 to index
        %parallel_loop3A_488 = arith.constant 96 : index
        %parallel_loop3A_489 = tpu.vector_load %arg10[%parallel_loop3A_486, %parallel_loop3A_487, %parallel_loop3A_488] {strides = array<i32>} : memref<2x80x128xf32, #tpu.memory_space<vmem>>, vector<1x1x16xf32>,
        %parallel_loop3A_490 = vector.shape_cast %parallel_loop3A_489 : vector<1x1x16xf32> to vector<16xf32>
        %parallel_loop3A_491 = arith.constant 0 : i32
        %parallel_loop3A_492 = arith.index_cast %parallel_loop3A_491 : i32 to index
        %parallel_loop3A_493 = arith.index_cast %parallel_loop3A_346 : i32 to index
        %parallel_loop3A_494 = arith.constant 96 : index
        %parallel_loop3A_495 = tpu.vector_load %arg11[%parallel_loop3A_492, %parallel_loop3A_493, %parallel_loop3A_494] {strides = array<i32>} : memref<2x80x128xf32, #tpu.memory_space<vmem>>, vector<1x1x16xf32>,
        %parallel_loop3A_496 = vector.shape_cast %parallel_loop3A_495 : vector<1x1x16xf32> to vector<16xf32>
        %parallel_loop3A_497 = arith.addf %parallel_loop3A_490, %parallel_loop3A_496 : vector<16xf32>
        %parallel_loop3A_498 = arith.constant 0.000000e+00 : f32
        %parallel_loop3A_499 = vector.broadcast %parallel_loop3A_498 : f32 to vector<16xf32>
        %parallel_loop3A_500 = arith.maximumf %parallel_loop3A_497, %parallel_loop3A_499 : vector<16xf32>
        %parallel_loop3A_501 = arith.constant 0 : i32
        %parallel_loop3A_502 = arith.index_cast %parallel_loop3A_501 : i32 to index
        %parallel_loop3A_503 = arith.index_cast %parallel_loop3A_346 : i32 to index
        %parallel_loop3A_504 = arith.constant 96 : index
        %parallel_loop3A_505 = tpu.vector_load %arg10[%parallel_loop3A_502, %parallel_loop3A_503, %parallel_loop3A_504] {strides = array<i32>} : memref<2x80x128xf32, #tpu.memory_space<vmem>>, vector<1x1x16xf32>,
        %parallel_loop3A_506 = vector.shape_cast %parallel_loop3A_505 : vector<1x1x16xf32> to vector<16xf32>
        %parallel_loop3A_507 = vector.shape_cast %parallel_loop3A_500 : vector<16xf32> to vector<1x1x16xf32>
        tpu.vector_store %arg10[%parallel_loop3A_502, %parallel_loop3A_503, %parallel_loop3A_504], %parallel_loop3A_507 {strides = array<i32>} : memref<2x80x128xf32, #tpu.memory_space<vmem>>, vector<1x1x16xf32>,
        %parallel_loop3A_508 = arith.constant 0 : i32
        %parallel_loop3A_509 = arith.index_cast %parallel_loop3A_508 : i32 to index
        %parallel_loop3A_510 = arith.index_cast %parallel_loop3A_346 : i32 to index
        %parallel_loop3A_511 = arith.constant 112 : index
        %parallel_loop3A_512 = tpu.vector_load %arg10[%parallel_loop3A_509, %parallel_loop3A_510, %parallel_loop3A_511] {strides = array<i32>} : memref<2x80x128xf32, #tpu.memory_space<vmem>>, vector<1x1x16xf32>,
        %parallel_loop3A_513 = vector.shape_cast %parallel_loop3A_512 : vector<1x1x16xf32> to vector<16xf32>
        %parallel_loop3A_514 = arith.constant 0 : i32
        %parallel_loop3A_515 = arith.index_cast %parallel_loop3A_514 : i32 to index
        %parallel_loop3A_516 = arith.index_cast %parallel_loop3A_346 : i32 to index
        %parallel_loop3A_517 = arith.constant 112 : index
        %parallel_loop3A_518 = tpu.vector_load %arg11[%parallel_loop3A_515, %parallel_loop3A_516, %parallel_loop3A_517] {strides = array<i32>} : memref<2x80x128xf32, #tpu.memory_space<vmem>>, vector<1x1x16xf32>,
        %parallel_loop3A_519 = vector.shape_cast %parallel_loop3A_518 : vector<1x1x16xf32> to vector<16xf32>
        %parallel_loop3A_520 = arith.addf %parallel_loop3A_513, %parallel_loop3A_519 : vector<16xf32>
        %parallel_loop3A_521 = arith.constant 0.000000e+00 : f32
        %parallel_loop3A_522 = vector.broadcast %parallel_loop3A_521 : f32 to vector<16xf32>
        %parallel_loop3A_523 = arith.maximumf %parallel_loop3A_520, %parallel_loop3A_522 : vector<16xf32>
        %parallel_loop3A_524 = arith.constant 0 : i32
        %parallel_loop3A_525 = arith.index_cast %parallel_loop3A_524 : i32 to index
        %parallel_loop3A_526 = arith.index_cast %parallel_loop3A_346 : i32 to index
        %parallel_loop3A_527 = arith.constant 112 : index
        %parallel_loop3A_528 = tpu.vector_load %arg10[%parallel_loop3A_525, %parallel_loop3A_526, %parallel_loop3A_527] {strides = array<i32>} : memref<2x80x128xf32, #tpu.memory_space<vmem>>, vector<1x1x16xf32>,
        %parallel_loop3A_529 = vector.shape_cast %parallel_loop3A_528 : vector<1x1x16xf32> to vector<16xf32>
        %parallel_loop3A_530 = vector.shape_cast %parallel_loop3A_523 : vector<16xf32> to vector<1x1x16xf32>
        tpu.vector_store %arg10[%parallel_loop3A_525, %parallel_loop3A_526, %parallel_loop3A_527], %parallel_loop3A_530 {strides = array<i32>} : memref<2x80x128xf32, #tpu.memory_space<vmem>>, vector<1x1x16xf32>,
      } {sc.loop_unroll_factor = 4 : i64, sc.parallel_access}
      %dma_start3A_249 = arith.constant 0 : i32
      %dma_start3A_250 = arith.constant 0 : i32
      %dma_start3A_251 = arith.constant 0 : i32
      %dma_start3A_252 = arith.constant 0 : i32
      %dma_start3A_253 = tpu.memref_slice %arg10[%dma_start3A_249, %dma_start3A_251, %dma_start3A_252] : memref<2x80x128xf32, #tpu.memory_space<vmem>> -> memref<1x80x128xf32, #tpu.memory_space<vmem>>
      %dma_start3A_254 = tpu.memref_squeeze %dma_start3A_253 : memref<1x80x128xf32, #tpu.memory_space<vmem>> -> memref<80x128xf32, #tpu.memory_space<vmem>>
      %dma_start3A_255 = arith.constant 0 : i32
      %dma_start3A_256 = tpu.memref_slice %arg9[%dma_start3A_250, %dma_start3A_255] : memref<2x80xi32, #tpu.memory_space<vmem>> -> memref<1x80xi32, #tpu.memory_space<vmem>>
      %dma_start3A_257 = tpu.memref_squeeze %dma_start3A_256 : memref<1x80xi32, #tpu.memory_space<vmem>> -> memref<80xi32, #tpu.memory_space<vmem>>
      %dma_start3A_258 = arith.constant 0 : i32
      %dma_start3A_259 = arith.constant 0 : i32
      %dma_start3A_260 = tpu.memref_slice %arg7[%dma_start3A_258, %dma_start3A_259] : memref<10240x128xf32, #tpu.memory_space<vmem_shared>> -> memref<10240x128xf32, #tpu.memory_space<vmem_shared>>
      tpu.enqueue_indirect_dma source(%dma_start3A_254 : memref<80x128xf32, #tpu.memory_space<vmem>>) target(%dma_start3A_260 : memref<10240x128xf32, #tpu.memory_space<vmem_shared>>) offsets(%dma_start3A_257 : memref<80xi32, #tpu.memory_space<vmem>>) semaphore(%arg18 : memref<!tpu.dma_semaphore, #tpu.memory_space<semaphore_mem>>) {add = true}
      %mul3A_261 = arith.constant 2 : i32
      %mul3A_262 = arith.muli %mul3A_261, %scan3A_181 : i32
      %add3A_263 = arith.constant 1 : i32
      %add3A_264 = arith.addi %mul3A_262, %add3A_263 : i32
      %gt3A_265 = arith.constant 0 : i32
      %gt3A_266 = arith.cmpi sgt, %add3A_264, %gt3A_265 : i32
      %convert_element_type3A_267 = arith.extui %gt3A_266 : i1 to i32
      %cond3A_268 = arith.constant 0 : i32
      %cond3A_269 = arith.cmpi ne, %convert_element_type3A_267, %cond3A_268 : i32
      scf.if %cond3A_269 {
        %dma_wait3A_346 = arith.constant 0 : i32
        %dma_wait3A_347 = arith.constant 0 : i32
        %dma_wait3A_348 = arith.constant 0 : i32
        %dma_wait3A_349 = arith.constant 0 : i32
        %dma_wait3A_350 = tpu.memref_slice %arg10[%dma_wait3A_346, %dma_wait3A_348, %dma_wait3A_349] : memref<2x80x128xf32, #tpu.memory_space<vmem>> -> memref<1x80x128xf32, #tpu.memory_space<vmem>>
        %dma_wait3A_351 = tpu.memref_squeeze %dma_wait3A_350 : memref<1x80x128xf32, #tpu.memory_space<vmem>> -> memref<80x128xf32, #tpu.memory_space<vmem>>
        %dma_wait3A_352 = arith.constant 0 : i32
        %dma_wait3A_353 = tpu.memref_slice %arg9[%dma_wait3A_347, %dma_wait3A_352] : memref<2x80xi32, #tpu.memory_space<vmem>> -> memref<1x80xi32, #tpu.memory_space<vmem>>
        %dma_wait3A_354 = tpu.memref_squeeze %dma_wait3A_353 : memref<1x80xi32, #tpu.memory_space<vmem>> -> memref<80xi32, #tpu.memory_space<vmem>>
        %dma_wait3A_355 = arith.constant 0 : i32
        %dma_wait3A_356 = arith.constant 0 : i32
        %dma_wait3A_357 = tpu.memref_slice %arg7[%dma_wait3A_355, %dma_wait3A_356] : memref<10240x128xf32, #tpu.memory_space<vmem_shared>> -> memref<10240x128xf32, #tpu.memory_space<vmem_shared>>
        tpu.wait_indirect_dma semaphore(%arg18 : memref<!tpu.dma_semaphore, #tpu.memory_space<semaphore_mem>>) src(%dma_wait3A_351 : memref<80x128xf32, #tpu.memory_space<vmem>>) dst(%dma_wait3A_357 : memref<10240x128xf32, #tpu.memory_space<vmem_shared>>)
      } else {
      }
      %gt3A_270 = arith.constant 0 : i32
      %gt3A_271 = arith.cmpi sgt, %add3A_264, %gt3A_270 : i32
      %add3A_272 = arith.constant 1 : i32
      %add3A_273 = arith.addi %add3A_264, %add3A_272 : i32
      %lt3A_274 = arith.constant 128 : i32
      %lt3A_275 = arith.cmpi slt, %add3A_273, %lt3A_274 : i32
      %and3A_276 = arith.andi %gt3A_271, %lt3A_275 : i1
      %convert_element_type3A_277 = arith.extui %and3A_276 : i1 to i32
      %cond3A_278 = arith.constant 0 : i32
      %cond3A_279 = arith.cmpi ne, %convert_element_type3A_277, %cond3A_278 : i32
      scf.if %cond3A_279 {
        %dma_wait3A_346 = arith.constant 0 : i32
        %dma_wait3A_347 = arith.constant 0 : i32
        %dma_wait3A_348 = arith.constant 0 : i32
        %dma_wait3A_349 = tpu.memref_slice %arg8[%dma_wait3A_346, %dma_wait3A_347, %dma_wait3A_348] : memref<2x2x128xi32, #tpu.memory_space<vmem>> -> memref<1x2x128xi32, #tpu.memory_space<vmem>>
        %dma_wait3A_350 = tpu.memref_squeeze %dma_wait3A_349 : memref<1x2x128xi32, #tpu.memory_space<vmem>> -> memref<2x128xi32, #tpu.memory_space<vmem>>
        %dma_wait3A_351 = arith.constant 0 : i32
        %dma_wait3A_352 = arith.constant 0 : i32
        %dma_wait3A_353 = tpu.memref_slice %arg3[%mul3A_4, %dma_wait3A_351, %dma_wait3A_352] : memref<4096x2x128xi32, #tpu.memory_space<hbm>> -> memref<1x2x128xi32, #tpu.memory_space<hbm>>
        %dma_wait3A_354 = tpu.memref_squeeze %dma_wait3A_353 : memref<1x2x128xi32, #tpu.memory_space<hbm>> -> memref<2x128xi32, #tpu.memory_space<hbm>>
        %dma_wait3A_355 = arith.constant 0 : i32
        %dma_wait3A_356 = arith.constant 0 : i32
        %dma_wait3A_357 = tpu.memref_slice %arg8[%dma_wait3A_346, %dma_wait3A_355, %dma_wait3A_356] : memref<2x2x128xi32, #tpu.memory_space<vmem>> -> memref<1x2x128xi32, #tpu.memory_space<vmem>>
        %dma_wait3A_358 = tpu.memref_squeeze %dma_wait3A_357 : memref<1x2x128xi32, #tpu.memory_space<vmem>> -> memref<2x128xi32, #tpu.memory_space<vmem>>
        %dma_wait3A_359 = arith.constant 0 : i32
        %dma_wait3A_360 = arith.constant 0 : i32
        %dma_wait3A_361 = tpu.memref_slice %arg3[%mul3A_4, %dma_wait3A_359, %dma_wait3A_360] : memref<4096x2x128xi32, #tpu.memory_space<hbm>> -> memref<1x2x128xi32, #tpu.memory_space<hbm>>
        %dma_wait3A_362 = tpu.memref_squeeze %dma_wait3A_361 : memref<1x2x128xi32, #tpu.memory_space<hbm>> -> memref<2x128xi32, #tpu.memory_space<hbm>>
        tpu.wait_dma2 semaphore(%arg12 : memref<!tpu.dma_semaphore, #tpu.memory_space<semaphore_mem>>) src(%dma_wait3A_362 : memref<2x128xi32, #tpu.memory_space<hbm>>) dst(%dma_wait3A_358 : memref<2x128xi32, #tpu.memory_space<vmem>>)
      } else {
      }
      %add3A_280 = arith.constant 1 : i32
      %add3A_281 = arith.addi %add3A_264, %add3A_280 : i32
      %lt3A_282 = arith.constant 128 : i32
      %lt3A_283 = arith.cmpi slt, %add3A_281, %lt3A_282 : i32
      %convert_element_type3A_284 = arith.extui %lt3A_283 : i1 to i32
      %cond3A_285 = arith.constant 0 : i32
      %cond3A_286 = arith.cmpi ne, %convert_element_type3A_284, %cond3A_285 : i32
      scf.if %cond3A_286 {
        %dma_start3A_346 = arith.constant 0 : i32
        %dma_start3A_347 = arith.constant 0 : i32
        %dma_start3A_348 = arith.constant 0 : i32
        %dma_start3A_349 = arith.constant 0 : i32
        %dma_start3A_350 = arith.constant 0 : i32
        %dma_start3A_351 = tpu.memref_slice %arg10[%dma_start3A_348, %dma_start3A_349, %dma_start3A_350] : memref<2x80x128xf32, #tpu.memory_space<vmem>> -> memref<1x80x128xf32, #tpu.memory_space<vmem>>
        %dma_start3A_352 = tpu.memref_squeeze %dma_start3A_351 : memref<1x80x128xf32, #tpu.memory_space<vmem>> -> memref<80x128xf32, #tpu.memory_space<vmem>>
        %dma_start3A_353 = arith.constant 0 : i32
        %dma_start3A_354 = tpu.memref_slice %arg8[%dma_start3A_346, %dma_start3A_347, %dma_start3A_353] : memref<2x2x128xi32, #tpu.memory_space<vmem>> -> memref<1x1x80xi32, #tpu.memory_space<vmem>>
        %dma_start3A_355 = tpu.memref_squeeze %dma_start3A_354 : memref<1x1x80xi32, #tpu.memory_space<vmem>> -> memref<80xi32, #tpu.memory_space<vmem>>
        %dma_start3A_356 = arith.constant 0 : i32
        %dma_start3A_357 = arith.constant 0 : i32
        %dma_start3A_358 = tpu.memref_slice %arg2[%dma_start3A_356, %dma_start3A_357] : memref<10000x128xf32, #tpu.memory_space<hbm>> -> memref<10000x128xf32, #tpu.memory_space<hbm>>
        tpu.enqueue_indirect_dma source(%dma_start3A_358 : memref<10000x128xf32, #tpu.memory_space<hbm>>) target(%dma_start3A_352 : memref<80x128xf32, #tpu.memory_space<vmem>>) offsets(%dma_start3A_355 : memref<80xi32, #tpu.memory_space<vmem>>) semaphore(%arg14 : memref<!tpu.dma_semaphore, #tpu.memory_space<semaphore_mem>>)
        %add3A_359 = arith.constant 1 : i32
        %add3A_360 = arith.addi %add3A_264, %add3A_359 : i32
        %mul3A_361 = arith.constant 80 : i32
        %mul3A_362 = arith.muli %add3A_360, %mul3A_361 : i32
        %add3A_363 = arith.addi %mul3A_2, %mul3A_362 : i32
        %dma_start3A_364 = arith.constant 0 : i32
        %dma_start3A_365 = arith.constant 0 : i32
        %dma_start3A_366 = arith.constant 0 : i32
        %dma_start3A_367 = tpu.memref_slice %arg11[%dma_start3A_364, %dma_start3A_365, %dma_start3A_366] : memref<2x80x128xf32, #tpu.memory_space<vmem>> -> memref<1x80x128xf32, #tpu.memory_space<vmem>>
        %dma_start3A_368 = tpu.memref_squeeze %dma_start3A_367 : memref<1x80x128xf32, #tpu.memory_space<vmem>> -> memref<80x128xf32, #tpu.memory_space<vmem>>
        %dma_start3A_369 = arith.constant 0 : i32
        %dma_start3A_370 = tpu.memref_slice %arg4[%add3A_363, %dma_start3A_369] : memref<327680x128xf32, #tpu.memory_space<hbm>> -> memref<80x128xf32, #tpu.memory_space<hbm>>
        %dma_start3A_371 = arith.constant 0 : i32
        %dma_start3A_372 = arith.constant 0 : i32
        %dma_start3A_373 = tpu.memref_slice %arg11[%dma_start3A_364, %dma_start3A_371, %dma_start3A_372] : memref<2x80x128xf32, #tpu.memory_space<vmem>> -> memref<1x80x128xf32, #tpu.memory_space<vmem>>
        %dma_start3A_374 = tpu.memref_squeeze %dma_start3A_373 : memref<1x80x128xf32, #tpu.memory_space<vmem>> -> memref<80x128xf32, #tpu.memory_space<vmem>>
        %dma_start3A_375 = arith.constant 0 : i32
        %dma_start3A_376 = tpu.memref_slice %arg4[%add3A_363, %dma_start3A_375] : memref<327680x128xf32, #tpu.memory_space<hbm>> -> memref<80x128xf32, #tpu.memory_space<hbm>>
        tpu.enqueue_dma source(%dma_start3A_376 : memref<80x128xf32, #tpu.memory_space<hbm>>) target(%dma_start3A_374 : memref<80x128xf32, #tpu.memory_space<vmem>>) target_semaphore(%arg16 : memref<!tpu.dma_semaphore, #tpu.memory_space<semaphore_mem>>)
      } else {
      }
      %gt3A_287 = arith.constant 0 : i32
      %gt3A_288 = arith.cmpi sgt, %add3A_264, %gt3A_287 : i32
      %add3A_289 = arith.constant 1 : i32
      %add3A_290 = arith.addi %add3A_264, %add3A_289 : i32
      %lt3A_291 = arith.constant 128 : i32
      %lt3A_292 = arith.cmpi slt, %add3A_290, %lt3A_291 : i32
      %and3A_293 = arith.andi %gt3A_288, %lt3A_292 : i1
      %convert_element_type3A_294 = arith.extui %and3A_293 : i1 to i32
      %cond3A_295 = arith.constant 0 : i32
      %cond3A_296 = arith.cmpi ne, %convert_element_type3A_294, %cond3A_295 : i32
      scf.if %cond3A_296 {
        %get3A_346 = arith.constant 0 : i32
        %get3A_347 = arith.constant 1 : i32
        %get3A_348 = arith.index_cast %get3A_346 : i32 to index
        %get3A_349 = arith.index_cast %get3A_347 : i32 to index
        %get3A_350 = arith.constant 0 : index
        %get3A_351 = tpu.vector_load %arg8[%get3A_348, %get3A_349, %get3A_350] {strides = array<i32>} : memref<2x2x128xi32, #tpu.memory_space<vmem>>, vector<1x1x16xi32>,
        %get3A_352 = vector.shape_cast %get3A_351 : vector<1x1x16xi32> to vector<16xi32>
        %swap3A_353 = arith.constant 0 : i32
        %swap3A_354 = arith.index_cast %swap3A_353 : i32 to index
        %swap3A_355 = arith.constant 0 : index
        %swap3A_356 = tpu.vector_load %arg9[%swap3A_354, %swap3A_355] {strides = array<i32>} : memref<2x80xi32, #tpu.memory_space<vmem>>, vector<1x16xi32>,
        %swap3A_357 = vector.shape_cast %swap3A_356 : vector<1x16xi32> to vector<16xi32>
        %swap3A_358 = vector.shape_cast %get3A_352 : vector<16xi32> to vector<1x16xi32>
        tpu.vector_store %arg9[%swap3A_354, %swap3A_355], %swap3A_358 {strides = array<i32>} : memref<2x80xi32, #tpu.memory_space<vmem>>, vector<1x16xi32>,
        %get3A_359 = arith.constant 0 : i32
        %get3A_360 = arith.constant 1 : i32
        %get3A_361 = arith.index_cast %get3A_359 : i32 to index
        %get3A_362 = arith.index_cast %get3A_360 : i32 to index
        %get3A_363 = arith.constant 16 : index
        %get3A_364 = tpu.vector_load %arg8[%get3A_361, %get3A_362, %get3A_363] {strides = array<i32>} : memref<2x2x128xi32, #tpu.memory_space<vmem>>, vector<1x1x16xi32>,
        %get3A_365 = vector.shape_cast %get3A_364 : vector<1x1x16xi32> to vector<16xi32>
        %swap3A_366 = arith.constant 0 : i32
        %swap3A_367 = arith.index_cast %swap3A_366 : i32 to index
        %swap3A_368 = arith.constant 16 : index
        %swap3A_369 = tpu.vector_load %arg9[%swap3A_367, %swap3A_368] {strides = array<i32>} : memref<2x80xi32, #tpu.memory_space<vmem>>, vector<1x16xi32>,
        %swap3A_370 = vector.shape_cast %swap3A_369 : vector<1x16xi32> to vector<16xi32>
        %swap3A_371 = vector.shape_cast %get3A_365 : vector<16xi32> to vector<1x16xi32>
        tpu.vector_store %arg9[%swap3A_367, %swap3A_368], %swap3A_371 {strides = array<i32>} : memref<2x80xi32, #tpu.memory_space<vmem>>, vector<1x16xi32>,
        %get3A_372 = arith.constant 0 : i32
        %get3A_373 = arith.constant 1 : i32
        %get3A_374 = arith.index_cast %get3A_372 : i32 to index
        %get3A_375 = arith.index_cast %get3A_373 : i32 to index
        %get3A_376 = arith.constant 32 : index
        %get3A_377 = tpu.vector_load %arg8[%get3A_374, %get3A_375, %get3A_376] {strides = array<i32>} : memref<2x2x128xi32, #tpu.memory_space<vmem>>, vector<1x1x16xi32>,
        %get3A_378 = vector.shape_cast %get3A_377 : vector<1x1x16xi32> to vector<16xi32>
        %swap3A_379 = arith.constant 0 : i32
        %swap3A_380 = arith.index_cast %swap3A_379 : i32 to index
        %swap3A_381 = arith.constant 32 : index
        %swap3A_382 = tpu.vector_load %arg9[%swap3A_380, %swap3A_381] {strides = array<i32>} : memref<2x80xi32, #tpu.memory_space<vmem>>, vector<1x16xi32>,
        %swap3A_383 = vector.shape_cast %swap3A_382 : vector<1x16xi32> to vector<16xi32>
        %swap3A_384 = vector.shape_cast %get3A_378 : vector<16xi32> to vector<1x16xi32>
        tpu.vector_store %arg9[%swap3A_380, %swap3A_381], %swap3A_384 {strides = array<i32>} : memref<2x80xi32, #tpu.memory_space<vmem>>, vector<1x16xi32>,
        %get3A_385 = arith.constant 0 : i32
        %get3A_386 = arith.constant 1 : i32
        %get3A_387 = arith.index_cast %get3A_385 : i32 to index
        %get3A_388 = arith.index_cast %get3A_386 : i32 to index
        %get3A_389 = arith.constant 48 : index
        %get3A_390 = tpu.vector_load %arg8[%get3A_387, %get3A_388, %get3A_389] {strides = array<i32>} : memref<2x2x128xi32, #tpu.memory_space<vmem>>, vector<1x1x16xi32>,
        %get3A_391 = vector.shape_cast %get3A_390 : vector<1x1x16xi32> to vector<16xi32>
        %swap3A_392 = arith.constant 0 : i32
        %swap3A_393 = arith.index_cast %swap3A_392 : i32 to index
        %swap3A_394 = arith.constant 48 : index
        %swap3A_395 = tpu.vector_load %arg9[%swap3A_393, %swap3A_394] {strides = array<i32>} : memref<2x80xi32, #tpu.memory_space<vmem>>, vector<1x16xi32>,
        %swap3A_396 = vector.shape_cast %swap3A_395 : vector<1x16xi32> to vector<16xi32>
        %swap3A_397 = vector.shape_cast %get3A_391 : vector<16xi32> to vector<1x16xi32>
        tpu.vector_store %arg9[%swap3A_393, %swap3A_394], %swap3A_397 {strides = array<i32>} : memref<2x80xi32, #tpu.memory_space<vmem>>, vector<1x16xi32>,
        %get3A_398 = arith.constant 0 : i32
        %get3A_399 = arith.constant 1 : i32
        %get3A_400 = arith.index_cast %get3A_398 : i32 to index
        %get3A_401 = arith.index_cast %get3A_399 : i32 to index
        %get3A_402 = arith.constant 64 : index
        %get3A_403 = tpu.vector_load %arg8[%get3A_400, %get3A_401, %get3A_402] {strides = array<i32>} : memref<2x2x128xi32, #tpu.memory_space<vmem>>, vector<1x1x16xi32>,
        %get3A_404 = vector.shape_cast %get3A_403 : vector<1x1x16xi32> to vector<16xi32>
        %swap3A_405 = arith.constant 0 : i32
        %swap3A_406 = arith.index_cast %swap3A_405 : i32 to index
        %swap3A_407 = arith.constant 64 : index
        %swap3A_408 = tpu.vector_load %arg9[%swap3A_406, %swap3A_407] {strides = array<i32>} : memref<2x80xi32, #tpu.memory_space<vmem>>, vector<1x16xi32>,
        %swap3A_409 = vector.shape_cast %swap3A_408 : vector<1x16xi32> to vector<16xi32>
        %swap3A_410 = vector.shape_cast %get3A_404 : vector<16xi32> to vector<1x16xi32>
        tpu.vector_store %arg9[%swap3A_406, %swap3A_407], %swap3A_410 {strides = array<i32>} : memref<2x80xi32, #tpu.memory_space<vmem>>, vector<1x16xi32>,
      } else {
      }
      %add3A_297 = arith.constant 2 : i32
      %add3A_298 = arith.addi %add3A_264, %add3A_297 : i32
      %lt3A_299 = arith.constant 128 : i32
      %lt3A_300 = arith.cmpi slt, %add3A_298, %lt3A_299 : i32
      %convert_element_type3A_301 = arith.extui %lt3A_300 : i1 to i32
      %cond3A_302 = arith.constant 0 : i32
      %cond3A_303 = arith.cmpi ne, %convert_element_type3A_301, %cond3A_302 : i32
      scf.if %cond3A_303 {
        %add3A_346 = arith.addi %mul3A_4, %add3A_264 : i32
        %add3A_347 = arith.constant 2 : i32
        %add3A_348 = arith.addi %add3A_346, %add3A_347 : i32
        %dma_start3A_349 = arith.constant 1 : i32
        %dma_start3A_350 = arith.constant 0 : i32
        %dma_start3A_351 = arith.constant 0 : i32
        %dma_start3A_352 = tpu.memref_slice %arg8[%dma_start3A_349, %dma_start3A_350, %dma_start3A_351] : memref<2x2x128xi32, #tpu.memory_space<vmem>> -> memref<1x2x128xi32, #tpu.memory_space<vmem>>
        %dma_start3A_353 = tpu.memref_squeeze %dma_start3A_352 : memref<1x2x128xi32, #tpu.memory_space<vmem>> -> memref<2x128xi32, #tpu.memory_space<vmem>>
        %dma_start3A_354 = arith.constant 0 : i32
        %dma_start3A_355 = arith.constant 0 : i32
        %dma_start3A_356 = tpu.memref_slice %arg3[%add3A_348, %dma_start3A_354, %dma_start3A_355] : memref<4096x2x128xi32, #tpu.memory_space<hbm>> -> memref<1x2x128xi32, #tpu.memory_space<hbm>>
        %dma_start3A_357 = tpu.memref_squeeze %dma_start3A_356 : memref<1x2x128xi32, #tpu.memory_space<hbm>> -> memref<2x128xi32, #tpu.memory_space<hbm>>
        %dma_start3A_358 = arith.constant 0 : i32
        %dma_start3A_359 = arith.constant 0 : i32
        %dma_start3A_360 = tpu.memref_slice %arg8[%dma_start3A_349, %dma_start3A_358, %dma_start3A_359] : memref<2x2x128xi32, #tpu.memory_space<vmem>> -> memref<1x2x128xi32, #tpu.memory_space<vmem>>
        %dma_start3A_361 = tpu.memref_squeeze %dma_start3A_360 : memref<1x2x128xi32, #tpu.memory_space<vmem>> -> memref<2x128xi32, #tpu.memory_space<vmem>>
        %dma_start3A_362 = arith.constant 0 : i32
        %dma_start3A_363 = arith.constant 0 : i32
        %dma_start3A_364 = tpu.memref_slice %arg3[%add3A_348, %dma_start3A_362, %dma_start3A_363] : memref<4096x2x128xi32, #tpu.memory_space<hbm>> -> memref<1x2x128xi32, #tpu.memory_space<hbm>>
        %dma_start3A_365 = tpu.memref_squeeze %dma_start3A_364 : memref<1x2x128xi32, #tpu.memory_space<hbm>> -> memref<2x128xi32, #tpu.memory_space<hbm>>
        tpu.enqueue_dma source(%dma_start3A_365 : memref<2x128xi32, #tpu.memory_space<hbm>>) target(%dma_start3A_361 : memref<2x128xi32, #tpu.memory_space<vmem>>) target_semaphore(%arg13 : memref<!tpu.dma_semaphore, #tpu.memory_space<semaphore_mem>>)
      } else {
      }
      %dma_wait3A_304 = arith.constant 1 : i32
      %dma_wait3A_305 = arith.constant 0 : i32
      %dma_wait3A_306 = arith.constant 1 : i32
      %dma_wait3A_307 = arith.constant 0 : i32
      %dma_wait3A_308 = arith.constant 0 : i32
      %dma_wait3A_309 = tpu.memref_slice %arg10[%dma_wait3A_306, %dma_wait3A_307, %dma_wait3A_308] : memref<2x80x128xf32, #tpu.memory_space<vmem>> -> memref<1x80x128xf32, #tpu.memory_space<vmem>>
      %dma_wait3A_310 = tpu.memref_squeeze %dma_wait3A_309 : memref<1x80x128xf32, #tpu.memory_space<vmem>> -> memref<80x128xf32, #tpu.memory_space<vmem>>
      %dma_wait3A_311 = arith.constant 0 : i32
      %dma_wait3A_312 = tpu.memref_slice %arg8[%dma_wait3A_304, %dma_wait3A_305, %dma_wait3A_311] : memref<2x2x128xi32, #tpu.memory_space<vmem>> -> memref<1x1x80xi32, #tpu.memory_space<vmem>>
      %dma_wait3A_313 = tpu.memref_squeeze %dma_wait3A_312 : memref<1x1x80xi32, #tpu.memory_space<vmem>> -> memref<80xi32, #tpu.memory_space<vmem>>
      %dma_wait3A_314 = arith.constant 0 : i32
      %dma_wait3A_315 = arith.constant 0 : i32
      %dma_wait3A_316 = tpu.memref_slice %arg2[%dma_wait3A_314, %dma_wait3A_315] : memref<10000x128xf32, #tpu.memory_space<hbm>> -> memref<10000x128xf32, #tpu.memory_space<hbm>>
      tpu.wait_indirect_dma semaphore(%arg15 : memref<!tpu.dma_semaphore, #tpu.memory_space<semaphore_mem>>) src(%dma_wait3A_316 : memref<10000x128xf32, #tpu.memory_space<hbm>>) dst(%dma_wait3A_310 : memref<80x128xf32, #tpu.memory_space<vmem>>)
      %dma_wait3A_317 = arith.constant 1 : i32
      %dma_wait3A_318 = arith.constant 0 : i32
      %dma_wait3A_319 = arith.constant 0 : i32
      %dma_wait3A_320 = tpu.memref_slice %arg11[%dma_wait3A_317, %dma_wait3A_318, %dma_wait3A_319] : memref<2x80x128xf32, #tpu.memory_space<vmem>> -> memref<1x80x128xf32, #tpu.memory_space<vmem>>
      %dma_wait3A_321 = tpu.memref_squeeze %dma_wait3A_320 : memref<1x80x128xf32, #tpu.memory_space<vmem>> -> memref<80x128xf32, #tpu.memory_space<vmem>>
      %dma_wait3A_322 = arith.constant 0 : i32
      %dma_wait3A_323 = tpu.memref_slice %arg4[%mul3A_2, %dma_wait3A_322] : memref<327680x128xf32, #tpu.memory_space<hbm>> -> memref<80x128xf32, #tpu.memory_space<hbm>>
      %dma_wait3A_324 = arith.constant 0 : i32
      %dma_wait3A_325 = arith.constant 0 : i32
      %dma_wait3A_326 = tpu.memref_slice %arg11[%dma_wait3A_317, %dma_wait3A_324, %dma_wait3A_325] : memref<2x80x128xf32, #tpu.memory_space<vmem>> -> memref<1x80x128xf32, #tpu.memory_space<vmem>>
      %dma_wait3A_327 = tpu.memref_squeeze %dma_wait3A_326 : memref<1x80x128xf32, #tpu.memory_space<vmem>> -> memref<80x128xf32, #tpu.memory_space<vmem>>
      %dma_wait3A_328 = arith.constant 0 : i32
      %dma_wait3A_329 = tpu.memref_slice %arg4[%mul3A_2, %dma_wait3A_328] : memref<327680x128xf32, #tpu.memory_space<hbm>> -> memref<80x128xf32, #tpu.memory_space<hbm>>
      tpu.wait_dma2 semaphore(%arg17 : memref<!tpu.dma_semaphore, #tpu.memory_space<semaphore_mem>>) src(%dma_wait3A_329 : memref<80x128xf32, #tpu.memory_space<hbm>>) dst(%dma_wait3A_327 : memref<80x128xf32, #tpu.memory_space<vmem>>)
      %parallel_loop3A_330 = arith.constant 0 : i32
      %parallel_loop3A_331 = arith.constant 80 : i32
      %parallel_loop3A_332 = arith.constant 1 : i32
      scf.for %parallel_loop3A_346 = %parallel_loop3A_330 to %parallel_loop3A_331 step %parallel_loop3A_332  : i32 {
        %parallel_loop3A_347 = arith.constant 1 : i32
        %parallel_loop3A_348 = arith.index_cast %parallel_loop3A_347 : i32 to index
        %parallel_loop3A_349 = arith.index_cast %parallel_loop3A_346 : i32 to index
        %parallel_loop3A_350 = arith.constant 0 : index
        %parallel_loop3A_351 = tpu.vector_load %arg10[%parallel_loop3A_348, %parallel_loop3A_349, %parallel_loop3A_350] {strides = array<i32>} : memref<2x80x128xf32, #tpu.memory_space<vmem>>, vector<1x1x16xf32>,
        %parallel_loop3A_352 = vector.shape_cast %parallel_loop3A_351 : vector<1x1x16xf32> to vector<16xf32>
        %parallel_loop3A_353 = arith.constant 1 : i32
        %parallel_loop3A_354 = arith.index_cast %parallel_loop3A_353 : i32 to index
        %parallel_loop3A_355 = arith.index_cast %parallel_loop3A_346 : i32 to index
        %parallel_loop3A_356 = arith.constant 0 : index
        %parallel_loop3A_357 = tpu.vector_load %arg11[%parallel_loop3A_354, %parallel_loop3A_355, %parallel_loop3A_356] {strides = array<i32>} : memref<2x80x128xf32, #tpu.memory_space<vmem>>, vector<1x1x16xf32>,
        %parallel_loop3A_358 = vector.shape_cast %parallel_loop3A_357 : vector<1x1x16xf32> to vector<16xf32>
        %parallel_loop3A_359 = arith.addf %parallel_loop3A_352, %parallel_loop3A_358 : vector<16xf32>
        %parallel_loop3A_360 = arith.constant 0.000000e+00 : f32
        %parallel_loop3A_361 = vector.broadcast %parallel_loop3A_360 : f32 to vector<16xf32>
        %parallel_loop3A_362 = arith.maximumf %parallel_loop3A_359, %parallel_loop3A_361 : vector<16xf32>
        %parallel_loop3A_363 = arith.constant 1 : i32
        %parallel_loop3A_364 = arith.index_cast %parallel_loop3A_363 : i32 to index
        %parallel_loop3A_365 = arith.index_cast %parallel_loop3A_346 : i32 to index
        %parallel_loop3A_366 = arith.constant 0 : index
        %parallel_loop3A_367 = tpu.vector_load %arg10[%parallel_loop3A_364, %parallel_loop3A_365, %parallel_loop3A_366] {strides = array<i32>} : memref<2x80x128xf32, #tpu.memory_space<vmem>>, vector<1x1x16xf32>,
        %parallel_loop3A_368 = vector.shape_cast %parallel_loop3A_367 : vector<1x1x16xf32> to vector<16xf32>
        %parallel_loop3A_369 = vector.shape_cast %parallel_loop3A_362 : vector<16xf32> to vector<1x1x16xf32>
        tpu.vector_store %arg10[%parallel_loop3A_364, %parallel_loop3A_365, %parallel_loop3A_366], %parallel_loop3A_369 {strides = array<i32>} : memref<2x80x128xf32, #tpu.memory_space<vmem>>, vector<1x1x16xf32>,
        %parallel_loop3A_370 = arith.constant 1 : i32
        %parallel_loop3A_371 = arith.index_cast %parallel_loop3A_370 : i32 to index
        %parallel_loop3A_372 = arith.index_cast %parallel_loop3A_346 : i32 to index
        %parallel_loop3A_373 = arith.constant 16 : index
        %parallel_loop3A_374 = tpu.vector_load %arg10[%parallel_loop3A_371, %parallel_loop3A_372, %parallel_loop3A_373] {strides = array<i32>} : memref<2x80x128xf32, #tpu.memory_space<vmem>>, vector<1x1x16xf32>,
        %parallel_loop3A_375 = vector.shape_cast %parallel_loop3A_374 : vector<1x1x16xf32> to vector<16xf32>
        %parallel_loop3A_376 = arith.constant 1 : i32
        %parallel_loop3A_377 = arith.index_cast %parallel_loop3A_376 : i32 to index
        %parallel_loop3A_378 = arith.index_cast %parallel_loop3A_346 : i32 to index
        %parallel_loop3A_379 = arith.constant 16 : index
        %parallel_loop3A_380 = tpu.vector_load %arg11[%parallel_loop3A_377, %parallel_loop3A_378, %parallel_loop3A_379] {strides = array<i32>} : memref<2x80x128xf32, #tpu.memory_space<vmem>>, vector<1x1x16xf32>,
        %parallel_loop3A_381 = vector.shape_cast %parallel_loop3A_380 : vector<1x1x16xf32> to vector<16xf32>
        %parallel_loop3A_382 = arith.addf %parallel_loop3A_375, %parallel_loop3A_381 : vector<16xf32>
        %parallel_loop3A_383 = arith.constant 0.000000e+00 : f32
        %parallel_loop3A_384 = vector.broadcast %parallel_loop3A_383 : f32 to vector<16xf32>
        %parallel_loop3A_385 = arith.maximumf %parallel_loop3A_382, %parallel_loop3A_384 : vector<16xf32>
        %parallel_loop3A_386 = arith.constant 1 : i32
        %parallel_loop3A_387 = arith.index_cast %parallel_loop3A_386 : i32 to index
        %parallel_loop3A_388 = arith.index_cast %parallel_loop3A_346 : i32 to index
        %parallel_loop3A_389 = arith.constant 16 : index
        %parallel_loop3A_390 = tpu.vector_load %arg10[%parallel_loop3A_387, %parallel_loop3A_388, %parallel_loop3A_389] {strides = array<i32>} : memref<2x80x128xf32, #tpu.memory_space<vmem>>, vector<1x1x16xf32>,
        %parallel_loop3A_391 = vector.shape_cast %parallel_loop3A_390 : vector<1x1x16xf32> to vector<16xf32>
        %parallel_loop3A_392 = vector.shape_cast %parallel_loop3A_385 : vector<16xf32> to vector<1x1x16xf32>
        tpu.vector_store %arg10[%parallel_loop3A_387, %parallel_loop3A_388, %parallel_loop3A_389], %parallel_loop3A_392 {strides = array<i32>} : memref<2x80x128xf32, #tpu.memory_space<vmem>>, vector<1x1x16xf32>,
        %parallel_loop3A_393 = arith.constant 1 : i32
        %parallel_loop3A_394 = arith.index_cast %parallel_loop3A_393 : i32 to index
        %parallel_loop3A_395 = arith.index_cast %parallel_loop3A_346 : i32 to index
        %parallel_loop3A_396 = arith.constant 32 : index
        %parallel_loop3A_397 = tpu.vector_load %arg10[%parallel_loop3A_394, %parallel_loop3A_395, %parallel_loop3A_396] {strides = array<i32>} : memref<2x80x128xf32, #tpu.memory_space<vmem>>, vector<1x1x16xf32>,
        %parallel_loop3A_398 = vector.shape_cast %parallel_loop3A_397 : vector<1x1x16xf32> to vector<16xf32>
        %parallel_loop3A_399 = arith.constant 1 : i32
        %parallel_loop3A_400 = arith.index_cast %parallel_loop3A_399 : i32 to index
        %parallel_loop3A_401 = arith.index_cast %parallel_loop3A_346 : i32 to index
        %parallel_loop3A_402 = arith.constant 32 : index
        %parallel_loop3A_403 = tpu.vector_load %arg11[%parallel_loop3A_400, %parallel_loop3A_401, %parallel_loop3A_402] {strides = array<i32>} : memref<2x80x128xf32, #tpu.memory_space<vmem>>, vector<1x1x16xf32>,
        %parallel_loop3A_404 = vector.shape_cast %parallel_loop3A_403 : vector<1x1x16xf32> to vector<16xf32>
        %parallel_loop3A_405 = arith.addf %parallel_loop3A_398, %parallel_loop3A_404 : vector<16xf32>
        %parallel_loop3A_406 = arith.constant 0.000000e+00 : f32
        %parallel_loop3A_407 = vector.broadcast %parallel_loop3A_406 : f32 to vector<16xf32>
        %parallel_loop3A_408 = arith.maximumf %parallel_loop3A_405, %parallel_loop3A_407 : vector<16xf32>
        %parallel_loop3A_409 = arith.constant 1 : i32
        %parallel_loop3A_410 = arith.index_cast %parallel_loop3A_409 : i32 to index
        %parallel_loop3A_411 = arith.index_cast %parallel_loop3A_346 : i32 to index
        %parallel_loop3A_412 = arith.constant 32 : index
        %parallel_loop3A_413 = tpu.vector_load %arg10[%parallel_loop3A_410, %parallel_loop3A_411, %parallel_loop3A_412] {strides = array<i32>} : memref<2x80x128xf32, #tpu.memory_space<vmem>>, vector<1x1x16xf32>,
        %parallel_loop3A_414 = vector.shape_cast %parallel_loop3A_413 : vector<1x1x16xf32> to vector<16xf32>
        %parallel_loop3A_415 = vector.shape_cast %parallel_loop3A_408 : vector<16xf32> to vector<1x1x16xf32>
        tpu.vector_store %arg10[%parallel_loop3A_410, %parallel_loop3A_411, %parallel_loop3A_412], %parallel_loop3A_415 {strides = array<i32>} : memref<2x80x128xf32, #tpu.memory_space<vmem>>, vector<1x1x16xf32>,
        %parallel_loop3A_416 = arith.constant 1 : i32
        %parallel_loop3A_417 = arith.index_cast %parallel_loop3A_416 : i32 to index
        %parallel_loop3A_418 = arith.index_cast %parallel_loop3A_346 : i32 to index
        %parallel_loop3A_419 = arith.constant 48 : index
        %parallel_loop3A_420 = tpu.vector_load %arg10[%parallel_loop3A_417, %parallel_loop3A_418, %parallel_loop3A_419] {strides = array<i32>} : memref<2x80x128xf32, #tpu.memory_space<vmem>>, vector<1x1x16xf32>,
        %parallel_loop3A_421 = vector.shape_cast %parallel_loop3A_420 : vector<1x1x16xf32> to vector<16xf32>
        %parallel_loop3A_422 = arith.constant 1 : i32
        %parallel_loop3A_423 = arith.index_cast %parallel_loop3A_422 : i32 to index
        %parallel_loop3A_424 = arith.index_cast %parallel_loop3A_346 : i32 to index
        %parallel_loop3A_425 = arith.constant 48 : index
        %parallel_loop3A_426 = tpu.vector_load %arg11[%parallel_loop3A_423, %parallel_loop3A_424, %parallel_loop3A_425] {strides = array<i32>} : memref<2x80x128xf32, #tpu.memory_space<vmem>>, vector<1x1x16xf32>,
        %parallel_loop3A_427 = vector.shape_cast %parallel_loop3A_426 : vector<1x1x16xf32> to vector<16xf32>
        %parallel_loop3A_428 = arith.addf %parallel_loop3A_421, %parallel_loop3A_427 : vector<16xf32>
        %parallel_loop3A_429 = arith.constant 0.000000e+00 : f32
        %parallel_loop3A_430 = vector.broadcast %parallel_loop3A_429 : f32 to vector<16xf32>
        %parallel_loop3A_431 = arith.maximumf %parallel_loop3A_428, %parallel_loop3A_430 : vector<16xf32>
        %parallel_loop3A_432 = arith.constant 1 : i32
        %parallel_loop3A_433 = arith.index_cast %parallel_loop3A_432 : i32 to index
        %parallel_loop3A_434 = arith.index_cast %parallel_loop3A_346 : i32 to index
        %parallel_loop3A_435 = arith.constant 48 : index
        %parallel_loop3A_436 = tpu.vector_load %arg10[%parallel_loop3A_433, %parallel_loop3A_434, %parallel_loop3A_435] {strides = array<i32>} : memref<2x80x128xf32, #tpu.memory_space<vmem>>, vector<1x1x16xf32>,
        %parallel_loop3A_437 = vector.shape_cast %parallel_loop3A_436 : vector<1x1x16xf32> to vector<16xf32>
        %parallel_loop3A_438 = vector.shape_cast %parallel_loop3A_431 : vector<16xf32> to vector<1x1x16xf32>
        tpu.vector_store %arg10[%parallel_loop3A_433, %parallel_loop3A_434, %parallel_loop3A_435], %parallel_loop3A_438 {strides = array<i32>} : memref<2x80x128xf32, #tpu.memory_space<vmem>>, vector<1x1x16xf32>,
        %parallel_loop3A_439 = arith.constant 1 : i32
        %parallel_loop3A_440 = arith.index_cast %parallel_loop3A_439 : i32 to index
        %parallel_loop3A_441 = arith.index_cast %parallel_loop3A_346 : i32 to index
        %parallel_loop3A_442 = arith.constant 64 : index
        %parallel_loop3A_443 = tpu.vector_load %arg10[%parallel_loop3A_440, %parallel_loop3A_441, %parallel_loop3A_442] {strides = array<i32>} : memref<2x80x128xf32, #tpu.memory_space<vmem>>, vector<1x1x16xf32>,
        %parallel_loop3A_444 = vector.shape_cast %parallel_loop3A_443 : vector<1x1x16xf32> to vector<16xf32>
        %parallel_loop3A_445 = arith.constant 1 : i32
        %parallel_loop3A_446 = arith.index_cast %parallel_loop3A_445 : i32 to index
        %parallel_loop3A_447 = arith.index_cast %parallel_loop3A_346 : i32 to index
        %parallel_loop3A_448 = arith.constant 64 : index
        %parallel_loop3A_449 = tpu.vector_load %arg11[%parallel_loop3A_446, %parallel_loop3A_447, %parallel_loop3A_448] {strides = array<i32>} : memref<2x80x128xf32, #tpu.memory_space<vmem>>, vector<1x1x16xf32>,
        %parallel_loop3A_450 = vector.shape_cast %parallel_loop3A_449 : vector<1x1x16xf32> to vector<16xf32>
        %parallel_loop3A_451 = arith.addf %parallel_loop3A_444, %parallel_loop3A_450 : vector<16xf32>
        %parallel_loop3A_452 = arith.constant 0.000000e+00 : f32
        %parallel_loop3A_453 = vector.broadcast %parallel_loop3A_452 : f32 to vector<16xf32>
        %parallel_loop3A_454 = arith.maximumf %parallel_loop3A_451, %parallel_loop3A_453 : vector<16xf32>
        %parallel_loop3A_455 = arith.constant 1 : i32
        %parallel_loop3A_456 = arith.index_cast %parallel_loop3A_455 : i32 to index
        %parallel_loop3A_457 = arith.index_cast %parallel_loop3A_346 : i32 to index
        %parallel_loop3A_458 = arith.constant 64 : index
        %parallel_loop3A_459 = tpu.vector_load %arg10[%parallel_loop3A_456, %parallel_loop3A_457, %parallel_loop3A_458] {strides = array<i32>} : memref<2x80x128xf32, #tpu.memory_space<vmem>>, vector<1x1x16xf32>,
        %parallel_loop3A_460 = vector.shape_cast %parallel_loop3A_459 : vector<1x1x16xf32> to vector<16xf32>
        %parallel_loop3A_461 = vector.shape_cast %parallel_loop3A_454 : vector<16xf32> to vector<1x1x16xf32>
        tpu.vector_store %arg10[%parallel_loop3A_456, %parallel_loop3A_457, %parallel_loop3A_458], %parallel_loop3A_461 {strides = array<i32>} : memref<2x80x128xf32, #tpu.memory_space<vmem>>, vector<1x1x16xf32>,
        %parallel_loop3A_462 = arith.constant 1 : i32
        %parallel_loop3A_463 = arith.index_cast %parallel_loop3A_462 : i32 to index
        %parallel_loop3A_464 = arith.index_cast %parallel_loop3A_346 : i32 to index
        %parallel_loop3A_465 = arith.constant 80 : index
        %parallel_loop3A_466 = tpu.vector_load %arg10[%parallel_loop3A_463, %parallel_loop3A_464, %parallel_loop3A_465] {strides = array<i32>} : memref<2x80x128xf32, #tpu.memory_space<vmem>>, vector<1x1x16xf32>,
        %parallel_loop3A_467 = vector.shape_cast %parallel_loop3A_466 : vector<1x1x16xf32> to vector<16xf32>
        %parallel_loop3A_468 = arith.constant 1 : i32
        %parallel_loop3A_469 = arith.index_cast %parallel_loop3A_468 : i32 to index
        %parallel_loop3A_470 = arith.index_cast %parallel_loop3A_346 : i32 to index
        %parallel_loop3A_471 = arith.constant 80 : index
        %parallel_loop3A_472 = tpu.vector_load %arg11[%parallel_loop3A_469, %parallel_loop3A_470, %parallel_loop3A_471] {strides = array<i32>} : memref<2x80x128xf32, #tpu.memory_space<vmem>>, vector<1x1x16xf32>,
        %parallel_loop3A_473 = vector.shape_cast %parallel_loop3A_472 : vector<1x1x16xf32> to vector<16xf32>
        %parallel_loop3A_474 = arith.addf %parallel_loop3A_467, %parallel_loop3A_473 : vector<16xf32>
        %parallel_loop3A_475 = arith.constant 0.000000e+00 : f32
        %parallel_loop3A_476 = vector.broadcast %parallel_loop3A_475 : f32 to vector<16xf32>
        %parallel_loop3A_477 = arith.maximumf %parallel_loop3A_474, %parallel_loop3A_476 : vector<16xf32>
        %parallel_loop3A_478 = arith.constant 1 : i32
        %parallel_loop3A_479 = arith.index_cast %parallel_loop3A_478 : i32 to index
        %parallel_loop3A_480 = arith.index_cast %parallel_loop3A_346 : i32 to index
        %parallel_loop3A_481 = arith.constant 80 : index
        %parallel_loop3A_482 = tpu.vector_load %arg10[%parallel_loop3A_479, %parallel_loop3A_480, %parallel_loop3A_481] {strides = array<i32>} : memref<2x80x128xf32, #tpu.memory_space<vmem>>, vector<1x1x16xf32>,
        %parallel_loop3A_483 = vector.shape_cast %parallel_loop3A_482 : vector<1x1x16xf32> to vector<16xf32>
        %parallel_loop3A_484 = vector.shape_cast %parallel_loop3A_477 : vector<16xf32> to vector<1x1x16xf32>
        tpu.vector_store %arg10[%parallel_loop3A_479, %parallel_loop3A_480, %parallel_loop3A_481], %parallel_loop3A_484 {strides = array<i32>} : memref<2x80x128xf32, #tpu.memory_space<vmem>>, vector<1x1x16xf32>,
        %parallel_loop3A_485 = arith.constant 1 : i32
        %parallel_loop3A_486 = arith.index_cast %parallel_loop3A_485 : i32 to index
        %parallel_loop3A_487 = arith.index_cast %parallel_loop3A_346 : i32 to index
        %parallel_loop3A_488 = arith.constant 96 : index
        %parallel_loop3A_489 = tpu.vector_load %arg10[%parallel_loop3A_486, %parallel_loop3A_487, %parallel_loop3A_488] {strides = array<i32>} : memref<2x80x128xf32, #tpu.memory_space<vmem>>, vector<1x1x16xf32>,
        %parallel_loop3A_490 = vector.shape_cast %parallel_loop3A_489 : vector<1x1x16xf32> to vector<16xf32>
        %parallel_loop3A_491 = arith.constant 1 : i32
        %parallel_loop3A_492 = arith.index_cast %parallel_loop3A_491 : i32 to index
        %parallel_loop3A_493 = arith.index_cast %parallel_loop3A_346 : i32 to index
        %parallel_loop3A_494 = arith.constant 96 : index
        %parallel_loop3A_495 = tpu.vector_load %arg11[%parallel_loop3A_492, %parallel_loop3A_493, %parallel_loop3A_494] {strides = array<i32>} : memref<2x80x128xf32, #tpu.memory_space<vmem>>, vector<1x1x16xf32>,
        %parallel_loop3A_496 = vector.shape_cast %parallel_loop3A_495 : vector<1x1x16xf32> to vector<16xf32>
        %parallel_loop3A_497 = arith.addf %parallel_loop3A_490, %parallel_loop3A_496 : vector<16xf32>
        %parallel_loop3A_498 = arith.constant 0.000000e+00 : f32
        %parallel_loop3A_499 = vector.broadcast %parallel_loop3A_498 : f32 to vector<16xf32>
        %parallel_loop3A_500 = arith.maximumf %parallel_loop3A_497, %parallel_loop3A_499 : vector<16xf32>
        %parallel_loop3A_501 = arith.constant 1 : i32
        %parallel_loop3A_502 = arith.index_cast %parallel_loop3A_501 : i32 to index
        %parallel_loop3A_503 = arith.index_cast %parallel_loop3A_346 : i32 to index
        %parallel_loop3A_504 = arith.constant 96 : index
        %parallel_loop3A_505 = tpu.vector_load %arg10[%parallel_loop3A_502, %parallel_loop3A_503, %parallel_loop3A_504] {strides = array<i32>} : memref<2x80x128xf32, #tpu.memory_space<vmem>>, vector<1x1x16xf32>,
        %parallel_loop3A_506 = vector.shape_cast %parallel_loop3A_505 : vector<1x1x16xf32> to vector<16xf32>
        %parallel_loop3A_507 = vector.shape_cast %parallel_loop3A_500 : vector<16xf32> to vector<1x1x16xf32>
        tpu.vector_store %arg10[%parallel_loop3A_502, %parallel_loop3A_503, %parallel_loop3A_504], %parallel_loop3A_507 {strides = array<i32>} : memref<2x80x128xf32, #tpu.memory_space<vmem>>, vector<1x1x16xf32>,
        %parallel_loop3A_508 = arith.constant 1 : i32
        %parallel_loop3A_509 = arith.index_cast %parallel_loop3A_508 : i32 to index
        %parallel_loop3A_510 = arith.index_cast %parallel_loop3A_346 : i32 to index
        %parallel_loop3A_511 = arith.constant 112 : index
        %parallel_loop3A_512 = tpu.vector_load %arg10[%parallel_loop3A_509, %parallel_loop3A_510, %parallel_loop3A_511] {strides = array<i32>} : memref<2x80x128xf32, #tpu.memory_space<vmem>>, vector<1x1x16xf32>,
        %parallel_loop3A_513 = vector.shape_cast %parallel_loop3A_512 : vector<1x1x16xf32> to vector<16xf32>
        %parallel_loop3A_514 = arith.constant 1 : i32
        %parallel_loop3A_515 = arith.index_cast %parallel_loop3A_514 : i32 to index
        %parallel_loop3A_516 = arith.index_cast %parallel_loop3A_346 : i32 to index
        %parallel_loop3A_517 = arith.constant 112 : index
        %parallel_loop3A_518 = tpu.vector_load %arg11[%parallel_loop3A_515, %parallel_loop3A_516, %parallel_loop3A_517] {strides = array<i32>} : memref<2x80x128xf32, #tpu.memory_space<vmem>>, vector<1x1x16xf32>,
        %parallel_loop3A_519 = vector.shape_cast %parallel_loop3A_518 : vector<1x1x16xf32> to vector<16xf32>
        %parallel_loop3A_520 = arith.addf %parallel_loop3A_513, %parallel_loop3A_519 : vector<16xf32>
        %parallel_loop3A_521 = arith.constant 0.000000e+00 : f32
        %parallel_loop3A_522 = vector.broadcast %parallel_loop3A_521 : f32 to vector<16xf32>
        %parallel_loop3A_523 = arith.maximumf %parallel_loop3A_520, %parallel_loop3A_522 : vector<16xf32>
        %parallel_loop3A_524 = arith.constant 1 : i32
        %parallel_loop3A_525 = arith.index_cast %parallel_loop3A_524 : i32 to index
        %parallel_loop3A_526 = arith.index_cast %parallel_loop3A_346 : i32 to index
        %parallel_loop3A_527 = arith.constant 112 : index
        %parallel_loop3A_528 = tpu.vector_load %arg10[%parallel_loop3A_525, %parallel_loop3A_526, %parallel_loop3A_527] {strides = array<i32>} : memref<2x80x128xf32, #tpu.memory_space<vmem>>, vector<1x1x16xf32>,
        %parallel_loop3A_529 = vector.shape_cast %parallel_loop3A_528 : vector<1x1x16xf32> to vector<16xf32>
        %parallel_loop3A_530 = vector.shape_cast %parallel_loop3A_523 : vector<16xf32> to vector<1x1x16xf32>
        tpu.vector_store %arg10[%parallel_loop3A_525, %parallel_loop3A_526, %parallel_loop3A_527], %parallel_loop3A_530 {strides = array<i32>} : memref<2x80x128xf32, #tpu.memory_space<vmem>>, vector<1x1x16xf32>,
      } {sc.loop_unroll_factor = 4 : i64, sc.parallel_access}
      %dma_start3A_333 = arith.constant 1 : i32
      %dma_start3A_334 = arith.constant 1 : i32
      %dma_start3A_335 = arith.constant 0 : i32
      %dma_start3A_336 = arith.constant 0 : i32
      %dma_start3A_337 = tpu.memref_slice %arg10[%dma_start3A_333, %dma_start3A_335, %dma_start3A_336] : memref<2x80x128xf32, #tpu.memory_space<vmem>> -> memref<1x80x128xf32, #tpu.memory_space<vmem>>
      %dma_start3A_338 = tpu.memref_squeeze %dma_start3A_337 : memref<1x80x128xf32, #tpu.memory_space<vmem>> -> memref<80x128xf32, #tpu.memory_space<vmem>>
      %dma_start3A_339 = arith.constant 0 : i32
      %dma_start3A_340 = tpu.memref_slice %arg9[%dma_start3A_334, %dma_start3A_339] : memref<2x80xi32, #tpu.memory_space<vmem>> -> memref<1x80xi32, #tpu.memory_space<vmem>>
      %dma_start3A_341 = tpu.memref_squeeze %dma_start3A_340 : memref<1x80xi32, #tpu.memory_space<vmem>> -> memref<80xi32, #tpu.memory_space<vmem>>
      %dma_start3A_342 = arith.constant 0 : i32
      %dma_start3A_343 = arith.constant 0 : i32
      %dma_start3A_344 = tpu.memref_slice %arg7[%dma_start3A_342, %dma_start3A_343] : memref<10240x128xf32, #tpu.memory_space<vmem_shared>> -> memref<10240x128xf32, #tpu.memory_space<vmem_shared>>
      tpu.enqueue_indirect_dma source(%dma_start3A_338 : memref<80x128xf32, #tpu.memory_space<vmem>>) target(%dma_start3A_344 : memref<10240x128xf32, #tpu.memory_space<vmem_shared>>) offsets(%dma_start3A_341 : memref<80xi32, #tpu.memory_space<vmem>>) semaphore(%arg19 : memref<!tpu.dma_semaphore, #tpu.memory_space<semaphore_mem>>) {add = true}
      %scan3A_345 = arith.constant 0 : i32
      scf.yield %scan3A_345 : i32
    }
    %scan3A_168 = arith.constant 64 : i32
    %dma_wait3A = arith.constant 1 : i32
    %dma_wait3A_169 = arith.constant 1 : i32
    %dma_wait3A_170 = arith.constant 0 : i32
    %dma_wait3A_171 = arith.constant 0 : i32
    %dma_wait3A_172 = tpu.memref_slice %arg10[%dma_wait3A, %dma_wait3A_170, %dma_wait3A_171] : memref<2x80x128xf32, #tpu.memory_space<vmem>> -> memref<1x80x128xf32, #tpu.memory_space<vmem>>
    %dma_wait3A_173 = tpu.memref_squeeze %dma_wait3A_172 : memref<1x80x128xf32, #tpu.memory_space<vmem>> -> memref<80x128xf32, #tpu.memory_space<vmem>>
    %dma_wait3A_174 = arith.constant 0 : i32
    %dma_wait3A_175 = tpu.memref_slice %arg9[%dma_wait3A_169, %dma_wait3A_174] : memref<2x80xi32, #tpu.memory_space<vmem>> -> memref<1x80xi32, #tpu.memory_space<vmem>>
    %dma_wait3A_176 = tpu.memref_squeeze %dma_wait3A_175 : memref<1x80xi32, #tpu.memory_space<vmem>> -> memref<80xi32, #tpu.memory_space<vmem>>
    %dma_wait3A_177 = arith.constant 0 : i32
    %dma_wait3A_178 = arith.constant 0 : i32
    %dma_wait3A_179 = tpu.memref_slice %arg7[%dma_wait3A_177, %dma_wait3A_178] : memref<10240x128xf32, #tpu.memory_space<vmem_shared>> -> memref<10240x128xf32, #tpu.memory_space<vmem_shared>>
    tpu.wait_indirect_dma semaphore(%arg19 : memref<!tpu.dma_semaphore, #tpu.memory_space<semaphore_mem>>) src(%dma_wait3A_173 : memref<80x128xf32, #tpu.memory_space<vmem>>) dst(%dma_wait3A_179 : memref<10240x128xf32, #tpu.memory_space<vmem_shared>>)
    %barrier3A_180 = arith.constant 0 : index
    tpu.barrier barrier_id(%barrier3A_180)
    "tpu.region"() ({
      %run_scoped3A_181 = tpu.sem_alloc : memref<!tpu.dma_semaphore, #tpu.memory_space<semaphore_mem>>
      %dma_start3A_182 = arith.constant 0 : i32
      %dma_start3A_183 = tpu.memref_slice %arg6[%arg0, %mul3A_162, %dma_start3A_182] : memref<2x10240x128xf32, #tpu.memory_space<hbm>> -> memref<1x640x128xf32, #tpu.memory_space<hbm>>
      %dma_start3A_184 = tpu.memref_squeeze %dma_start3A_183 : memref<1x640x128xf32, #tpu.memory_space<hbm>> -> memref<640x128xf32, #tpu.memory_space<hbm>>
      %dma_start3A_185 = arith.constant 0 : i32
      %dma_start3A_186 = tpu.memref_slice %arg7[%mul3A_162, %dma_start3A_185] : memref<10240x128xf32, #tpu.memory_space<vmem_shared>> -> memref<640x128xf32, #tpu.memory_space<vmem_shared>>
      tpu.enqueue_dma source(%dma_start3A_186 : memref<640x128xf32, #tpu.memory_space<vmem_shared>>) target(%dma_start3A_184 : memref<640x128xf32, #tpu.memory_space<hbm>>) target_semaphore(%run_scoped3A_181 : memref<!tpu.dma_semaphore, #tpu.memory_space<semaphore_mem>>)
      %dma_wait3A_187 = arith.constant 0 : i32
      %dma_wait3A_188 = tpu.memref_slice %arg6[%arg0, %mul3A_162, %dma_wait3A_187] : memref<2x10240x128xf32, #tpu.memory_space<hbm>> -> memref<1x640x128xf32, #tpu.memory_space<hbm>>
      %dma_wait3A_189 = tpu.memref_squeeze %dma_wait3A_188 : memref<1x640x128xf32, #tpu.memory_space<hbm>> -> memref<640x128xf32, #tpu.memory_space<hbm>>
      %dma_wait3A_190 = arith.constant 0 : i32
      %dma_wait3A_191 = tpu.memref_slice %arg7[%mul3A_162, %dma_wait3A_190] : memref<10240x128xf32, #tpu.memory_space<vmem_shared>> -> memref<640x128xf32, #tpu.memory_space<vmem_shared>>
      tpu.wait_dma2 semaphore(%run_scoped3A_181 : memref<!tpu.dma_semaphore, #tpu.memory_space<semaphore_mem>>) src(%dma_wait3A_191 : memref<640x128xf32, #tpu.memory_space<vmem_shared>>) dst(%dma_wait3A_189 : memref<640x128xf32, #tpu.memory_space<hbm>>)
      tpu.yield
    }) : () -> ()
    return
  }
}

#map = affine_map<(d0, d1) -> (0, 0)>
#map1 = affine_map<(d0, d1) -> (0, 0, 0)>
module attributes {stable_mosaic.version = 14 : i64} {
  func.func @_sc_aggregate(%arg0: i32, %arg1: i32, %arg2: memref<10000x128xf32, #tpu.memory_space<hbm>>, %arg3: memref<4096x2x128xi32, #tpu.memory_space<hbm>>, %arg4: memref<327680x128xf32, #tpu.memory_space<hbm>>, %arg5: memref<10240x128xf32, #tpu.memory_space<hbm>>, %arg6: memref<2x10240x128xf32, #tpu.memory_space<hbm>>, %arg7: memref<10240x128xf32, #tpu.memory_space<vmem_shared>>, %arg8: memref<2x2x128xi32, #tpu.memory_space<vmem>>, %arg9: memref<2x80xi32, #tpu.memory_space<vmem>>, %arg10: memref<2x80x128xf32, #tpu.memory_space<vmem>>, %arg11: memref<2x80x128xf32, #tpu.memory_space<vmem>>, %arg12: memref<!tpu.dma_semaphore, #tpu.memory_space<semaphore_mem>>, %arg13: memref<!tpu.dma_semaphore, #tpu.memory_space<semaphore_mem>>, %arg14: memref<!tpu.dma_semaphore, #tpu.memory_space<semaphore_mem>>, %arg15: memref<!tpu.dma_semaphore, #tpu.memory_space<semaphore_mem>>, %arg16: memref<!tpu.dma_semaphore, #tpu.memory_space<semaphore_mem>>, %arg17: memref<!tpu.dma_semaphore, #tpu.memory_space<semaphore_mem>>, %arg18: memref<!tpu.dma_semaphore, #tpu.memory_space<semaphore_mem>>, %arg19: memref<!tpu.dma_semaphore, #tpu.memory_space<semaphore_mem>>) attributes {dimension_semantics = [#tpu.dimension_semantics<core_parallel>, #tpu.dimension_semantics<subcore_parallel>], iteration_bounds = array<i64: 2, 16>, scalar_prefetch = 0 : i64, scratch_operands = 13 : i64, tpu.core_type = #tpu.core_type<sc_vector_subcore>, window_params = [{transform_indices = #map}, {transform_indices = #map1}, {transform_indices = #map}, {transform_indices = #map}, {transform_indices = #map1}]} {
    %mul3A = arith.constant 2 : i32
    %mul3A_0 = arith.muli %arg1, %mul3A : i32
    %add3A = arith.addi %mul3A_0, %arg0 : i32
    %mul3A_1 = arith.constant 10240 : i32
    %mul3A_2 = arith.muli %add3A, %mul3A_1 : i32
    %mul3A_3 = arith.constant 128 : i32
    %mul3A_4 = arith.muli %add3A, %mul3A_3 : i32
    %run_scoped3A = arith.constant 0 : i32
    "tpu.region"() ({
      %run_scoped3A_181 = tpu.sem_alloc : memref<!tpu.dma_semaphore, #tpu.memory_space<semaphore_mem>>
      %dma_start3A_182 = arith.constant 0 : i32
      %dma_start3A_183 = arith.constant 0 : i32
      %dma_start3A_184 = tpu.memref_slice %arg8[%run_scoped3A, %dma_start3A_182, %dma_start3A_183] : memref<2x2x128xi32, #tpu.memory_space<vmem>> -> memref<1x2x128xi32, #tpu.memory_space<vmem>>
      %dma_start3A_185 = tpu.memref_squeeze %dma_start3A_184 : memref<1x2x128xi32, #tpu.memory_space<vmem>> -> memref<2x128xi32, #tpu.memory_space<vmem>>
      %dma_start3A_186 = arith.constant 0 : i32
      %dma_start3A_187 = arith.constant 0 : i32
      %dma_start3A_188 = tpu.memref_slice %arg3[%mul3A_4, %dma_start3A_186, %dma_start3A_187] : memref<4096x2x128xi32, #tpu.memory_space<hbm>> -> memref<1x2x128xi32, #tpu.memory_space<hbm>>
      %dma_start3A_189 = tpu.memref_squeeze %dma_start3A_188 : memref<1x2x128xi32, #tpu.memory_space<hbm>> -> memref<2x128xi32, #tpu.memory_space<hbm>>
      %dma_start3A_190 = arith.constant 0 : i32
      %dma_start3A_191 = arith.constant 0 : i32
      %dma_start3A_192 = tpu.memref_slice %arg8[%run_scoped3A, %dma_start3A_190, %dma_start3A_191] : memref<2x2x128xi32, #tpu.memory_space<vmem>> -> memref<1x2x128xi32, #tpu.memory_space<vmem>>
      %dma_start3A_193 = tpu.memref_squeeze %dma_start3A_192 : memref<1x2x128xi32, #tpu.memory_space<vmem>> -> memref<2x128xi32, #tpu.memory_space<vmem>>
      %dma_start3A_194 = arith.constant 0 : i32
      %dma_start3A_195 = arith.constant 0 : i32
      %dma_start3A_196 = tpu.memref_slice %arg3[%mul3A_4, %dma_start3A_194, %dma_start3A_195] : memref<4096x2x128xi32, #tpu.memory_space<hbm>> -> memref<1x2x128xi32, #tpu.memory_space<hbm>>
      %dma_start3A_197 = tpu.memref_squeeze %dma_start3A_196 : memref<1x2x128xi32, #tpu.memory_space<hbm>> -> memref<2x128xi32, #tpu.memory_space<hbm>>
      tpu.enqueue_dma source(%dma_start3A_197 : memref<2x128xi32, #tpu.memory_space<hbm>>) target(%dma_start3A_193 : memref<2x128xi32, #tpu.memory_space<vmem>>) target_semaphore(%run_scoped3A_181 : memref<!tpu.dma_semaphore, #tpu.memory_space<semaphore_mem>>)
      %dma_wait3A_198 = arith.constant 0 : i32
      %dma_wait3A_199 = arith.constant 0 : i32
      %dma_wait3A_200 = tpu.memref_slice %arg8[%run_scoped3A, %dma_wait3A_198, %dma_wait3A_199] : memref<2x2x128xi32, #tpu.memory_space<vmem>> -> memref<1x2x128xi32, #tpu.memory_space<vmem>>
      %dma_wait3A_201 = tpu.memref_squeeze %dma_wait3A_200 : memref<1x2x128xi32, #tpu.memory_space<vmem>> -> memref<2x128xi32, #tpu.memory_space<vmem>>
      %dma_wait3A_202 = arith.constant 0 : i32
      %dma_wait3A_203 = arith.constant 0 : i32
      %dma_wait3A_204 = tpu.memref_slice %arg3[%mul3A_4, %dma_wait3A_202, %dma_wait3A_203] : memref<4096x2x128xi32, #tpu.memory_space<hbm>> -> memref<1x2x128xi32, #tpu.memory_space<hbm>>
      %dma_wait3A_205 = tpu.memref_squeeze %dma_wait3A_204 : memref<1x2x128xi32, #tpu.memory_space<hbm>> -> memref<2x128xi32, #tpu.memory_space<hbm>>
      %dma_wait3A_206 = arith.constant 0 : i32
      %dma_wait3A_207 = arith.constant 0 : i32
      %dma_wait3A_208 = tpu.memref_slice %arg8[%run_scoped3A, %dma_wait3A_206, %dma_wait3A_207] : memref<2x2x128xi32, #tpu.memory_space<vmem>> -> memref<1x2x128xi32, #tpu.memory_space<vmem>>
      %dma_wait3A_209 = tpu.memref_squeeze %dma_wait3A_208 : memref<1x2x128xi32, #tpu.memory_space<vmem>> -> memref<2x128xi32, #tpu.memory_space<vmem>>
      %dma_wait3A_210 = arith.constant 0 : i32
      %dma_wait3A_211 = arith.constant 0 : i32
      %dma_wait3A_212 = tpu.memref_slice %arg3[%mul3A_4, %dma_wait3A_210, %dma_wait3A_211] : memref<4096x2x128xi32, #tpu.memory_space<hbm>> -> memref<1x2x128xi32, #tpu.memory_space<hbm>>
      %dma_wait3A_213 = tpu.memref_squeeze %dma_wait3A_212 : memref<1x2x128xi32, #tpu.memory_space<hbm>> -> memref<2x128xi32, #tpu.memory_space<hbm>>
      tpu.wait_dma2 semaphore(%run_scoped3A_181 : memref<!tpu.dma_semaphore, #tpu.memory_space<semaphore_mem>>) src(%dma_wait3A_213 : memref<2x128xi32, #tpu.memory_space<hbm>>) dst(%dma_wait3A_209 : memref<2x128xi32, #tpu.memory_space<vmem>>)
      tpu.yield
    }) : () -> ()
    %add3A_5 = arith.constant 1 : i32
    %add3A_6 = arith.addi %mul3A_4, %add3A_5 : i32
    %run_scoped3A_7 = arith.constant 1 : i32
    "tpu.region"() ({
      %run_scoped3A_181 = tpu.sem_alloc : memref<!tpu.dma_semaphore, #tpu.memory_space<semaphore_mem>>
      %dma_start3A_182 = arith.constant 0 : i32
      %dma_start3A_183 = arith.constant 0 : i32
      %dma_start3A_184 = tpu.memref_slice %arg8[%run_scoped3A_7, %dma_start3A_182, %dma_start3A_183] : memref<2x2x128xi32, #tpu.memory_space<vmem>> -> memref<1x2x128xi32, #tpu.memory_space<vmem>>
      %dma_start3A_185 = tpu.memref_squeeze %dma_start3A_184 : memref<1x2x128xi32, #tpu.memory_space<vmem>> -> memref<2x128xi32, #tpu.memory_space<vmem>>
      %dma_start3A_186 = arith.constant 0 : i32
      %dma_start3A_187 = arith.constant 0 : i32
      %dma_start3A_188 = tpu.memref_slice %arg3[%add3A_6, %dma_start3A_186, %dma_start3A_187] : memref<4096x2x128xi32, #tpu.memory_space<hbm>> -> memref<1x2x128xi32, #tpu.memory_space<hbm>>
      %dma_start3A_189 = tpu.memref_squeeze %dma_start3A_188 : memref<1x2x128xi32, #tpu.memory_space<hbm>> -> memref<2x128xi32, #tpu.memory_space<hbm>>
      %dma_start3A_190 = arith.constant 0 : i32
      %dma_start3A_191 = arith.constant 0 : i32
      %dma_start3A_192 = tpu.memref_slice %arg8[%run_scoped3A_7, %dma_start3A_190, %dma_start3A_191] : memref<2x2x128xi32, #tpu.memory_space<vmem>> -> memref<1x2x128xi32, #tpu.memory_space<vmem>>
      %dma_start3A_193 = tpu.memref_squeeze %dma_start3A_192 : memref<1x2x128xi32, #tpu.memory_space<vmem>> -> memref<2x128xi32, #tpu.memory_space<vmem>>
      %dma_start3A_194 = arith.constant 0 : i32
      %dma_start3A_195 = arith.constant 0 : i32
      %dma_start3A_196 = tpu.memref_slice %arg3[%add3A_6, %dma_start3A_194, %dma_start3A_195] : memref<4096x2x128xi32, #tpu.memory_space<hbm>> -> memref<1x2x128xi32, #tpu.memory_space<hbm>>
      %dma_start3A_197 = tpu.memref_squeeze %dma_start3A_196 : memref<1x2x128xi32, #tpu.memory_space<hbm>> -> memref<2x128xi32, #tpu.memory_space<hbm>>
      tpu.enqueue_dma source(%dma_start3A_197 : memref<2x128xi32, #tpu.memory_space<hbm>>) target(%dma_start3A_193 : memref<2x128xi32, #tpu.memory_space<vmem>>) target_semaphore(%run_scoped3A_181 : memref<!tpu.dma_semaphore, #tpu.memory_space<semaphore_mem>>)
      %dma_wait3A_198 = arith.constant 0 : i32
      %dma_wait3A_199 = arith.constant 0 : i32
      %dma_wait3A_200 = tpu.memref_slice %arg8[%run_scoped3A_7, %dma_wait3A_198, %dma_wait3A_199] : memref<2x2x128xi32, #tpu.memory_space<vmem>> -> memref<1x2x128xi32, #tpu.memory_space<vmem>>
      %dma_wait3A_201 = tpu.memref_squeeze %dma_wait3A_200 : memref<1x2x128xi32, #tpu.memory_space<vmem>> -> memref<2x128xi32, #tpu.memory_space<vmem>>
      %dma_wait3A_202 = arith.constant 0 : i32
      %dma_wait3A_203 = arith.constant 0 : i32
      %dma_wait3A_204 = tpu.memref_slice %arg3[%add3A_6, %dma_wait3A_202, %dma_wait3A_203] : memref<4096x2x128xi32, #tpu.memory_space<hbm>> -> memref<1x2x128xi32, #tpu.memory_space<hbm>>
      %dma_wait3A_205 = tpu.memref_squeeze %dma_wait3A_204 : memref<1x2x128xi32, #tpu.memory_space<hbm>> -> memref<2x128xi32, #tpu.memory_space<hbm>>
      %dma_wait3A_206 = arith.constant 0 : i32
      %dma_wait3A_207 = arith.constant 0 : i32
      %dma_wait3A_208 = tpu.memref_slice %arg8[%run_scoped3A_7, %dma_wait3A_206, %dma_wait3A_207] : memref<2x2x128xi32, #tpu.memory_space<vmem>> -> memref<1x2x128xi32, #tpu.memory_space<vmem>>
      %dma_wait3A_209 = tpu.memref_squeeze %dma_wait3A_208 : memref<1x2x128xi32, #tpu.memory_space<vmem>> -> memref<2x128xi32, #tpu.memory_space<vmem>>
      %dma_wait3A_210 = arith.constant 0 : i32
      %dma_wait3A_211 = arith.constant 0 : i32
      %dma_wait3A_212 = tpu.memref_slice %arg3[%add3A_6, %dma_wait3A_210, %dma_wait3A_211] : memref<4096x2x128xi32, #tpu.memory_space<hbm>> -> memref<1x2x128xi32, #tpu.memory_space<hbm>>
      %dma_wait3A_213 = tpu.memref_squeeze %dma_wait3A_212 : memref<1x2x128xi32, #tpu.memory_space<hbm>> -> memref<2x128xi32, #tpu.memory_space<hbm>>
      tpu.wait_dma2 semaphore(%run_scoped3A_181 : memref<!tpu.dma_semaphore, #tpu.memory_space<semaphore_mem>>) src(%dma_wait3A_213 : memref<2x128xi32, #tpu.memory_space<hbm>>) dst(%dma_wait3A_209 : memref<2x128xi32, #tpu.memory_space<vmem>>)
      tpu.yield
    }) : () -> ()
    %get3A = arith.constant 0 : i32
    %get3A_8 = arith.constant 1 : i32
    %get3A_9 = arith.index_cast %get3A : i32 to index
    %get3A_10 = arith.index_cast %get3A_8 : i32 to index
    %get3A_11 = arith.constant 0 : index
    %get3A_12 = tpu.vector_load %arg8[%get3A_9, %get3A_10, %get3A_11] {strides = array<i32>} : memref<2x2x128xi32, #tpu.memory_space<vmem>>, vector<1x1x16xi32>,
    %get3A_13 = vector.shape_cast %get3A_12 : vector<1x1x16xi32> to vector<16xi32>
    %swap3A = arith.constant 0 : i32
    %swap3A_14 = arith.index_cast %swap3A : i32 to index
    %swap3A_15 = arith.constant 0 : index
    %swap3A_16 = tpu.vector_load %arg9[%swap3A_14, %swap3A_15] {strides = array<i32>} : memref<2x80xi32, #tpu.memory_space<vmem>>, vector<1x16xi32>,
    %swap3A_17 = vector.shape_cast %swap3A_16 : vector<1x16xi32> to vector<16xi32>
    %swap3A_18 = vector.shape_cast %get3A_13 : vector<16xi32> to vector<1x16xi32>
    tpu.vector_store %arg9[%swap3A_14, %swap3A_15], %swap3A_18 {strides = array<i32>} : memref<2x80xi32, #tpu.memory_space<vmem>>, vector<1x16xi32>,
    %get3A_19 = arith.constant 0 : i32
    %get3A_20 = arith.constant 1 : i32
    %get3A_21 = arith.index_cast %get3A_19 : i32 to index
    %get3A_22 = arith.index_cast %get3A_20 : i32 to index
    %get3A_23 = arith.constant 16 : index
    %get3A_24 = tpu.vector_load %arg8[%get3A_21, %get3A_22, %get3A_23] {strides = array<i32>} : memref<2x2x128xi32, #tpu.memory_space<vmem>>, vector<1x1x16xi32>,
    %get3A_25 = vector.shape_cast %get3A_24 : vector<1x1x16xi32> to vector<16xi32>
    %swap3A_26 = arith.constant 0 : i32
    %swap3A_27 = arith.index_cast %swap3A_26 : i32 to index
    %swap3A_28 = arith.constant 16 : index
    %swap3A_29 = tpu.vector_load %arg9[%swap3A_27, %swap3A_28] {strides = array<i32>} : memref<2x80xi32, #tpu.memory_space<vmem>>, vector<1x16xi32>,
    %swap3A_30 = vector.shape_cast %swap3A_29 : vector<1x16xi32> to vector<16xi32>
    %swap3A_31 = vector.shape_cast %get3A_25 : vector<16xi32> to vector<1x16xi32>
    tpu.vector_store %arg9[%swap3A_27, %swap3A_28], %swap3A_31 {strides = array<i32>} : memref<2x80xi32, #tpu.memory_space<vmem>>, vector<1x16xi32>,
    %get3A_32 = arith.constant 0 : i32
    %get3A_33 = arith.constant 1 : i32
    %get3A_34 = arith.index_cast %get3A_32 : i32 to index
    %get3A_35 = arith.index_cast %get3A_33 : i32 to index
    %get3A_36 = arith.constant 32 : index
    %get3A_37 = tpu.vector_load %arg8[%get3A_34, %get3A_35, %get3A_36] {strides = array<i32>} : memref<2x2x128xi32, #tpu.memory_space<vmem>>, vector<1x1x16xi32>,
    %get3A_38 = vector.shape_cast %get3A_37 : vector<1x1x16xi32> to vector<16xi32>
    %swap3A_39 = arith.constant 0 : i32
    %swap3A_40 = arith.index_cast %swap3A_39 : i32 to index
    %swap3A_41 = arith.constant 32 : index
    %swap3A_42 = tpu.vector_load %arg9[%swap3A_40, %swap3A_41] {strides = array<i32>} : memref<2x80xi32, #tpu.memory_space<vmem>>, vector<1x16xi32>,
    %swap3A_43 = vector.shape_cast %swap3A_42 : vector<1x16xi32> to vector<16xi32>
    %swap3A_44 = vector.shape_cast %get3A_38 : vector<16xi32> to vector<1x16xi32>
    tpu.vector_store %arg9[%swap3A_40, %swap3A_41], %swap3A_44 {strides = array<i32>} : memref<2x80xi32, #tpu.memory_space<vmem>>, vector<1x16xi32>,
    %get3A_45 = arith.constant 0 : i32
    %get3A_46 = arith.constant 1 : i32
    %get3A_47 = arith.index_cast %get3A_45 : i32 to index
    %get3A_48 = arith.index_cast %get3A_46 : i32 to index
    %get3A_49 = arith.constant 48 : index
    %get3A_50 = tpu.vector_load %arg8[%get3A_47, %get3A_48, %get3A_49] {strides = array<i32>} : memref<2x2x128xi32, #tpu.memory_space<vmem>>, vector<1x1x16xi32>,
    %get3A_51 = vector.shape_cast %get3A_50 : vector<1x1x16xi32> to vector<16xi32>
    %swap3A_52 = arith.constant 0 : i32
    %swap3A_53 = arith.index_cast %swap3A_52 : i32 to index
    %swap3A_54 = arith.constant 48 : index
    %swap3A_55 = tpu.vector_load %arg9[%swap3A_53, %swap3A_54] {strides = array<i32>} : memref<2x80xi32, #tpu.memory_space<vmem>>, vector<1x16xi32>,
    %swap3A_56 = vector.shape_cast %swap3A_55 : vector<1x16xi32> to vector<16xi32>
    %swap3A_57 = vector.shape_cast %get3A_51 : vector<16xi32> to vector<1x16xi32>
    tpu.vector_store %arg9[%swap3A_53, %swap3A_54], %swap3A_57 {strides = array<i32>} : memref<2x80xi32, #tpu.memory_space<vmem>>, vector<1x16xi32>,
    %get3A_58 = arith.constant 0 : i32
    %get3A_59 = arith.constant 1 : i32
    %get3A_60 = arith.index_cast %get3A_58 : i32 to index
    %get3A_61 = arith.index_cast %get3A_59 : i32 to index
    %get3A_62 = arith.constant 64 : index
    %get3A_63 = tpu.vector_load %arg8[%get3A_60, %get3A_61, %get3A_62] {strides = array<i32>} : memref<2x2x128xi32, #tpu.memory_space<vmem>>, vector<1x1x16xi32>,
    %get3A_64 = vector.shape_cast %get3A_63 : vector<1x1x16xi32> to vector<16xi32>
    %swap3A_65 = arith.constant 0 : i32
    %swap3A_66 = arith.index_cast %swap3A_65 : i32 to index
    %swap3A_67 = arith.constant 64 : index
    %swap3A_68 = tpu.vector_load %arg9[%swap3A_66, %swap3A_67] {strides = array<i32>} : memref<2x80xi32, #tpu.memory_space<vmem>>, vector<1x16xi32>,
    %swap3A_69 = vector.shape_cast %swap3A_68 : vector<1x16xi32> to vector<16xi32>
    %swap3A_70 = vector.shape_cast %get3A_64 : vector<16xi32> to vector<1x16xi32>
    tpu.vector_store %arg9[%swap3A_66, %swap3A_67], %swap3A_70 {strides = array<i32>} : memref<2x80xi32, #tpu.memory_space<vmem>>, vector<1x16xi32>,
    %get3A_71 = arith.constant 1 : i32
    %get3A_72 = arith.constant 1 : i32
    %get3A_73 = arith.index_cast %get3A_71 : i32 to index
    %get3A_74 = arith.index_cast %get3A_72 : i32 to index
    %get3A_75 = arith.constant 0 : index
    %get3A_76 = tpu.vector_load %arg8[%get3A_73, %get3A_74, %get3A_75] {strides = array<i32>} : memref<2x2x128xi32, #tpu.memory_space<vmem>>, vector<1x1x16xi32>,
    %get3A_77 = vector.shape_cast %get3A_76 : vector<1x1x16xi32> to vector<16xi32>
    %swap3A_78 = arith.constant 1 : i32
    %swap3A_79 = arith.index_cast %swap3A_78 : i32 to index
    %swap3A_80 = arith.constant 0 : index
    %swap3A_81 = tpu.vector_load %arg9[%swap3A_79, %swap3A_80] {strides = array<i32>} : memref<2x80xi32, #tpu.memory_space<vmem>>, vector<1x16xi32>,
    %swap3A_82 = vector.shape_cast %swap3A_81 : vector<1x16xi32> to vector<16xi32>
    %swap3A_83 = vector.shape_cast %get3A_77 : vector<16xi32> to vector<1x16xi32>
    tpu.vector_store %arg9[%swap3A_79, %swap3A_80], %swap3A_83 {strides = array<i32>} : memref<2x80xi32, #tpu.memory_space<vmem>>, vector<1x16xi32>,
    %get3A_84 = arith.constant 1 : i32
    %get3A_85 = arith.constant 1 : i32
    %get3A_86 = arith.index_cast %get3A_84 : i32 to index
    %get3A_87 = arith.index_cast %get3A_85 : i32 to index
    %get3A_88 = arith.constant 16 : index
    %get3A_89 = tpu.vector_load %arg8[%get3A_86, %get3A_87, %get3A_88] {strides = array<i32>} : memref<2x2x128xi32, #tpu.memory_space<vmem>>, vector<1x1x16xi32>,
    %get3A_90 = vector.shape_cast %get3A_89 : vector<1x1x16xi32> to vector<16xi32>
    %swap3A_91 = arith.constant 1 : i32
    %swap3A_92 = arith.index_cast %swap3A_91 : i32 to index
    %swap3A_93 = arith.constant 16 : index
    %swap3A_94 = tpu.vector_load %arg9[%swap3A_92, %swap3A_93] {strides = array<i32>} : memref<2x80xi32, #tpu.memory_space<vmem>>, vector<1x16xi32>,
    %swap3A_95 = vector.shape_cast %swap3A_94 : vector<1x16xi32> to vector<16xi32>
    %swap3A_96 = vector.shape_cast %get3A_90 : vector<16xi32> to vector<1x16xi32>
    tpu.vector_store %arg9[%swap3A_92, %swap3A_93], %swap3A_96 {strides = array<i32>} : memref<2x80xi32, #tpu.memory_space<vmem>>, vector<1x16xi32>,
    %get3A_97 = arith.constant 1 : i32
    %get3A_98 = arith.constant 1 : i32
    %get3A_99 = arith.index_cast %get3A_97 : i32 to index
    %get3A_100 = arith.index_cast %get3A_98 : i32 to index
    %get3A_101 = arith.constant 32 : index
    %get3A_102 = tpu.vector_load %arg8[%get3A_99, %get3A_100, %get3A_101] {strides = array<i32>} : memref<2x2x128xi32, #tpu.memory_space<vmem>>, vector<1x1x16xi32>,
    %get3A_103 = vector.shape_cast %get3A_102 : vector<1x1x16xi32> to vector<16xi32>
    %swap3A_104 = arith.constant 1 : i32
    %swap3A_105 = arith.index_cast %swap3A_104 : i32 to index
    %swap3A_106 = arith.constant 32 : index
    %swap3A_107 = tpu.vector_load %arg9[%swap3A_105, %swap3A_106] {strides = array<i32>} : memref<2x80xi32, #tpu.memory_space<vmem>>, vector<1x16xi32>,
    %swap3A_108 = vector.shape_cast %swap3A_107 : vector<1x16xi32> to vector<16xi32>
    %swap3A_109 = vector.shape_cast %get3A_103 : vector<16xi32> to vector<1x16xi32>
    tpu.vector_store %arg9[%swap3A_105, %swap3A_106], %swap3A_109 {strides = array<i32>} : memref<2x80xi32, #tpu.memory_space<vmem>>, vector<1x16xi32>,
    %get3A_110 = arith.constant 1 : i32
    %get3A_111 = arith.constant 1 : i32
    %get3A_112 = arith.index_cast %get3A_110 : i32 to index
    %get3A_113 = arith.index_cast %get3A_111 : i32 to index
    %get3A_114 = arith.constant 48 : index
    %get3A_115 = tpu.vector_load %arg8[%get3A_112, %get3A_113, %get3A_114] {strides = array<i32>} : memref<2x2x128xi32, #tpu.memory_space<vmem>>, vector<1x1x16xi32>,
    %get3A_116 = vector.shape_cast %get3A_115 : vector<1x1x16xi32> to vector<16xi32>
    %swap3A_117 = arith.constant 1 : i32
    %swap3A_118 = arith.index_cast %swap3A_117 : i32 to index
    %swap3A_119 = arith.constant 48 : index
    %swap3A_120 = tpu.vector_load %arg9[%swap3A_118, %swap3A_119] {strides = array<i32>} : memref<2x80xi32, #tpu.memory_space<vmem>>, vector<1x16xi32>,
    %swap3A_121 = vector.shape_cast %swap3A_120 : vector<1x16xi32> to vector<16xi32>
    %swap3A_122 = vector.shape_cast %get3A_116 : vector<16xi32> to vector<1x16xi32>
    tpu.vector_store %arg9[%swap3A_118, %swap3A_119], %swap3A_122 {strides = array<i32>} : memref<2x80xi32, #tpu.memory_space<vmem>>, vector<1x16xi32>,
    %get3A_123 = arith.constant 1 : i32
    %get3A_124 = arith.constant 1 : i32
    %get3A_125 = arith.index_cast %get3A_123 : i32 to index
    %get3A_126 = arith.index_cast %get3A_124 : i32 to index
    %get3A_127 = arith.constant 64 : index
    %get3A_128 = tpu.vector_load %arg8[%get3A_125, %get3A_126, %get3A_127] {strides = array<i32>} : memref<2x2x128xi32, #tpu.memory_space<vmem>>, vector<1x1x16xi32>,
    %get3A_129 = vector.shape_cast %get3A_128 : vector<1x1x16xi32> to vector<16xi32>
    %swap3A_130 = arith.constant 1 : i32
    %swap3A_131 = arith.index_cast %swap3A_130 : i32 to index
    %swap3A_132 = arith.constant 64 : index
    %swap3A_133 = tpu.vector_load %arg9[%swap3A_131, %swap3A_132] {strides = array<i32>} : memref<2x80xi32, #tpu.memory_space<vmem>>, vector<1x16xi32>,
    %swap3A_134 = vector.shape_cast %swap3A_133 : vector<1x16xi32> to vector<16xi32>
    %swap3A_135 = vector.shape_cast %get3A_129 : vector<16xi32> to vector<1x16xi32>
    tpu.vector_store %arg9[%swap3A_131, %swap3A_132], %swap3A_135 {strides = array<i32>} : memref<2x80xi32, #tpu.memory_space<vmem>>, vector<1x16xi32>,
    %dma_start3A = arith.constant 0 : i32
    %dma_start3A_136 = arith.constant 0 : i32
    %dma_start3A_137 = arith.constant 0 : i32
    %dma_start3A_138 = arith.constant 0 : i32
    %dma_start3A_139 = arith.constant 0 : i32
    %dma_start3A_140 = tpu.memref_slice %arg10[%dma_start3A_137, %dma_start3A_138, %dma_start3A_139] : memref<2x80x128xf32, #tpu.memory_space<vmem>> -> memref<1x80x128xf32, #tpu.memory_space<vmem>>
    %dma_start3A_141 = tpu.memref_squeeze %dma_start3A_140 : memref<1x80x128xf32, #tpu.memory_space<vmem>> -> memref<80x128xf32, #tpu.memory_space<vmem>>
    %dma_start3A_142 = arith.constant 0 : i32
    %dma_start3A_143 = tpu.memref_slice %arg8[%dma_start3A, %dma_start3A_136, %dma_start3A_142] : memref<2x2x128xi32, #tpu.memory_space<vmem>> -> memref<1x1x80xi32, #tpu.memory_space<vmem>>
    %dma_start3A_144 = tpu.memref_squeeze %dma_start3A_143 : memref<1x1x80xi32, #tpu.memory_space<vmem>> -> memref<80xi32, #tpu.memory_space<vmem>>
    %dma_start3A_145 = arith.constant 0 : i32
    %dma_start3A_146 = arith.constant 0 : i32
    %dma_start3A_147 = tpu.memref_slice %arg2[%dma_start3A_145, %dma_start3A_146] : memref<10000x128xf32, #tpu.memory_space<hbm>> -> memref<10000x128xf32, #tpu.memory_space<hbm>>
    tpu.enqueue_indirect_dma source(%dma_start3A_147 : memref<10000x128xf32, #tpu.memory_space<hbm>>) target(%dma_start3A_141 : memref<80x128xf32, #tpu.memory_space<vmem>>) offsets(%dma_start3A_144 : memref<80xi32, #tpu.memory_space<vmem>>) semaphore(%arg14 : memref<!tpu.dma_semaphore, #tpu.memory_space<semaphore_mem>>)
    %dma_start3A_148 = arith.constant 0 : i32
    %dma_start3A_149 = arith.constant 0 : i32
    %dma_start3A_150 = arith.constant 0 : i32
    %dma_start3A_151 = tpu.memref_slice %arg11[%dma_start3A_148, %dma_start3A_149, %dma_start3A_150] : memref<2x80x128xf32, #tpu.memory_space<vmem>> -> memref<1x80x128xf32, #tpu.memory_space<vmem>>
    %dma_start3A_152 = tpu.memref_squeeze %dma_start3A_151 : memref<1x80x128xf32, #tpu.memory_space<vmem>> -> memref<80x128xf32, #tpu.memory_space<vmem>>
    %dma_start3A_153 = arith.constant 0 : i32
    %dma_start3A_154 = tpu.memref_slice %arg4[%mul3A_2, %dma_start3A_153] : memref<327680x128xf32, #tpu.memory_space<hbm>> -> memref<80x128xf32, #tpu.memory_space<hbm>>
    %dma_start3A_155 = arith.constant 0 : i32
    %dma_start3A_156 = arith.constant 0 : i32
    %dma_start3A_157 = tpu.memref_slice %arg11[%dma_start3A_148, %dma_start3A_155, %dma_start3A_156] : memref<2x80x128xf32, #tpu.memory_space<vmem>> -> memref<1x80x128xf32, #tpu.memory_space<vmem>>
    %dma_start3A_158 = tpu.memref_squeeze %dma_start3A_157 : memref<1x80x128xf32, #tpu.memory_space<vmem>> -> memref<80x128xf32, #tpu.memory_space<vmem>>
    %dma_start3A_159 = arith.constant 0 : i32
    %dma_start3A_160 = tpu.memref_slice %arg4[%mul3A_2, %dma_start3A_159] : memref<327680x128xf32, #tpu.memory_space<hbm>> -> memref<80x128xf32, #tpu.memory_space<hbm>>
    tpu.enqueue_dma source(%dma_start3A_160 : memref<80x128xf32, #tpu.memory_space<hbm>>) target(%dma_start3A_158 : memref<80x128xf32, #tpu.memory_space<vmem>>) target_semaphore(%arg16 : memref<!tpu.dma_semaphore, #tpu.memory_space<semaphore_mem>>)
    %mul3A_161 = arith.constant 640 : i32
    %mul3A_162 = arith.muli %arg1, %mul3A_161 : i32
    "tpu.region"() ({
      %run_scoped3A_181 = tpu.sem_alloc : memref<!tpu.dma_semaphore, #tpu.memory_space<semaphore_mem>>
      %dma_start3A_182 = arith.constant 0 : i32
      %dma_start3A_183 = tpu.memref_slice %arg7[%mul3A_162, %dma_start3A_182] : memref<10240x128xf32, #tpu.memory_space<vmem_shared>> -> memref<640x128xf32, #tpu.memory_space<vmem_shared>>
      %dma_start3A_184 = arith.constant 0 : i32
      %dma_start3A_185 = tpu.memref_slice %arg5[%mul3A_162, %dma_start3A_184] : memref<10240x128xf32, #tpu.memory_space<hbm>> -> memref<640x128xf32, #tpu.memory_space<hbm>>
      tpu.enqueue_dma source(%dma_start3A_185 : memref<640x128xf32, #tpu.memory_space<hbm>>) target(%dma_start3A_183 : memref<640x128xf32, #tpu.memory_space<vmem_shared>>) target_semaphore(%run_scoped3A_181 : memref<!tpu.dma_semaphore, #tpu.memory_space<semaphore_mem>>)
      %dma_wait3A_186 = arith.constant 0 : i32
      %dma_wait3A_187 = tpu.memref_slice %arg7[%mul3A_162, %dma_wait3A_186] : memref<10240x128xf32, #tpu.memory_space<vmem_shared>> -> memref<640x128xf32, #tpu.memory_space<vmem_shared>>
      %dma_wait3A_188 = arith.constant 0 : i32
      %dma_wait3A_189 = tpu.memref_slice %arg5[%mul3A_162, %dma_wait3A_188] : memref<10240x128xf32, #tpu.memory_space<hbm>> -> memref<640x128xf32, #tpu.memory_space<hbm>>
      tpu.wait_dma2 semaphore(%run_scoped3A_181 : memref<!tpu.dma_semaphore, #tpu.memory_space<semaphore_mem>>) src(%dma_wait3A_189 : memref<640x128xf32, #tpu.memory_space<hbm>>) dst(%dma_wait3A_187 : memref<640x128xf32, #tpu.memory_space<vmem_shared>>)
      tpu.yield
    }) : () -> ()
    %barrier3A = arith.constant 0 : index
    tpu.barrier barrier_id(%barrier3A)
    %scan3A = arith.constant 0 : i32
    %scan3A_163 = arith.constant 0 : i32
    %scan3A_164 = arith.constant 64 : i32
    %scan3A_165 = arith.addi %scan3A_163, %scan3A_164 : i32
    %scan3A_166 = arith.constant 1 : i32
    %scan3A_167 = scf.for %scan3A_181 = %scan3A_163 to %scan3A_165 step %scan3A_166 iter_args(%scan3A_182 = %scan3A) -> (i32)  : i32 {
      %mul3A_183 = arith.constant 2 : i32
      %mul3A_184 = arith.muli %mul3A_183, %scan3A_181 : i32
      %add3A_185 = arith.constant 0 : i32
      %add3A_186 = arith.addi %mul3A_184, %add3A_185 : i32
      %gt3A = arith.constant 0 : i32
      %gt3A_187 = arith.cmpi sgt, %add3A_186, %gt3A : i32
      %convert_element_type3A = arith.extui %gt3A_187 : i1 to i32
      %cond3A = arith.constant 0 : i32
      %cond3A_188 = arith.cmpi ne, %convert_element_type3A, %cond3A : i32
      scf.if %cond3A_188 {
        %dma_wait3A_346 = arith.constant 1 : i32
        %dma_wait3A_347 = arith.constant 1 : i32
        %dma_wait3A_348 = arith.constant 0 : i32
        %dma_wait3A_349 = arith.constant 0 : i32
        %dma_wait3A_350 = tpu.memref_slice %arg10[%dma_wait3A_346, %dma_wait3A_348, %dma_wait3A_349] : memref<2x80x128xf32, #tpu.memory_space<vmem>> -> memref<1x80x128xf32, #tpu.memory_space<vmem>>
        %dma_wait3A_351 = tpu.memref_squeeze %dma_wait3A_350 : memref<1x80x128xf32, #tpu.memory_space<vmem>> -> memref<80x128xf32, #tpu.memory_space<vmem>>
        %dma_wait3A_352 = arith.constant 0 : i32
        %dma_wait3A_353 = tpu.memref_slice %arg9[%dma_wait3A_347, %dma_wait3A_352] : memref<2x80xi32, #tpu.memory_space<vmem>> -> memref<1x80xi32, #tpu.memory_space<vmem>>
        %dma_wait3A_354 = tpu.memref_squeeze %dma_wait3A_353 : memref<1x80xi32, #tpu.memory_space<vmem>> -> memref<80xi32, #tpu.memory_space<vmem>>
        %dma_wait3A_355 = arith.constant 0 : i32
        %dma_wait3A_356 = arith.constant 0 : i32
        %dma_wait3A_357 = tpu.memref_slice %arg7[%dma_wait3A_355, %dma_wait3A_356] : memref<10240x128xf32, #tpu.memory_space<vmem_shared>> -> memref<10240x128xf32, #tpu.memory_space<vmem_shared>>
        tpu.wait_indirect_dma semaphore(%arg19 : memref<!tpu.dma_semaphore, #tpu.memory_space<semaphore_mem>>) src(%dma_wait3A_351 : memref<80x128xf32, #tpu.memory_space<vmem>>) dst(%dma_wait3A_357 : memref<10240x128xf32, #tpu.memory_space<vmem_shared>>)
      } else {
      }
      %gt3A_189 = arith.constant 0 : i32
      %gt3A_190 = arith.cmpi sgt, %add3A_186, %gt3A_189 : i32
      %add3A_191 = arith.constant 1 : i32
      %add3A_192 = arith.addi %add3A_186, %add3A_191 : i32
      %lt3A = arith.constant 128 : i32
      %lt3A_193 = arith.cmpi slt, %add3A_192, %lt3A : i32
      %and3A = arith.andi %gt3A_190, %lt3A_193 : i1
      %convert_element_type3A_194 = arith.extui %and3A : i1 to i32
      %cond3A_195 = arith.constant 0 : i32
      %cond3A_196 = arith.cmpi ne, %convert_element_type3A_194, %cond3A_195 : i32
      scf.if %cond3A_196 {
        %dma_wait3A_346 = arith.constant 1 : i32
        %dma_wait3A_347 = arith.constant 0 : i32
        %dma_wait3A_348 = arith.constant 0 : i32
        %dma_wait3A_349 = tpu.memref_slice %arg8[%dma_wait3A_346, %dma_wait3A_347, %dma_wait3A_348] : memref<2x2x128xi32, #tpu.memory_space<vmem>> -> memref<1x2x128xi32, #tpu.memory_space<vmem>>
        %dma_wait3A_350 = tpu.memref_squeeze %dma_wait3A_349 : memref<1x2x128xi32, #tpu.memory_space<vmem>> -> memref<2x128xi32, #tpu.memory_space<vmem>>
        %dma_wait3A_351 = arith.constant 0 : i32
        %dma_wait3A_352 = arith.constant 0 : i32
        %dma_wait3A_353 = tpu.memref_slice %arg3[%mul3A_4, %dma_wait3A_351, %dma_wait3A_352] : memref<4096x2x128xi32, #tpu.memory_space<hbm>> -> memref<1x2x128xi32, #tpu.memory_space<hbm>>
        %dma_wait3A_354 = tpu.memref_squeeze %dma_wait3A_353 : memref<1x2x128xi32, #tpu.memory_space<hbm>> -> memref<2x128xi32, #tpu.memory_space<hbm>>
        %dma_wait3A_355 = arith.constant 0 : i32
        %dma_wait3A_356 = arith.constant 0 : i32
        %dma_wait3A_357 = tpu.memref_slice %arg8[%dma_wait3A_346, %dma_wait3A_355, %dma_wait3A_356] : memref<2x2x128xi32, #tpu.memory_space<vmem>> -> memref<1x2x128xi32, #tpu.memory_space<vmem>>
        %dma_wait3A_358 = tpu.memref_squeeze %dma_wait3A_357 : memref<1x2x128xi32, #tpu.memory_space<vmem>> -> memref<2x128xi32, #tpu.memory_space<vmem>>
        %dma_wait3A_359 = arith.constant 0 : i32
        %dma_wait3A_360 = arith.constant 0 : i32
        %dma_wait3A_361 = tpu.memref_slice %arg3[%mul3A_4, %dma_wait3A_359, %dma_wait3A_360] : memref<4096x2x128xi32, #tpu.memory_space<hbm>> -> memref<1x2x128xi32, #tpu.memory_space<hbm>>
        %dma_wait3A_362 = tpu.memref_squeeze %dma_wait3A_361 : memref<1x2x128xi32, #tpu.memory_space<hbm>> -> memref<2x128xi32, #tpu.memory_space<hbm>>
        tpu.wait_dma2 semaphore(%arg13 : memref<!tpu.dma_semaphore, #tpu.memory_space<semaphore_mem>>) src(%dma_wait3A_362 : memref<2x128xi32, #tpu.memory_space<hbm>>) dst(%dma_wait3A_358 : memref<2x128xi32, #tpu.memory_space<vmem>>)
      } else {
      }
      %add3A_197 = arith.constant 1 : i32
      %add3A_198 = arith.addi %add3A_186, %add3A_197 : i32
      %lt3A_199 = arith.constant 128 : i32
      %lt3A_200 = arith.cmpi slt, %add3A_198, %lt3A_199 : i32
      %convert_element_type3A_201 = arith.extui %lt3A_200 : i1 to i32
      %cond3A_202 = arith.constant 0 : i32
      %cond3A_203 = arith.cmpi ne, %convert_element_type3A_201, %cond3A_202 : i32
      scf.if %cond3A_203 {
        %dma_start3A_346 = arith.constant 1 : i32
        %dma_start3A_347 = arith.constant 0 : i32
        %dma_start3A_348 = arith.constant 1 : i32
        %dma_start3A_349 = arith.constant 0 : i32
        %dma_start3A_350 = arith.constant 0 : i32
        %dma_start3A_351 = tpu.memref_slice %arg10[%dma_start3A_348, %dma_start3A_349, %dma_start3A_350] : memref<2x80x128xf32, #tpu.memory_space<vmem>> -> memref<1x80x128xf32, #tpu.memory_space<vmem>>
        %dma_start3A_352 = tpu.memref_squeeze %dma_start3A_351 : memref<1x80x128xf32, #tpu.memory_space<vmem>> -> memref<80x128xf32, #tpu.memory_space<vmem>>
        %dma_start3A_353 = arith.constant 0 : i32
        %dma_start3A_354 = tpu.memref_slice %arg8[%dma_start3A_346, %dma_start3A_347, %dma_start3A_353] : memref<2x2x128xi32, #tpu.memory_space<vmem>> -> memref<1x1x80xi32, #tpu.memory_space<vmem>>
        %dma_start3A_355 = tpu.memref_squeeze %dma_start3A_354 : memref<1x1x80xi32, #tpu.memory_space<vmem>> -> memref<80xi32, #tpu.memory_space<vmem>>
        %dma_start3A_356 = arith.constant 0 : i32
        %dma_start3A_357 = arith.constant 0 : i32
        %dma_start3A_358 = tpu.memref_slice %arg2[%dma_start3A_356, %dma_start3A_357] : memref<10000x128xf32, #tpu.memory_space<hbm>> -> memref<10000x128xf32, #tpu.memory_space<hbm>>
        tpu.enqueue_indirect_dma source(%dma_start3A_358 : memref<10000x128xf32, #tpu.memory_space<hbm>>) target(%dma_start3A_352 : memref<80x128xf32, #tpu.memory_space<vmem>>) offsets(%dma_start3A_355 : memref<80xi32, #tpu.memory_space<vmem>>) semaphore(%arg15 : memref<!tpu.dma_semaphore, #tpu.memory_space<semaphore_mem>>)
        %add3A_359 = arith.constant 1 : i32
        %add3A_360 = arith.addi %add3A_186, %add3A_359 : i32
        %mul3A_361 = arith.constant 80 : i32
        %mul3A_362 = arith.muli %add3A_360, %mul3A_361 : i32
        %add3A_363 = arith.addi %mul3A_2, %mul3A_362 : i32
        %dma_start3A_364 = arith.constant 1 : i32
        %dma_start3A_365 = arith.constant 0 : i32
        %dma_start3A_366 = arith.constant 0 : i32
        %dma_start3A_367 = tpu.memref_slice %arg11[%dma_start3A_364, %dma_start3A_365, %dma_start3A_366] : memref<2x80x128xf32, #tpu.memory_space<vmem>> -> memref<1x80x128xf32, #tpu.memory_space<vmem>>
        %dma_start3A_368 = tpu.memref_squeeze %dma_start3A_367 : memref<1x80x128xf32, #tpu.memory_space<vmem>> -> memref<80x128xf32, #tpu.memory_space<vmem>>
        %dma_start3A_369 = arith.constant 0 : i32
        %dma_start3A_370 = tpu.memref_slice %arg4[%add3A_363, %dma_start3A_369] : memref<327680x128xf32, #tpu.memory_space<hbm>> -> memref<80x128xf32, #tpu.memory_space<hbm>>
        %dma_start3A_371 = arith.constant 0 : i32
        %dma_start3A_372 = arith.constant 0 : i32
        %dma_start3A_373 = tpu.memref_slice %arg11[%dma_start3A_364, %dma_start3A_371, %dma_start3A_372] : memref<2x80x128xf32, #tpu.memory_space<vmem>> -> memref<1x80x128xf32, #tpu.memory_space<vmem>>
        %dma_start3A_374 = tpu.memref_squeeze %dma_start3A_373 : memref<1x80x128xf32, #tpu.memory_space<vmem>> -> memref<80x128xf32, #tpu.memory_space<vmem>>
        %dma_start3A_375 = arith.constant 0 : i32
        %dma_start3A_376 = tpu.memref_slice %arg4[%add3A_363, %dma_start3A_375] : memref<327680x128xf32, #tpu.memory_space<hbm>> -> memref<80x128xf32, #tpu.memory_space<hbm>>
        tpu.enqueue_dma source(%dma_start3A_376 : memref<80x128xf32, #tpu.memory_space<hbm>>) target(%dma_start3A_374 : memref<80x128xf32, #tpu.memory_space<vmem>>) target_semaphore(%arg17 : memref<!tpu.dma_semaphore, #tpu.memory_space<semaphore_mem>>)
      } else {
      }
      %gt3A_204 = arith.constant 0 : i32
      %gt3A_205 = arith.cmpi sgt, %add3A_186, %gt3A_204 : i32
      %add3A_206 = arith.constant 1 : i32
      %add3A_207 = arith.addi %add3A_186, %add3A_206 : i32
      %lt3A_208 = arith.constant 128 : i32
      %lt3A_209 = arith.cmpi slt, %add3A_207, %lt3A_208 : i32
      %and3A_210 = arith.andi %gt3A_205, %lt3A_209 : i1
      %convert_element_type3A_211 = arith.extui %and3A_210 : i1 to i32
      %cond3A_212 = arith.constant 0 : i32
      %cond3A_213 = arith.cmpi ne, %convert_element_type3A_211, %cond3A_212 : i32
      scf.if %cond3A_213 {
        %get3A_346 = arith.constant 1 : i32
        %get3A_347 = arith.constant 1 : i32
        %get3A_348 = arith.index_cast %get3A_346 : i32 to index
        %get3A_349 = arith.index_cast %get3A_347 : i32 to index
        %get3A_350 = arith.constant 0 : index
        %get3A_351 = tpu.vector_load %arg8[%get3A_348, %get3A_349, %get3A_350] {strides = array<i32>} : memref<2x2x128xi32, #tpu.memory_space<vmem>>, vector<1x1x16xi32>,
        %get3A_352 = vector.shape_cast %get3A_351 : vector<1x1x16xi32> to vector<16xi32>
        %swap3A_353 = arith.constant 1 : i32
        %swap3A_354 = arith.index_cast %swap3A_353 : i32 to index
        %swap3A_355 = arith.constant 0 : index
        %swap3A_356 = tpu.vector_load %arg9[%swap3A_354, %swap3A_355] {strides = array<i32>} : memref<2x80xi32, #tpu.memory_space<vmem>>, vector<1x16xi32>,
        %swap3A_357 = vector.shape_cast %swap3A_356 : vector<1x16xi32> to vector<16xi32>
        %swap3A_358 = vector.shape_cast %get3A_352 : vector<16xi32> to vector<1x16xi32>
        tpu.vector_store %arg9[%swap3A_354, %swap3A_355], %swap3A_358 {strides = array<i32>} : memref<2x80xi32, #tpu.memory_space<vmem>>, vector<1x16xi32>,
        %get3A_359 = arith.constant 1 : i32
        %get3A_360 = arith.constant 1 : i32
        %get3A_361 = arith.index_cast %get3A_359 : i32 to index
        %get3A_362 = arith.index_cast %get3A_360 : i32 to index
        %get3A_363 = arith.constant 16 : index
        %get3A_364 = tpu.vector_load %arg8[%get3A_361, %get3A_362, %get3A_363] {strides = array<i32>} : memref<2x2x128xi32, #tpu.memory_space<vmem>>, vector<1x1x16xi32>,
        %get3A_365 = vector.shape_cast %get3A_364 : vector<1x1x16xi32> to vector<16xi32>
        %swap3A_366 = arith.constant 1 : i32
        %swap3A_367 = arith.index_cast %swap3A_366 : i32 to index
        %swap3A_368 = arith.constant 16 : index
        %swap3A_369 = tpu.vector_load %arg9[%swap3A_367, %swap3A_368] {strides = array<i32>} : memref<2x80xi32, #tpu.memory_space<vmem>>, vector<1x16xi32>,
        %swap3A_370 = vector.shape_cast %swap3A_369 : vector<1x16xi32> to vector<16xi32>
        %swap3A_371 = vector.shape_cast %get3A_365 : vector<16xi32> to vector<1x16xi32>
        tpu.vector_store %arg9[%swap3A_367, %swap3A_368], %swap3A_371 {strides = array<i32>} : memref<2x80xi32, #tpu.memory_space<vmem>>, vector<1x16xi32>,
        %get3A_372 = arith.constant 1 : i32
        %get3A_373 = arith.constant 1 : i32
        %get3A_374 = arith.index_cast %get3A_372 : i32 to index
        %get3A_375 = arith.index_cast %get3A_373 : i32 to index
        %get3A_376 = arith.constant 32 : index
        %get3A_377 = tpu.vector_load %arg8[%get3A_374, %get3A_375, %get3A_376] {strides = array<i32>} : memref<2x2x128xi32, #tpu.memory_space<vmem>>, vector<1x1x16xi32>,
        %get3A_378 = vector.shape_cast %get3A_377 : vector<1x1x16xi32> to vector<16xi32>
        %swap3A_379 = arith.constant 1 : i32
        %swap3A_380 = arith.index_cast %swap3A_379 : i32 to index
        %swap3A_381 = arith.constant 32 : index
        %swap3A_382 = tpu.vector_load %arg9[%swap3A_380, %swap3A_381] {strides = array<i32>} : memref<2x80xi32, #tpu.memory_space<vmem>>, vector<1x16xi32>,
        %swap3A_383 = vector.shape_cast %swap3A_382 : vector<1x16xi32> to vector<16xi32>
        %swap3A_384 = vector.shape_cast %get3A_378 : vector<16xi32> to vector<1x16xi32>
        tpu.vector_store %arg9[%swap3A_380, %swap3A_381], %swap3A_384 {strides = array<i32>} : memref<2x80xi32, #tpu.memory_space<vmem>>, vector<1x16xi32>,
        %get3A_385 = arith.constant 1 : i32
        %get3A_386 = arith.constant 1 : i32
        %get3A_387 = arith.index_cast %get3A_385 : i32 to index
        %get3A_388 = arith.index_cast %get3A_386 : i32 to index
        %get3A_389 = arith.constant 48 : index
        %get3A_390 = tpu.vector_load %arg8[%get3A_387, %get3A_388, %get3A_389] {strides = array<i32>} : memref<2x2x128xi32, #tpu.memory_space<vmem>>, vector<1x1x16xi32>,
        %get3A_391 = vector.shape_cast %get3A_390 : vector<1x1x16xi32> to vector<16xi32>
        %swap3A_392 = arith.constant 1 : i32
        %swap3A_393 = arith.index_cast %swap3A_392 : i32 to index
        %swap3A_394 = arith.constant 48 : index
        %swap3A_395 = tpu.vector_load %arg9[%swap3A_393, %swap3A_394] {strides = array<i32>} : memref<2x80xi32, #tpu.memory_space<vmem>>, vector<1x16xi32>,
        %swap3A_396 = vector.shape_cast %swap3A_395 : vector<1x16xi32> to vector<16xi32>
        %swap3A_397 = vector.shape_cast %get3A_391 : vector<16xi32> to vector<1x16xi32>
        tpu.vector_store %arg9[%swap3A_393, %swap3A_394], %swap3A_397 {strides = array<i32>} : memref<2x80xi32, #tpu.memory_space<vmem>>, vector<1x16xi32>,
        %get3A_398 = arith.constant 1 : i32
        %get3A_399 = arith.constant 1 : i32
        %get3A_400 = arith.index_cast %get3A_398 : i32 to index
        %get3A_401 = arith.index_cast %get3A_399 : i32 to index
        %get3A_402 = arith.constant 64 : index
        %get3A_403 = tpu.vector_load %arg8[%get3A_400, %get3A_401, %get3A_402] {strides = array<i32>} : memref<2x2x128xi32, #tpu.memory_space<vmem>>, vector<1x1x16xi32>,
        %get3A_404 = vector.shape_cast %get3A_403 : vector<1x1x16xi32> to vector<16xi32>
        %swap3A_405 = arith.constant 1 : i32
        %swap3A_406 = arith.index_cast %swap3A_405 : i32 to index
        %swap3A_407 = arith.constant 64 : index
        %swap3A_408 = tpu.vector_load %arg9[%swap3A_406, %swap3A_407] {strides = array<i32>} : memref<2x80xi32, #tpu.memory_space<vmem>>, vector<1x16xi32>,
        %swap3A_409 = vector.shape_cast %swap3A_408 : vector<1x16xi32> to vector<16xi32>
        %swap3A_410 = vector.shape_cast %get3A_404 : vector<16xi32> to vector<1x16xi32>
        tpu.vector_store %arg9[%swap3A_406, %swap3A_407], %swap3A_410 {strides = array<i32>} : memref<2x80xi32, #tpu.memory_space<vmem>>, vector<1x16xi32>,
      } else {
      }
      %add3A_214 = arith.constant 2 : i32
      %add3A_215 = arith.addi %add3A_186, %add3A_214 : i32
      %lt3A_216 = arith.constant 128 : i32
      %lt3A_217 = arith.cmpi slt, %add3A_215, %lt3A_216 : i32
      %convert_element_type3A_218 = arith.extui %lt3A_217 : i1 to i32
      %cond3A_219 = arith.constant 0 : i32
      %cond3A_220 = arith.cmpi ne, %convert_element_type3A_218, %cond3A_219 : i32
      scf.if %cond3A_220 {
        %add3A_346 = arith.addi %mul3A_4, %add3A_186 : i32
        %add3A_347 = arith.constant 2 : i32
        %add3A_348 = arith.addi %add3A_346, %add3A_347 : i32
        %dma_start3A_349 = arith.constant 0 : i32
        %dma_start3A_350 = arith.constant 0 : i32
        %dma_start3A_351 = arith.constant 0 : i32
        %dma_start3A_352 = tpu.memref_slice %arg8[%dma_start3A_349, %dma_start3A_350, %dma_start3A_351] : memref<2x2x128xi32, #tpu.memory_space<vmem>> -> memref<1x2x128xi32, #tpu.memory_space<vmem>>
        %dma_start3A_353 = tpu.memref_squeeze %dma_start3A_352 : memref<1x2x128xi32, #tpu.memory_space<vmem>> -> memref<2x128xi32, #tpu.memory_space<vmem>>
        %dma_start3A_354 = arith.constant 0 : i32
        %dma_start3A_355 = arith.constant 0 : i32
        %dma_start3A_356 = tpu.memref_slice %arg3[%add3A_348, %dma_start3A_354, %dma_start3A_355] : memref<4096x2x128xi32, #tpu.memory_space<hbm>> -> memref<1x2x128xi32, #tpu.memory_space<hbm>>
        %dma_start3A_357 = tpu.memref_squeeze %dma_start3A_356 : memref<1x2x128xi32, #tpu.memory_space<hbm>> -> memref<2x128xi32, #tpu.memory_space<hbm>>
        %dma_start3A_358 = arith.constant 0 : i32
        %dma_start3A_359 = arith.constant 0 : i32
        %dma_start3A_360 = tpu.memref_slice %arg8[%dma_start3A_349, %dma_start3A_358, %dma_start3A_359] : memref<2x2x128xi32, #tpu.memory_space<vmem>> -> memref<1x2x128xi32, #tpu.memory_space<vmem>>
        %dma_start3A_361 = tpu.memref_squeeze %dma_start3A_360 : memref<1x2x128xi32, #tpu.memory_space<vmem>> -> memref<2x128xi32, #tpu.memory_space<vmem>>
        %dma_start3A_362 = arith.constant 0 : i32
        %dma_start3A_363 = arith.constant 0 : i32
        %dma_start3A_364 = tpu.memref_slice %arg3[%add3A_348, %dma_start3A_362, %dma_start3A_363] : memref<4096x2x128xi32, #tpu.memory_space<hbm>> -> memref<1x2x128xi32, #tpu.memory_space<hbm>>
        %dma_start3A_365 = tpu.memref_squeeze %dma_start3A_364 : memref<1x2x128xi32, #tpu.memory_space<hbm>> -> memref<2x128xi32, #tpu.memory_space<hbm>>
        tpu.enqueue_dma source(%dma_start3A_365 : memref<2x128xi32, #tpu.memory_space<hbm>>) target(%dma_start3A_361 : memref<2x128xi32, #tpu.memory_space<vmem>>) target_semaphore(%arg12 : memref<!tpu.dma_semaphore, #tpu.memory_space<semaphore_mem>>)
      } else {
      }
      %dma_wait3A_221 = arith.constant 0 : i32
      %dma_wait3A_222 = arith.constant 0 : i32
      %dma_wait3A_223 = arith.constant 0 : i32
      %dma_wait3A_224 = arith.constant 0 : i32
      %dma_wait3A_225 = arith.constant 0 : i32
      %dma_wait3A_226 = tpu.memref_slice %arg10[%dma_wait3A_223, %dma_wait3A_224, %dma_wait3A_225] : memref<2x80x128xf32, #tpu.memory_space<vmem>> -> memref<1x80x128xf32, #tpu.memory_space<vmem>>
      %dma_wait3A_227 = tpu.memref_squeeze %dma_wait3A_226 : memref<1x80x128xf32, #tpu.memory_space<vmem>> -> memref<80x128xf32, #tpu.memory_space<vmem>>
      %dma_wait3A_228 = arith.constant 0 : i32
      %dma_wait3A_229 = tpu.memref_slice %arg8[%dma_wait3A_221, %dma_wait3A_222, %dma_wait3A_228] : memref<2x2x128xi32, #tpu.memory_space<vmem>> -> memref<1x1x80xi32, #tpu.memory_space<vmem>>
      %dma_wait3A_230 = tpu.memref_squeeze %dma_wait3A_229 : memref<1x1x80xi32, #tpu.memory_space<vmem>> -> memref<80xi32, #tpu.memory_space<vmem>>
      %dma_wait3A_231 = arith.constant 0 : i32
      %dma_wait3A_232 = arith.constant 0 : i32
      %dma_wait3A_233 = tpu.memref_slice %arg2[%dma_wait3A_231, %dma_wait3A_232] : memref<10000x128xf32, #tpu.memory_space<hbm>> -> memref<10000x128xf32, #tpu.memory_space<hbm>>
      tpu.wait_indirect_dma semaphore(%arg14 : memref<!tpu.dma_semaphore, #tpu.memory_space<semaphore_mem>>) src(%dma_wait3A_233 : memref<10000x128xf32, #tpu.memory_space<hbm>>) dst(%dma_wait3A_227 : memref<80x128xf32, #tpu.memory_space<vmem>>)
      %dma_wait3A_234 = arith.constant 0 : i32
      %dma_wait3A_235 = arith.constant 0 : i32
      %dma_wait3A_236 = arith.constant 0 : i32
      %dma_wait3A_237 = tpu.memref_slice %arg11[%dma_wait3A_234, %dma_wait3A_235, %dma_wait3A_236] : memref<2x80x128xf32, #tpu.memory_space<vmem>> -> memref<1x80x128xf32, #tpu.memory_space<vmem>>
      %dma_wait3A_238 = tpu.memref_squeeze %dma_wait3A_237 : memref<1x80x128xf32, #tpu.memory_space<vmem>> -> memref<80x128xf32, #tpu.memory_space<vmem>>
      %dma_wait3A_239 = arith.constant 0 : i32
      %dma_wait3A_240 = tpu.memref_slice %arg4[%mul3A_2, %dma_wait3A_239] : memref<327680x128xf32, #tpu.memory_space<hbm>> -> memref<80x128xf32, #tpu.memory_space<hbm>>
      %dma_wait3A_241 = arith.constant 0 : i32
      %dma_wait3A_242 = arith.constant 0 : i32
      %dma_wait3A_243 = tpu.memref_slice %arg11[%dma_wait3A_234, %dma_wait3A_241, %dma_wait3A_242] : memref<2x80x128xf32, #tpu.memory_space<vmem>> -> memref<1x80x128xf32, #tpu.memory_space<vmem>>
      %dma_wait3A_244 = tpu.memref_squeeze %dma_wait3A_243 : memref<1x80x128xf32, #tpu.memory_space<vmem>> -> memref<80x128xf32, #tpu.memory_space<vmem>>
      %dma_wait3A_245 = arith.constant 0 : i32
      %dma_wait3A_246 = tpu.memref_slice %arg4[%mul3A_2, %dma_wait3A_245] : memref<327680x128xf32, #tpu.memory_space<hbm>> -> memref<80x128xf32, #tpu.memory_space<hbm>>
      tpu.wait_dma2 semaphore(%arg16 : memref<!tpu.dma_semaphore, #tpu.memory_space<semaphore_mem>>) src(%dma_wait3A_246 : memref<80x128xf32, #tpu.memory_space<hbm>>) dst(%dma_wait3A_244 : memref<80x128xf32, #tpu.memory_space<vmem>>)
      %parallel_loop3A = arith.constant 0 : i32
      %parallel_loop3A_247 = arith.constant 80 : i32
      %parallel_loop3A_248 = arith.constant 1 : i32
      scf.for %parallel_loop3A_346 = %parallel_loop3A to %parallel_loop3A_247 step %parallel_loop3A_248  : i32 {
        %parallel_loop3A_347 = arith.constant 0 : i32
        %parallel_loop3A_348 = arith.index_cast %parallel_loop3A_347 : i32 to index
        %parallel_loop3A_349 = arith.index_cast %parallel_loop3A_346 : i32 to index
        %parallel_loop3A_350 = arith.constant 0 : index
        %parallel_loop3A_351 = tpu.vector_load %arg10[%parallel_loop3A_348, %parallel_loop3A_349, %parallel_loop3A_350] {strides = array<i32>} : memref<2x80x128xf32, #tpu.memory_space<vmem>>, vector<1x1x16xf32>,
        %parallel_loop3A_352 = vector.shape_cast %parallel_loop3A_351 : vector<1x1x16xf32> to vector<16xf32>
        %parallel_loop3A_353 = arith.constant 0 : i32
        %parallel_loop3A_354 = arith.index_cast %parallel_loop3A_353 : i32 to index
        %parallel_loop3A_355 = arith.index_cast %parallel_loop3A_346 : i32 to index
        %parallel_loop3A_356 = arith.constant 0 : index
        %parallel_loop3A_357 = tpu.vector_load %arg11[%parallel_loop3A_354, %parallel_loop3A_355, %parallel_loop3A_356] {strides = array<i32>} : memref<2x80x128xf32, #tpu.memory_space<vmem>>, vector<1x1x16xf32>,
        %parallel_loop3A_358 = vector.shape_cast %parallel_loop3A_357 : vector<1x1x16xf32> to vector<16xf32>
        %parallel_loop3A_359 = arith.addf %parallel_loop3A_352, %parallel_loop3A_358 : vector<16xf32>
        %parallel_loop3A_360 = arith.constant 0.000000e+00 : f32
        %parallel_loop3A_361 = vector.broadcast %parallel_loop3A_360 : f32 to vector<16xf32>
        %parallel_loop3A_362 = arith.maximumf %parallel_loop3A_359, %parallel_loop3A_361 : vector<16xf32>
        %parallel_loop3A_363 = arith.constant 0 : i32
        %parallel_loop3A_364 = arith.index_cast %parallel_loop3A_363 : i32 to index
        %parallel_loop3A_365 = arith.index_cast %parallel_loop3A_346 : i32 to index
        %parallel_loop3A_366 = arith.constant 0 : index
        %parallel_loop3A_367 = tpu.vector_load %arg10[%parallel_loop3A_364, %parallel_loop3A_365, %parallel_loop3A_366] {strides = array<i32>} : memref<2x80x128xf32, #tpu.memory_space<vmem>>, vector<1x1x16xf32>,
        %parallel_loop3A_368 = vector.shape_cast %parallel_loop3A_367 : vector<1x1x16xf32> to vector<16xf32>
        %parallel_loop3A_369 = vector.shape_cast %parallel_loop3A_362 : vector<16xf32> to vector<1x1x16xf32>
        tpu.vector_store %arg10[%parallel_loop3A_364, %parallel_loop3A_365, %parallel_loop3A_366], %parallel_loop3A_369 {strides = array<i32>} : memref<2x80x128xf32, #tpu.memory_space<vmem>>, vector<1x1x16xf32>,
        %parallel_loop3A_370 = arith.constant 0 : i32
        %parallel_loop3A_371 = arith.index_cast %parallel_loop3A_370 : i32 to index
        %parallel_loop3A_372 = arith.index_cast %parallel_loop3A_346 : i32 to index
        %parallel_loop3A_373 = arith.constant 16 : index
        %parallel_loop3A_374 = tpu.vector_load %arg10[%parallel_loop3A_371, %parallel_loop3A_372, %parallel_loop3A_373] {strides = array<i32>} : memref<2x80x128xf32, #tpu.memory_space<vmem>>, vector<1x1x16xf32>,
        %parallel_loop3A_375 = vector.shape_cast %parallel_loop3A_374 : vector<1x1x16xf32> to vector<16xf32>
        %parallel_loop3A_376 = arith.constant 0 : i32
        %parallel_loop3A_377 = arith.index_cast %parallel_loop3A_376 : i32 to index
        %parallel_loop3A_378 = arith.index_cast %parallel_loop3A_346 : i32 to index
        %parallel_loop3A_379 = arith.constant 16 : index
        %parallel_loop3A_380 = tpu.vector_load %arg11[%parallel_loop3A_377, %parallel_loop3A_378, %parallel_loop3A_379] {strides = array<i32>} : memref<2x80x128xf32, #tpu.memory_space<vmem>>, vector<1x1x16xf32>,
        %parallel_loop3A_381 = vector.shape_cast %parallel_loop3A_380 : vector<1x1x16xf32> to vector<16xf32>
        %parallel_loop3A_382 = arith.addf %parallel_loop3A_375, %parallel_loop3A_381 : vector<16xf32>
        %parallel_loop3A_383 = arith.constant 0.000000e+00 : f32
        %parallel_loop3A_384 = vector.broadcast %parallel_loop3A_383 : f32 to vector<16xf32>
        %parallel_loop3A_385 = arith.maximumf %parallel_loop3A_382, %parallel_loop3A_384 : vector<16xf32>
        %parallel_loop3A_386 = arith.constant 0 : i32
        %parallel_loop3A_387 = arith.index_cast %parallel_loop3A_386 : i32 to index
        %parallel_loop3A_388 = arith.index_cast %parallel_loop3A_346 : i32 to index
        %parallel_loop3A_389 = arith.constant 16 : index
        %parallel_loop3A_390 = tpu.vector_load %arg10[%parallel_loop3A_387, %parallel_loop3A_388, %parallel_loop3A_389] {strides = array<i32>} : memref<2x80x128xf32, #tpu.memory_space<vmem>>, vector<1x1x16xf32>,
        %parallel_loop3A_391 = vector.shape_cast %parallel_loop3A_390 : vector<1x1x16xf32> to vector<16xf32>
        %parallel_loop3A_392 = vector.shape_cast %parallel_loop3A_385 : vector<16xf32> to vector<1x1x16xf32>
        tpu.vector_store %arg10[%parallel_loop3A_387, %parallel_loop3A_388, %parallel_loop3A_389], %parallel_loop3A_392 {strides = array<i32>} : memref<2x80x128xf32, #tpu.memory_space<vmem>>, vector<1x1x16xf32>,
        %parallel_loop3A_393 = arith.constant 0 : i32
        %parallel_loop3A_394 = arith.index_cast %parallel_loop3A_393 : i32 to index
        %parallel_loop3A_395 = arith.index_cast %parallel_loop3A_346 : i32 to index
        %parallel_loop3A_396 = arith.constant 32 : index
        %parallel_loop3A_397 = tpu.vector_load %arg10[%parallel_loop3A_394, %parallel_loop3A_395, %parallel_loop3A_396] {strides = array<i32>} : memref<2x80x128xf32, #tpu.memory_space<vmem>>, vector<1x1x16xf32>,
        %parallel_loop3A_398 = vector.shape_cast %parallel_loop3A_397 : vector<1x1x16xf32> to vector<16xf32>
        %parallel_loop3A_399 = arith.constant 0 : i32
        %parallel_loop3A_400 = arith.index_cast %parallel_loop3A_399 : i32 to index
        %parallel_loop3A_401 = arith.index_cast %parallel_loop3A_346 : i32 to index
        %parallel_loop3A_402 = arith.constant 32 : index
        %parallel_loop3A_403 = tpu.vector_load %arg11[%parallel_loop3A_400, %parallel_loop3A_401, %parallel_loop3A_402] {strides = array<i32>} : memref<2x80x128xf32, #tpu.memory_space<vmem>>, vector<1x1x16xf32>,
        %parallel_loop3A_404 = vector.shape_cast %parallel_loop3A_403 : vector<1x1x16xf32> to vector<16xf32>
        %parallel_loop3A_405 = arith.addf %parallel_loop3A_398, %parallel_loop3A_404 : vector<16xf32>
        %parallel_loop3A_406 = arith.constant 0.000000e+00 : f32
        %parallel_loop3A_407 = vector.broadcast %parallel_loop3A_406 : f32 to vector<16xf32>
        %parallel_loop3A_408 = arith.maximumf %parallel_loop3A_405, %parallel_loop3A_407 : vector<16xf32>
        %parallel_loop3A_409 = arith.constant 0 : i32
        %parallel_loop3A_410 = arith.index_cast %parallel_loop3A_409 : i32 to index
        %parallel_loop3A_411 = arith.index_cast %parallel_loop3A_346 : i32 to index
        %parallel_loop3A_412 = arith.constant 32 : index
        %parallel_loop3A_413 = tpu.vector_load %arg10[%parallel_loop3A_410, %parallel_loop3A_411, %parallel_loop3A_412] {strides = array<i32>} : memref<2x80x128xf32, #tpu.memory_space<vmem>>, vector<1x1x16xf32>,
        %parallel_loop3A_414 = vector.shape_cast %parallel_loop3A_413 : vector<1x1x16xf32> to vector<16xf32>
        %parallel_loop3A_415 = vector.shape_cast %parallel_loop3A_408 : vector<16xf32> to vector<1x1x16xf32>
        tpu.vector_store %arg10[%parallel_loop3A_410, %parallel_loop3A_411, %parallel_loop3A_412], %parallel_loop3A_415 {strides = array<i32>} : memref<2x80x128xf32, #tpu.memory_space<vmem>>, vector<1x1x16xf32>,
        %parallel_loop3A_416 = arith.constant 0 : i32
        %parallel_loop3A_417 = arith.index_cast %parallel_loop3A_416 : i32 to index
        %parallel_loop3A_418 = arith.index_cast %parallel_loop3A_346 : i32 to index
        %parallel_loop3A_419 = arith.constant 48 : index
        %parallel_loop3A_420 = tpu.vector_load %arg10[%parallel_loop3A_417, %parallel_loop3A_418, %parallel_loop3A_419] {strides = array<i32>} : memref<2x80x128xf32, #tpu.memory_space<vmem>>, vector<1x1x16xf32>,
        %parallel_loop3A_421 = vector.shape_cast %parallel_loop3A_420 : vector<1x1x16xf32> to vector<16xf32>
        %parallel_loop3A_422 = arith.constant 0 : i32
        %parallel_loop3A_423 = arith.index_cast %parallel_loop3A_422 : i32 to index
        %parallel_loop3A_424 = arith.index_cast %parallel_loop3A_346 : i32 to index
        %parallel_loop3A_425 = arith.constant 48 : index
        %parallel_loop3A_426 = tpu.vector_load %arg11[%parallel_loop3A_423, %parallel_loop3A_424, %parallel_loop3A_425] {strides = array<i32>} : memref<2x80x128xf32, #tpu.memory_space<vmem>>, vector<1x1x16xf32>,
        %parallel_loop3A_427 = vector.shape_cast %parallel_loop3A_426 : vector<1x1x16xf32> to vector<16xf32>
        %parallel_loop3A_428 = arith.addf %parallel_loop3A_421, %parallel_loop3A_427 : vector<16xf32>
        %parallel_loop3A_429 = arith.constant 0.000000e+00 : f32
        %parallel_loop3A_430 = vector.broadcast %parallel_loop3A_429 : f32 to vector<16xf32>
        %parallel_loop3A_431 = arith.maximumf %parallel_loop3A_428, %parallel_loop3A_430 : vector<16xf32>
        %parallel_loop3A_432 = arith.constant 0 : i32
        %parallel_loop3A_433 = arith.index_cast %parallel_loop3A_432 : i32 to index
        %parallel_loop3A_434 = arith.index_cast %parallel_loop3A_346 : i32 to index
        %parallel_loop3A_435 = arith.constant 48 : index
        %parallel_loop3A_436 = tpu.vector_load %arg10[%parallel_loop3A_433, %parallel_loop3A_434, %parallel_loop3A_435] {strides = array<i32>} : memref<2x80x128xf32, #tpu.memory_space<vmem>>, vector<1x1x16xf32>,
        %parallel_loop3A_437 = vector.shape_cast %parallel_loop3A_436 : vector<1x1x16xf32> to vector<16xf32>
        %parallel_loop3A_438 = vector.shape_cast %parallel_loop3A_431 : vector<16xf32> to vector<1x1x16xf32>
        tpu.vector_store %arg10[%parallel_loop3A_433, %parallel_loop3A_434, %parallel_loop3A_435], %parallel_loop3A_438 {strides = array<i32>} : memref<2x80x128xf32, #tpu.memory_space<vmem>>, vector<1x1x16xf32>,
        %parallel_loop3A_439 = arith.constant 0 : i32
        %parallel_loop3A_440 = arith.index_cast %parallel_loop3A_439 : i32 to index
        %parallel_loop3A_441 = arith.index_cast %parallel_loop3A_346 : i32 to index
        %parallel_loop3A_442 = arith.constant 64 : index
        %parallel_loop3A_443 = tpu.vector_load %arg10[%parallel_loop3A_440, %parallel_loop3A_441, %parallel_loop3A_442] {strides = array<i32>} : memref<2x80x128xf32, #tpu.memory_space<vmem>>, vector<1x1x16xf32>,
        %parallel_loop3A_444 = vector.shape_cast %parallel_loop3A_443 : vector<1x1x16xf32> to vector<16xf32>
        %parallel_loop3A_445 = arith.constant 0 : i32
        %parallel_loop3A_446 = arith.index_cast %parallel_loop3A_445 : i32 to index
        %parallel_loop3A_447 = arith.index_cast %parallel_loop3A_346 : i32 to index
        %parallel_loop3A_448 = arith.constant 64 : index
        %parallel_loop3A_449 = tpu.vector_load %arg11[%parallel_loop3A_446, %parallel_loop3A_447, %parallel_loop3A_448] {strides = array<i32>} : memref<2x80x128xf32, #tpu.memory_space<vmem>>, vector<1x1x16xf32>,
        %parallel_loop3A_450 = vector.shape_cast %parallel_loop3A_449 : vector<1x1x16xf32> to vector<16xf32>
        %parallel_loop3A_451 = arith.addf %parallel_loop3A_444, %parallel_loop3A_450 : vector<16xf32>
        %parallel_loop3A_452 = arith.constant 0.000000e+00 : f32
        %parallel_loop3A_453 = vector.broadcast %parallel_loop3A_452 : f32 to vector<16xf32>
        %parallel_loop3A_454 = arith.maximumf %parallel_loop3A_451, %parallel_loop3A_453 : vector<16xf32>
        %parallel_loop3A_455 = arith.constant 0 : i32
        %parallel_loop3A_456 = arith.index_cast %parallel_loop3A_455 : i32 to index
        %parallel_loop3A_457 = arith.index_cast %parallel_loop3A_346 : i32 to index
        %parallel_loop3A_458 = arith.constant 64 : index
        %parallel_loop3A_459 = tpu.vector_load %arg10[%parallel_loop3A_456, %parallel_loop3A_457, %parallel_loop3A_458] {strides = array<i32>} : memref<2x80x128xf32, #tpu.memory_space<vmem>>, vector<1x1x16xf32>,
        %parallel_loop3A_460 = vector.shape_cast %parallel_loop3A_459 : vector<1x1x16xf32> to vector<16xf32>
        %parallel_loop3A_461 = vector.shape_cast %parallel_loop3A_454 : vector<16xf32> to vector<1x1x16xf32>
        tpu.vector_store %arg10[%parallel_loop3A_456, %parallel_loop3A_457, %parallel_loop3A_458], %parallel_loop3A_461 {strides = array<i32>} : memref<2x80x128xf32, #tpu.memory_space<vmem>>, vector<1x1x16xf32>,
        %parallel_loop3A_462 = arith.constant 0 : i32
        %parallel_loop3A_463 = arith.index_cast %parallel_loop3A_462 : i32 to index
        %parallel_loop3A_464 = arith.index_cast %parallel_loop3A_346 : i32 to index
        %parallel_loop3A_465 = arith.constant 80 : index
        %parallel_loop3A_466 = tpu.vector_load %arg10[%parallel_loop3A_463, %parallel_loop3A_464, %parallel_loop3A_465] {strides = array<i32>} : memref<2x80x128xf32, #tpu.memory_space<vmem>>, vector<1x1x16xf32>,
        %parallel_loop3A_467 = vector.shape_cast %parallel_loop3A_466 : vector<1x1x16xf32> to vector<16xf32>
        %parallel_loop3A_468 = arith.constant 0 : i32
        %parallel_loop3A_469 = arith.index_cast %parallel_loop3A_468 : i32 to index
        %parallel_loop3A_470 = arith.index_cast %parallel_loop3A_346 : i32 to index
        %parallel_loop3A_471 = arith.constant 80 : index
        %parallel_loop3A_472 = tpu.vector_load %arg11[%parallel_loop3A_469, %parallel_loop3A_470, %parallel_loop3A_471] {strides = array<i32>} : memref<2x80x128xf32, #tpu.memory_space<vmem>>, vector<1x1x16xf32>,
        %parallel_loop3A_473 = vector.shape_cast %parallel_loop3A_472 : vector<1x1x16xf32> to vector<16xf32>
        %parallel_loop3A_474 = arith.addf %parallel_loop3A_467, %parallel_loop3A_473 : vector<16xf32>
        %parallel_loop3A_475 = arith.constant 0.000000e+00 : f32
        %parallel_loop3A_476 = vector.broadcast %parallel_loop3A_475 : f32 to vector<16xf32>
        %parallel_loop3A_477 = arith.maximumf %parallel_loop3A_474, %parallel_loop3A_476 : vector<16xf32>
        %parallel_loop3A_478 = arith.constant 0 : i32
        %parallel_loop3A_479 = arith.index_cast %parallel_loop3A_478 : i32 to index
        %parallel_loop3A_480 = arith.index_cast %parallel_loop3A_346 : i32 to index
        %parallel_loop3A_481 = arith.constant 80 : index
        %parallel_loop3A_482 = tpu.vector_load %arg10[%parallel_loop3A_479, %parallel_loop3A_480, %parallel_loop3A_481] {strides = array<i32>} : memref<2x80x128xf32, #tpu.memory_space<vmem>>, vector<1x1x16xf32>,
        %parallel_loop3A_483 = vector.shape_cast %parallel_loop3A_482 : vector<1x1x16xf32> to vector<16xf32>
        %parallel_loop3A_484 = vector.shape_cast %parallel_loop3A_477 : vector<16xf32> to vector<1x1x16xf32>
        tpu.vector_store %arg10[%parallel_loop3A_479, %parallel_loop3A_480, %parallel_loop3A_481], %parallel_loop3A_484 {strides = array<i32>} : memref<2x80x128xf32, #tpu.memory_space<vmem>>, vector<1x1x16xf32>,
        %parallel_loop3A_485 = arith.constant 0 : i32
        %parallel_loop3A_486 = arith.index_cast %parallel_loop3A_485 : i32 to index
        %parallel_loop3A_487 = arith.index_cast %parallel_loop3A_346 : i32 to index
        %parallel_loop3A_488 = arith.constant 96 : index
        %parallel_loop3A_489 = tpu.vector_load %arg10[%parallel_loop3A_486, %parallel_loop3A_487, %parallel_loop3A_488] {strides = array<i32>} : memref<2x80x128xf32, #tpu.memory_space<vmem>>, vector<1x1x16xf32>,
        %parallel_loop3A_490 = vector.shape_cast %parallel_loop3A_489 : vector<1x1x16xf32> to vector<16xf32>
        %parallel_loop3A_491 = arith.constant 0 : i32
        %parallel_loop3A_492 = arith.index_cast %parallel_loop3A_491 : i32 to index
        %parallel_loop3A_493 = arith.index_cast %parallel_loop3A_346 : i32 to index
        %parallel_loop3A_494 = arith.constant 96 : index
        %parallel_loop3A_495 = tpu.vector_load %arg11[%parallel_loop3A_492, %parallel_loop3A_493, %parallel_loop3A_494] {strides = array<i32>} : memref<2x80x128xf32, #tpu.memory_space<vmem>>, vector<1x1x16xf32>,
        %parallel_loop3A_496 = vector.shape_cast %parallel_loop3A_495 : vector<1x1x16xf32> to vector<16xf32>
        %parallel_loop3A_497 = arith.addf %parallel_loop3A_490, %parallel_loop3A_496 : vector<16xf32>
        %parallel_loop3A_498 = arith.constant 0.000000e+00 : f32
        %parallel_loop3A_499 = vector.broadcast %parallel_loop3A_498 : f32 to vector<16xf32>
        %parallel_loop3A_500 = arith.maximumf %parallel_loop3A_497, %parallel_loop3A_499 : vector<16xf32>
        %parallel_loop3A_501 = arith.constant 0 : i32
        %parallel_loop3A_502 = arith.index_cast %parallel_loop3A_501 : i32 to index
        %parallel_loop3A_503 = arith.index_cast %parallel_loop3A_346 : i32 to index
        %parallel_loop3A_504 = arith.constant 96 : index
        %parallel_loop3A_505 = tpu.vector_load %arg10[%parallel_loop3A_502, %parallel_loop3A_503, %parallel_loop3A_504] {strides = array<i32>} : memref<2x80x128xf32, #tpu.memory_space<vmem>>, vector<1x1x16xf32>,
        %parallel_loop3A_506 = vector.shape_cast %parallel_loop3A_505 : vector<1x1x16xf32> to vector<16xf32>
        %parallel_loop3A_507 = vector.shape_cast %parallel_loop3A_500 : vector<16xf32> to vector<1x1x16xf32>
        tpu.vector_store %arg10[%parallel_loop3A_502, %parallel_loop3A_503, %parallel_loop3A_504], %parallel_loop3A_507 {strides = array<i32>} : memref<2x80x128xf32, #tpu.memory_space<vmem>>, vector<1x1x16xf32>,
        %parallel_loop3A_508 = arith.constant 0 : i32
        %parallel_loop3A_509 = arith.index_cast %parallel_loop3A_508 : i32 to index
        %parallel_loop3A_510 = arith.index_cast %parallel_loop3A_346 : i32 to index
        %parallel_loop3A_511 = arith.constant 112 : index
        %parallel_loop3A_512 = tpu.vector_load %arg10[%parallel_loop3A_509, %parallel_loop3A_510, %parallel_loop3A_511] {strides = array<i32>} : memref<2x80x128xf32, #tpu.memory_space<vmem>>, vector<1x1x16xf32>,
        %parallel_loop3A_513 = vector.shape_cast %parallel_loop3A_512 : vector<1x1x16xf32> to vector<16xf32>
        %parallel_loop3A_514 = arith.constant 0 : i32
        %parallel_loop3A_515 = arith.index_cast %parallel_loop3A_514 : i32 to index
        %parallel_loop3A_516 = arith.index_cast %parallel_loop3A_346 : i32 to index
        %parallel_loop3A_517 = arith.constant 112 : index
        %parallel_loop3A_518 = tpu.vector_load %arg11[%parallel_loop3A_515, %parallel_loop3A_516, %parallel_loop3A_517] {strides = array<i32>} : memref<2x80x128xf32, #tpu.memory_space<vmem>>, vector<1x1x16xf32>,
        %parallel_loop3A_519 = vector.shape_cast %parallel_loop3A_518 : vector<1x1x16xf32> to vector<16xf32>
        %parallel_loop3A_520 = arith.addf %parallel_loop3A_513, %parallel_loop3A_519 : vector<16xf32>
        %parallel_loop3A_521 = arith.constant 0.000000e+00 : f32
        %parallel_loop3A_522 = vector.broadcast %parallel_loop3A_521 : f32 to vector<16xf32>
        %parallel_loop3A_523 = arith.maximumf %parallel_loop3A_520, %parallel_loop3A_522 : vector<16xf32>
        %parallel_loop3A_524 = arith.constant 0 : i32
        %parallel_loop3A_525 = arith.index_cast %parallel_loop3A_524 : i32 to index
        %parallel_loop3A_526 = arith.index_cast %parallel_loop3A_346 : i32 to index
        %parallel_loop3A_527 = arith.constant 112 : index
        %parallel_loop3A_528 = tpu.vector_load %arg10[%parallel_loop3A_525, %parallel_loop3A_526, %parallel_loop3A_527] {strides = array<i32>} : memref<2x80x128xf32, #tpu.memory_space<vmem>>, vector<1x1x16xf32>,
        %parallel_loop3A_529 = vector.shape_cast %parallel_loop3A_528 : vector<1x1x16xf32> to vector<16xf32>
        %parallel_loop3A_530 = vector.shape_cast %parallel_loop3A_523 : vector<16xf32> to vector<1x1x16xf32>
        tpu.vector_store %arg10[%parallel_loop3A_525, %parallel_loop3A_526, %parallel_loop3A_527], %parallel_loop3A_530 {strides = array<i32>} : memref<2x80x128xf32, #tpu.memory_space<vmem>>, vector<1x1x16xf32>,
      } {sc.loop_unroll_factor = 4 : i64, sc.parallel_access}
      %dma_start3A_249 = arith.constant 0 : i32
      %dma_start3A_250 = arith.constant 0 : i32
      %dma_start3A_251 = arith.constant 0 : i32
      %dma_start3A_252 = arith.constant 0 : i32
      %dma_start3A_253 = tpu.memref_slice %arg10[%dma_start3A_249, %dma_start3A_251, %dma_start3A_252] : memref<2x80x128xf32, #tpu.memory_space<vmem>> -> memref<1x80x128xf32, #tpu.memory_space<vmem>>
      %dma_start3A_254 = tpu.memref_squeeze %dma_start3A_253 : memref<1x80x128xf32, #tpu.memory_space<vmem>> -> memref<80x128xf32, #tpu.memory_space<vmem>>
      %dma_start3A_255 = arith.constant 0 : i32
      %dma_start3A_256 = tpu.memref_slice %arg9[%dma_start3A_250, %dma_start3A_255] : memref<2x80xi32, #tpu.memory_space<vmem>> -> memref<1x80xi32, #tpu.memory_space<vmem>>
      %dma_start3A_257 = tpu.memref_squeeze %dma_start3A_256 : memref<1x80xi32, #tpu.memory_space<vmem>> -> memref<80xi32, #tpu.memory_space<vmem>>
      %dma_start3A_258 = arith.constant 0 : i32
      %dma_start3A_259 = arith.constant 0 : i32
      %dma_start3A_260 = tpu.memref_slice %arg7[%dma_start3A_258, %dma_start3A_259] : memref<10240x128xf32, #tpu.memory_space<vmem_shared>> -> memref<10240x128xf32, #tpu.memory_space<vmem_shared>>
      tpu.enqueue_indirect_dma source(%dma_start3A_254 : memref<80x128xf32, #tpu.memory_space<vmem>>) target(%dma_start3A_260 : memref<10240x128xf32, #tpu.memory_space<vmem_shared>>) offsets(%dma_start3A_257 : memref<80xi32, #tpu.memory_space<vmem>>) semaphore(%arg18 : memref<!tpu.dma_semaphore, #tpu.memory_space<semaphore_mem>>) {add = true}
      %mul3A_261 = arith.constant 2 : i32
      %mul3A_262 = arith.muli %mul3A_261, %scan3A_181 : i32
      %add3A_263 = arith.constant 1 : i32
      %add3A_264 = arith.addi %mul3A_262, %add3A_263 : i32
      %gt3A_265 = arith.constant 0 : i32
      %gt3A_266 = arith.cmpi sgt, %add3A_264, %gt3A_265 : i32
      %convert_element_type3A_267 = arith.extui %gt3A_266 : i1 to i32
      %cond3A_268 = arith.constant 0 : i32
      %cond3A_269 = arith.cmpi ne, %convert_element_type3A_267, %cond3A_268 : i32
      scf.if %cond3A_269 {
        %dma_wait3A_346 = arith.constant 0 : i32
        %dma_wait3A_347 = arith.constant 0 : i32
        %dma_wait3A_348 = arith.constant 0 : i32
        %dma_wait3A_349 = arith.constant 0 : i32
        %dma_wait3A_350 = tpu.memref_slice %arg10[%dma_wait3A_346, %dma_wait3A_348, %dma_wait3A_349] : memref<2x80x128xf32, #tpu.memory_space<vmem>> -> memref<1x80x128xf32, #tpu.memory_space<vmem>>
        %dma_wait3A_351 = tpu.memref_squeeze %dma_wait3A_350 : memref<1x80x128xf32, #tpu.memory_space<vmem>> -> memref<80x128xf32, #tpu.memory_space<vmem>>
        %dma_wait3A_352 = arith.constant 0 : i32
        %dma_wait3A_353 = tpu.memref_slice %arg9[%dma_wait3A_347, %dma_wait3A_352] : memref<2x80xi32, #tpu.memory_space<vmem>> -> memref<1x80xi32, #tpu.memory_space<vmem>>
        %dma_wait3A_354 = tpu.memref_squeeze %dma_wait3A_353 : memref<1x80xi32, #tpu.memory_space<vmem>> -> memref<80xi32, #tpu.memory_space<vmem>>
        %dma_wait3A_355 = arith.constant 0 : i32
        %dma_wait3A_356 = arith.constant 0 : i32
        %dma_wait3A_357 = tpu.memref_slice %arg7[%dma_wait3A_355, %dma_wait3A_356] : memref<10240x128xf32, #tpu.memory_space<vmem_shared>> -> memref<10240x128xf32, #tpu.memory_space<vmem_shared>>
        tpu.wait_indirect_dma semaphore(%arg18 : memref<!tpu.dma_semaphore, #tpu.memory_space<semaphore_mem>>) src(%dma_wait3A_351 : memref<80x128xf32, #tpu.memory_space<vmem>>) dst(%dma_wait3A_357 : memref<10240x128xf32, #tpu.memory_space<vmem_shared>>)
      } else {
      }
      %gt3A_270 = arith.constant 0 : i32
      %gt3A_271 = arith.cmpi sgt, %add3A_264, %gt3A_270 : i32
      %add3A_272 = arith.constant 1 : i32
      %add3A_273 = arith.addi %add3A_264, %add3A_272 : i32
      %lt3A_274 = arith.constant 128 : i32
      %lt3A_275 = arith.cmpi slt, %add3A_273, %lt3A_274 : i32
      %and3A_276 = arith.andi %gt3A_271, %lt3A_275 : i1
      %convert_element_type3A_277 = arith.extui %and3A_276 : i1 to i32
      %cond3A_278 = arith.constant 0 : i32
      %cond3A_279 = arith.cmpi ne, %convert_element_type3A_277, %cond3A_278 : i32
      scf.if %cond3A_279 {
        %dma_wait3A_346 = arith.constant 0 : i32
        %dma_wait3A_347 = arith.constant 0 : i32
        %dma_wait3A_348 = arith.constant 0 : i32
        %dma_wait3A_349 = tpu.memref_slice %arg8[%dma_wait3A_346, %dma_wait3A_347, %dma_wait3A_348] : memref<2x2x128xi32, #tpu.memory_space<vmem>> -> memref<1x2x128xi32, #tpu.memory_space<vmem>>
        %dma_wait3A_350 = tpu.memref_squeeze %dma_wait3A_349 : memref<1x2x128xi32, #tpu.memory_space<vmem>> -> memref<2x128xi32, #tpu.memory_space<vmem>>
        %dma_wait3A_351 = arith.constant 0 : i32
        %dma_wait3A_352 = arith.constant 0 : i32
        %dma_wait3A_353 = tpu.memref_slice %arg3[%mul3A_4, %dma_wait3A_351, %dma_wait3A_352] : memref<4096x2x128xi32, #tpu.memory_space<hbm>> -> memref<1x2x128xi32, #tpu.memory_space<hbm>>
        %dma_wait3A_354 = tpu.memref_squeeze %dma_wait3A_353 : memref<1x2x128xi32, #tpu.memory_space<hbm>> -> memref<2x128xi32, #tpu.memory_space<hbm>>
        %dma_wait3A_355 = arith.constant 0 : i32
        %dma_wait3A_356 = arith.constant 0 : i32
        %dma_wait3A_357 = tpu.memref_slice %arg8[%dma_wait3A_346, %dma_wait3A_355, %dma_wait3A_356] : memref<2x2x128xi32, #tpu.memory_space<vmem>> -> memref<1x2x128xi32, #tpu.memory_space<vmem>>
        %dma_wait3A_358 = tpu.memref_squeeze %dma_wait3A_357 : memref<1x2x128xi32, #tpu.memory_space<vmem>> -> memref<2x128xi32, #tpu.memory_space<vmem>>
        %dma_wait3A_359 = arith.constant 0 : i32
        %dma_wait3A_360 = arith.constant 0 : i32
        %dma_wait3A_361 = tpu.memref_slice %arg3[%mul3A_4, %dma_wait3A_359, %dma_wait3A_360] : memref<4096x2x128xi32, #tpu.memory_space<hbm>> -> memref<1x2x128xi32, #tpu.memory_space<hbm>>
        %dma_wait3A_362 = tpu.memref_squeeze %dma_wait3A_361 : memref<1x2x128xi32, #tpu.memory_space<hbm>> -> memref<2x128xi32, #tpu.memory_space<hbm>>
        tpu.wait_dma2 semaphore(%arg12 : memref<!tpu.dma_semaphore, #tpu.memory_space<semaphore_mem>>) src(%dma_wait3A_362 : memref<2x128xi32, #tpu.memory_space<hbm>>) dst(%dma_wait3A_358 : memref<2x128xi32, #tpu.memory_space<vmem>>)
      } else {
      }
      %add3A_280 = arith.constant 1 : i32
      %add3A_281 = arith.addi %add3A_264, %add3A_280 : i32
      %lt3A_282 = arith.constant 128 : i32
      %lt3A_283 = arith.cmpi slt, %add3A_281, %lt3A_282 : i32
      %convert_element_type3A_284 = arith.extui %lt3A_283 : i1 to i32
      %cond3A_285 = arith.constant 0 : i32
      %cond3A_286 = arith.cmpi ne, %convert_element_type3A_284, %cond3A_285 : i32
      scf.if %cond3A_286 {
        %dma_start3A_346 = arith.constant 0 : i32
        %dma_start3A_347 = arith.constant 0 : i32
        %dma_start3A_348 = arith.constant 0 : i32
        %dma_start3A_349 = arith.constant 0 : i32
        %dma_start3A_350 = arith.constant 0 : i32
        %dma_start3A_351 = tpu.memref_slice %arg10[%dma_start3A_348, %dma_start3A_349, %dma_start3A_350] : memref<2x80x128xf32, #tpu.memory_space<vmem>> -> memref<1x80x128xf32, #tpu.memory_space<vmem>>
        %dma_start3A_352 = tpu.memref_squeeze %dma_start3A_351 : memref<1x80x128xf32, #tpu.memory_space<vmem>> -> memref<80x128xf32, #tpu.memory_space<vmem>>
        %dma_start3A_353 = arith.constant 0 : i32
        %dma_start3A_354 = tpu.memref_slice %arg8[%dma_start3A_346, %dma_start3A_347, %dma_start3A_353] : memref<2x2x128xi32, #tpu.memory_space<vmem>> -> memref<1x1x80xi32, #tpu.memory_space<vmem>>
        %dma_start3A_355 = tpu.memref_squeeze %dma_start3A_354 : memref<1x1x80xi32, #tpu.memory_space<vmem>> -> memref<80xi32, #tpu.memory_space<vmem>>
        %dma_start3A_356 = arith.constant 0 : i32
        %dma_start3A_357 = arith.constant 0 : i32
        %dma_start3A_358 = tpu.memref_slice %arg2[%dma_start3A_356, %dma_start3A_357] : memref<10000x128xf32, #tpu.memory_space<hbm>> -> memref<10000x128xf32, #tpu.memory_space<hbm>>
        tpu.enqueue_indirect_dma source(%dma_start3A_358 : memref<10000x128xf32, #tpu.memory_space<hbm>>) target(%dma_start3A_352 : memref<80x128xf32, #tpu.memory_space<vmem>>) offsets(%dma_start3A_355 : memref<80xi32, #tpu.memory_space<vmem>>) semaphore(%arg14 : memref<!tpu.dma_semaphore, #tpu.memory_space<semaphore_mem>>)
        %add3A_359 = arith.constant 1 : i32
        %add3A_360 = arith.addi %add3A_264, %add3A_359 : i32
        %mul3A_361 = arith.constant 80 : i32
        %mul3A_362 = arith.muli %add3A_360, %mul3A_361 : i32
        %add3A_363 = arith.addi %mul3A_2, %mul3A_362 : i32
        %dma_start3A_364 = arith.constant 0 : i32
        %dma_start3A_365 = arith.constant 0 : i32
        %dma_start3A_366 = arith.constant 0 : i32
        %dma_start3A_367 = tpu.memref_slice %arg11[%dma_start3A_364, %dma_start3A_365, %dma_start3A_366] : memref<2x80x128xf32, #tpu.memory_space<vmem>> -> memref<1x80x128xf32, #tpu.memory_space<vmem>>
        %dma_start3A_368 = tpu.memref_squeeze %dma_start3A_367 : memref<1x80x128xf32, #tpu.memory_space<vmem>> -> memref<80x128xf32, #tpu.memory_space<vmem>>
        %dma_start3A_369 = arith.constant 0 : i32
        %dma_start3A_370 = tpu.memref_slice %arg4[%add3A_363, %dma_start3A_369] : memref<327680x128xf32, #tpu.memory_space<hbm>> -> memref<80x128xf32, #tpu.memory_space<hbm>>
        %dma_start3A_371 = arith.constant 0 : i32
        %dma_start3A_372 = arith.constant 0 : i32
        %dma_start3A_373 = tpu.memref_slice %arg11[%dma_start3A_364, %dma_start3A_371, %dma_start3A_372] : memref<2x80x128xf32, #tpu.memory_space<vmem>> -> memref<1x80x128xf32, #tpu.memory_space<vmem>>
        %dma_start3A_374 = tpu.memref_squeeze %dma_start3A_373 : memref<1x80x128xf32, #tpu.memory_space<vmem>> -> memref<80x128xf32, #tpu.memory_space<vmem>>
        %dma_start3A_375 = arith.constant 0 : i32
        %dma_start3A_376 = tpu.memref_slice %arg4[%add3A_363, %dma_start3A_375] : memref<327680x128xf32, #tpu.memory_space<hbm>> -> memref<80x128xf32, #tpu.memory_space<hbm>>
        tpu.enqueue_dma source(%dma_start3A_376 : memref<80x128xf32, #tpu.memory_space<hbm>>) target(%dma_start3A_374 : memref<80x128xf32, #tpu.memory_space<vmem>>) target_semaphore(%arg16 : memref<!tpu.dma_semaphore, #tpu.memory_space<semaphore_mem>>)
      } else {
      }
      %gt3A_287 = arith.constant 0 : i32
      %gt3A_288 = arith.cmpi sgt, %add3A_264, %gt3A_287 : i32
      %add3A_289 = arith.constant 1 : i32
      %add3A_290 = arith.addi %add3A_264, %add3A_289 : i32
      %lt3A_291 = arith.constant 128 : i32
      %lt3A_292 = arith.cmpi slt, %add3A_290, %lt3A_291 : i32
      %and3A_293 = arith.andi %gt3A_288, %lt3A_292 : i1
      %convert_element_type3A_294 = arith.extui %and3A_293 : i1 to i32
      %cond3A_295 = arith.constant 0 : i32
      %cond3A_296 = arith.cmpi ne, %convert_element_type3A_294, %cond3A_295 : i32
      scf.if %cond3A_296 {
        %get3A_346 = arith.constant 0 : i32
        %get3A_347 = arith.constant 1 : i32
        %get3A_348 = arith.index_cast %get3A_346 : i32 to index
        %get3A_349 = arith.index_cast %get3A_347 : i32 to index
        %get3A_350 = arith.constant 0 : index
        %get3A_351 = tpu.vector_load %arg8[%get3A_348, %get3A_349, %get3A_350] {strides = array<i32>} : memref<2x2x128xi32, #tpu.memory_space<vmem>>, vector<1x1x16xi32>,
        %get3A_352 = vector.shape_cast %get3A_351 : vector<1x1x16xi32> to vector<16xi32>
        %swap3A_353 = arith.constant 0 : i32
        %swap3A_354 = arith.index_cast %swap3A_353 : i32 to index
        %swap3A_355 = arith.constant 0 : index
        %swap3A_356 = tpu.vector_load %arg9[%swap3A_354, %swap3A_355] {strides = array<i32>} : memref<2x80xi32, #tpu.memory_space<vmem>>, vector<1x16xi32>,
        %swap3A_357 = vector.shape_cast %swap3A_356 : vector<1x16xi32> to vector<16xi32>
        %swap3A_358 = vector.shape_cast %get3A_352 : vector<16xi32> to vector<1x16xi32>
        tpu.vector_store %arg9[%swap3A_354, %swap3A_355], %swap3A_358 {strides = array<i32>} : memref<2x80xi32, #tpu.memory_space<vmem>>, vector<1x16xi32>,
        %get3A_359 = arith.constant 0 : i32
        %get3A_360 = arith.constant 1 : i32
        %get3A_361 = arith.index_cast %get3A_359 : i32 to index
        %get3A_362 = arith.index_cast %get3A_360 : i32 to index
        %get3A_363 = arith.constant 16 : index
        %get3A_364 = tpu.vector_load %arg8[%get3A_361, %get3A_362, %get3A_363] {strides = array<i32>} : memref<2x2x128xi32, #tpu.memory_space<vmem>>, vector<1x1x16xi32>,
        %get3A_365 = vector.shape_cast %get3A_364 : vector<1x1x16xi32> to vector<16xi32>
        %swap3A_366 = arith.constant 0 : i32
        %swap3A_367 = arith.index_cast %swap3A_366 : i32 to index
        %swap3A_368 = arith.constant 16 : index
        %swap3A_369 = tpu.vector_load %arg9[%swap3A_367, %swap3A_368] {strides = array<i32>} : memref<2x80xi32, #tpu.memory_space<vmem>>, vector<1x16xi32>,
        %swap3A_370 = vector.shape_cast %swap3A_369 : vector<1x16xi32> to vector<16xi32>
        %swap3A_371 = vector.shape_cast %get3A_365 : vector<16xi32> to vector<1x16xi32>
        tpu.vector_store %arg9[%swap3A_367, %swap3A_368], %swap3A_371 {strides = array<i32>} : memref<2x80xi32, #tpu.memory_space<vmem>>, vector<1x16xi32>,
        %get3A_372 = arith.constant 0 : i32
        %get3A_373 = arith.constant 1 : i32
        %get3A_374 = arith.index_cast %get3A_372 : i32 to index
        %get3A_375 = arith.index_cast %get3A_373 : i32 to index
        %get3A_376 = arith.constant 32 : index
        %get3A_377 = tpu.vector_load %arg8[%get3A_374, %get3A_375, %get3A_376] {strides = array<i32>} : memref<2x2x128xi32, #tpu.memory_space<vmem>>, vector<1x1x16xi32>,
        %get3A_378 = vector.shape_cast %get3A_377 : vector<1x1x16xi32> to vector<16xi32>
        %swap3A_379 = arith.constant 0 : i32
        %swap3A_380 = arith.index_cast %swap3A_379 : i32 to index
        %swap3A_381 = arith.constant 32 : index
        %swap3A_382 = tpu.vector_load %arg9[%swap3A_380, %swap3A_381] {strides = array<i32>} : memref<2x80xi32, #tpu.memory_space<vmem>>, vector<1x16xi32>,
        %swap3A_383 = vector.shape_cast %swap3A_382 : vector<1x16xi32> to vector<16xi32>
        %swap3A_384 = vector.shape_cast %get3A_378 : vector<16xi32> to vector<1x16xi32>
        tpu.vector_store %arg9[%swap3A_380, %swap3A_381], %swap3A_384 {strides = array<i32>} : memref<2x80xi32, #tpu.memory_space<vmem>>, vector<1x16xi32>,
        %get3A_385 = arith.constant 0 : i32
        %get3A_386 = arith.constant 1 : i32
        %get3A_387 = arith.index_cast %get3A_385 : i32 to index
        %get3A_388 = arith.index_cast %get3A_386 : i32 to index
        %get3A_389 = arith.constant 48 : index
        %get3A_390 = tpu.vector_load %arg8[%get3A_387, %get3A_388, %get3A_389] {strides = array<i32>} : memref<2x2x128xi32, #tpu.memory_space<vmem>>, vector<1x1x16xi32>,
        %get3A_391 = vector.shape_cast %get3A_390 : vector<1x1x16xi32> to vector<16xi32>
        %swap3A_392 = arith.constant 0 : i32
        %swap3A_393 = arith.index_cast %swap3A_392 : i32 to index
        %swap3A_394 = arith.constant 48 : index
        %swap3A_395 = tpu.vector_load %arg9[%swap3A_393, %swap3A_394] {strides = array<i32>} : memref<2x80xi32, #tpu.memory_space<vmem>>, vector<1x16xi32>,
        %swap3A_396 = vector.shape_cast %swap3A_395 : vector<1x16xi32> to vector<16xi32>
        %swap3A_397 = vector.shape_cast %get3A_391 : vector<16xi32> to vector<1x16xi32>
        tpu.vector_store %arg9[%swap3A_393, %swap3A_394], %swap3A_397 {strides = array<i32>} : memref<2x80xi32, #tpu.memory_space<vmem>>, vector<1x16xi32>,
        %get3A_398 = arith.constant 0 : i32
        %get3A_399 = arith.constant 1 : i32
        %get3A_400 = arith.index_cast %get3A_398 : i32 to index
        %get3A_401 = arith.index_cast %get3A_399 : i32 to index
        %get3A_402 = arith.constant 64 : index
        %get3A_403 = tpu.vector_load %arg8[%get3A_400, %get3A_401, %get3A_402] {strides = array<i32>} : memref<2x2x128xi32, #tpu.memory_space<vmem>>, vector<1x1x16xi32>,
        %get3A_404 = vector.shape_cast %get3A_403 : vector<1x1x16xi32> to vector<16xi32>
        %swap3A_405 = arith.constant 0 : i32
        %swap3A_406 = arith.index_cast %swap3A_405 : i32 to index
        %swap3A_407 = arith.constant 64 : index
        %swap3A_408 = tpu.vector_load %arg9[%swap3A_406, %swap3A_407] {strides = array<i32>} : memref<2x80xi32, #tpu.memory_space<vmem>>, vector<1x16xi32>,
        %swap3A_409 = vector.shape_cast %swap3A_408 : vector<1x16xi32> to vector<16xi32>
        %swap3A_410 = vector.shape_cast %get3A_404 : vector<16xi32> to vector<1x16xi32>
        tpu.vector_store %arg9[%swap3A_406, %swap3A_407], %swap3A_410 {strides = array<i32>} : memref<2x80xi32, #tpu.memory_space<vmem>>, vector<1x16xi32>,
      } else {
      }
      %add3A_297 = arith.constant 2 : i32
      %add3A_298 = arith.addi %add3A_264, %add3A_297 : i32
      %lt3A_299 = arith.constant 128 : i32
      %lt3A_300 = arith.cmpi slt, %add3A_298, %lt3A_299 : i32
      %convert_element_type3A_301 = arith.extui %lt3A_300 : i1 to i32
      %cond3A_302 = arith.constant 0 : i32
      %cond3A_303 = arith.cmpi ne, %convert_element_type3A_301, %cond3A_302 : i32
      scf.if %cond3A_303 {
        %add3A_346 = arith.addi %mul3A_4, %add3A_264 : i32
        %add3A_347 = arith.constant 2 : i32
        %add3A_348 = arith.addi %add3A_346, %add3A_347 : i32
        %dma_start3A_349 = arith.constant 1 : i32
        %dma_start3A_350 = arith.constant 0 : i32
        %dma_start3A_351 = arith.constant 0 : i32
        %dma_start3A_352 = tpu.memref_slice %arg8[%dma_start3A_349, %dma_start3A_350, %dma_start3A_351] : memref<2x2x128xi32, #tpu.memory_space<vmem>> -> memref<1x2x128xi32, #tpu.memory_space<vmem>>
        %dma_start3A_353 = tpu.memref_squeeze %dma_start3A_352 : memref<1x2x128xi32, #tpu.memory_space<vmem>> -> memref<2x128xi32, #tpu.memory_space<vmem>>
        %dma_start3A_354 = arith.constant 0 : i32
        %dma_start3A_355 = arith.constant 0 : i32
        %dma_start3A_356 = tpu.memref_slice %arg3[%add3A_348, %dma_start3A_354, %dma_start3A_355] : memref<4096x2x128xi32, #tpu.memory_space<hbm>> -> memref<1x2x128xi32, #tpu.memory_space<hbm>>
        %dma_start3A_357 = tpu.memref_squeeze %dma_start3A_356 : memref<1x2x128xi32, #tpu.memory_space<hbm>> -> memref<2x128xi32, #tpu.memory_space<hbm>>
        %dma_start3A_358 = arith.constant 0 : i32
        %dma_start3A_359 = arith.constant 0 : i32
        %dma_start3A_360 = tpu.memref_slice %arg8[%dma_start3A_349, %dma_start3A_358, %dma_start3A_359] : memref<2x2x128xi32, #tpu.memory_space<vmem>> -> memref<1x2x128xi32, #tpu.memory_space<vmem>>
        %dma_start3A_361 = tpu.memref_squeeze %dma_start3A_360 : memref<1x2x128xi32, #tpu.memory_space<vmem>> -> memref<2x128xi32, #tpu.memory_space<vmem>>
        %dma_start3A_362 = arith.constant 0 : i32
        %dma_start3A_363 = arith.constant 0 : i32
        %dma_start3A_364 = tpu.memref_slice %arg3[%add3A_348, %dma_start3A_362, %dma_start3A_363] : memref<4096x2x128xi32, #tpu.memory_space<hbm>> -> memref<1x2x128xi32, #tpu.memory_space<hbm>>
        %dma_start3A_365 = tpu.memref_squeeze %dma_start3A_364 : memref<1x2x128xi32, #tpu.memory_space<hbm>> -> memref<2x128xi32, #tpu.memory_space<hbm>>
        tpu.enqueue_dma source(%dma_start3A_365 : memref<2x128xi32, #tpu.memory_space<hbm>>) target(%dma_start3A_361 : memref<2x128xi32, #tpu.memory_space<vmem>>) target_semaphore(%arg13 : memref<!tpu.dma_semaphore, #tpu.memory_space<semaphore_mem>>)
      } else {
      }
      %dma_wait3A_304 = arith.constant 1 : i32
      %dma_wait3A_305 = arith.constant 0 : i32
      %dma_wait3A_306 = arith.constant 1 : i32
      %dma_wait3A_307 = arith.constant 0 : i32
      %dma_wait3A_308 = arith.constant 0 : i32
      %dma_wait3A_309 = tpu.memref_slice %arg10[%dma_wait3A_306, %dma_wait3A_307, %dma_wait3A_308] : memref<2x80x128xf32, #tpu.memory_space<vmem>> -> memref<1x80x128xf32, #tpu.memory_space<vmem>>
      %dma_wait3A_310 = tpu.memref_squeeze %dma_wait3A_309 : memref<1x80x128xf32, #tpu.memory_space<vmem>> -> memref<80x128xf32, #tpu.memory_space<vmem>>
      %dma_wait3A_311 = arith.constant 0 : i32
      %dma_wait3A_312 = tpu.memref_slice %arg8[%dma_wait3A_304, %dma_wait3A_305, %dma_wait3A_311] : memref<2x2x128xi32, #tpu.memory_space<vmem>> -> memref<1x1x80xi32, #tpu.memory_space<vmem>>
      %dma_wait3A_313 = tpu.memref_squeeze %dma_wait3A_312 : memref<1x1x80xi32, #tpu.memory_space<vmem>> -> memref<80xi32, #tpu.memory_space<vmem>>
      %dma_wait3A_314 = arith.constant 0 : i32
      %dma_wait3A_315 = arith.constant 0 : i32
      %dma_wait3A_316 = tpu.memref_slice %arg2[%dma_wait3A_314, %dma_wait3A_315] : memref<10000x128xf32, #tpu.memory_space<hbm>> -> memref<10000x128xf32, #tpu.memory_space<hbm>>
      tpu.wait_indirect_dma semaphore(%arg15 : memref<!tpu.dma_semaphore, #tpu.memory_space<semaphore_mem>>) src(%dma_wait3A_316 : memref<10000x128xf32, #tpu.memory_space<hbm>>) dst(%dma_wait3A_310 : memref<80x128xf32, #tpu.memory_space<vmem>>)
      %dma_wait3A_317 = arith.constant 1 : i32
      %dma_wait3A_318 = arith.constant 0 : i32
      %dma_wait3A_319 = arith.constant 0 : i32
      %dma_wait3A_320 = tpu.memref_slice %arg11[%dma_wait3A_317, %dma_wait3A_318, %dma_wait3A_319] : memref<2x80x128xf32, #tpu.memory_space<vmem>> -> memref<1x80x128xf32, #tpu.memory_space<vmem>>
      %dma_wait3A_321 = tpu.memref_squeeze %dma_wait3A_320 : memref<1x80x128xf32, #tpu.memory_space<vmem>> -> memref<80x128xf32, #tpu.memory_space<vmem>>
      %dma_wait3A_322 = arith.constant 0 : i32
      %dma_wait3A_323 = tpu.memref_slice %arg4[%mul3A_2, %dma_wait3A_322] : memref<327680x128xf32, #tpu.memory_space<hbm>> -> memref<80x128xf32, #tpu.memory_space<hbm>>
      %dma_wait3A_324 = arith.constant 0 : i32
      %dma_wait3A_325 = arith.constant 0 : i32
      %dma_wait3A_326 = tpu.memref_slice %arg11[%dma_wait3A_317, %dma_wait3A_324, %dma_wait3A_325] : memref<2x80x128xf32, #tpu.memory_space<vmem>> -> memref<1x80x128xf32, #tpu.memory_space<vmem>>
      %dma_wait3A_327 = tpu.memref_squeeze %dma_wait3A_326 : memref<1x80x128xf32, #tpu.memory_space<vmem>> -> memref<80x128xf32, #tpu.memory_space<vmem>>
      %dma_wait3A_328 = arith.constant 0 : i32
      %dma_wait3A_329 = tpu.memref_slice %arg4[%mul3A_2, %dma_wait3A_328] : memref<327680x128xf32, #tpu.memory_space<hbm>> -> memref<80x128xf32, #tpu.memory_space<hbm>>
      tpu.wait_dma2 semaphore(%arg17 : memref<!tpu.dma_semaphore, #tpu.memory_space<semaphore_mem>>) src(%dma_wait3A_329 : memref<80x128xf32, #tpu.memory_space<hbm>>) dst(%dma_wait3A_327 : memref<80x128xf32, #tpu.memory_space<vmem>>)
      %parallel_loop3A_330 = arith.constant 0 : i32
      %parallel_loop3A_331 = arith.constant 80 : i32
      %parallel_loop3A_332 = arith.constant 1 : i32
      scf.for %parallel_loop3A_346 = %parallel_loop3A_330 to %parallel_loop3A_331 step %parallel_loop3A_332  : i32 {
        %parallel_loop3A_347 = arith.constant 1 : i32
        %parallel_loop3A_348 = arith.index_cast %parallel_loop3A_347 : i32 to index
        %parallel_loop3A_349 = arith.index_cast %parallel_loop3A_346 : i32 to index
        %parallel_loop3A_350 = arith.constant 0 : index
        %parallel_loop3A_351 = tpu.vector_load %arg10[%parallel_loop3A_348, %parallel_loop3A_349, %parallel_loop3A_350] {strides = array<i32>} : memref<2x80x128xf32, #tpu.memory_space<vmem>>, vector<1x1x16xf32>,
        %parallel_loop3A_352 = vector.shape_cast %parallel_loop3A_351 : vector<1x1x16xf32> to vector<16xf32>
        %parallel_loop3A_353 = arith.constant 1 : i32
        %parallel_loop3A_354 = arith.index_cast %parallel_loop3A_353 : i32 to index
        %parallel_loop3A_355 = arith.index_cast %parallel_loop3A_346 : i32 to index
        %parallel_loop3A_356 = arith.constant 0 : index
        %parallel_loop3A_357 = tpu.vector_load %arg11[%parallel_loop3A_354, %parallel_loop3A_355, %parallel_loop3A_356] {strides = array<i32>} : memref<2x80x128xf32, #tpu.memory_space<vmem>>, vector<1x1x16xf32>,
        %parallel_loop3A_358 = vector.shape_cast %parallel_loop3A_357 : vector<1x1x16xf32> to vector<16xf32>
        %parallel_loop3A_359 = arith.addf %parallel_loop3A_352, %parallel_loop3A_358 : vector<16xf32>
        %parallel_loop3A_360 = arith.constant 0.000000e+00 : f32
        %parallel_loop3A_361 = vector.broadcast %parallel_loop3A_360 : f32 to vector<16xf32>
        %parallel_loop3A_362 = arith.maximumf %parallel_loop3A_359, %parallel_loop3A_361 : vector<16xf32>
        %parallel_loop3A_363 = arith.constant 1 : i32
        %parallel_loop3A_364 = arith.index_cast %parallel_loop3A_363 : i32 to index
        %parallel_loop3A_365 = arith.index_cast %parallel_loop3A_346 : i32 to index
        %parallel_loop3A_366 = arith.constant 0 : index
        %parallel_loop3A_367 = tpu.vector_load %arg10[%parallel_loop3A_364, %parallel_loop3A_365, %parallel_loop3A_366] {strides = array<i32>} : memref<2x80x128xf32, #tpu.memory_space<vmem>>, vector<1x1x16xf32>,
        %parallel_loop3A_368 = vector.shape_cast %parallel_loop3A_367 : vector<1x1x16xf32> to vector<16xf32>
        %parallel_loop3A_369 = vector.shape_cast %parallel_loop3A_362 : vector<16xf32> to vector<1x1x16xf32>
        tpu.vector_store %arg10[%parallel_loop3A_364, %parallel_loop3A_365, %parallel_loop3A_366], %parallel_loop3A_369 {strides = array<i32>} : memref<2x80x128xf32, #tpu.memory_space<vmem>>, vector<1x1x16xf32>,
        %parallel_loop3A_370 = arith.constant 1 : i32
        %parallel_loop3A_371 = arith.index_cast %parallel_loop3A_370 : i32 to index
        %parallel_loop3A_372 = arith.index_cast %parallel_loop3A_346 : i32 to index
        %parallel_loop3A_373 = arith.constant 16 : index
        %parallel_loop3A_374 = tpu.vector_load %arg10[%parallel_loop3A_371, %parallel_loop3A_372, %parallel_loop3A_373] {strides = array<i32>} : memref<2x80x128xf32, #tpu.memory_space<vmem>>, vector<1x1x16xf32>,
        %parallel_loop3A_375 = vector.shape_cast %parallel_loop3A_374 : vector<1x1x16xf32> to vector<16xf32>
        %parallel_loop3A_376 = arith.constant 1 : i32
        %parallel_loop3A_377 = arith.index_cast %parallel_loop3A_376 : i32 to index
        %parallel_loop3A_378 = arith.index_cast %parallel_loop3A_346 : i32 to index
        %parallel_loop3A_379 = arith.constant 16 : index
        %parallel_loop3A_380 = tpu.vector_load %arg11[%parallel_loop3A_377, %parallel_loop3A_378, %parallel_loop3A_379] {strides = array<i32>} : memref<2x80x128xf32, #tpu.memory_space<vmem>>, vector<1x1x16xf32>,
        %parallel_loop3A_381 = vector.shape_cast %parallel_loop3A_380 : vector<1x1x16xf32> to vector<16xf32>
        %parallel_loop3A_382 = arith.addf %parallel_loop3A_375, %parallel_loop3A_381 : vector<16xf32>
        %parallel_loop3A_383 = arith.constant 0.000000e+00 : f32
        %parallel_loop3A_384 = vector.broadcast %parallel_loop3A_383 : f32 to vector<16xf32>
        %parallel_loop3A_385 = arith.maximumf %parallel_loop3A_382, %parallel_loop3A_384 : vector<16xf32>
        %parallel_loop3A_386 = arith.constant 1 : i32
        %parallel_loop3A_387 = arith.index_cast %parallel_loop3A_386 : i32 to index
        %parallel_loop3A_388 = arith.index_cast %parallel_loop3A_346 : i32 to index
        %parallel_loop3A_389 = arith.constant 16 : index
        %parallel_loop3A_390 = tpu.vector_load %arg10[%parallel_loop3A_387, %parallel_loop3A_388, %parallel_loop3A_389] {strides = array<i32>} : memref<2x80x128xf32, #tpu.memory_space<vmem>>, vector<1x1x16xf32>,
        %parallel_loop3A_391 = vector.shape_cast %parallel_loop3A_390 : vector<1x1x16xf32> to vector<16xf32>
        %parallel_loop3A_392 = vector.shape_cast %parallel_loop3A_385 : vector<16xf32> to vector<1x1x16xf32>
        tpu.vector_store %arg10[%parallel_loop3A_387, %parallel_loop3A_388, %parallel_loop3A_389], %parallel_loop3A_392 {strides = array<i32>} : memref<2x80x128xf32, #tpu.memory_space<vmem>>, vector<1x1x16xf32>,
        %parallel_loop3A_393 = arith.constant 1 : i32
        %parallel_loop3A_394 = arith.index_cast %parallel_loop3A_393 : i32 to index
        %parallel_loop3A_395 = arith.index_cast %parallel_loop3A_346 : i32 to index
        %parallel_loop3A_396 = arith.constant 32 : index
        %parallel_loop3A_397 = tpu.vector_load %arg10[%parallel_loop3A_394, %parallel_loop3A_395, %parallel_loop3A_396] {strides = array<i32>} : memref<2x80x128xf32, #tpu.memory_space<vmem>>, vector<1x1x16xf32>,
        %parallel_loop3A_398 = vector.shape_cast %parallel_loop3A_397 : vector<1x1x16xf32> to vector<16xf32>
        %parallel_loop3A_399 = arith.constant 1 : i32
        %parallel_loop3A_400 = arith.index_cast %parallel_loop3A_399 : i32 to index
        %parallel_loop3A_401 = arith.index_cast %parallel_loop3A_346 : i32 to index
        %parallel_loop3A_402 = arith.constant 32 : index
        %parallel_loop3A_403 = tpu.vector_load %arg11[%parallel_loop3A_400, %parallel_loop3A_401, %parallel_loop3A_402] {strides = array<i32>} : memref<2x80x128xf32, #tpu.memory_space<vmem>>, vector<1x1x16xf32>,
        %parallel_loop3A_404 = vector.shape_cast %parallel_loop3A_403 : vector<1x1x16xf32> to vector<16xf32>
        %parallel_loop3A_405 = arith.addf %parallel_loop3A_398, %parallel_loop3A_404 : vector<16xf32>
        %parallel_loop3A_406 = arith.constant 0.000000e+00 : f32
        %parallel_loop3A_407 = vector.broadcast %parallel_loop3A_406 : f32 to vector<16xf32>
        %parallel_loop3A_408 = arith.maximumf %parallel_loop3A_405, %parallel_loop3A_407 : vector<16xf32>
        %parallel_loop3A_409 = arith.constant 1 : i32
        %parallel_loop3A_410 = arith.index_cast %parallel_loop3A_409 : i32 to index
        %parallel_loop3A_411 = arith.index_cast %parallel_loop3A_346 : i32 to index
        %parallel_loop3A_412 = arith.constant 32 : index
        %parallel_loop3A_413 = tpu.vector_load %arg10[%parallel_loop3A_410, %parallel_loop3A_411, %parallel_loop3A_412] {strides = array<i32>} : memref<2x80x128xf32, #tpu.memory_space<vmem>>, vector<1x1x16xf32>,
        %parallel_loop3A_414 = vector.shape_cast %parallel_loop3A_413 : vector<1x1x16xf32> to vector<16xf32>
        %parallel_loop3A_415 = vector.shape_cast %parallel_loop3A_408 : vector<16xf32> to vector<1x1x16xf32>
        tpu.vector_store %arg10[%parallel_loop3A_410, %parallel_loop3A_411, %parallel_loop3A_412], %parallel_loop3A_415 {strides = array<i32>} : memref<2x80x128xf32, #tpu.memory_space<vmem>>, vector<1x1x16xf32>,
        %parallel_loop3A_416 = arith.constant 1 : i32
        %parallel_loop3A_417 = arith.index_cast %parallel_loop3A_416 : i32 to index
        %parallel_loop3A_418 = arith.index_cast %parallel_loop3A_346 : i32 to index
        %parallel_loop3A_419 = arith.constant 48 : index
        %parallel_loop3A_420 = tpu.vector_load %arg10[%parallel_loop3A_417, %parallel_loop3A_418, %parallel_loop3A_419] {strides = array<i32>} : memref<2x80x128xf32, #tpu.memory_space<vmem>>, vector<1x1x16xf32>,
        %parallel_loop3A_421 = vector.shape_cast %parallel_loop3A_420 : vector<1x1x16xf32> to vector<16xf32>
        %parallel_loop3A_422 = arith.constant 1 : i32
        %parallel_loop3A_423 = arith.index_cast %parallel_loop3A_422 : i32 to index
        %parallel_loop3A_424 = arith.index_cast %parallel_loop3A_346 : i32 to index
        %parallel_loop3A_425 = arith.constant 48 : index
        %parallel_loop3A_426 = tpu.vector_load %arg11[%parallel_loop3A_423, %parallel_loop3A_424, %parallel_loop3A_425] {strides = array<i32>} : memref<2x80x128xf32, #tpu.memory_space<vmem>>, vector<1x1x16xf32>,
        %parallel_loop3A_427 = vector.shape_cast %parallel_loop3A_426 : vector<1x1x16xf32> to vector<16xf32>
        %parallel_loop3A_428 = arith.addf %parallel_loop3A_421, %parallel_loop3A_427 : vector<16xf32>
        %parallel_loop3A_429 = arith.constant 0.000000e+00 : f32
        %parallel_loop3A_430 = vector.broadcast %parallel_loop3A_429 : f32 to vector<16xf32>
        %parallel_loop3A_431 = arith.maximumf %parallel_loop3A_428, %parallel_loop3A_430 : vector<16xf32>
        %parallel_loop3A_432 = arith.constant 1 : i32
        %parallel_loop3A_433 = arith.index_cast %parallel_loop3A_432 : i32 to index
        %parallel_loop3A_434 = arith.index_cast %parallel_loop3A_346 : i32 to index
        %parallel_loop3A_435 = arith.constant 48 : index
        %parallel_loop3A_436 = tpu.vector_load %arg10[%parallel_loop3A_433, %parallel_loop3A_434, %parallel_loop3A_435] {strides = array<i32>} : memref<2x80x128xf32, #tpu.memory_space<vmem>>, vector<1x1x16xf32>,
        %parallel_loop3A_437 = vector.shape_cast %parallel_loop3A_436 : vector<1x1x16xf32> to vector<16xf32>
        %parallel_loop3A_438 = vector.shape_cast %parallel_loop3A_431 : vector<16xf32> to vector<1x1x16xf32>
        tpu.vector_store %arg10[%parallel_loop3A_433, %parallel_loop3A_434, %parallel_loop3A_435], %parallel_loop3A_438 {strides = array<i32>} : memref<2x80x128xf32, #tpu.memory_space<vmem>>, vector<1x1x16xf32>,
        %parallel_loop3A_439 = arith.constant 1 : i32
        %parallel_loop3A_440 = arith.index_cast %parallel_loop3A_439 : i32 to index
        %parallel_loop3A_441 = arith.index_cast %parallel_loop3A_346 : i32 to index
        %parallel_loop3A_442 = arith.constant 64 : index
        %parallel_loop3A_443 = tpu.vector_load %arg10[%parallel_loop3A_440, %parallel_loop3A_441, %parallel_loop3A_442] {strides = array<i32>} : memref<2x80x128xf32, #tpu.memory_space<vmem>>, vector<1x1x16xf32>,
        %parallel_loop3A_444 = vector.shape_cast %parallel_loop3A_443 : vector<1x1x16xf32> to vector<16xf32>
        %parallel_loop3A_445 = arith.constant 1 : i32
        %parallel_loop3A_446 = arith.index_cast %parallel_loop3A_445 : i32 to index
        %parallel_loop3A_447 = arith.index_cast %parallel_loop3A_346 : i32 to index
        %parallel_loop3A_448 = arith.constant 64 : index
        %parallel_loop3A_449 = tpu.vector_load %arg11[%parallel_loop3A_446, %parallel_loop3A_447, %parallel_loop3A_448] {strides = array<i32>} : memref<2x80x128xf32, #tpu.memory_space<vmem>>, vector<1x1x16xf32>,
        %parallel_loop3A_450 = vector.shape_cast %parallel_loop3A_449 : vector<1x1x16xf32> to vector<16xf32>
        %parallel_loop3A_451 = arith.addf %parallel_loop3A_444, %parallel_loop3A_450 : vector<16xf32>
        %parallel_loop3A_452 = arith.constant 0.000000e+00 : f32
        %parallel_loop3A_453 = vector.broadcast %parallel_loop3A_452 : f32 to vector<16xf32>
        %parallel_loop3A_454 = arith.maximumf %parallel_loop3A_451, %parallel_loop3A_453 : vector<16xf32>
        %parallel_loop3A_455 = arith.constant 1 : i32
        %parallel_loop3A_456 = arith.index_cast %parallel_loop3A_455 : i32 to index
        %parallel_loop3A_457 = arith.index_cast %parallel_loop3A_346 : i32 to index
        %parallel_loop3A_458 = arith.constant 64 : index
        %parallel_loop3A_459 = tpu.vector_load %arg10[%parallel_loop3A_456, %parallel_loop3A_457, %parallel_loop3A_458] {strides = array<i32>} : memref<2x80x128xf32, #tpu.memory_space<vmem>>, vector<1x1x16xf32>,
        %parallel_loop3A_460 = vector.shape_cast %parallel_loop3A_459 : vector<1x1x16xf32> to vector<16xf32>
        %parallel_loop3A_461 = vector.shape_cast %parallel_loop3A_454 : vector<16xf32> to vector<1x1x16xf32>
        tpu.vector_store %arg10[%parallel_loop3A_456, %parallel_loop3A_457, %parallel_loop3A_458], %parallel_loop3A_461 {strides = array<i32>} : memref<2x80x128xf32, #tpu.memory_space<vmem>>, vector<1x1x16xf32>,
        %parallel_loop3A_462 = arith.constant 1 : i32
        %parallel_loop3A_463 = arith.index_cast %parallel_loop3A_462 : i32 to index
        %parallel_loop3A_464 = arith.index_cast %parallel_loop3A_346 : i32 to index
        %parallel_loop3A_465 = arith.constant 80 : index
        %parallel_loop3A_466 = tpu.vector_load %arg10[%parallel_loop3A_463, %parallel_loop3A_464, %parallel_loop3A_465] {strides = array<i32>} : memref<2x80x128xf32, #tpu.memory_space<vmem>>, vector<1x1x16xf32>,
        %parallel_loop3A_467 = vector.shape_cast %parallel_loop3A_466 : vector<1x1x16xf32> to vector<16xf32>
        %parallel_loop3A_468 = arith.constant 1 : i32
        %parallel_loop3A_469 = arith.index_cast %parallel_loop3A_468 : i32 to index
        %parallel_loop3A_470 = arith.index_cast %parallel_loop3A_346 : i32 to index
        %parallel_loop3A_471 = arith.constant 80 : index
        %parallel_loop3A_472 = tpu.vector_load %arg11[%parallel_loop3A_469, %parallel_loop3A_470, %parallel_loop3A_471] {strides = array<i32>} : memref<2x80x128xf32, #tpu.memory_space<vmem>>, vector<1x1x16xf32>,
        %parallel_loop3A_473 = vector.shape_cast %parallel_loop3A_472 : vector<1x1x16xf32> to vector<16xf32>
        %parallel_loop3A_474 = arith.addf %parallel_loop3A_467, %parallel_loop3A_473 : vector<16xf32>
        %parallel_loop3A_475 = arith.constant 0.000000e+00 : f32
        %parallel_loop3A_476 = vector.broadcast %parallel_loop3A_475 : f32 to vector<16xf32>
        %parallel_loop3A_477 = arith.maximumf %parallel_loop3A_474, %parallel_loop3A_476 : vector<16xf32>
        %parallel_loop3A_478 = arith.constant 1 : i32
        %parallel_loop3A_479 = arith.index_cast %parallel_loop3A_478 : i32 to index
        %parallel_loop3A_480 = arith.index_cast %parallel_loop3A_346 : i32 to index
        %parallel_loop3A_481 = arith.constant 80 : index
        %parallel_loop3A_482 = tpu.vector_load %arg10[%parallel_loop3A_479, %parallel_loop3A_480, %parallel_loop3A_481] {strides = array<i32>} : memref<2x80x128xf32, #tpu.memory_space<vmem>>, vector<1x1x16xf32>,
        %parallel_loop3A_483 = vector.shape_cast %parallel_loop3A_482 : vector<1x1x16xf32> to vector<16xf32>
        %parallel_loop3A_484 = vector.shape_cast %parallel_loop3A_477 : vector<16xf32> to vector<1x1x16xf32>
        tpu.vector_store %arg10[%parallel_loop3A_479, %parallel_loop3A_480, %parallel_loop3A_481], %parallel_loop3A_484 {strides = array<i32>} : memref<2x80x128xf32, #tpu.memory_space<vmem>>, vector<1x1x16xf32>,
        %parallel_loop3A_485 = arith.constant 1 : i32
        %parallel_loop3A_486 = arith.index_cast %parallel_loop3A_485 : i32 to index
        %parallel_loop3A_487 = arith.index_cast %parallel_loop3A_346 : i32 to index
        %parallel_loop3A_488 = arith.constant 96 : index
        %parallel_loop3A_489 = tpu.vector_load %arg10[%parallel_loop3A_486, %parallel_loop3A_487, %parallel_loop3A_488] {strides = array<i32>} : memref<2x80x128xf32, #tpu.memory_space<vmem>>, vector<1x1x16xf32>,
        %parallel_loop3A_490 = vector.shape_cast %parallel_loop3A_489 : vector<1x1x16xf32> to vector<16xf32>
        %parallel_loop3A_491 = arith.constant 1 : i32
        %parallel_loop3A_492 = arith.index_cast %parallel_loop3A_491 : i32 to index
        %parallel_loop3A_493 = arith.index_cast %parallel_loop3A_346 : i32 to index
        %parallel_loop3A_494 = arith.constant 96 : index
        %parallel_loop3A_495 = tpu.vector_load %arg11[%parallel_loop3A_492, %parallel_loop3A_493, %parallel_loop3A_494] {strides = array<i32>} : memref<2x80x128xf32, #tpu.memory_space<vmem>>, vector<1x1x16xf32>,
        %parallel_loop3A_496 = vector.shape_cast %parallel_loop3A_495 : vector<1x1x16xf32> to vector<16xf32>
        %parallel_loop3A_497 = arith.addf %parallel_loop3A_490, %parallel_loop3A_496 : vector<16xf32>
        %parallel_loop3A_498 = arith.constant 0.000000e+00 : f32
        %parallel_loop3A_499 = vector.broadcast %parallel_loop3A_498 : f32 to vector<16xf32>
        %parallel_loop3A_500 = arith.maximumf %parallel_loop3A_497, %parallel_loop3A_499 : vector<16xf32>
        %parallel_loop3A_501 = arith.constant 1 : i32
        %parallel_loop3A_502 = arith.index_cast %parallel_loop3A_501 : i32 to index
        %parallel_loop3A_503 = arith.index_cast %parallel_loop3A_346 : i32 to index
        %parallel_loop3A_504 = arith.constant 96 : index
        %parallel_loop3A_505 = tpu.vector_load %arg10[%parallel_loop3A_502, %parallel_loop3A_503, %parallel_loop3A_504] {strides = array<i32>} : memref<2x80x128xf32, #tpu.memory_space<vmem>>, vector<1x1x16xf32>,
        %parallel_loop3A_506 = vector.shape_cast %parallel_loop3A_505 : vector<1x1x16xf32> to vector<16xf32>
        %parallel_loop3A_507 = vector.shape_cast %parallel_loop3A_500 : vector<16xf32> to vector<1x1x16xf32>
        tpu.vector_store %arg10[%parallel_loop3A_502, %parallel_loop3A_503, %parallel_loop3A_504], %parallel_loop3A_507 {strides = array<i32>} : memref<2x80x128xf32, #tpu.memory_space<vmem>>, vector<1x1x16xf32>,
        %parallel_loop3A_508 = arith.constant 1 : i32
        %parallel_loop3A_509 = arith.index_cast %parallel_loop3A_508 : i32 to index
        %parallel_loop3A_510 = arith.index_cast %parallel_loop3A_346 : i32 to index
        %parallel_loop3A_511 = arith.constant 112 : index
        %parallel_loop3A_512 = tpu.vector_load %arg10[%parallel_loop3A_509, %parallel_loop3A_510, %parallel_loop3A_511] {strides = array<i32>} : memref<2x80x128xf32, #tpu.memory_space<vmem>>, vector<1x1x16xf32>,
        %parallel_loop3A_513 = vector.shape_cast %parallel_loop3A_512 : vector<1x1x16xf32> to vector<16xf32>
        %parallel_loop3A_514 = arith.constant 1 : i32
        %parallel_loop3A_515 = arith.index_cast %parallel_loop3A_514 : i32 to index
        %parallel_loop3A_516 = arith.index_cast %parallel_loop3A_346 : i32 to index
        %parallel_loop3A_517 = arith.constant 112 : index
        %parallel_loop3A_518 = tpu.vector_load %arg11[%parallel_loop3A_515, %parallel_loop3A_516, %parallel_loop3A_517] {strides = array<i32>} : memref<2x80x128xf32, #tpu.memory_space<vmem>>, vector<1x1x16xf32>,
        %parallel_loop3A_519 = vector.shape_cast %parallel_loop3A_518 : vector<1x1x16xf32> to vector<16xf32>
        %parallel_loop3A_520 = arith.addf %parallel_loop3A_513, %parallel_loop3A_519 : vector<16xf32>
        %parallel_loop3A_521 = arith.constant 0.000000e+00 : f32
        %parallel_loop3A_522 = vector.broadcast %parallel_loop3A_521 : f32 to vector<16xf32>
        %parallel_loop3A_523 = arith.maximumf %parallel_loop3A_520, %parallel_loop3A_522 : vector<16xf32>
        %parallel_loop3A_524 = arith.constant 1 : i32
        %parallel_loop3A_525 = arith.index_cast %parallel_loop3A_524 : i32 to index
        %parallel_loop3A_526 = arith.index_cast %parallel_loop3A_346 : i32 to index
        %parallel_loop3A_527 = arith.constant 112 : index
        %parallel_loop3A_528 = tpu.vector_load %arg10[%parallel_loop3A_525, %parallel_loop3A_526, %parallel_loop3A_527] {strides = array<i32>} : memref<2x80x128xf32, #tpu.memory_space<vmem>>, vector<1x1x16xf32>,
        %parallel_loop3A_529 = vector.shape_cast %parallel_loop3A_528 : vector<1x1x16xf32> to vector<16xf32>
        %parallel_loop3A_530 = vector.shape_cast %parallel_loop3A_523 : vector<16xf32> to vector<1x1x16xf32>
        tpu.vector_store %arg10[%parallel_loop3A_525, %parallel_loop3A_526, %parallel_loop3A_527], %parallel_loop3A_530 {strides = array<i32>} : memref<2x80x128xf32, #tpu.memory_space<vmem>>, vector<1x1x16xf32>,
      } {sc.loop_unroll_factor = 4 : i64, sc.parallel_access}
      %dma_start3A_333 = arith.constant 1 : i32
      %dma_start3A_334 = arith.constant 1 : i32
      %dma_start3A_335 = arith.constant 0 : i32
      %dma_start3A_336 = arith.constant 0 : i32
      %dma_start3A_337 = tpu.memref_slice %arg10[%dma_start3A_333, %dma_start3A_335, %dma_start3A_336] : memref<2x80x128xf32, #tpu.memory_space<vmem>> -> memref<1x80x128xf32, #tpu.memory_space<vmem>>
      %dma_start3A_338 = tpu.memref_squeeze %dma_start3A_337 : memref<1x80x128xf32, #tpu.memory_space<vmem>> -> memref<80x128xf32, #tpu.memory_space<vmem>>
      %dma_start3A_339 = arith.constant 0 : i32
      %dma_start3A_340 = tpu.memref_slice %arg9[%dma_start3A_334, %dma_start3A_339] : memref<2x80xi32, #tpu.memory_space<vmem>> -> memref<1x80xi32, #tpu.memory_space<vmem>>
      %dma_start3A_341 = tpu.memref_squeeze %dma_start3A_340 : memref<1x80xi32, #tpu.memory_space<vmem>> -> memref<80xi32, #tpu.memory_space<vmem>>
      %dma_start3A_342 = arith.constant 0 : i32
      %dma_start3A_343 = arith.constant 0 : i32
      %dma_start3A_344 = tpu.memref_slice %arg7[%dma_start3A_342, %dma_start3A_343] : memref<10240x128xf32, #tpu.memory_space<vmem_shared>> -> memref<10240x128xf32, #tpu.memory_space<vmem_shared>>
      tpu.enqueue_indirect_dma source(%dma_start3A_338 : memref<80x128xf32, #tpu.memory_space<vmem>>) target(%dma_start3A_344 : memref<10240x128xf32, #tpu.memory_space<vmem_shared>>) offsets(%dma_start3A_341 : memref<80xi32, #tpu.memory_space<vmem>>) semaphore(%arg19 : memref<!tpu.dma_semaphore, #tpu.memory_space<semaphore_mem>>) {add = true}
      %scan3A_345 = arith.constant 0 : i32
      scf.yield %scan3A_345 : i32
    }
    %scan3A_168 = arith.constant 64 : i32
    %dma_wait3A = arith.constant 1 : i32
    %dma_wait3A_169 = arith.constant 1 : i32
    %dma_wait3A_170 = arith.constant 0 : i32
    %dma_wait3A_171 = arith.constant 0 : i32
    %dma_wait3A_172 = tpu.memref_slice %arg10[%dma_wait3A, %dma_wait3A_170, %dma_wait3A_171] : memref<2x80x128xf32, #tpu.memory_space<vmem>> -> memref<1x80x128xf32, #tpu.memory_space<vmem>>
    %dma_wait3A_173 = tpu.memref_squeeze %dma_wait3A_172 : memref<1x80x128xf32, #tpu.memory_space<vmem>> -> memref<80x128xf32, #tpu.memory_space<vmem>>
    %dma_wait3A_174 = arith.constant 0 : i32
    %dma_wait3A_175 = tpu.memref_slice %arg9[%dma_wait3A_169, %dma_wait3A_174] : memref<2x80xi32, #tpu.memory_space<vmem>> -> memref<1x80xi32, #tpu.memory_space<vmem>>
    %dma_wait3A_176 = tpu.memref_squeeze %dma_wait3A_175 : memref<1x80xi32, #tpu.memory_space<vmem>> -> memref<80xi32, #tpu.memory_space<vmem>>
    %dma_wait3A_177 = arith.constant 0 : i32
    %dma_wait3A_178 = arith.constant 0 : i32
    %dma_wait3A_179 = tpu.memref_slice %arg7[%dma_wait3A_177, %dma_wait3A_178] : memref<10240x128xf32, #tpu.memory_space<vmem_shared>> -> memref<10240x128xf32, #tpu.memory_space<vmem_shared>>
    tpu.wait_indirect_dma semaphore(%arg19 : memref<!tpu.dma_semaphore, #tpu.memory_space<semaphore_mem>>) src(%dma_wait3A_173 : memref<80x128xf32, #tpu.memory_space<vmem>>) dst(%dma_wait3A_179 : memref<10240x128xf32, #tpu.memory_space<vmem_shared>>)
    %barrier3A_180 = arith.constant 0 : index
    tpu.barrier barrier_id(%barrier3A_180)
    "tpu.region"() ({
      %run_scoped3A_181 = tpu.sem_alloc : memref<!tpu.dma_semaphore, #tpu.memory_space<semaphore_mem>>
      %dma_start3A_182 = arith.constant 0 : i32
      %dma_start3A_183 = tpu.memref_slice %arg6[%arg0, %mul3A_162, %dma_start3A_182] : memref<2x10240x128xf32, #tpu.memory_space<hbm>> -> memref<1x640x128xf32, #tpu.memory_space<hbm>>
      %dma_start3A_184 = tpu.memref_squeeze %dma_start3A_183 : memref<1x640x128xf32, #tpu.memory_space<hbm>> -> memref<640x128xf32, #tpu.memory_space<hbm>>
      %dma_start3A_185 = arith.constant 0 : i32
      %dma_start3A_186 = tpu.memref_slice %arg7[%mul3A_162, %dma_start3A_185] : memref<10240x128xf32, #tpu.memory_space<vmem_shared>> -> memref<640x128xf32, #tpu.memory_space<vmem_shared>>
      tpu.enqueue_dma source(%dma_start3A_186 : memref<640x128xf32, #tpu.memory_space<vmem_shared>>) target(%dma_start3A_184 : memref<640x128xf32, #tpu.memory_space<hbm>>) target_semaphore(%run_scoped3A_181 : memref<!tpu.dma_semaphore, #tpu.memory_space<semaphore_mem>>)
      %dma_wait3A_187 = arith.constant 0 : i32
      %dma_wait3A_188 = tpu.memref_slice %arg6[%arg0, %mul3A_162, %dma_wait3A_187] : memref<2x10240x128xf32, #tpu.memory_space<hbm>> -> memref<1x640x128xf32, #tpu.memory_space<hbm>>
      %dma_wait3A_189 = tpu.memref_squeeze %dma_wait3A_188 : memref<1x640x128xf32, #tpu.memory_space<hbm>> -> memref<640x128xf32, #tpu.memory_space<hbm>>
      %dma_wait3A_190 = arith.constant 0 : i32
      %dma_wait3A_191 = tpu.memref_slice %arg7[%mul3A_162, %dma_wait3A_190] : memref<10240x128xf32, #tpu.memory_space<vmem_shared>> -> memref<640x128xf32, #tpu.memory_space<vmem_shared>>
      tpu.wait_dma2 semaphore(%run_scoped3A_181 : memref<!tpu.dma_semaphore, #tpu.memory_space<semaphore_mem>>) src(%dma_wait3A_191 : memref<640x128xf32, #tpu.memory_space<vmem_shared>>) dst(%dma_wait3A_189 : memref<640x128xf32, #tpu.memory_space<hbm>>)
      tpu.yield
    }) : () -> ()
    return
  }
}

#map = affine_map<(d0, d1) -> (0, 0)>
#map1 = affine_map<(d0, d1) -> (0, 0, 0)>
module attributes {stable_mosaic.version = 14 : i64} {
  func.func @_sc_aggregate(%arg0: i32, %arg1: i32, %arg2: memref<10000x128xf32, #tpu.memory_space<hbm>>, %arg3: memref<4096x2x128xi32, #tpu.memory_space<hbm>>, %arg4: memref<327680x128xf32, #tpu.memory_space<hbm>>, %arg5: memref<10240x128xf32, #tpu.memory_space<hbm>>, %arg6: memref<2x10240x128xf32, #tpu.memory_space<hbm>>, %arg7: memref<10240x128xf32, #tpu.memory_space<vmem_shared>>, %arg8: memref<2x2x128xi32, #tpu.memory_space<vmem>>, %arg9: memref<2x80xi32, #tpu.memory_space<vmem>>, %arg10: memref<2x80x128xf32, #tpu.memory_space<vmem>>, %arg11: memref<2x80x128xf32, #tpu.memory_space<vmem>>, %arg12: memref<!tpu.dma_semaphore, #tpu.memory_space<semaphore_mem>>, %arg13: memref<!tpu.dma_semaphore, #tpu.memory_space<semaphore_mem>>, %arg14: memref<!tpu.dma_semaphore, #tpu.memory_space<semaphore_mem>>, %arg15: memref<!tpu.dma_semaphore, #tpu.memory_space<semaphore_mem>>, %arg16: memref<!tpu.dma_semaphore, #tpu.memory_space<semaphore_mem>>, %arg17: memref<!tpu.dma_semaphore, #tpu.memory_space<semaphore_mem>>, %arg18: memref<!tpu.dma_semaphore, #tpu.memory_space<semaphore_mem>>, %arg19: memref<!tpu.dma_semaphore, #tpu.memory_space<semaphore_mem>>) attributes {dimension_semantics = [#tpu.dimension_semantics<core_parallel>, #tpu.dimension_semantics<subcore_parallel>], iteration_bounds = array<i64: 2, 16>, scalar_prefetch = 0 : i64, scratch_operands = 13 : i64, tpu.core_type = #tpu.core_type<sc_vector_subcore>, window_params = [{transform_indices = #map}, {transform_indices = #map1}, {transform_indices = #map}, {transform_indices = #map}, {transform_indices = #map1}]} {
    %mul3A = arith.constant 2 : i32
    %mul3A_0 = arith.muli %arg1, %mul3A : i32
    %add3A = arith.addi %mul3A_0, %arg0 : i32
    %mul3A_1 = arith.constant 10240 : i32
    %mul3A_2 = arith.muli %add3A, %mul3A_1 : i32
    %mul3A_3 = arith.constant 128 : i32
    %mul3A_4 = arith.muli %add3A, %mul3A_3 : i32
    %run_scoped3A = arith.constant 0 : i32
    "tpu.region"() ({
      %run_scoped3A_181 = tpu.sem_alloc : memref<!tpu.dma_semaphore, #tpu.memory_space<semaphore_mem>>
      %dma_start3A_182 = arith.constant 0 : i32
      %dma_start3A_183 = arith.constant 0 : i32
      %dma_start3A_184 = tpu.memref_slice %arg8[%run_scoped3A, %dma_start3A_182, %dma_start3A_183] : memref<2x2x128xi32, #tpu.memory_space<vmem>> -> memref<1x2x128xi32, #tpu.memory_space<vmem>>
      %dma_start3A_185 = tpu.memref_squeeze %dma_start3A_184 : memref<1x2x128xi32, #tpu.memory_space<vmem>> -> memref<2x128xi32, #tpu.memory_space<vmem>>
      %dma_start3A_186 = arith.constant 0 : i32
      %dma_start3A_187 = arith.constant 0 : i32
      %dma_start3A_188 = tpu.memref_slice %arg3[%mul3A_4, %dma_start3A_186, %dma_start3A_187] : memref<4096x2x128xi32, #tpu.memory_space<hbm>> -> memref<1x2x128xi32, #tpu.memory_space<hbm>>
      %dma_start3A_189 = tpu.memref_squeeze %dma_start3A_188 : memref<1x2x128xi32, #tpu.memory_space<hbm>> -> memref<2x128xi32, #tpu.memory_space<hbm>>
      %dma_start3A_190 = arith.constant 0 : i32
      %dma_start3A_191 = arith.constant 0 : i32
      %dma_start3A_192 = tpu.memref_slice %arg8[%run_scoped3A, %dma_start3A_190, %dma_start3A_191] : memref<2x2x128xi32, #tpu.memory_space<vmem>> -> memref<1x2x128xi32, #tpu.memory_space<vmem>>
      %dma_start3A_193 = tpu.memref_squeeze %dma_start3A_192 : memref<1x2x128xi32, #tpu.memory_space<vmem>> -> memref<2x128xi32, #tpu.memory_space<vmem>>
      %dma_start3A_194 = arith.constant 0 : i32
      %dma_start3A_195 = arith.constant 0 : i32
      %dma_start3A_196 = tpu.memref_slice %arg3[%mul3A_4, %dma_start3A_194, %dma_start3A_195] : memref<4096x2x128xi32, #tpu.memory_space<hbm>> -> memref<1x2x128xi32, #tpu.memory_space<hbm>>
      %dma_start3A_197 = tpu.memref_squeeze %dma_start3A_196 : memref<1x2x128xi32, #tpu.memory_space<hbm>> -> memref<2x128xi32, #tpu.memory_space<hbm>>
      tpu.enqueue_dma source(%dma_start3A_197 : memref<2x128xi32, #tpu.memory_space<hbm>>) target(%dma_start3A_193 : memref<2x128xi32, #tpu.memory_space<vmem>>) target_semaphore(%run_scoped3A_181 : memref<!tpu.dma_semaphore, #tpu.memory_space<semaphore_mem>>)
      %dma_wait3A_198 = arith.constant 0 : i32
      %dma_wait3A_199 = arith.constant 0 : i32
      %dma_wait3A_200 = tpu.memref_slice %arg8[%run_scoped3A, %dma_wait3A_198, %dma_wait3A_199] : memref<2x2x128xi32, #tpu.memory_space<vmem>> -> memref<1x2x128xi32, #tpu.memory_space<vmem>>
      %dma_wait3A_201 = tpu.memref_squeeze %dma_wait3A_200 : memref<1x2x128xi32, #tpu.memory_space<vmem>> -> memref<2x128xi32, #tpu.memory_space<vmem>>
      %dma_wait3A_202 = arith.constant 0 : i32
      %dma_wait3A_203 = arith.constant 0 : i32
      %dma_wait3A_204 = tpu.memref_slice %arg3[%mul3A_4, %dma_wait3A_202, %dma_wait3A_203] : memref<4096x2x128xi32, #tpu.memory_space<hbm>> -> memref<1x2x128xi32, #tpu.memory_space<hbm>>
      %dma_wait3A_205 = tpu.memref_squeeze %dma_wait3A_204 : memref<1x2x128xi32, #tpu.memory_space<hbm>> -> memref<2x128xi32, #tpu.memory_space<hbm>>
      %dma_wait3A_206 = arith.constant 0 : i32
      %dma_wait3A_207 = arith.constant 0 : i32
      %dma_wait3A_208 = tpu.memref_slice %arg8[%run_scoped3A, %dma_wait3A_206, %dma_wait3A_207] : memref<2x2x128xi32, #tpu.memory_space<vmem>> -> memref<1x2x128xi32, #tpu.memory_space<vmem>>
      %dma_wait3A_209 = tpu.memref_squeeze %dma_wait3A_208 : memref<1x2x128xi32, #tpu.memory_space<vmem>> -> memref<2x128xi32, #tpu.memory_space<vmem>>
      %dma_wait3A_210 = arith.constant 0 : i32
      %dma_wait3A_211 = arith.constant 0 : i32
      %dma_wait3A_212 = tpu.memref_slice %arg3[%mul3A_4, %dma_wait3A_210, %dma_wait3A_211] : memref<4096x2x128xi32, #tpu.memory_space<hbm>> -> memref<1x2x128xi32, #tpu.memory_space<hbm>>
      %dma_wait3A_213 = tpu.memref_squeeze %dma_wait3A_212 : memref<1x2x128xi32, #tpu.memory_space<hbm>> -> memref<2x128xi32, #tpu.memory_space<hbm>>
      tpu.wait_dma2 semaphore(%run_scoped3A_181 : memref<!tpu.dma_semaphore, #tpu.memory_space<semaphore_mem>>) src(%dma_wait3A_213 : memref<2x128xi32, #tpu.memory_space<hbm>>) dst(%dma_wait3A_209 : memref<2x128xi32, #tpu.memory_space<vmem>>)
      tpu.yield
    }) : () -> ()
    %add3A_5 = arith.constant 1 : i32
    %add3A_6 = arith.addi %mul3A_4, %add3A_5 : i32
    %run_scoped3A_7 = arith.constant 1 : i32
    "tpu.region"() ({
      %run_scoped3A_181 = tpu.sem_alloc : memref<!tpu.dma_semaphore, #tpu.memory_space<semaphore_mem>>
      %dma_start3A_182 = arith.constant 0 : i32
      %dma_start3A_183 = arith.constant 0 : i32
      %dma_start3A_184 = tpu.memref_slice %arg8[%run_scoped3A_7, %dma_start3A_182, %dma_start3A_183] : memref<2x2x128xi32, #tpu.memory_space<vmem>> -> memref<1x2x128xi32, #tpu.memory_space<vmem>>
      %dma_start3A_185 = tpu.memref_squeeze %dma_start3A_184 : memref<1x2x128xi32, #tpu.memory_space<vmem>> -> memref<2x128xi32, #tpu.memory_space<vmem>>
      %dma_start3A_186 = arith.constant 0 : i32
      %dma_start3A_187 = arith.constant 0 : i32
      %dma_start3A_188 = tpu.memref_slice %arg3[%add3A_6, %dma_start3A_186, %dma_start3A_187] : memref<4096x2x128xi32, #tpu.memory_space<hbm>> -> memref<1x2x128xi32, #tpu.memory_space<hbm>>
      %dma_start3A_189 = tpu.memref_squeeze %dma_start3A_188 : memref<1x2x128xi32, #tpu.memory_space<hbm>> -> memref<2x128xi32, #tpu.memory_space<hbm>>
      %dma_start3A_190 = arith.constant 0 : i32
      %dma_start3A_191 = arith.constant 0 : i32
      %dma_start3A_192 = tpu.memref_slice %arg8[%run_scoped3A_7, %dma_start3A_190, %dma_start3A_191] : memref<2x2x128xi32, #tpu.memory_space<vmem>> -> memref<1x2x128xi32, #tpu.memory_space<vmem>>
      %dma_start3A_193 = tpu.memref_squeeze %dma_start3A_192 : memref<1x2x128xi32, #tpu.memory_space<vmem>> -> memref<2x128xi32, #tpu.memory_space<vmem>>
      %dma_start3A_194 = arith.constant 0 : i32
      %dma_start3A_195 = arith.constant 0 : i32
      %dma_start3A_196 = tpu.memref_slice %arg3[%add3A_6, %dma_start3A_194, %dma_start3A_195] : memref<4096x2x128xi32, #tpu.memory_space<hbm>> -> memref<1x2x128xi32, #tpu.memory_space<hbm>>
      %dma_start3A_197 = tpu.memref_squeeze %dma_start3A_196 : memref<1x2x128xi32, #tpu.memory_space<hbm>> -> memref<2x128xi32, #tpu.memory_space<hbm>>
      tpu.enqueue_dma source(%dma_start3A_197 : memref<2x128xi32, #tpu.memory_space<hbm>>) target(%dma_start3A_193 : memref<2x128xi32, #tpu.memory_space<vmem>>) target_semaphore(%run_scoped3A_181 : memref<!tpu.dma_semaphore, #tpu.memory_space<semaphore_mem>>)
      %dma_wait3A_198 = arith.constant 0 : i32
      %dma_wait3A_199 = arith.constant 0 : i32
      %dma_wait3A_200 = tpu.memref_slice %arg8[%run_scoped3A_7, %dma_wait3A_198, %dma_wait3A_199] : memref<2x2x128xi32, #tpu.memory_space<vmem>> -> memref<1x2x128xi32, #tpu.memory_space<vmem>>
      %dma_wait3A_201 = tpu.memref_squeeze %dma_wait3A_200 : memref<1x2x128xi32, #tpu.memory_space<vmem>> -> memref<2x128xi32, #tpu.memory_space<vmem>>
      %dma_wait3A_202 = arith.constant 0 : i32
      %dma_wait3A_203 = arith.constant 0 : i32
      %dma_wait3A_204 = tpu.memref_slice %arg3[%add3A_6, %dma_wait3A_202, %dma_wait3A_203] : memref<4096x2x128xi32, #tpu.memory_space<hbm>> -> memref<1x2x128xi32, #tpu.memory_space<hbm>>
      %dma_wait3A_205 = tpu.memref_squeeze %dma_wait3A_204 : memref<1x2x128xi32, #tpu.memory_space<hbm>> -> memref<2x128xi32, #tpu.memory_space<hbm>>
      %dma_wait3A_206 = arith.constant 0 : i32
      %dma_wait3A_207 = arith.constant 0 : i32
      %dma_wait3A_208 = tpu.memref_slice %arg8[%run_scoped3A_7, %dma_wait3A_206, %dma_wait3A_207] : memref<2x2x128xi32, #tpu.memory_space<vmem>> -> memref<1x2x128xi32, #tpu.memory_space<vmem>>
      %dma_wait3A_209 = tpu.memref_squeeze %dma_wait3A_208 : memref<1x2x128xi32, #tpu.memory_space<vmem>> -> memref<2x128xi32, #tpu.memory_space<vmem>>
      %dma_wait3A_210 = arith.constant 0 : i32
      %dma_wait3A_211 = arith.constant 0 : i32
      %dma_wait3A_212 = tpu.memref_slice %arg3[%add3A_6, %dma_wait3A_210, %dma_wait3A_211] : memref<4096x2x128xi32, #tpu.memory_space<hbm>> -> memref<1x2x128xi32, #tpu.memory_space<hbm>>
      %dma_wait3A_213 = tpu.memref_squeeze %dma_wait3A_212 : memref<1x2x128xi32, #tpu.memory_space<hbm>> -> memref<2x128xi32, #tpu.memory_space<hbm>>
      tpu.wait_dma2 semaphore(%run_scoped3A_181 : memref<!tpu.dma_semaphore, #tpu.memory_space<semaphore_mem>>) src(%dma_wait3A_213 : memref<2x128xi32, #tpu.memory_space<hbm>>) dst(%dma_wait3A_209 : memref<2x128xi32, #tpu.memory_space<vmem>>)
      tpu.yield
    }) : () -> ()
    %get3A = arith.constant 0 : i32
    %get3A_8 = arith.constant 1 : i32
    %get3A_9 = arith.index_cast %get3A : i32 to index
    %get3A_10 = arith.index_cast %get3A_8 : i32 to index
    %get3A_11 = arith.constant 0 : index
    %get3A_12 = tpu.vector_load %arg8[%get3A_9, %get3A_10, %get3A_11] {strides = array<i32>} : memref<2x2x128xi32, #tpu.memory_space<vmem>>, vector<1x1x16xi32>,
    %get3A_13 = vector.shape_cast %get3A_12 : vector<1x1x16xi32> to vector<16xi32>
    %swap3A = arith.constant 0 : i32
    %swap3A_14 = arith.index_cast %swap3A : i32 to index
    %swap3A_15 = arith.constant 0 : index
    %swap3A_16 = tpu.vector_load %arg9[%swap3A_14, %swap3A_15] {strides = array<i32>} : memref<2x80xi32, #tpu.memory_space<vmem>>, vector<1x16xi32>,
    %swap3A_17 = vector.shape_cast %swap3A_16 : vector<1x16xi32> to vector<16xi32>
    %swap3A_18 = vector.shape_cast %get3A_13 : vector<16xi32> to vector<1x16xi32>
    tpu.vector_store %arg9[%swap3A_14, %swap3A_15], %swap3A_18 {strides = array<i32>} : memref<2x80xi32, #tpu.memory_space<vmem>>, vector<1x16xi32>,
    %get3A_19 = arith.constant 0 : i32
    %get3A_20 = arith.constant 1 : i32
    %get3A_21 = arith.index_cast %get3A_19 : i32 to index
    %get3A_22 = arith.index_cast %get3A_20 : i32 to index
    %get3A_23 = arith.constant 16 : index
    %get3A_24 = tpu.vector_load %arg8[%get3A_21, %get3A_22, %get3A_23] {strides = array<i32>} : memref<2x2x128xi32, #tpu.memory_space<vmem>>, vector<1x1x16xi32>,
    %get3A_25 = vector.shape_cast %get3A_24 : vector<1x1x16xi32> to vector<16xi32>
    %swap3A_26 = arith.constant 0 : i32
    %swap3A_27 = arith.index_cast %swap3A_26 : i32 to index
    %swap3A_28 = arith.constant 16 : index
    %swap3A_29 = tpu.vector_load %arg9[%swap3A_27, %swap3A_28] {strides = array<i32>} : memref<2x80xi32, #tpu.memory_space<vmem>>, vector<1x16xi32>,
    %swap3A_30 = vector.shape_cast %swap3A_29 : vector<1x16xi32> to vector<16xi32>
    %swap3A_31 = vector.shape_cast %get3A_25 : vector<16xi32> to vector<1x16xi32>
    tpu.vector_store %arg9[%swap3A_27, %swap3A_28], %swap3A_31 {strides = array<i32>} : memref<2x80xi32, #tpu.memory_space<vmem>>, vector<1x16xi32>,
    %get3A_32 = arith.constant 0 : i32
    %get3A_33 = arith.constant 1 : i32
    %get3A_34 = arith.index_cast %get3A_32 : i32 to index
    %get3A_35 = arith.index_cast %get3A_33 : i32 to index
    %get3A_36 = arith.constant 32 : index
    %get3A_37 = tpu.vector_load %arg8[%get3A_34, %get3A_35, %get3A_36] {strides = array<i32>} : memref<2x2x128xi32, #tpu.memory_space<vmem>>, vector<1x1x16xi32>,
    %get3A_38 = vector.shape_cast %get3A_37 : vector<1x1x16xi32> to vector<16xi32>
    %swap3A_39 = arith.constant 0 : i32
    %swap3A_40 = arith.index_cast %swap3A_39 : i32 to index
    %swap3A_41 = arith.constant 32 : index
    %swap3A_42 = tpu.vector_load %arg9[%swap3A_40, %swap3A_41] {strides = array<i32>} : memref<2x80xi32, #tpu.memory_space<vmem>>, vector<1x16xi32>,
    %swap3A_43 = vector.shape_cast %swap3A_42 : vector<1x16xi32> to vector<16xi32>
    %swap3A_44 = vector.shape_cast %get3A_38 : vector<16xi32> to vector<1x16xi32>
    tpu.vector_store %arg9[%swap3A_40, %swap3A_41], %swap3A_44 {strides = array<i32>} : memref<2x80xi32, #tpu.memory_space<vmem>>, vector<1x16xi32>,
    %get3A_45 = arith.constant 0 : i32
    %get3A_46 = arith.constant 1 : i32
    %get3A_47 = arith.index_cast %get3A_45 : i32 to index
    %get3A_48 = arith.index_cast %get3A_46 : i32 to index
    %get3A_49 = arith.constant 48 : index
    %get3A_50 = tpu.vector_load %arg8[%get3A_47, %get3A_48, %get3A_49] {strides = array<i32>} : memref<2x2x128xi32, #tpu.memory_space<vmem>>, vector<1x1x16xi32>,
    %get3A_51 = vector.shape_cast %get3A_50 : vector<1x1x16xi32> to vector<16xi32>
    %swap3A_52 = arith.constant 0 : i32
    %swap3A_53 = arith.index_cast %swap3A_52 : i32 to index
    %swap3A_54 = arith.constant 48 : index
    %swap3A_55 = tpu.vector_load %arg9[%swap3A_53, %swap3A_54] {strides = array<i32>} : memref<2x80xi32, #tpu.memory_space<vmem>>, vector<1x16xi32>,
    %swap3A_56 = vector.shape_cast %swap3A_55 : vector<1x16xi32> to vector<16xi32>
    %swap3A_57 = vector.shape_cast %get3A_51 : vector<16xi32> to vector<1x16xi32>
    tpu.vector_store %arg9[%swap3A_53, %swap3A_54], %swap3A_57 {strides = array<i32>} : memref<2x80xi32, #tpu.memory_space<vmem>>, vector<1x16xi32>,
    %get3A_58 = arith.constant 0 : i32
    %get3A_59 = arith.constant 1 : i32
    %get3A_60 = arith.index_cast %get3A_58 : i32 to index
    %get3A_61 = arith.index_cast %get3A_59 : i32 to index
    %get3A_62 = arith.constant 64 : index
    %get3A_63 = tpu.vector_load %arg8[%get3A_60, %get3A_61, %get3A_62] {strides = array<i32>} : memref<2x2x128xi32, #tpu.memory_space<vmem>>, vector<1x1x16xi32>,
    %get3A_64 = vector.shape_cast %get3A_63 : vector<1x1x16xi32> to vector<16xi32>
    %swap3A_65 = arith.constant 0 : i32
    %swap3A_66 = arith.index_cast %swap3A_65 : i32 to index
    %swap3A_67 = arith.constant 64 : index
    %swap3A_68 = tpu.vector_load %arg9[%swap3A_66, %swap3A_67] {strides = array<i32>} : memref<2x80xi32, #tpu.memory_space<vmem>>, vector<1x16xi32>,
    %swap3A_69 = vector.shape_cast %swap3A_68 : vector<1x16xi32> to vector<16xi32>
    %swap3A_70 = vector.shape_cast %get3A_64 : vector<16xi32> to vector<1x16xi32>
    tpu.vector_store %arg9[%swap3A_66, %swap3A_67], %swap3A_70 {strides = array<i32>} : memref<2x80xi32, #tpu.memory_space<vmem>>, vector<1x16xi32>,
    %get3A_71 = arith.constant 1 : i32
    %get3A_72 = arith.constant 1 : i32
    %get3A_73 = arith.index_cast %get3A_71 : i32 to index
    %get3A_74 = arith.index_cast %get3A_72 : i32 to index
    %get3A_75 = arith.constant 0 : index
    %get3A_76 = tpu.vector_load %arg8[%get3A_73, %get3A_74, %get3A_75] {strides = array<i32>} : memref<2x2x128xi32, #tpu.memory_space<vmem>>, vector<1x1x16xi32>,
    %get3A_77 = vector.shape_cast %get3A_76 : vector<1x1x16xi32> to vector<16xi32>
    %swap3A_78 = arith.constant 1 : i32
    %swap3A_79 = arith.index_cast %swap3A_78 : i32 to index
    %swap3A_80 = arith.constant 0 : index
    %swap3A_81 = tpu.vector_load %arg9[%swap3A_79, %swap3A_80] {strides = array<i32>} : memref<2x80xi32, #tpu.memory_space<vmem>>, vector<1x16xi32>,
    %swap3A_82 = vector.shape_cast %swap3A_81 : vector<1x16xi32> to vector<16xi32>
    %swap3A_83 = vector.shape_cast %get3A_77 : vector<16xi32> to vector<1x16xi32>
    tpu.vector_store %arg9[%swap3A_79, %swap3A_80], %swap3A_83 {strides = array<i32>} : memref<2x80xi32, #tpu.memory_space<vmem>>, vector<1x16xi32>,
    %get3A_84 = arith.constant 1 : i32
    %get3A_85 = arith.constant 1 : i32
    %get3A_86 = arith.index_cast %get3A_84 : i32 to index
    %get3A_87 = arith.index_cast %get3A_85 : i32 to index
    %get3A_88 = arith.constant 16 : index
    %get3A_89 = tpu.vector_load %arg8[%get3A_86, %get3A_87, %get3A_88] {strides = array<i32>} : memref<2x2x128xi32, #tpu.memory_space<vmem>>, vector<1x1x16xi32>,
    %get3A_90 = vector.shape_cast %get3A_89 : vector<1x1x16xi32> to vector<16xi32>
    %swap3A_91 = arith.constant 1 : i32
    %swap3A_92 = arith.index_cast %swap3A_91 : i32 to index
    %swap3A_93 = arith.constant 16 : index
    %swap3A_94 = tpu.vector_load %arg9[%swap3A_92, %swap3A_93] {strides = array<i32>} : memref<2x80xi32, #tpu.memory_space<vmem>>, vector<1x16xi32>,
    %swap3A_95 = vector.shape_cast %swap3A_94 : vector<1x16xi32> to vector<16xi32>
    %swap3A_96 = vector.shape_cast %get3A_90 : vector<16xi32> to vector<1x16xi32>
    tpu.vector_store %arg9[%swap3A_92, %swap3A_93], %swap3A_96 {strides = array<i32>} : memref<2x80xi32, #tpu.memory_space<vmem>>, vector<1x16xi32>,
    %get3A_97 = arith.constant 1 : i32
    %get3A_98 = arith.constant 1 : i32
    %get3A_99 = arith.index_cast %get3A_97 : i32 to index
    %get3A_100 = arith.index_cast %get3A_98 : i32 to index
    %get3A_101 = arith.constant 32 : index
    %get3A_102 = tpu.vector_load %arg8[%get3A_99, %get3A_100, %get3A_101] {strides = array<i32>} : memref<2x2x128xi32, #tpu.memory_space<vmem>>, vector<1x1x16xi32>,
    %get3A_103 = vector.shape_cast %get3A_102 : vector<1x1x16xi32> to vector<16xi32>
    %swap3A_104 = arith.constant 1 : i32
    %swap3A_105 = arith.index_cast %swap3A_104 : i32 to index
    %swap3A_106 = arith.constant 32 : index
    %swap3A_107 = tpu.vector_load %arg9[%swap3A_105, %swap3A_106] {strides = array<i32>} : memref<2x80xi32, #tpu.memory_space<vmem>>, vector<1x16xi32>,
    %swap3A_108 = vector.shape_cast %swap3A_107 : vector<1x16xi32> to vector<16xi32>
    %swap3A_109 = vector.shape_cast %get3A_103 : vector<16xi32> to vector<1x16xi32>
    tpu.vector_store %arg9[%swap3A_105, %swap3A_106], %swap3A_109 {strides = array<i32>} : memref<2x80xi32, #tpu.memory_space<vmem>>, vector<1x16xi32>,
    %get3A_110 = arith.constant 1 : i32
    %get3A_111 = arith.constant 1 : i32
    %get3A_112 = arith.index_cast %get3A_110 : i32 to index
    %get3A_113 = arith.index_cast %get3A_111 : i32 to index
    %get3A_114 = arith.constant 48 : index
    %get3A_115 = tpu.vector_load %arg8[%get3A_112, %get3A_113, %get3A_114] {strides = array<i32>} : memref<2x2x128xi32, #tpu.memory_space<vmem>>, vector<1x1x16xi32>,
    %get3A_116 = vector.shape_cast %get3A_115 : vector<1x1x16xi32> to vector<16xi32>
    %swap3A_117 = arith.constant 1 : i32
    %swap3A_118 = arith.index_cast %swap3A_117 : i32 to index
    %swap3A_119 = arith.constant 48 : index
    %swap3A_120 = tpu.vector_load %arg9[%swap3A_118, %swap3A_119] {strides = array<i32>} : memref<2x80xi32, #tpu.memory_space<vmem>>, vector<1x16xi32>,
    %swap3A_121 = vector.shape_cast %swap3A_120 : vector<1x16xi32> to vector<16xi32>
    %swap3A_122 = vector.shape_cast %get3A_116 : vector<16xi32> to vector<1x16xi32>
    tpu.vector_store %arg9[%swap3A_118, %swap3A_119], %swap3A_122 {strides = array<i32>} : memref<2x80xi32, #tpu.memory_space<vmem>>, vector<1x16xi32>,
    %get3A_123 = arith.constant 1 : i32
    %get3A_124 = arith.constant 1 : i32
    %get3A_125 = arith.index_cast %get3A_123 : i32 to index
    %get3A_126 = arith.index_cast %get3A_124 : i32 to index
    %get3A_127 = arith.constant 64 : index
    %get3A_128 = tpu.vector_load %arg8[%get3A_125, %get3A_126, %get3A_127] {strides = array<i32>} : memref<2x2x128xi32, #tpu.memory_space<vmem>>, vector<1x1x16xi32>,
    %get3A_129 = vector.shape_cast %get3A_128 : vector<1x1x16xi32> to vector<16xi32>
    %swap3A_130 = arith.constant 1 : i32
    %swap3A_131 = arith.index_cast %swap3A_130 : i32 to index
    %swap3A_132 = arith.constant 64 : index
    %swap3A_133 = tpu.vector_load %arg9[%swap3A_131, %swap3A_132] {strides = array<i32>} : memref<2x80xi32, #tpu.memory_space<vmem>>, vector<1x16xi32>,
    %swap3A_134 = vector.shape_cast %swap3A_133 : vector<1x16xi32> to vector<16xi32>
    %swap3A_135 = vector.shape_cast %get3A_129 : vector<16xi32> to vector<1x16xi32>
    tpu.vector_store %arg9[%swap3A_131, %swap3A_132], %swap3A_135 {strides = array<i32>} : memref<2x80xi32, #tpu.memory_space<vmem>>, vector<1x16xi32>,
    %dma_start3A = arith.constant 0 : i32
    %dma_start3A_136 = arith.constant 0 : i32
    %dma_start3A_137 = arith.constant 0 : i32
    %dma_start3A_138 = arith.constant 0 : i32
    %dma_start3A_139 = arith.constant 0 : i32
    %dma_start3A_140 = tpu.memref_slice %arg10[%dma_start3A_137, %dma_start3A_138, %dma_start3A_139] : memref<2x80x128xf32, #tpu.memory_space<vmem>> -> memref<1x80x128xf32, #tpu.memory_space<vmem>>
    %dma_start3A_141 = tpu.memref_squeeze %dma_start3A_140 : memref<1x80x128xf32, #tpu.memory_space<vmem>> -> memref<80x128xf32, #tpu.memory_space<vmem>>
    %dma_start3A_142 = arith.constant 0 : i32
    %dma_start3A_143 = tpu.memref_slice %arg8[%dma_start3A, %dma_start3A_136, %dma_start3A_142] : memref<2x2x128xi32, #tpu.memory_space<vmem>> -> memref<1x1x80xi32, #tpu.memory_space<vmem>>
    %dma_start3A_144 = tpu.memref_squeeze %dma_start3A_143 : memref<1x1x80xi32, #tpu.memory_space<vmem>> -> memref<80xi32, #tpu.memory_space<vmem>>
    %dma_start3A_145 = arith.constant 0 : i32
    %dma_start3A_146 = arith.constant 0 : i32
    %dma_start3A_147 = tpu.memref_slice %arg2[%dma_start3A_145, %dma_start3A_146] : memref<10000x128xf32, #tpu.memory_space<hbm>> -> memref<10000x128xf32, #tpu.memory_space<hbm>>
    tpu.enqueue_indirect_dma source(%dma_start3A_147 : memref<10000x128xf32, #tpu.memory_space<hbm>>) target(%dma_start3A_141 : memref<80x128xf32, #tpu.memory_space<vmem>>) offsets(%dma_start3A_144 : memref<80xi32, #tpu.memory_space<vmem>>) semaphore(%arg14 : memref<!tpu.dma_semaphore, #tpu.memory_space<semaphore_mem>>)
    %dma_start3A_148 = arith.constant 0 : i32
    %dma_start3A_149 = arith.constant 0 : i32
    %dma_start3A_150 = arith.constant 0 : i32
    %dma_start3A_151 = tpu.memref_slice %arg11[%dma_start3A_148, %dma_start3A_149, %dma_start3A_150] : memref<2x80x128xf32, #tpu.memory_space<vmem>> -> memref<1x80x128xf32, #tpu.memory_space<vmem>>
    %dma_start3A_152 = tpu.memref_squeeze %dma_start3A_151 : memref<1x80x128xf32, #tpu.memory_space<vmem>> -> memref<80x128xf32, #tpu.memory_space<vmem>>
    %dma_start3A_153 = arith.constant 0 : i32
    %dma_start3A_154 = tpu.memref_slice %arg4[%mul3A_2, %dma_start3A_153] : memref<327680x128xf32, #tpu.memory_space<hbm>> -> memref<80x128xf32, #tpu.memory_space<hbm>>
    %dma_start3A_155 = arith.constant 0 : i32
    %dma_start3A_156 = arith.constant 0 : i32
    %dma_start3A_157 = tpu.memref_slice %arg11[%dma_start3A_148, %dma_start3A_155, %dma_start3A_156] : memref<2x80x128xf32, #tpu.memory_space<vmem>> -> memref<1x80x128xf32, #tpu.memory_space<vmem>>
    %dma_start3A_158 = tpu.memref_squeeze %dma_start3A_157 : memref<1x80x128xf32, #tpu.memory_space<vmem>> -> memref<80x128xf32, #tpu.memory_space<vmem>>
    %dma_start3A_159 = arith.constant 0 : i32
    %dma_start3A_160 = tpu.memref_slice %arg4[%mul3A_2, %dma_start3A_159] : memref<327680x128xf32, #tpu.memory_space<hbm>> -> memref<80x128xf32, #tpu.memory_space<hbm>>
    tpu.enqueue_dma source(%dma_start3A_160 : memref<80x128xf32, #tpu.memory_space<hbm>>) target(%dma_start3A_158 : memref<80x128xf32, #tpu.memory_space<vmem>>) target_semaphore(%arg16 : memref<!tpu.dma_semaphore, #tpu.memory_space<semaphore_mem>>)
    %mul3A_161 = arith.constant 640 : i32
    %mul3A_162 = arith.muli %arg1, %mul3A_161 : i32
    "tpu.region"() ({
      %run_scoped3A_181 = tpu.sem_alloc : memref<!tpu.dma_semaphore, #tpu.memory_space<semaphore_mem>>
      %dma_start3A_182 = arith.constant 0 : i32
      %dma_start3A_183 = tpu.memref_slice %arg7[%mul3A_162, %dma_start3A_182] : memref<10240x128xf32, #tpu.memory_space<vmem_shared>> -> memref<640x128xf32, #tpu.memory_space<vmem_shared>>
      %dma_start3A_184 = arith.constant 0 : i32
      %dma_start3A_185 = tpu.memref_slice %arg5[%mul3A_162, %dma_start3A_184] : memref<10240x128xf32, #tpu.memory_space<hbm>> -> memref<640x128xf32, #tpu.memory_space<hbm>>
      tpu.enqueue_dma source(%dma_start3A_185 : memref<640x128xf32, #tpu.memory_space<hbm>>) target(%dma_start3A_183 : memref<640x128xf32, #tpu.memory_space<vmem_shared>>) target_semaphore(%run_scoped3A_181 : memref<!tpu.dma_semaphore, #tpu.memory_space<semaphore_mem>>)
      %dma_wait3A_186 = arith.constant 0 : i32
      %dma_wait3A_187 = tpu.memref_slice %arg7[%mul3A_162, %dma_wait3A_186] : memref<10240x128xf32, #tpu.memory_space<vmem_shared>> -> memref<640x128xf32, #tpu.memory_space<vmem_shared>>
      %dma_wait3A_188 = arith.constant 0 : i32
      %dma_wait3A_189 = tpu.memref_slice %arg5[%mul3A_162, %dma_wait3A_188] : memref<10240x128xf32, #tpu.memory_space<hbm>> -> memref<640x128xf32, #tpu.memory_space<hbm>>
      tpu.wait_dma2 semaphore(%run_scoped3A_181 : memref<!tpu.dma_semaphore, #tpu.memory_space<semaphore_mem>>) src(%dma_wait3A_189 : memref<640x128xf32, #tpu.memory_space<hbm>>) dst(%dma_wait3A_187 : memref<640x128xf32, #tpu.memory_space<vmem_shared>>)
      tpu.yield
    }) : () -> ()
    %barrier3A = arith.constant 0 : index
    tpu.barrier barrier_id(%barrier3A)
    %scan3A = arith.constant 0 : i32
    %scan3A_163 = arith.constant 0 : i32
    %scan3A_164 = arith.constant 64 : i32
    %scan3A_165 = arith.addi %scan3A_163, %scan3A_164 : i32
    %scan3A_166 = arith.constant 1 : i32
    %scan3A_167 = scf.for %scan3A_181 = %scan3A_163 to %scan3A_165 step %scan3A_166 iter_args(%scan3A_182 = %scan3A) -> (i32)  : i32 {
      %mul3A_183 = arith.constant 2 : i32
      %mul3A_184 = arith.muli %mul3A_183, %scan3A_181 : i32
      %add3A_185 = arith.constant 0 : i32
      %add3A_186 = arith.addi %mul3A_184, %add3A_185 : i32
      %gt3A = arith.constant 0 : i32
      %gt3A_187 = arith.cmpi sgt, %add3A_186, %gt3A : i32
      %convert_element_type3A = arith.extui %gt3A_187 : i1 to i32
      %cond3A = arith.constant 0 : i32
      %cond3A_188 = arith.cmpi ne, %convert_element_type3A, %cond3A : i32
      scf.if %cond3A_188 {
        %dma_wait3A_346 = arith.constant 1 : i32
        %dma_wait3A_347 = arith.constant 1 : i32
        %dma_wait3A_348 = arith.constant 0 : i32
        %dma_wait3A_349 = arith.constant 0 : i32
        %dma_wait3A_350 = tpu.memref_slice %arg10[%dma_wait3A_346, %dma_wait3A_348, %dma_wait3A_349] : memref<2x80x128xf32, #tpu.memory_space<vmem>> -> memref<1x80x128xf32, #tpu.memory_space<vmem>>
        %dma_wait3A_351 = tpu.memref_squeeze %dma_wait3A_350 : memref<1x80x128xf32, #tpu.memory_space<vmem>> -> memref<80x128xf32, #tpu.memory_space<vmem>>
        %dma_wait3A_352 = arith.constant 0 : i32
        %dma_wait3A_353 = tpu.memref_slice %arg9[%dma_wait3A_347, %dma_wait3A_352] : memref<2x80xi32, #tpu.memory_space<vmem>> -> memref<1x80xi32, #tpu.memory_space<vmem>>
        %dma_wait3A_354 = tpu.memref_squeeze %dma_wait3A_353 : memref<1x80xi32, #tpu.memory_space<vmem>> -> memref<80xi32, #tpu.memory_space<vmem>>
        %dma_wait3A_355 = arith.constant 0 : i32
        %dma_wait3A_356 = arith.constant 0 : i32
        %dma_wait3A_357 = tpu.memref_slice %arg7[%dma_wait3A_355, %dma_wait3A_356] : memref<10240x128xf32, #tpu.memory_space<vmem_shared>> -> memref<10240x128xf32, #tpu.memory_space<vmem_shared>>
        tpu.wait_indirect_dma semaphore(%arg19 : memref<!tpu.dma_semaphore, #tpu.memory_space<semaphore_mem>>) src(%dma_wait3A_351 : memref<80x128xf32, #tpu.memory_space<vmem>>) dst(%dma_wait3A_357 : memref<10240x128xf32, #tpu.memory_space<vmem_shared>>)
      } else {
      }
      %gt3A_189 = arith.constant 0 : i32
      %gt3A_190 = arith.cmpi sgt, %add3A_186, %gt3A_189 : i32
      %add3A_191 = arith.constant 1 : i32
      %add3A_192 = arith.addi %add3A_186, %add3A_191 : i32
      %lt3A = arith.constant 128 : i32
      %lt3A_193 = arith.cmpi slt, %add3A_192, %lt3A : i32
      %and3A = arith.andi %gt3A_190, %lt3A_193 : i1
      %convert_element_type3A_194 = arith.extui %and3A : i1 to i32
      %cond3A_195 = arith.constant 0 : i32
      %cond3A_196 = arith.cmpi ne, %convert_element_type3A_194, %cond3A_195 : i32
      scf.if %cond3A_196 {
        %dma_wait3A_346 = arith.constant 1 : i32
        %dma_wait3A_347 = arith.constant 0 : i32
        %dma_wait3A_348 = arith.constant 0 : i32
        %dma_wait3A_349 = tpu.memref_slice %arg8[%dma_wait3A_346, %dma_wait3A_347, %dma_wait3A_348] : memref<2x2x128xi32, #tpu.memory_space<vmem>> -> memref<1x2x128xi32, #tpu.memory_space<vmem>>
        %dma_wait3A_350 = tpu.memref_squeeze %dma_wait3A_349 : memref<1x2x128xi32, #tpu.memory_space<vmem>> -> memref<2x128xi32, #tpu.memory_space<vmem>>
        %dma_wait3A_351 = arith.constant 0 : i32
        %dma_wait3A_352 = arith.constant 0 : i32
        %dma_wait3A_353 = tpu.memref_slice %arg3[%mul3A_4, %dma_wait3A_351, %dma_wait3A_352] : memref<4096x2x128xi32, #tpu.memory_space<hbm>> -> memref<1x2x128xi32, #tpu.memory_space<hbm>>
        %dma_wait3A_354 = tpu.memref_squeeze %dma_wait3A_353 : memref<1x2x128xi32, #tpu.memory_space<hbm>> -> memref<2x128xi32, #tpu.memory_space<hbm>>
        %dma_wait3A_355 = arith.constant 0 : i32
        %dma_wait3A_356 = arith.constant 0 : i32
        %dma_wait3A_357 = tpu.memref_slice %arg8[%dma_wait3A_346, %dma_wait3A_355, %dma_wait3A_356] : memref<2x2x128xi32, #tpu.memory_space<vmem>> -> memref<1x2x128xi32, #tpu.memory_space<vmem>>
        %dma_wait3A_358 = tpu.memref_squeeze %dma_wait3A_357 : memref<1x2x128xi32, #tpu.memory_space<vmem>> -> memref<2x128xi32, #tpu.memory_space<vmem>>
        %dma_wait3A_359 = arith.constant 0 : i32
        %dma_wait3A_360 = arith.constant 0 : i32
        %dma_wait3A_361 = tpu.memref_slice %arg3[%mul3A_4, %dma_wait3A_359, %dma_wait3A_360] : memref<4096x2x128xi32, #tpu.memory_space<hbm>> -> memref<1x2x128xi32, #tpu.memory_space<hbm>>
        %dma_wait3A_362 = tpu.memref_squeeze %dma_wait3A_361 : memref<1x2x128xi32, #tpu.memory_space<hbm>> -> memref<2x128xi32, #tpu.memory_space<hbm>>
        tpu.wait_dma2 semaphore(%arg13 : memref<!tpu.dma_semaphore, #tpu.memory_space<semaphore_mem>>) src(%dma_wait3A_362 : memref<2x128xi32, #tpu.memory_space<hbm>>) dst(%dma_wait3A_358 : memref<2x128xi32, #tpu.memory_space<vmem>>)
      } else {
      }
      %add3A_197 = arith.constant 1 : i32
      %add3A_198 = arith.addi %add3A_186, %add3A_197 : i32
      %lt3A_199 = arith.constant 128 : i32
      %lt3A_200 = arith.cmpi slt, %add3A_198, %lt3A_199 : i32
      %convert_element_type3A_201 = arith.extui %lt3A_200 : i1 to i32
      %cond3A_202 = arith.constant 0 : i32
      %cond3A_203 = arith.cmpi ne, %convert_element_type3A_201, %cond3A_202 : i32
      scf.if %cond3A_203 {
        %dma_start3A_346 = arith.constant 1 : i32
        %dma_start3A_347 = arith.constant 0 : i32
        %dma_start3A_348 = arith.constant 1 : i32
        %dma_start3A_349 = arith.constant 0 : i32
        %dma_start3A_350 = arith.constant 0 : i32
        %dma_start3A_351 = tpu.memref_slice %arg10[%dma_start3A_348, %dma_start3A_349, %dma_start3A_350] : memref<2x80x128xf32, #tpu.memory_space<vmem>> -> memref<1x80x128xf32, #tpu.memory_space<vmem>>
        %dma_start3A_352 = tpu.memref_squeeze %dma_start3A_351 : memref<1x80x128xf32, #tpu.memory_space<vmem>> -> memref<80x128xf32, #tpu.memory_space<vmem>>
        %dma_start3A_353 = arith.constant 0 : i32
        %dma_start3A_354 = tpu.memref_slice %arg8[%dma_start3A_346, %dma_start3A_347, %dma_start3A_353] : memref<2x2x128xi32, #tpu.memory_space<vmem>> -> memref<1x1x80xi32, #tpu.memory_space<vmem>>
        %dma_start3A_355 = tpu.memref_squeeze %dma_start3A_354 : memref<1x1x80xi32, #tpu.memory_space<vmem>> -> memref<80xi32, #tpu.memory_space<vmem>>
        %dma_start3A_356 = arith.constant 0 : i32
        %dma_start3A_357 = arith.constant 0 : i32
        %dma_start3A_358 = tpu.memref_slice %arg2[%dma_start3A_356, %dma_start3A_357] : memref<10000x128xf32, #tpu.memory_space<hbm>> -> memref<10000x128xf32, #tpu.memory_space<hbm>>
        tpu.enqueue_indirect_dma source(%dma_start3A_358 : memref<10000x128xf32, #tpu.memory_space<hbm>>) target(%dma_start3A_352 : memref<80x128xf32, #tpu.memory_space<vmem>>) offsets(%dma_start3A_355 : memref<80xi32, #tpu.memory_space<vmem>>) semaphore(%arg15 : memref<!tpu.dma_semaphore, #tpu.memory_space<semaphore_mem>>)
        %add3A_359 = arith.constant 1 : i32
        %add3A_360 = arith.addi %add3A_186, %add3A_359 : i32
        %mul3A_361 = arith.constant 80 : i32
        %mul3A_362 = arith.muli %add3A_360, %mul3A_361 : i32
        %add3A_363 = arith.addi %mul3A_2, %mul3A_362 : i32
        %dma_start3A_364 = arith.constant 1 : i32
        %dma_start3A_365 = arith.constant 0 : i32
        %dma_start3A_366 = arith.constant 0 : i32
        %dma_start3A_367 = tpu.memref_slice %arg11[%dma_start3A_364, %dma_start3A_365, %dma_start3A_366] : memref<2x80x128xf32, #tpu.memory_space<vmem>> -> memref<1x80x128xf32, #tpu.memory_space<vmem>>
        %dma_start3A_368 = tpu.memref_squeeze %dma_start3A_367 : memref<1x80x128xf32, #tpu.memory_space<vmem>> -> memref<80x128xf32, #tpu.memory_space<vmem>>
        %dma_start3A_369 = arith.constant 0 : i32
        %dma_start3A_370 = tpu.memref_slice %arg4[%add3A_363, %dma_start3A_369] : memref<327680x128xf32, #tpu.memory_space<hbm>> -> memref<80x128xf32, #tpu.memory_space<hbm>>
        %dma_start3A_371 = arith.constant 0 : i32
        %dma_start3A_372 = arith.constant 0 : i32
        %dma_start3A_373 = tpu.memref_slice %arg11[%dma_start3A_364, %dma_start3A_371, %dma_start3A_372] : memref<2x80x128xf32, #tpu.memory_space<vmem>> -> memref<1x80x128xf32, #tpu.memory_space<vmem>>
        %dma_start3A_374 = tpu.memref_squeeze %dma_start3A_373 : memref<1x80x128xf32, #tpu.memory_space<vmem>> -> memref<80x128xf32, #tpu.memory_space<vmem>>
        %dma_start3A_375 = arith.constant 0 : i32
        %dma_start3A_376 = tpu.memref_slice %arg4[%add3A_363, %dma_start3A_375] : memref<327680x128xf32, #tpu.memory_space<hbm>> -> memref<80x128xf32, #tpu.memory_space<hbm>>
        tpu.enqueue_dma source(%dma_start3A_376 : memref<80x128xf32, #tpu.memory_space<hbm>>) target(%dma_start3A_374 : memref<80x128xf32, #tpu.memory_space<vmem>>) target_semaphore(%arg17 : memref<!tpu.dma_semaphore, #tpu.memory_space<semaphore_mem>>)
      } else {
      }
      %gt3A_204 = arith.constant 0 : i32
      %gt3A_205 = arith.cmpi sgt, %add3A_186, %gt3A_204 : i32
      %add3A_206 = arith.constant 1 : i32
      %add3A_207 = arith.addi %add3A_186, %add3A_206 : i32
      %lt3A_208 = arith.constant 128 : i32
      %lt3A_209 = arith.cmpi slt, %add3A_207, %lt3A_208 : i32
      %and3A_210 = arith.andi %gt3A_205, %lt3A_209 : i1
      %convert_element_type3A_211 = arith.extui %and3A_210 : i1 to i32
      %cond3A_212 = arith.constant 0 : i32
      %cond3A_213 = arith.cmpi ne, %convert_element_type3A_211, %cond3A_212 : i32
      scf.if %cond3A_213 {
        %get3A_346 = arith.constant 1 : i32
        %get3A_347 = arith.constant 1 : i32
        %get3A_348 = arith.index_cast %get3A_346 : i32 to index
        %get3A_349 = arith.index_cast %get3A_347 : i32 to index
        %get3A_350 = arith.constant 0 : index
        %get3A_351 = tpu.vector_load %arg8[%get3A_348, %get3A_349, %get3A_350] {strides = array<i32>} : memref<2x2x128xi32, #tpu.memory_space<vmem>>, vector<1x1x16xi32>,
        %get3A_352 = vector.shape_cast %get3A_351 : vector<1x1x16xi32> to vector<16xi32>
        %swap3A_353 = arith.constant 1 : i32
        %swap3A_354 = arith.index_cast %swap3A_353 : i32 to index
        %swap3A_355 = arith.constant 0 : index
        %swap3A_356 = tpu.vector_load %arg9[%swap3A_354, %swap3A_355] {strides = array<i32>} : memref<2x80xi32, #tpu.memory_space<vmem>>, vector<1x16xi32>,
        %swap3A_357 = vector.shape_cast %swap3A_356 : vector<1x16xi32> to vector<16xi32>
        %swap3A_358 = vector.shape_cast %get3A_352 : vector<16xi32> to vector<1x16xi32>
        tpu.vector_store %arg9[%swap3A_354, %swap3A_355], %swap3A_358 {strides = array<i32>} : memref<2x80xi32, #tpu.memory_space<vmem>>, vector<1x16xi32>,
        %get3A_359 = arith.constant 1 : i32
        %get3A_360 = arith.constant 1 : i32
        %get3A_361 = arith.index_cast %get3A_359 : i32 to index
        %get3A_362 = arith.index_cast %get3A_360 : i32 to index
        %get3A_363 = arith.constant 16 : index
        %get3A_364 = tpu.vector_load %arg8[%get3A_361, %get3A_362, %get3A_363] {strides = array<i32>} : memref<2x2x128xi32, #tpu.memory_space<vmem>>, vector<1x1x16xi32>,
        %get3A_365 = vector.shape_cast %get3A_364 : vector<1x1x16xi32> to vector<16xi32>
        %swap3A_366 = arith.constant 1 : i32
        %swap3A_367 = arith.index_cast %swap3A_366 : i32 to index
        %swap3A_368 = arith.constant 16 : index
        %swap3A_369 = tpu.vector_load %arg9[%swap3A_367, %swap3A_368] {strides = array<i32>} : memref<2x80xi32, #tpu.memory_space<vmem>>, vector<1x16xi32>,
        %swap3A_370 = vector.shape_cast %swap3A_369 : vector<1x16xi32> to vector<16xi32>
        %swap3A_371 = vector.shape_cast %get3A_365 : vector<16xi32> to vector<1x16xi32>
        tpu.vector_store %arg9[%swap3A_367, %swap3A_368], %swap3A_371 {strides = array<i32>} : memref<2x80xi32, #tpu.memory_space<vmem>>, vector<1x16xi32>,
        %get3A_372 = arith.constant 1 : i32
        %get3A_373 = arith.constant 1 : i32
        %get3A_374 = arith.index_cast %get3A_372 : i32 to index
        %get3A_375 = arith.index_cast %get3A_373 : i32 to index
        %get3A_376 = arith.constant 32 : index
        %get3A_377 = tpu.vector_load %arg8[%get3A_374, %get3A_375, %get3A_376] {strides = array<i32>} : memref<2x2x128xi32, #tpu.memory_space<vmem>>, vector<1x1x16xi32>,
        %get3A_378 = vector.shape_cast %get3A_377 : vector<1x1x16xi32> to vector<16xi32>
        %swap3A_379 = arith.constant 1 : i32
        %swap3A_380 = arith.index_cast %swap3A_379 : i32 to index
        %swap3A_381 = arith.constant 32 : index
        %swap3A_382 = tpu.vector_load %arg9[%swap3A_380, %swap3A_381] {strides = array<i32>} : memref<2x80xi32, #tpu.memory_space<vmem>>, vector<1x16xi32>,
        %swap3A_383 = vector.shape_cast %swap3A_382 : vector<1x16xi32> to vector<16xi32>
        %swap3A_384 = vector.shape_cast %get3A_378 : vector<16xi32> to vector<1x16xi32>
        tpu.vector_store %arg9[%swap3A_380, %swap3A_381], %swap3A_384 {strides = array<i32>} : memref<2x80xi32, #tpu.memory_space<vmem>>, vector<1x16xi32>,
        %get3A_385 = arith.constant 1 : i32
        %get3A_386 = arith.constant 1 : i32
        %get3A_387 = arith.index_cast %get3A_385 : i32 to index
        %get3A_388 = arith.index_cast %get3A_386 : i32 to index
        %get3A_389 = arith.constant 48 : index
        %get3A_390 = tpu.vector_load %arg8[%get3A_387, %get3A_388, %get3A_389] {strides = array<i32>} : memref<2x2x128xi32, #tpu.memory_space<vmem>>, vector<1x1x16xi32>,
        %get3A_391 = vector.shape_cast %get3A_390 : vector<1x1x16xi32> to vector<16xi32>
        %swap3A_392 = arith.constant 1 : i32
        %swap3A_393 = arith.index_cast %swap3A_392 : i32 to index
        %swap3A_394 = arith.constant 48 : index
        %swap3A_395 = tpu.vector_load %arg9[%swap3A_393, %swap3A_394] {strides = array<i32>} : memref<2x80xi32, #tpu.memory_space<vmem>>, vector<1x16xi32>,
        %swap3A_396 = vector.shape_cast %swap3A_395 : vector<1x16xi32> to vector<16xi32>
        %swap3A_397 = vector.shape_cast %get3A_391 : vector<16xi32> to vector<1x16xi32>
        tpu.vector_store %arg9[%swap3A_393, %swap3A_394], %swap3A_397 {strides = array<i32>} : memref<2x80xi32, #tpu.memory_space<vmem>>, vector<1x16xi32>,
        %get3A_398 = arith.constant 1 : i32
        %get3A_399 = arith.constant 1 : i32
        %get3A_400 = arith.index_cast %get3A_398 : i32 to index
        %get3A_401 = arith.index_cast %get3A_399 : i32 to index
        %get3A_402 = arith.constant 64 : index
        %get3A_403 = tpu.vector_load %arg8[%get3A_400, %get3A_401, %get3A_402] {strides = array<i32>} : memref<2x2x128xi32, #tpu.memory_space<vmem>>, vector<1x1x16xi32>,
        %get3A_404 = vector.shape_cast %get3A_403 : vector<1x1x16xi32> to vector<16xi32>
        %swap3A_405 = arith.constant 1 : i32
        %swap3A_406 = arith.index_cast %swap3A_405 : i32 to index
        %swap3A_407 = arith.constant 64 : index
        %swap3A_408 = tpu.vector_load %arg9[%swap3A_406, %swap3A_407] {strides = array<i32>} : memref<2x80xi32, #tpu.memory_space<vmem>>, vector<1x16xi32>,
        %swap3A_409 = vector.shape_cast %swap3A_408 : vector<1x16xi32> to vector<16xi32>
        %swap3A_410 = vector.shape_cast %get3A_404 : vector<16xi32> to vector<1x16xi32>
        tpu.vector_store %arg9[%swap3A_406, %swap3A_407], %swap3A_410 {strides = array<i32>} : memref<2x80xi32, #tpu.memory_space<vmem>>, vector<1x16xi32>,
      } else {
      }
      %add3A_214 = arith.constant 2 : i32
      %add3A_215 = arith.addi %add3A_186, %add3A_214 : i32
      %lt3A_216 = arith.constant 128 : i32
      %lt3A_217 = arith.cmpi slt, %add3A_215, %lt3A_216 : i32
      %convert_element_type3A_218 = arith.extui %lt3A_217 : i1 to i32
      %cond3A_219 = arith.constant 0 : i32
      %cond3A_220 = arith.cmpi ne, %convert_element_type3A_218, %cond3A_219 : i32
      scf.if %cond3A_220 {
        %add3A_346 = arith.addi %mul3A_4, %add3A_186 : i32
        %add3A_347 = arith.constant 2 : i32
        %add3A_348 = arith.addi %add3A_346, %add3A_347 : i32
        %dma_start3A_349 = arith.constant 0 : i32
        %dma_start3A_350 = arith.constant 0 : i32
        %dma_start3A_351 = arith.constant 0 : i32
        %dma_start3A_352 = tpu.memref_slice %arg8[%dma_start3A_349, %dma_start3A_350, %dma_start3A_351] : memref<2x2x128xi32, #tpu.memory_space<vmem>> -> memref<1x2x128xi32, #tpu.memory_space<vmem>>
        %dma_start3A_353 = tpu.memref_squeeze %dma_start3A_352 : memref<1x2x128xi32, #tpu.memory_space<vmem>> -> memref<2x128xi32, #tpu.memory_space<vmem>>
        %dma_start3A_354 = arith.constant 0 : i32
        %dma_start3A_355 = arith.constant 0 : i32
        %dma_start3A_356 = tpu.memref_slice %arg3[%add3A_348, %dma_start3A_354, %dma_start3A_355] : memref<4096x2x128xi32, #tpu.memory_space<hbm>> -> memref<1x2x128xi32, #tpu.memory_space<hbm>>
        %dma_start3A_357 = tpu.memref_squeeze %dma_start3A_356 : memref<1x2x128xi32, #tpu.memory_space<hbm>> -> memref<2x128xi32, #tpu.memory_space<hbm>>
        %dma_start3A_358 = arith.constant 0 : i32
        %dma_start3A_359 = arith.constant 0 : i32
        %dma_start3A_360 = tpu.memref_slice %arg8[%dma_start3A_349, %dma_start3A_358, %dma_start3A_359] : memref<2x2x128xi32, #tpu.memory_space<vmem>> -> memref<1x2x128xi32, #tpu.memory_space<vmem>>
        %dma_start3A_361 = tpu.memref_squeeze %dma_start3A_360 : memref<1x2x128xi32, #tpu.memory_space<vmem>> -> memref<2x128xi32, #tpu.memory_space<vmem>>
        %dma_start3A_362 = arith.constant 0 : i32
        %dma_start3A_363 = arith.constant 0 : i32
        %dma_start3A_364 = tpu.memref_slice %arg3[%add3A_348, %dma_start3A_362, %dma_start3A_363] : memref<4096x2x128xi32, #tpu.memory_space<hbm>> -> memref<1x2x128xi32, #tpu.memory_space<hbm>>
        %dma_start3A_365 = tpu.memref_squeeze %dma_start3A_364 : memref<1x2x128xi32, #tpu.memory_space<hbm>> -> memref<2x128xi32, #tpu.memory_space<hbm>>
        tpu.enqueue_dma source(%dma_start3A_365 : memref<2x128xi32, #tpu.memory_space<hbm>>) target(%dma_start3A_361 : memref<2x128xi32, #tpu.memory_space<vmem>>) target_semaphore(%arg12 : memref<!tpu.dma_semaphore, #tpu.memory_space<semaphore_mem>>)
      } else {
      }
      %dma_wait3A_221 = arith.constant 0 : i32
      %dma_wait3A_222 = arith.constant 0 : i32
      %dma_wait3A_223 = arith.constant 0 : i32
      %dma_wait3A_224 = arith.constant 0 : i32
      %dma_wait3A_225 = arith.constant 0 : i32
      %dma_wait3A_226 = tpu.memref_slice %arg10[%dma_wait3A_223, %dma_wait3A_224, %dma_wait3A_225] : memref<2x80x128xf32, #tpu.memory_space<vmem>> -> memref<1x80x128xf32, #tpu.memory_space<vmem>>
      %dma_wait3A_227 = tpu.memref_squeeze %dma_wait3A_226 : memref<1x80x128xf32, #tpu.memory_space<vmem>> -> memref<80x128xf32, #tpu.memory_space<vmem>>
      %dma_wait3A_228 = arith.constant 0 : i32
      %dma_wait3A_229 = tpu.memref_slice %arg8[%dma_wait3A_221, %dma_wait3A_222, %dma_wait3A_228] : memref<2x2x128xi32, #tpu.memory_space<vmem>> -> memref<1x1x80xi32, #tpu.memory_space<vmem>>
      %dma_wait3A_230 = tpu.memref_squeeze %dma_wait3A_229 : memref<1x1x80xi32, #tpu.memory_space<vmem>> -> memref<80xi32, #tpu.memory_space<vmem>>
      %dma_wait3A_231 = arith.constant 0 : i32
      %dma_wait3A_232 = arith.constant 0 : i32
      %dma_wait3A_233 = tpu.memref_slice %arg2[%dma_wait3A_231, %dma_wait3A_232] : memref<10000x128xf32, #tpu.memory_space<hbm>> -> memref<10000x128xf32, #tpu.memory_space<hbm>>
      tpu.wait_indirect_dma semaphore(%arg14 : memref<!tpu.dma_semaphore, #tpu.memory_space<semaphore_mem>>) src(%dma_wait3A_233 : memref<10000x128xf32, #tpu.memory_space<hbm>>) dst(%dma_wait3A_227 : memref<80x128xf32, #tpu.memory_space<vmem>>)
      %dma_wait3A_234 = arith.constant 0 : i32
      %dma_wait3A_235 = arith.constant 0 : i32
      %dma_wait3A_236 = arith.constant 0 : i32
      %dma_wait3A_237 = tpu.memref_slice %arg11[%dma_wait3A_234, %dma_wait3A_235, %dma_wait3A_236] : memref<2x80x128xf32, #tpu.memory_space<vmem>> -> memref<1x80x128xf32, #tpu.memory_space<vmem>>
      %dma_wait3A_238 = tpu.memref_squeeze %dma_wait3A_237 : memref<1x80x128xf32, #tpu.memory_space<vmem>> -> memref<80x128xf32, #tpu.memory_space<vmem>>
      %dma_wait3A_239 = arith.constant 0 : i32
      %dma_wait3A_240 = tpu.memref_slice %arg4[%mul3A_2, %dma_wait3A_239] : memref<327680x128xf32, #tpu.memory_space<hbm>> -> memref<80x128xf32, #tpu.memory_space<hbm>>
      %dma_wait3A_241 = arith.constant 0 : i32
      %dma_wait3A_242 = arith.constant 0 : i32
      %dma_wait3A_243 = tpu.memref_slice %arg11[%dma_wait3A_234, %dma_wait3A_241, %dma_wait3A_242] : memref<2x80x128xf32, #tpu.memory_space<vmem>> -> memref<1x80x128xf32, #tpu.memory_space<vmem>>
      %dma_wait3A_244 = tpu.memref_squeeze %dma_wait3A_243 : memref<1x80x128xf32, #tpu.memory_space<vmem>> -> memref<80x128xf32, #tpu.memory_space<vmem>>
      %dma_wait3A_245 = arith.constant 0 : i32
      %dma_wait3A_246 = tpu.memref_slice %arg4[%mul3A_2, %dma_wait3A_245] : memref<327680x128xf32, #tpu.memory_space<hbm>> -> memref<80x128xf32, #tpu.memory_space<hbm>>
      tpu.wait_dma2 semaphore(%arg16 : memref<!tpu.dma_semaphore, #tpu.memory_space<semaphore_mem>>) src(%dma_wait3A_246 : memref<80x128xf32, #tpu.memory_space<hbm>>) dst(%dma_wait3A_244 : memref<80x128xf32, #tpu.memory_space<vmem>>)
      %parallel_loop3A = arith.constant 0 : i32
      %parallel_loop3A_247 = arith.constant 80 : i32
      %parallel_loop3A_248 = arith.constant 1 : i32
      scf.for %parallel_loop3A_346 = %parallel_loop3A to %parallel_loop3A_247 step %parallel_loop3A_248  : i32 {
        %parallel_loop3A_347 = arith.constant 0 : i32
        %parallel_loop3A_348 = arith.index_cast %parallel_loop3A_347 : i32 to index
        %parallel_loop3A_349 = arith.index_cast %parallel_loop3A_346 : i32 to index
        %parallel_loop3A_350 = arith.constant 0 : index
        %parallel_loop3A_351 = tpu.vector_load %arg10[%parallel_loop3A_348, %parallel_loop3A_349, %parallel_loop3A_350] {strides = array<i32>} : memref<2x80x128xf32, #tpu.memory_space<vmem>>, vector<1x1x16xf32>,
        %parallel_loop3A_352 = vector.shape_cast %parallel_loop3A_351 : vector<1x1x16xf32> to vector<16xf32>
        %parallel_loop3A_353 = arith.constant 0 : i32
        %parallel_loop3A_354 = arith.index_cast %parallel_loop3A_353 : i32 to index
        %parallel_loop3A_355 = arith.index_cast %parallel_loop3A_346 : i32 to index
        %parallel_loop3A_356 = arith.constant 0 : index
        %parallel_loop3A_357 = tpu.vector_load %arg11[%parallel_loop3A_354, %parallel_loop3A_355, %parallel_loop3A_356] {strides = array<i32>} : memref<2x80x128xf32, #tpu.memory_space<vmem>>, vector<1x1x16xf32>,
        %parallel_loop3A_358 = vector.shape_cast %parallel_loop3A_357 : vector<1x1x16xf32> to vector<16xf32>
        %parallel_loop3A_359 = arith.addf %parallel_loop3A_352, %parallel_loop3A_358 : vector<16xf32>
        %parallel_loop3A_360 = arith.constant 0.000000e+00 : f32
        %parallel_loop3A_361 = vector.broadcast %parallel_loop3A_360 : f32 to vector<16xf32>
        %parallel_loop3A_362 = arith.maximumf %parallel_loop3A_359, %parallel_loop3A_361 : vector<16xf32>
        %parallel_loop3A_363 = arith.constant 0 : i32
        %parallel_loop3A_364 = arith.index_cast %parallel_loop3A_363 : i32 to index
        %parallel_loop3A_365 = arith.index_cast %parallel_loop3A_346 : i32 to index
        %parallel_loop3A_366 = arith.constant 0 : index
        %parallel_loop3A_367 = tpu.vector_load %arg10[%parallel_loop3A_364, %parallel_loop3A_365, %parallel_loop3A_366] {strides = array<i32>} : memref<2x80x128xf32, #tpu.memory_space<vmem>>, vector<1x1x16xf32>,
        %parallel_loop3A_368 = vector.shape_cast %parallel_loop3A_367 : vector<1x1x16xf32> to vector<16xf32>
        %parallel_loop3A_369 = vector.shape_cast %parallel_loop3A_362 : vector<16xf32> to vector<1x1x16xf32>
        tpu.vector_store %arg10[%parallel_loop3A_364, %parallel_loop3A_365, %parallel_loop3A_366], %parallel_loop3A_369 {strides = array<i32>} : memref<2x80x128xf32, #tpu.memory_space<vmem>>, vector<1x1x16xf32>,
        %parallel_loop3A_370 = arith.constant 0 : i32
        %parallel_loop3A_371 = arith.index_cast %parallel_loop3A_370 : i32 to index
        %parallel_loop3A_372 = arith.index_cast %parallel_loop3A_346 : i32 to index
        %parallel_loop3A_373 = arith.constant 16 : index
        %parallel_loop3A_374 = tpu.vector_load %arg10[%parallel_loop3A_371, %parallel_loop3A_372, %parallel_loop3A_373] {strides = array<i32>} : memref<2x80x128xf32, #tpu.memory_space<vmem>>, vector<1x1x16xf32>,
        %parallel_loop3A_375 = vector.shape_cast %parallel_loop3A_374 : vector<1x1x16xf32> to vector<16xf32>
        %parallel_loop3A_376 = arith.constant 0 : i32
        %parallel_loop3A_377 = arith.index_cast %parallel_loop3A_376 : i32 to index
        %parallel_loop3A_378 = arith.index_cast %parallel_loop3A_346 : i32 to index
        %parallel_loop3A_379 = arith.constant 16 : index
        %parallel_loop3A_380 = tpu.vector_load %arg11[%parallel_loop3A_377, %parallel_loop3A_378, %parallel_loop3A_379] {strides = array<i32>} : memref<2x80x128xf32, #tpu.memory_space<vmem>>, vector<1x1x16xf32>,
        %parallel_loop3A_381 = vector.shape_cast %parallel_loop3A_380 : vector<1x1x16xf32> to vector<16xf32>
        %parallel_loop3A_382 = arith.addf %parallel_loop3A_375, %parallel_loop3A_381 : vector<16xf32>
        %parallel_loop3A_383 = arith.constant 0.000000e+00 : f32
        %parallel_loop3A_384 = vector.broadcast %parallel_loop3A_383 : f32 to vector<16xf32>
        %parallel_loop3A_385 = arith.maximumf %parallel_loop3A_382, %parallel_loop3A_384 : vector<16xf32>
        %parallel_loop3A_386 = arith.constant 0 : i32
        %parallel_loop3A_387 = arith.index_cast %parallel_loop3A_386 : i32 to index
        %parallel_loop3A_388 = arith.index_cast %parallel_loop3A_346 : i32 to index
        %parallel_loop3A_389 = arith.constant 16 : index
        %parallel_loop3A_390 = tpu.vector_load %arg10[%parallel_loop3A_387, %parallel_loop3A_388, %parallel_loop3A_389] {strides = array<i32>} : memref<2x80x128xf32, #tpu.memory_space<vmem>>, vector<1x1x16xf32>,
        %parallel_loop3A_391 = vector.shape_cast %parallel_loop3A_390 : vector<1x1x16xf32> to vector<16xf32>
        %parallel_loop3A_392 = vector.shape_cast %parallel_loop3A_385 : vector<16xf32> to vector<1x1x16xf32>
        tpu.vector_store %arg10[%parallel_loop3A_387, %parallel_loop3A_388, %parallel_loop3A_389], %parallel_loop3A_392 {strides = array<i32>} : memref<2x80x128xf32, #tpu.memory_space<vmem>>, vector<1x1x16xf32>,
        %parallel_loop3A_393 = arith.constant 0 : i32
        %parallel_loop3A_394 = arith.index_cast %parallel_loop3A_393 : i32 to index
        %parallel_loop3A_395 = arith.index_cast %parallel_loop3A_346 : i32 to index
        %parallel_loop3A_396 = arith.constant 32 : index
        %parallel_loop3A_397 = tpu.vector_load %arg10[%parallel_loop3A_394, %parallel_loop3A_395, %parallel_loop3A_396] {strides = array<i32>} : memref<2x80x128xf32, #tpu.memory_space<vmem>>, vector<1x1x16xf32>,
        %parallel_loop3A_398 = vector.shape_cast %parallel_loop3A_397 : vector<1x1x16xf32> to vector<16xf32>
        %parallel_loop3A_399 = arith.constant 0 : i32
        %parallel_loop3A_400 = arith.index_cast %parallel_loop3A_399 : i32 to index
        %parallel_loop3A_401 = arith.index_cast %parallel_loop3A_346 : i32 to index
        %parallel_loop3A_402 = arith.constant 32 : index
        %parallel_loop3A_403 = tpu.vector_load %arg11[%parallel_loop3A_400, %parallel_loop3A_401, %parallel_loop3A_402] {strides = array<i32>} : memref<2x80x128xf32, #tpu.memory_space<vmem>>, vector<1x1x16xf32>,
        %parallel_loop3A_404 = vector.shape_cast %parallel_loop3A_403 : vector<1x1x16xf32> to vector<16xf32>
        %parallel_loop3A_405 = arith.addf %parallel_loop3A_398, %parallel_loop3A_404 : vector<16xf32>
        %parallel_loop3A_406 = arith.constant 0.000000e+00 : f32
        %parallel_loop3A_407 = vector.broadcast %parallel_loop3A_406 : f32 to vector<16xf32>
        %parallel_loop3A_408 = arith.maximumf %parallel_loop3A_405, %parallel_loop3A_407 : vector<16xf32>
        %parallel_loop3A_409 = arith.constant 0 : i32
        %parallel_loop3A_410 = arith.index_cast %parallel_loop3A_409 : i32 to index
        %parallel_loop3A_411 = arith.index_cast %parallel_loop3A_346 : i32 to index
        %parallel_loop3A_412 = arith.constant 32 : index
        %parallel_loop3A_413 = tpu.vector_load %arg10[%parallel_loop3A_410, %parallel_loop3A_411, %parallel_loop3A_412] {strides = array<i32>} : memref<2x80x128xf32, #tpu.memory_space<vmem>>, vector<1x1x16xf32>,
        %parallel_loop3A_414 = vector.shape_cast %parallel_loop3A_413 : vector<1x1x16xf32> to vector<16xf32>
        %parallel_loop3A_415 = vector.shape_cast %parallel_loop3A_408 : vector<16xf32> to vector<1x1x16xf32>
        tpu.vector_store %arg10[%parallel_loop3A_410, %parallel_loop3A_411, %parallel_loop3A_412], %parallel_loop3A_415 {strides = array<i32>} : memref<2x80x128xf32, #tpu.memory_space<vmem>>, vector<1x1x16xf32>,
        %parallel_loop3A_416 = arith.constant 0 : i32
        %parallel_loop3A_417 = arith.index_cast %parallel_loop3A_416 : i32 to index
        %parallel_loop3A_418 = arith.index_cast %parallel_loop3A_346 : i32 to index
        %parallel_loop3A_419 = arith.constant 48 : index
        %parallel_loop3A_420 = tpu.vector_load %arg10[%parallel_loop3A_417, %parallel_loop3A_418, %parallel_loop3A_419] {strides = array<i32>} : memref<2x80x128xf32, #tpu.memory_space<vmem>>, vector<1x1x16xf32>,
        %parallel_loop3A_421 = vector.shape_cast %parallel_loop3A_420 : vector<1x1x16xf32> to vector<16xf32>
        %parallel_loop3A_422 = arith.constant 0 : i32
        %parallel_loop3A_423 = arith.index_cast %parallel_loop3A_422 : i32 to index
        %parallel_loop3A_424 = arith.index_cast %parallel_loop3A_346 : i32 to index
        %parallel_loop3A_425 = arith.constant 48 : index
        %parallel_loop3A_426 = tpu.vector_load %arg11[%parallel_loop3A_423, %parallel_loop3A_424, %parallel_loop3A_425] {strides = array<i32>} : memref<2x80x128xf32, #tpu.memory_space<vmem>>, vector<1x1x16xf32>,
        %parallel_loop3A_427 = vector.shape_cast %parallel_loop3A_426 : vector<1x1x16xf32> to vector<16xf32>
        %parallel_loop3A_428 = arith.addf %parallel_loop3A_421, %parallel_loop3A_427 : vector<16xf32>
        %parallel_loop3A_429 = arith.constant 0.000000e+00 : f32
        %parallel_loop3A_430 = vector.broadcast %parallel_loop3A_429 : f32 to vector<16xf32>
        %parallel_loop3A_431 = arith.maximumf %parallel_loop3A_428, %parallel_loop3A_430 : vector<16xf32>
        %parallel_loop3A_432 = arith.constant 0 : i32
        %parallel_loop3A_433 = arith.index_cast %parallel_loop3A_432 : i32 to index
        %parallel_loop3A_434 = arith.index_cast %parallel_loop3A_346 : i32 to index
        %parallel_loop3A_435 = arith.constant 48 : index
        %parallel_loop3A_436 = tpu.vector_load %arg10[%parallel_loop3A_433, %parallel_loop3A_434, %parallel_loop3A_435] {strides = array<i32>} : memref<2x80x128xf32, #tpu.memory_space<vmem>>, vector<1x1x16xf32>,
        %parallel_loop3A_437 = vector.shape_cast %parallel_loop3A_436 : vector<1x1x16xf32> to vector<16xf32>
        %parallel_loop3A_438 = vector.shape_cast %parallel_loop3A_431 : vector<16xf32> to vector<1x1x16xf32>
        tpu.vector_store %arg10[%parallel_loop3A_433, %parallel_loop3A_434, %parallel_loop3A_435], %parallel_loop3A_438 {strides = array<i32>} : memref<2x80x128xf32, #tpu.memory_space<vmem>>, vector<1x1x16xf32>,
        %parallel_loop3A_439 = arith.constant 0 : i32
        %parallel_loop3A_440 = arith.index_cast %parallel_loop3A_439 : i32 to index
        %parallel_loop3A_441 = arith.index_cast %parallel_loop3A_346 : i32 to index
        %parallel_loop3A_442 = arith.constant 64 : index
        %parallel_loop3A_443 = tpu.vector_load %arg10[%parallel_loop3A_440, %parallel_loop3A_441, %parallel_loop3A_442] {strides = array<i32>} : memref<2x80x128xf32, #tpu.memory_space<vmem>>, vector<1x1x16xf32>,
        %parallel_loop3A_444 = vector.shape_cast %parallel_loop3A_443 : vector<1x1x16xf32> to vector<16xf32>
        %parallel_loop3A_445 = arith.constant 0 : i32
        %parallel_loop3A_446 = arith.index_cast %parallel_loop3A_445 : i32 to index
        %parallel_loop3A_447 = arith.index_cast %parallel_loop3A_346 : i32 to index
        %parallel_loop3A_448 = arith.constant 64 : index
        %parallel_loop3A_449 = tpu.vector_load %arg11[%parallel_loop3A_446, %parallel_loop3A_447, %parallel_loop3A_448] {strides = array<i32>} : memref<2x80x128xf32, #tpu.memory_space<vmem>>, vector<1x1x16xf32>,
        %parallel_loop3A_450 = vector.shape_cast %parallel_loop3A_449 : vector<1x1x16xf32> to vector<16xf32>
        %parallel_loop3A_451 = arith.addf %parallel_loop3A_444, %parallel_loop3A_450 : vector<16xf32>
        %parallel_loop3A_452 = arith.constant 0.000000e+00 : f32
        %parallel_loop3A_453 = vector.broadcast %parallel_loop3A_452 : f32 to vector<16xf32>
        %parallel_loop3A_454 = arith.maximumf %parallel_loop3A_451, %parallel_loop3A_453 : vector<16xf32>
        %parallel_loop3A_455 = arith.constant 0 : i32
        %parallel_loop3A_456 = arith.index_cast %parallel_loop3A_455 : i32 to index
        %parallel_loop3A_457 = arith.index_cast %parallel_loop3A_346 : i32 to index
        %parallel_loop3A_458 = arith.constant 64 : index
        %parallel_loop3A_459 = tpu.vector_load %arg10[%parallel_loop3A_456, %parallel_loop3A_457, %parallel_loop3A_458] {strides = array<i32>} : memref<2x80x128xf32, #tpu.memory_space<vmem>>, vector<1x1x16xf32>,
        %parallel_loop3A_460 = vector.shape_cast %parallel_loop3A_459 : vector<1x1x16xf32> to vector<16xf32>
        %parallel_loop3A_461 = vector.shape_cast %parallel_loop3A_454 : vector<16xf32> to vector<1x1x16xf32>
        tpu.vector_store %arg10[%parallel_loop3A_456, %parallel_loop3A_457, %parallel_loop3A_458], %parallel_loop3A_461 {strides = array<i32>} : memref<2x80x128xf32, #tpu.memory_space<vmem>>, vector<1x1x16xf32>,
        %parallel_loop3A_462 = arith.constant 0 : i32
        %parallel_loop3A_463 = arith.index_cast %parallel_loop3A_462 : i32 to index
        %parallel_loop3A_464 = arith.index_cast %parallel_loop3A_346 : i32 to index
        %parallel_loop3A_465 = arith.constant 80 : index
        %parallel_loop3A_466 = tpu.vector_load %arg10[%parallel_loop3A_463, %parallel_loop3A_464, %parallel_loop3A_465] {strides = array<i32>} : memref<2x80x128xf32, #tpu.memory_space<vmem>>, vector<1x1x16xf32>,
        %parallel_loop3A_467 = vector.shape_cast %parallel_loop3A_466 : vector<1x1x16xf32> to vector<16xf32>
        %parallel_loop3A_468 = arith.constant 0 : i32
        %parallel_loop3A_469 = arith.index_cast %parallel_loop3A_468 : i32 to index
        %parallel_loop3A_470 = arith.index_cast %parallel_loop3A_346 : i32 to index
        %parallel_loop3A_471 = arith.constant 80 : index
        %parallel_loop3A_472 = tpu.vector_load %arg11[%parallel_loop3A_469, %parallel_loop3A_470, %parallel_loop3A_471] {strides = array<i32>} : memref<2x80x128xf32, #tpu.memory_space<vmem>>, vector<1x1x16xf32>,
        %parallel_loop3A_473 = vector.shape_cast %parallel_loop3A_472 : vector<1x1x16xf32> to vector<16xf32>
        %parallel_loop3A_474 = arith.addf %parallel_loop3A_467, %parallel_loop3A_473 : vector<16xf32>
        %parallel_loop3A_475 = arith.constant 0.000000e+00 : f32
        %parallel_loop3A_476 = vector.broadcast %parallel_loop3A_475 : f32 to vector<16xf32>
        %parallel_loop3A_477 = arith.maximumf %parallel_loop3A_474, %parallel_loop3A_476 : vector<16xf32>
        %parallel_loop3A_478 = arith.constant 0 : i32
        %parallel_loop3A_479 = arith.index_cast %parallel_loop3A_478 : i32 to index
        %parallel_loop3A_480 = arith.index_cast %parallel_loop3A_346 : i32 to index
        %parallel_loop3A_481 = arith.constant 80 : index
        %parallel_loop3A_482 = tpu.vector_load %arg10[%parallel_loop3A_479, %parallel_loop3A_480, %parallel_loop3A_481] {strides = array<i32>} : memref<2x80x128xf32, #tpu.memory_space<vmem>>, vector<1x1x16xf32>,
        %parallel_loop3A_483 = vector.shape_cast %parallel_loop3A_482 : vector<1x1x16xf32> to vector<16xf32>
        %parallel_loop3A_484 = vector.shape_cast %parallel_loop3A_477 : vector<16xf32> to vector<1x1x16xf32>
        tpu.vector_store %arg10[%parallel_loop3A_479, %parallel_loop3A_480, %parallel_loop3A_481], %parallel_loop3A_484 {strides = array<i32>} : memref<2x80x128xf32, #tpu.memory_space<vmem>>, vector<1x1x16xf32>,
        %parallel_loop3A_485 = arith.constant 0 : i32
        %parallel_loop3A_486 = arith.index_cast %parallel_loop3A_485 : i32 to index
        %parallel_loop3A_487 = arith.index_cast %parallel_loop3A_346 : i32 to index
        %parallel_loop3A_488 = arith.constant 96 : index
        %parallel_loop3A_489 = tpu.vector_load %arg10[%parallel_loop3A_486, %parallel_loop3A_487, %parallel_loop3A_488] {strides = array<i32>} : memref<2x80x128xf32, #tpu.memory_space<vmem>>, vector<1x1x16xf32>,
        %parallel_loop3A_490 = vector.shape_cast %parallel_loop3A_489 : vector<1x1x16xf32> to vector<16xf32>
        %parallel_loop3A_491 = arith.constant 0 : i32
        %parallel_loop3A_492 = arith.index_cast %parallel_loop3A_491 : i32 to index
        %parallel_loop3A_493 = arith.index_cast %parallel_loop3A_346 : i32 to index
        %parallel_loop3A_494 = arith.constant 96 : index
        %parallel_loop3A_495 = tpu.vector_load %arg11[%parallel_loop3A_492, %parallel_loop3A_493, %parallel_loop3A_494] {strides = array<i32>} : memref<2x80x128xf32, #tpu.memory_space<vmem>>, vector<1x1x16xf32>,
        %parallel_loop3A_496 = vector.shape_cast %parallel_loop3A_495 : vector<1x1x16xf32> to vector<16xf32>
        %parallel_loop3A_497 = arith.addf %parallel_loop3A_490, %parallel_loop3A_496 : vector<16xf32>
        %parallel_loop3A_498 = arith.constant 0.000000e+00 : f32
        %parallel_loop3A_499 = vector.broadcast %parallel_loop3A_498 : f32 to vector<16xf32>
        %parallel_loop3A_500 = arith.maximumf %parallel_loop3A_497, %parallel_loop3A_499 : vector<16xf32>
        %parallel_loop3A_501 = arith.constant 0 : i32
        %parallel_loop3A_502 = arith.index_cast %parallel_loop3A_501 : i32 to index
        %parallel_loop3A_503 = arith.index_cast %parallel_loop3A_346 : i32 to index
        %parallel_loop3A_504 = arith.constant 96 : index
        %parallel_loop3A_505 = tpu.vector_load %arg10[%parallel_loop3A_502, %parallel_loop3A_503, %parallel_loop3A_504] {strides = array<i32>} : memref<2x80x128xf32, #tpu.memory_space<vmem>>, vector<1x1x16xf32>,
        %parallel_loop3A_506 = vector.shape_cast %parallel_loop3A_505 : vector<1x1x16xf32> to vector<16xf32>
        %parallel_loop3A_507 = vector.shape_cast %parallel_loop3A_500 : vector<16xf32> to vector<1x1x16xf32>
        tpu.vector_store %arg10[%parallel_loop3A_502, %parallel_loop3A_503, %parallel_loop3A_504], %parallel_loop3A_507 {strides = array<i32>} : memref<2x80x128xf32, #tpu.memory_space<vmem>>, vector<1x1x16xf32>,
        %parallel_loop3A_508 = arith.constant 0 : i32
        %parallel_loop3A_509 = arith.index_cast %parallel_loop3A_508 : i32 to index
        %parallel_loop3A_510 = arith.index_cast %parallel_loop3A_346 : i32 to index
        %parallel_loop3A_511 = arith.constant 112 : index
        %parallel_loop3A_512 = tpu.vector_load %arg10[%parallel_loop3A_509, %parallel_loop3A_510, %parallel_loop3A_511] {strides = array<i32>} : memref<2x80x128xf32, #tpu.memory_space<vmem>>, vector<1x1x16xf32>,
        %parallel_loop3A_513 = vector.shape_cast %parallel_loop3A_512 : vector<1x1x16xf32> to vector<16xf32>
        %parallel_loop3A_514 = arith.constant 0 : i32
        %parallel_loop3A_515 = arith.index_cast %parallel_loop3A_514 : i32 to index
        %parallel_loop3A_516 = arith.index_cast %parallel_loop3A_346 : i32 to index
        %parallel_loop3A_517 = arith.constant 112 : index
        %parallel_loop3A_518 = tpu.vector_load %arg11[%parallel_loop3A_515, %parallel_loop3A_516, %parallel_loop3A_517] {strides = array<i32>} : memref<2x80x128xf32, #tpu.memory_space<vmem>>, vector<1x1x16xf32>,
        %parallel_loop3A_519 = vector.shape_cast %parallel_loop3A_518 : vector<1x1x16xf32> to vector<16xf32>
        %parallel_loop3A_520 = arith.addf %parallel_loop3A_513, %parallel_loop3A_519 : vector<16xf32>
        %parallel_loop3A_521 = arith.constant 0.000000e+00 : f32
        %parallel_loop3A_522 = vector.broadcast %parallel_loop3A_521 : f32 to vector<16xf32>
        %parallel_loop3A_523 = arith.maximumf %parallel_loop3A_520, %parallel_loop3A_522 : vector<16xf32>
        %parallel_loop3A_524 = arith.constant 0 : i32
        %parallel_loop3A_525 = arith.index_cast %parallel_loop3A_524 : i32 to index
        %parallel_loop3A_526 = arith.index_cast %parallel_loop3A_346 : i32 to index
        %parallel_loop3A_527 = arith.constant 112 : index
        %parallel_loop3A_528 = tpu.vector_load %arg10[%parallel_loop3A_525, %parallel_loop3A_526, %parallel_loop3A_527] {strides = array<i32>} : memref<2x80x128xf32, #tpu.memory_space<vmem>>, vector<1x1x16xf32>,
        %parallel_loop3A_529 = vector.shape_cast %parallel_loop3A_528 : vector<1x1x16xf32> to vector<16xf32>
        %parallel_loop3A_530 = vector.shape_cast %parallel_loop3A_523 : vector<16xf32> to vector<1x1x16xf32>
        tpu.vector_store %arg10[%parallel_loop3A_525, %parallel_loop3A_526, %parallel_loop3A_527], %parallel_loop3A_530 {strides = array<i32>} : memref<2x80x128xf32, #tpu.memory_space<vmem>>, vector<1x1x16xf32>,
      } {sc.loop_unroll_factor = 4 : i64, sc.parallel_access}
      %dma_start3A_249 = arith.constant 0 : i32
      %dma_start3A_250 = arith.constant 0 : i32
      %dma_start3A_251 = arith.constant 0 : i32
      %dma_start3A_252 = arith.constant 0 : i32
      %dma_start3A_253 = tpu.memref_slice %arg10[%dma_start3A_249, %dma_start3A_251, %dma_start3A_252] : memref<2x80x128xf32, #tpu.memory_space<vmem>> -> memref<1x80x128xf32, #tpu.memory_space<vmem>>
      %dma_start3A_254 = tpu.memref_squeeze %dma_start3A_253 : memref<1x80x128xf32, #tpu.memory_space<vmem>> -> memref<80x128xf32, #tpu.memory_space<vmem>>
      %dma_start3A_255 = arith.constant 0 : i32
      %dma_start3A_256 = tpu.memref_slice %arg9[%dma_start3A_250, %dma_start3A_255] : memref<2x80xi32, #tpu.memory_space<vmem>> -> memref<1x80xi32, #tpu.memory_space<vmem>>
      %dma_start3A_257 = tpu.memref_squeeze %dma_start3A_256 : memref<1x80xi32, #tpu.memory_space<vmem>> -> memref<80xi32, #tpu.memory_space<vmem>>
      %dma_start3A_258 = arith.constant 0 : i32
      %dma_start3A_259 = arith.constant 0 : i32
      %dma_start3A_260 = tpu.memref_slice %arg7[%dma_start3A_258, %dma_start3A_259] : memref<10240x128xf32, #tpu.memory_space<vmem_shared>> -> memref<10240x128xf32, #tpu.memory_space<vmem_shared>>
      tpu.enqueue_indirect_dma source(%dma_start3A_254 : memref<80x128xf32, #tpu.memory_space<vmem>>) target(%dma_start3A_260 : memref<10240x128xf32, #tpu.memory_space<vmem_shared>>) offsets(%dma_start3A_257 : memref<80xi32, #tpu.memory_space<vmem>>) semaphore(%arg18 : memref<!tpu.dma_semaphore, #tpu.memory_space<semaphore_mem>>) {add = true}
      %mul3A_261 = arith.constant 2 : i32
      %mul3A_262 = arith.muli %mul3A_261, %scan3A_181 : i32
      %add3A_263 = arith.constant 1 : i32
      %add3A_264 = arith.addi %mul3A_262, %add3A_263 : i32
      %gt3A_265 = arith.constant 0 : i32
      %gt3A_266 = arith.cmpi sgt, %add3A_264, %gt3A_265 : i32
      %convert_element_type3A_267 = arith.extui %gt3A_266 : i1 to i32
      %cond3A_268 = arith.constant 0 : i32
      %cond3A_269 = arith.cmpi ne, %convert_element_type3A_267, %cond3A_268 : i32
      scf.if %cond3A_269 {
        %dma_wait3A_346 = arith.constant 0 : i32
        %dma_wait3A_347 = arith.constant 0 : i32
        %dma_wait3A_348 = arith.constant 0 : i32
        %dma_wait3A_349 = arith.constant 0 : i32
        %dma_wait3A_350 = tpu.memref_slice %arg10[%dma_wait3A_346, %dma_wait3A_348, %dma_wait3A_349] : memref<2x80x128xf32, #tpu.memory_space<vmem>> -> memref<1x80x128xf32, #tpu.memory_space<vmem>>
        %dma_wait3A_351 = tpu.memref_squeeze %dma_wait3A_350 : memref<1x80x128xf32, #tpu.memory_space<vmem>> -> memref<80x128xf32, #tpu.memory_space<vmem>>
        %dma_wait3A_352 = arith.constant 0 : i32
        %dma_wait3A_353 = tpu.memref_slice %arg9[%dma_wait3A_347, %dma_wait3A_352] : memref<2x80xi32, #tpu.memory_space<vmem>> -> memref<1x80xi32, #tpu.memory_space<vmem>>
        %dma_wait3A_354 = tpu.memref_squeeze %dma_wait3A_353 : memref<1x80xi32, #tpu.memory_space<vmem>> -> memref<80xi32, #tpu.memory_space<vmem>>
        %dma_wait3A_355 = arith.constant 0 : i32
        %dma_wait3A_356 = arith.constant 0 : i32
        %dma_wait3A_357 = tpu.memref_slice %arg7[%dma_wait3A_355, %dma_wait3A_356] : memref<10240x128xf32, #tpu.memory_space<vmem_shared>> -> memref<10240x128xf32, #tpu.memory_space<vmem_shared>>
        tpu.wait_indirect_dma semaphore(%arg18 : memref<!tpu.dma_semaphore, #tpu.memory_space<semaphore_mem>>) src(%dma_wait3A_351 : memref<80x128xf32, #tpu.memory_space<vmem>>) dst(%dma_wait3A_357 : memref<10240x128xf32, #tpu.memory_space<vmem_shared>>)
      } else {
      }
      %gt3A_270 = arith.constant 0 : i32
      %gt3A_271 = arith.cmpi sgt, %add3A_264, %gt3A_270 : i32
      %add3A_272 = arith.constant 1 : i32
      %add3A_273 = arith.addi %add3A_264, %add3A_272 : i32
      %lt3A_274 = arith.constant 128 : i32
      %lt3A_275 = arith.cmpi slt, %add3A_273, %lt3A_274 : i32
      %and3A_276 = arith.andi %gt3A_271, %lt3A_275 : i1
      %convert_element_type3A_277 = arith.extui %and3A_276 : i1 to i32
      %cond3A_278 = arith.constant 0 : i32
      %cond3A_279 = arith.cmpi ne, %convert_element_type3A_277, %cond3A_278 : i32
      scf.if %cond3A_279 {
        %dma_wait3A_346 = arith.constant 0 : i32
        %dma_wait3A_347 = arith.constant 0 : i32
        %dma_wait3A_348 = arith.constant 0 : i32
        %dma_wait3A_349 = tpu.memref_slice %arg8[%dma_wait3A_346, %dma_wait3A_347, %dma_wait3A_348] : memref<2x2x128xi32, #tpu.memory_space<vmem>> -> memref<1x2x128xi32, #tpu.memory_space<vmem>>
        %dma_wait3A_350 = tpu.memref_squeeze %dma_wait3A_349 : memref<1x2x128xi32, #tpu.memory_space<vmem>> -> memref<2x128xi32, #tpu.memory_space<vmem>>
        %dma_wait3A_351 = arith.constant 0 : i32
        %dma_wait3A_352 = arith.constant 0 : i32
        %dma_wait3A_353 = tpu.memref_slice %arg3[%mul3A_4, %dma_wait3A_351, %dma_wait3A_352] : memref<4096x2x128xi32, #tpu.memory_space<hbm>> -> memref<1x2x128xi32, #tpu.memory_space<hbm>>
        %dma_wait3A_354 = tpu.memref_squeeze %dma_wait3A_353 : memref<1x2x128xi32, #tpu.memory_space<hbm>> -> memref<2x128xi32, #tpu.memory_space<hbm>>
        %dma_wait3A_355 = arith.constant 0 : i32
        %dma_wait3A_356 = arith.constant 0 : i32
        %dma_wait3A_357 = tpu.memref_slice %arg8[%dma_wait3A_346, %dma_wait3A_355, %dma_wait3A_356] : memref<2x2x128xi32, #tpu.memory_space<vmem>> -> memref<1x2x128xi32, #tpu.memory_space<vmem>>
        %dma_wait3A_358 = tpu.memref_squeeze %dma_wait3A_357 : memref<1x2x128xi32, #tpu.memory_space<vmem>> -> memref<2x128xi32, #tpu.memory_space<vmem>>
        %dma_wait3A_359 = arith.constant 0 : i32
        %dma_wait3A_360 = arith.constant 0 : i32
        %dma_wait3A_361 = tpu.memref_slice %arg3[%mul3A_4, %dma_wait3A_359, %dma_wait3A_360] : memref<4096x2x128xi32, #tpu.memory_space<hbm>> -> memref<1x2x128xi32, #tpu.memory_space<hbm>>
        %dma_wait3A_362 = tpu.memref_squeeze %dma_wait3A_361 : memref<1x2x128xi32, #tpu.memory_space<hbm>> -> memref<2x128xi32, #tpu.memory_space<hbm>>
        tpu.wait_dma2 semaphore(%arg12 : memref<!tpu.dma_semaphore, #tpu.memory_space<semaphore_mem>>) src(%dma_wait3A_362 : memref<2x128xi32, #tpu.memory_space<hbm>>) dst(%dma_wait3A_358 : memref<2x128xi32, #tpu.memory_space<vmem>>)
      } else {
      }
      %add3A_280 = arith.constant 1 : i32
      %add3A_281 = arith.addi %add3A_264, %add3A_280 : i32
      %lt3A_282 = arith.constant 128 : i32
      %lt3A_283 = arith.cmpi slt, %add3A_281, %lt3A_282 : i32
      %convert_element_type3A_284 = arith.extui %lt3A_283 : i1 to i32
      %cond3A_285 = arith.constant 0 : i32
      %cond3A_286 = arith.cmpi ne, %convert_element_type3A_284, %cond3A_285 : i32
      scf.if %cond3A_286 {
        %dma_start3A_346 = arith.constant 0 : i32
        %dma_start3A_347 = arith.constant 0 : i32
        %dma_start3A_348 = arith.constant 0 : i32
        %dma_start3A_349 = arith.constant 0 : i32
        %dma_start3A_350 = arith.constant 0 : i32
        %dma_start3A_351 = tpu.memref_slice %arg10[%dma_start3A_348, %dma_start3A_349, %dma_start3A_350] : memref<2x80x128xf32, #tpu.memory_space<vmem>> -> memref<1x80x128xf32, #tpu.memory_space<vmem>>
        %dma_start3A_352 = tpu.memref_squeeze %dma_start3A_351 : memref<1x80x128xf32, #tpu.memory_space<vmem>> -> memref<80x128xf32, #tpu.memory_space<vmem>>
        %dma_start3A_353 = arith.constant 0 : i32
        %dma_start3A_354 = tpu.memref_slice %arg8[%dma_start3A_346, %dma_start3A_347, %dma_start3A_353] : memref<2x2x128xi32, #tpu.memory_space<vmem>> -> memref<1x1x80xi32, #tpu.memory_space<vmem>>
        %dma_start3A_355 = tpu.memref_squeeze %dma_start3A_354 : memref<1x1x80xi32, #tpu.memory_space<vmem>> -> memref<80xi32, #tpu.memory_space<vmem>>
        %dma_start3A_356 = arith.constant 0 : i32
        %dma_start3A_357 = arith.constant 0 : i32
        %dma_start3A_358 = tpu.memref_slice %arg2[%dma_start3A_356, %dma_start3A_357] : memref<10000x128xf32, #tpu.memory_space<hbm>> -> memref<10000x128xf32, #tpu.memory_space<hbm>>
        tpu.enqueue_indirect_dma source(%dma_start3A_358 : memref<10000x128xf32, #tpu.memory_space<hbm>>) target(%dma_start3A_352 : memref<80x128xf32, #tpu.memory_space<vmem>>) offsets(%dma_start3A_355 : memref<80xi32, #tpu.memory_space<vmem>>) semaphore(%arg14 : memref<!tpu.dma_semaphore, #tpu.memory_space<semaphore_mem>>)
        %add3A_359 = arith.constant 1 : i32
        %add3A_360 = arith.addi %add3A_264, %add3A_359 : i32
        %mul3A_361 = arith.constant 80 : i32
        %mul3A_362 = arith.muli %add3A_360, %mul3A_361 : i32
        %add3A_363 = arith.addi %mul3A_2, %mul3A_362 : i32
        %dma_start3A_364 = arith.constant 0 : i32
        %dma_start3A_365 = arith.constant 0 : i32
        %dma_start3A_366 = arith.constant 0 : i32
        %dma_start3A_367 = tpu.memref_slice %arg11[%dma_start3A_364, %dma_start3A_365, %dma_start3A_366] : memref<2x80x128xf32, #tpu.memory_space<vmem>> -> memref<1x80x128xf32, #tpu.memory_space<vmem>>
        %dma_start3A_368 = tpu.memref_squeeze %dma_start3A_367 : memref<1x80x128xf32, #tpu.memory_space<vmem>> -> memref<80x128xf32, #tpu.memory_space<vmem>>
        %dma_start3A_369 = arith.constant 0 : i32
        %dma_start3A_370 = tpu.memref_slice %arg4[%add3A_363, %dma_start3A_369] : memref<327680x128xf32, #tpu.memory_space<hbm>> -> memref<80x128xf32, #tpu.memory_space<hbm>>
        %dma_start3A_371 = arith.constant 0 : i32
        %dma_start3A_372 = arith.constant 0 : i32
        %dma_start3A_373 = tpu.memref_slice %arg11[%dma_start3A_364, %dma_start3A_371, %dma_start3A_372] : memref<2x80x128xf32, #tpu.memory_space<vmem>> -> memref<1x80x128xf32, #tpu.memory_space<vmem>>
        %dma_start3A_374 = tpu.memref_squeeze %dma_start3A_373 : memref<1x80x128xf32, #tpu.memory_space<vmem>> -> memref<80x128xf32, #tpu.memory_space<vmem>>
        %dma_start3A_375 = arith.constant 0 : i32
        %dma_start3A_376 = tpu.memref_slice %arg4[%add3A_363, %dma_start3A_375] : memref<327680x128xf32, #tpu.memory_space<hbm>> -> memref<80x128xf32, #tpu.memory_space<hbm>>
        tpu.enqueue_dma source(%dma_start3A_376 : memref<80x128xf32, #tpu.memory_space<hbm>>) target(%dma_start3A_374 : memref<80x128xf32, #tpu.memory_space<vmem>>) target_semaphore(%arg16 : memref<!tpu.dma_semaphore, #tpu.memory_space<semaphore_mem>>)
      } else {
      }
      %gt3A_287 = arith.constant 0 : i32
      %gt3A_288 = arith.cmpi sgt, %add3A_264, %gt3A_287 : i32
      %add3A_289 = arith.constant 1 : i32
      %add3A_290 = arith.addi %add3A_264, %add3A_289 : i32
      %lt3A_291 = arith.constant 128 : i32
      %lt3A_292 = arith.cmpi slt, %add3A_290, %lt3A_291 : i32
      %and3A_293 = arith.andi %gt3A_288, %lt3A_292 : i1
      %convert_element_type3A_294 = arith.extui %and3A_293 : i1 to i32
      %cond3A_295 = arith.constant 0 : i32
      %cond3A_296 = arith.cmpi ne, %convert_element_type3A_294, %cond3A_295 : i32
      scf.if %cond3A_296 {
        %get3A_346 = arith.constant 0 : i32
        %get3A_347 = arith.constant 1 : i32
        %get3A_348 = arith.index_cast %get3A_346 : i32 to index
        %get3A_349 = arith.index_cast %get3A_347 : i32 to index
        %get3A_350 = arith.constant 0 : index
        %get3A_351 = tpu.vector_load %arg8[%get3A_348, %get3A_349, %get3A_350] {strides = array<i32>} : memref<2x2x128xi32, #tpu.memory_space<vmem>>, vector<1x1x16xi32>,
        %get3A_352 = vector.shape_cast %get3A_351 : vector<1x1x16xi32> to vector<16xi32>
        %swap3A_353 = arith.constant 0 : i32
        %swap3A_354 = arith.index_cast %swap3A_353 : i32 to index
        %swap3A_355 = arith.constant 0 : index
        %swap3A_356 = tpu.vector_load %arg9[%swap3A_354, %swap3A_355] {strides = array<i32>} : memref<2x80xi32, #tpu.memory_space<vmem>>, vector<1x16xi32>,
        %swap3A_357 = vector.shape_cast %swap3A_356 : vector<1x16xi32> to vector<16xi32>
        %swap3A_358 = vector.shape_cast %get3A_352 : vector<16xi32> to vector<1x16xi32>
        tpu.vector_store %arg9[%swap3A_354, %swap3A_355], %swap3A_358 {strides = array<i32>} : memref<2x80xi32, #tpu.memory_space<vmem>>, vector<1x16xi32>,
        %get3A_359 = arith.constant 0 : i32
        %get3A_360 = arith.constant 1 : i32
        %get3A_361 = arith.index_cast %get3A_359 : i32 to index
        %get3A_362 = arith.index_cast %get3A_360 : i32 to index
        %get3A_363 = arith.constant 16 : index
        %get3A_364 = tpu.vector_load %arg8[%get3A_361, %get3A_362, %get3A_363] {strides = array<i32>} : memref<2x2x128xi32, #tpu.memory_space<vmem>>, vector<1x1x16xi32>,
        %get3A_365 = vector.shape_cast %get3A_364 : vector<1x1x16xi32> to vector<16xi32>
        %swap3A_366 = arith.constant 0 : i32
        %swap3A_367 = arith.index_cast %swap3A_366 : i32 to index
        %swap3A_368 = arith.constant 16 : index
        %swap3A_369 = tpu.vector_load %arg9[%swap3A_367, %swap3A_368] {strides = array<i32>} : memref<2x80xi32, #tpu.memory_space<vmem>>, vector<1x16xi32>,
        %swap3A_370 = vector.shape_cast %swap3A_369 : vector<1x16xi32> to vector<16xi32>
        %swap3A_371 = vector.shape_cast %get3A_365 : vector<16xi32> to vector<1x16xi32>
        tpu.vector_store %arg9[%swap3A_367, %swap3A_368], %swap3A_371 {strides = array<i32>} : memref<2x80xi32, #tpu.memory_space<vmem>>, vector<1x16xi32>,
        %get3A_372 = arith.constant 0 : i32
        %get3A_373 = arith.constant 1 : i32
        %get3A_374 = arith.index_cast %get3A_372 : i32 to index
        %get3A_375 = arith.index_cast %get3A_373 : i32 to index
        %get3A_376 = arith.constant 32 : index
        %get3A_377 = tpu.vector_load %arg8[%get3A_374, %get3A_375, %get3A_376] {strides = array<i32>} : memref<2x2x128xi32, #tpu.memory_space<vmem>>, vector<1x1x16xi32>,
        %get3A_378 = vector.shape_cast %get3A_377 : vector<1x1x16xi32> to vector<16xi32>
        %swap3A_379 = arith.constant 0 : i32
        %swap3A_380 = arith.index_cast %swap3A_379 : i32 to index
        %swap3A_381 = arith.constant 32 : index
        %swap3A_382 = tpu.vector_load %arg9[%swap3A_380, %swap3A_381] {strides = array<i32>} : memref<2x80xi32, #tpu.memory_space<vmem>>, vector<1x16xi32>,
        %swap3A_383 = vector.shape_cast %swap3A_382 : vector<1x16xi32> to vector<16xi32>
        %swap3A_384 = vector.shape_cast %get3A_378 : vector<16xi32> to vector<1x16xi32>
        tpu.vector_store %arg9[%swap3A_380, %swap3A_381], %swap3A_384 {strides = array<i32>} : memref<2x80xi32, #tpu.memory_space<vmem>>, vector<1x16xi32>,
        %get3A_385 = arith.constant 0 : i32
        %get3A_386 = arith.constant 1 : i32
        %get3A_387 = arith.index_cast %get3A_385 : i32 to index
        %get3A_388 = arith.index_cast %get3A_386 : i32 to index
        %get3A_389 = arith.constant 48 : index
        %get3A_390 = tpu.vector_load %arg8[%get3A_387, %get3A_388, %get3A_389] {strides = array<i32>} : memref<2x2x128xi32, #tpu.memory_space<vmem>>, vector<1x1x16xi32>,
        %get3A_391 = vector.shape_cast %get3A_390 : vector<1x1x16xi32> to vector<16xi32>
        %swap3A_392 = arith.constant 0 : i32
        %swap3A_393 = arith.index_cast %swap3A_392 : i32 to index
        %swap3A_394 = arith.constant 48 : index
        %swap3A_395 = tpu.vector_load %arg9[%swap3A_393, %swap3A_394] {strides = array<i32>} : memref<2x80xi32, #tpu.memory_space<vmem>>, vector<1x16xi32>,
        %swap3A_396 = vector.shape_cast %swap3A_395 : vector<1x16xi32> to vector<16xi32>
        %swap3A_397 = vector.shape_cast %get3A_391 : vector<16xi32> to vector<1x16xi32>
        tpu.vector_store %arg9[%swap3A_393, %swap3A_394], %swap3A_397 {strides = array<i32>} : memref<2x80xi32, #tpu.memory_space<vmem>>, vector<1x16xi32>,
        %get3A_398 = arith.constant 0 : i32
        %get3A_399 = arith.constant 1 : i32
        %get3A_400 = arith.index_cast %get3A_398 : i32 to index
        %get3A_401 = arith.index_cast %get3A_399 : i32 to index
        %get3A_402 = arith.constant 64 : index
        %get3A_403 = tpu.vector_load %arg8[%get3A_400, %get3A_401, %get3A_402] {strides = array<i32>} : memref<2x2x128xi32, #tpu.memory_space<vmem>>, vector<1x1x16xi32>,
        %get3A_404 = vector.shape_cast %get3A_403 : vector<1x1x16xi32> to vector<16xi32>
        %swap3A_405 = arith.constant 0 : i32
        %swap3A_406 = arith.index_cast %swap3A_405 : i32 to index
        %swap3A_407 = arith.constant 64 : index
        %swap3A_408 = tpu.vector_load %arg9[%swap3A_406, %swap3A_407] {strides = array<i32>} : memref<2x80xi32, #tpu.memory_space<vmem>>, vector<1x16xi32>,
        %swap3A_409 = vector.shape_cast %swap3A_408 : vector<1x16xi32> to vector<16xi32>
        %swap3A_410 = vector.shape_cast %get3A_404 : vector<16xi32> to vector<1x16xi32>
        tpu.vector_store %arg9[%swap3A_406, %swap3A_407], %swap3A_410 {strides = array<i32>} : memref<2x80xi32, #tpu.memory_space<vmem>>, vector<1x16xi32>,
      } else {
      }
      %add3A_297 = arith.constant 2 : i32
      %add3A_298 = arith.addi %add3A_264, %add3A_297 : i32
      %lt3A_299 = arith.constant 128 : i32
      %lt3A_300 = arith.cmpi slt, %add3A_298, %lt3A_299 : i32
      %convert_element_type3A_301 = arith.extui %lt3A_300 : i1 to i32
      %cond3A_302 = arith.constant 0 : i32
      %cond3A_303 = arith.cmpi ne, %convert_element_type3A_301, %cond3A_302 : i32
      scf.if %cond3A_303 {
        %add3A_346 = arith.addi %mul3A_4, %add3A_264 : i32
        %add3A_347 = arith.constant 2 : i32
        %add3A_348 = arith.addi %add3A_346, %add3A_347 : i32
        %dma_start3A_349 = arith.constant 1 : i32
        %dma_start3A_350 = arith.constant 0 : i32
        %dma_start3A_351 = arith.constant 0 : i32
        %dma_start3A_352 = tpu.memref_slice %arg8[%dma_start3A_349, %dma_start3A_350, %dma_start3A_351] : memref<2x2x128xi32, #tpu.memory_space<vmem>> -> memref<1x2x128xi32, #tpu.memory_space<vmem>>
        %dma_start3A_353 = tpu.memref_squeeze %dma_start3A_352 : memref<1x2x128xi32, #tpu.memory_space<vmem>> -> memref<2x128xi32, #tpu.memory_space<vmem>>
        %dma_start3A_354 = arith.constant 0 : i32
        %dma_start3A_355 = arith.constant 0 : i32
        %dma_start3A_356 = tpu.memref_slice %arg3[%add3A_348, %dma_start3A_354, %dma_start3A_355] : memref<4096x2x128xi32, #tpu.memory_space<hbm>> -> memref<1x2x128xi32, #tpu.memory_space<hbm>>
        %dma_start3A_357 = tpu.memref_squeeze %dma_start3A_356 : memref<1x2x128xi32, #tpu.memory_space<hbm>> -> memref<2x128xi32, #tpu.memory_space<hbm>>
        %dma_start3A_358 = arith.constant 0 : i32
        %dma_start3A_359 = arith.constant 0 : i32
        %dma_start3A_360 = tpu.memref_slice %arg8[%dma_start3A_349, %dma_start3A_358, %dma_start3A_359] : memref<2x2x128xi32, #tpu.memory_space<vmem>> -> memref<1x2x128xi32, #tpu.memory_space<vmem>>
        %dma_start3A_361 = tpu.memref_squeeze %dma_start3A_360 : memref<1x2x128xi32, #tpu.memory_space<vmem>> -> memref<2x128xi32, #tpu.memory_space<vmem>>
        %dma_start3A_362 = arith.constant 0 : i32
        %dma_start3A_363 = arith.constant 0 : i32
        %dma_start3A_364 = tpu.memref_slice %arg3[%add3A_348, %dma_start3A_362, %dma_start3A_363] : memref<4096x2x128xi32, #tpu.memory_space<hbm>> -> memref<1x2x128xi32, #tpu.memory_space<hbm>>
        %dma_start3A_365 = tpu.memref_squeeze %dma_start3A_364 : memref<1x2x128xi32, #tpu.memory_space<hbm>> -> memref<2x128xi32, #tpu.memory_space<hbm>>
        tpu.enqueue_dma source(%dma_start3A_365 : memref<2x128xi32, #tpu.memory_space<hbm>>) target(%dma_start3A_361 : memref<2x128xi32, #tpu.memory_space<vmem>>) target_semaphore(%arg13 : memref<!tpu.dma_semaphore, #tpu.memory_space<semaphore_mem>>)
      } else {
      }
      %dma_wait3A_304 = arith.constant 1 : i32
      %dma_wait3A_305 = arith.constant 0 : i32
      %dma_wait3A_306 = arith.constant 1 : i32
      %dma_wait3A_307 = arith.constant 0 : i32
      %dma_wait3A_308 = arith.constant 0 : i32
      %dma_wait3A_309 = tpu.memref_slice %arg10[%dma_wait3A_306, %dma_wait3A_307, %dma_wait3A_308] : memref<2x80x128xf32, #tpu.memory_space<vmem>> -> memref<1x80x128xf32, #tpu.memory_space<vmem>>
      %dma_wait3A_310 = tpu.memref_squeeze %dma_wait3A_309 : memref<1x80x128xf32, #tpu.memory_space<vmem>> -> memref<80x128xf32, #tpu.memory_space<vmem>>
      %dma_wait3A_311 = arith.constant 0 : i32
      %dma_wait3A_312 = tpu.memref_slice %arg8[%dma_wait3A_304, %dma_wait3A_305, %dma_wait3A_311] : memref<2x2x128xi32, #tpu.memory_space<vmem>> -> memref<1x1x80xi32, #tpu.memory_space<vmem>>
      %dma_wait3A_313 = tpu.memref_squeeze %dma_wait3A_312 : memref<1x1x80xi32, #tpu.memory_space<vmem>> -> memref<80xi32, #tpu.memory_space<vmem>>
      %dma_wait3A_314 = arith.constant 0 : i32
      %dma_wait3A_315 = arith.constant 0 : i32
      %dma_wait3A_316 = tpu.memref_slice %arg2[%dma_wait3A_314, %dma_wait3A_315] : memref<10000x128xf32, #tpu.memory_space<hbm>> -> memref<10000x128xf32, #tpu.memory_space<hbm>>
      tpu.wait_indirect_dma semaphore(%arg15 : memref<!tpu.dma_semaphore, #tpu.memory_space<semaphore_mem>>) src(%dma_wait3A_316 : memref<10000x128xf32, #tpu.memory_space<hbm>>) dst(%dma_wait3A_310 : memref<80x128xf32, #tpu.memory_space<vmem>>)
      %dma_wait3A_317 = arith.constant 1 : i32
      %dma_wait3A_318 = arith.constant 0 : i32
      %dma_wait3A_319 = arith.constant 0 : i32
      %dma_wait3A_320 = tpu.memref_slice %arg11[%dma_wait3A_317, %dma_wait3A_318, %dma_wait3A_319] : memref<2x80x128xf32, #tpu.memory_space<vmem>> -> memref<1x80x128xf32, #tpu.memory_space<vmem>>
      %dma_wait3A_321 = tpu.memref_squeeze %dma_wait3A_320 : memref<1x80x128xf32, #tpu.memory_space<vmem>> -> memref<80x128xf32, #tpu.memory_space<vmem>>
      %dma_wait3A_322 = arith.constant 0 : i32
      %dma_wait3A_323 = tpu.memref_slice %arg4[%mul3A_2, %dma_wait3A_322] : memref<327680x128xf32, #tpu.memory_space<hbm>> -> memref<80x128xf32, #tpu.memory_space<hbm>>
      %dma_wait3A_324 = arith.constant 0 : i32
      %dma_wait3A_325 = arith.constant 0 : i32
      %dma_wait3A_326 = tpu.memref_slice %arg11[%dma_wait3A_317, %dma_wait3A_324, %dma_wait3A_325] : memref<2x80x128xf32, #tpu.memory_space<vmem>> -> memref<1x80x128xf32, #tpu.memory_space<vmem>>
      %dma_wait3A_327 = tpu.memref_squeeze %dma_wait3A_326 : memref<1x80x128xf32, #tpu.memory_space<vmem>> -> memref<80x128xf32, #tpu.memory_space<vmem>>
      %dma_wait3A_328 = arith.constant 0 : i32
      %dma_wait3A_329 = tpu.memref_slice %arg4[%mul3A_2, %dma_wait3A_328] : memref<327680x128xf32, #tpu.memory_space<hbm>> -> memref<80x128xf32, #tpu.memory_space<hbm>>
      tpu.wait_dma2 semaphore(%arg17 : memref<!tpu.dma_semaphore, #tpu.memory_space<semaphore_mem>>) src(%dma_wait3A_329 : memref<80x128xf32, #tpu.memory_space<hbm>>) dst(%dma_wait3A_327 : memref<80x128xf32, #tpu.memory_space<vmem>>)
      %parallel_loop3A_330 = arith.constant 0 : i32
      %parallel_loop3A_331 = arith.constant 80 : i32
      %parallel_loop3A_332 = arith.constant 1 : i32
      scf.for %parallel_loop3A_346 = %parallel_loop3A_330 to %parallel_loop3A_331 step %parallel_loop3A_332  : i32 {
        %parallel_loop3A_347 = arith.constant 1 : i32
        %parallel_loop3A_348 = arith.index_cast %parallel_loop3A_347 : i32 to index
        %parallel_loop3A_349 = arith.index_cast %parallel_loop3A_346 : i32 to index
        %parallel_loop3A_350 = arith.constant 0 : index
        %parallel_loop3A_351 = tpu.vector_load %arg10[%parallel_loop3A_348, %parallel_loop3A_349, %parallel_loop3A_350] {strides = array<i32>} : memref<2x80x128xf32, #tpu.memory_space<vmem>>, vector<1x1x16xf32>,
        %parallel_loop3A_352 = vector.shape_cast %parallel_loop3A_351 : vector<1x1x16xf32> to vector<16xf32>
        %parallel_loop3A_353 = arith.constant 1 : i32
        %parallel_loop3A_354 = arith.index_cast %parallel_loop3A_353 : i32 to index
        %parallel_loop3A_355 = arith.index_cast %parallel_loop3A_346 : i32 to index
        %parallel_loop3A_356 = arith.constant 0 : index
        %parallel_loop3A_357 = tpu.vector_load %arg11[%parallel_loop3A_354, %parallel_loop3A_355, %parallel_loop3A_356] {strides = array<i32>} : memref<2x80x128xf32, #tpu.memory_space<vmem>>, vector<1x1x16xf32>,
        %parallel_loop3A_358 = vector.shape_cast %parallel_loop3A_357 : vector<1x1x16xf32> to vector<16xf32>
        %parallel_loop3A_359 = arith.addf %parallel_loop3A_352, %parallel_loop3A_358 : vector<16xf32>
        %parallel_loop3A_360 = arith.constant 0.000000e+00 : f32
        %parallel_loop3A_361 = vector.broadcast %parallel_loop3A_360 : f32 to vector<16xf32>
        %parallel_loop3A_362 = arith.maximumf %parallel_loop3A_359, %parallel_loop3A_361 : vector<16xf32>
        %parallel_loop3A_363 = arith.constant 1 : i32
        %parallel_loop3A_364 = arith.index_cast %parallel_loop3A_363 : i32 to index
        %parallel_loop3A_365 = arith.index_cast %parallel_loop3A_346 : i32 to index
        %parallel_loop3A_366 = arith.constant 0 : index
        %parallel_loop3A_367 = tpu.vector_load %arg10[%parallel_loop3A_364, %parallel_loop3A_365, %parallel_loop3A_366] {strides = array<i32>} : memref<2x80x128xf32, #tpu.memory_space<vmem>>, vector<1x1x16xf32>,
        %parallel_loop3A_368 = vector.shape_cast %parallel_loop3A_367 : vector<1x1x16xf32> to vector<16xf32>
        %parallel_loop3A_369 = vector.shape_cast %parallel_loop3A_362 : vector<16xf32> to vector<1x1x16xf32>
        tpu.vector_store %arg10[%parallel_loop3A_364, %parallel_loop3A_365, %parallel_loop3A_366], %parallel_loop3A_369 {strides = array<i32>} : memref<2x80x128xf32, #tpu.memory_space<vmem>>, vector<1x1x16xf32>,
        %parallel_loop3A_370 = arith.constant 1 : i32
        %parallel_loop3A_371 = arith.index_cast %parallel_loop3A_370 : i32 to index
        %parallel_loop3A_372 = arith.index_cast %parallel_loop3A_346 : i32 to index
        %parallel_loop3A_373 = arith.constant 16 : index
        %parallel_loop3A_374 = tpu.vector_load %arg10[%parallel_loop3A_371, %parallel_loop3A_372, %parallel_loop3A_373] {strides = array<i32>} : memref<2x80x128xf32, #tpu.memory_space<vmem>>, vector<1x1x16xf32>,
        %parallel_loop3A_375 = vector.shape_cast %parallel_loop3A_374 : vector<1x1x16xf32> to vector<16xf32>
        %parallel_loop3A_376 = arith.constant 1 : i32
        %parallel_loop3A_377 = arith.index_cast %parallel_loop3A_376 : i32 to index
        %parallel_loop3A_378 = arith.index_cast %parallel_loop3A_346 : i32 to index
        %parallel_loop3A_379 = arith.constant 16 : index
        %parallel_loop3A_380 = tpu.vector_load %arg11[%parallel_loop3A_377, %parallel_loop3A_378, %parallel_loop3A_379] {strides = array<i32>} : memref<2x80x128xf32, #tpu.memory_space<vmem>>, vector<1x1x16xf32>,
        %parallel_loop3A_381 = vector.shape_cast %parallel_loop3A_380 : vector<1x1x16xf32> to vector<16xf32>
        %parallel_loop3A_382 = arith.addf %parallel_loop3A_375, %parallel_loop3A_381 : vector<16xf32>
        %parallel_loop3A_383 = arith.constant 0.000000e+00 : f32
        %parallel_loop3A_384 = vector.broadcast %parallel_loop3A_383 : f32 to vector<16xf32>
        %parallel_loop3A_385 = arith.maximumf %parallel_loop3A_382, %parallel_loop3A_384 : vector<16xf32>
        %parallel_loop3A_386 = arith.constant 1 : i32
        %parallel_loop3A_387 = arith.index_cast %parallel_loop3A_386 : i32 to index
        %parallel_loop3A_388 = arith.index_cast %parallel_loop3A_346 : i32 to index
        %parallel_loop3A_389 = arith.constant 16 : index
        %parallel_loop3A_390 = tpu.vector_load %arg10[%parallel_loop3A_387, %parallel_loop3A_388, %parallel_loop3A_389] {strides = array<i32>} : memref<2x80x128xf32, #tpu.memory_space<vmem>>, vector<1x1x16xf32>,
        %parallel_loop3A_391 = vector.shape_cast %parallel_loop3A_390 : vector<1x1x16xf32> to vector<16xf32>
        %parallel_loop3A_392 = vector.shape_cast %parallel_loop3A_385 : vector<16xf32> to vector<1x1x16xf32>
        tpu.vector_store %arg10[%parallel_loop3A_387, %parallel_loop3A_388, %parallel_loop3A_389], %parallel_loop3A_392 {strides = array<i32>} : memref<2x80x128xf32, #tpu.memory_space<vmem>>, vector<1x1x16xf32>,
        %parallel_loop3A_393 = arith.constant 1 : i32
        %parallel_loop3A_394 = arith.index_cast %parallel_loop3A_393 : i32 to index
        %parallel_loop3A_395 = arith.index_cast %parallel_loop3A_346 : i32 to index
        %parallel_loop3A_396 = arith.constant 32 : index
        %parallel_loop3A_397 = tpu.vector_load %arg10[%parallel_loop3A_394, %parallel_loop3A_395, %parallel_loop3A_396] {strides = array<i32>} : memref<2x80x128xf32, #tpu.memory_space<vmem>>, vector<1x1x16xf32>,
        %parallel_loop3A_398 = vector.shape_cast %parallel_loop3A_397 : vector<1x1x16xf32> to vector<16xf32>
        %parallel_loop3A_399 = arith.constant 1 : i32
        %parallel_loop3A_400 = arith.index_cast %parallel_loop3A_399 : i32 to index
        %parallel_loop3A_401 = arith.index_cast %parallel_loop3A_346 : i32 to index
        %parallel_loop3A_402 = arith.constant 32 : index
        %parallel_loop3A_403 = tpu.vector_load %arg11[%parallel_loop3A_400, %parallel_loop3A_401, %parallel_loop3A_402] {strides = array<i32>} : memref<2x80x128xf32, #tpu.memory_space<vmem>>, vector<1x1x16xf32>,
        %parallel_loop3A_404 = vector.shape_cast %parallel_loop3A_403 : vector<1x1x16xf32> to vector<16xf32>
        %parallel_loop3A_405 = arith.addf %parallel_loop3A_398, %parallel_loop3A_404 : vector<16xf32>
        %parallel_loop3A_406 = arith.constant 0.000000e+00 : f32
        %parallel_loop3A_407 = vector.broadcast %parallel_loop3A_406 : f32 to vector<16xf32>
        %parallel_loop3A_408 = arith.maximumf %parallel_loop3A_405, %parallel_loop3A_407 : vector<16xf32>
        %parallel_loop3A_409 = arith.constant 1 : i32
        %parallel_loop3A_410 = arith.index_cast %parallel_loop3A_409 : i32 to index
        %parallel_loop3A_411 = arith.index_cast %parallel_loop3A_346 : i32 to index
        %parallel_loop3A_412 = arith.constant 32 : index
        %parallel_loop3A_413 = tpu.vector_load %arg10[%parallel_loop3A_410, %parallel_loop3A_411, %parallel_loop3A_412] {strides = array<i32>} : memref<2x80x128xf32, #tpu.memory_space<vmem>>, vector<1x1x16xf32>,
        %parallel_loop3A_414 = vector.shape_cast %parallel_loop3A_413 : vector<1x1x16xf32> to vector<16xf32>
        %parallel_loop3A_415 = vector.shape_cast %parallel_loop3A_408 : vector<16xf32> to vector<1x1x16xf32>
        tpu.vector_store %arg10[%parallel_loop3A_410, %parallel_loop3A_411, %parallel_loop3A_412], %parallel_loop3A_415 {strides = array<i32>} : memref<2x80x128xf32, #tpu.memory_space<vmem>>, vector<1x1x16xf32>,
        %parallel_loop3A_416 = arith.constant 1 : i32
        %parallel_loop3A_417 = arith.index_cast %parallel_loop3A_416 : i32 to index
        %parallel_loop3A_418 = arith.index_cast %parallel_loop3A_346 : i32 to index
        %parallel_loop3A_419 = arith.constant 48 : index
        %parallel_loop3A_420 = tpu.vector_load %arg10[%parallel_loop3A_417, %parallel_loop3A_418, %parallel_loop3A_419] {strides = array<i32>} : memref<2x80x128xf32, #tpu.memory_space<vmem>>, vector<1x1x16xf32>,
        %parallel_loop3A_421 = vector.shape_cast %parallel_loop3A_420 : vector<1x1x16xf32> to vector<16xf32>
        %parallel_loop3A_422 = arith.constant 1 : i32
        %parallel_loop3A_423 = arith.index_cast %parallel_loop3A_422 : i32 to index
        %parallel_loop3A_424 = arith.index_cast %parallel_loop3A_346 : i32 to index
        %parallel_loop3A_425 = arith.constant 48 : index
        %parallel_loop3A_426 = tpu.vector_load %arg11[%parallel_loop3A_423, %parallel_loop3A_424, %parallel_loop3A_425] {strides = array<i32>} : memref<2x80x128xf32, #tpu.memory_space<vmem>>, vector<1x1x16xf32>,
        %parallel_loop3A_427 = vector.shape_cast %parallel_loop3A_426 : vector<1x1x16xf32> to vector<16xf32>
        %parallel_loop3A_428 = arith.addf %parallel_loop3A_421, %parallel_loop3A_427 : vector<16xf32>
        %parallel_loop3A_429 = arith.constant 0.000000e+00 : f32
        %parallel_loop3A_430 = vector.broadcast %parallel_loop3A_429 : f32 to vector<16xf32>
        %parallel_loop3A_431 = arith.maximumf %parallel_loop3A_428, %parallel_loop3A_430 : vector<16xf32>
        %parallel_loop3A_432 = arith.constant 1 : i32
        %parallel_loop3A_433 = arith.index_cast %parallel_loop3A_432 : i32 to index
        %parallel_loop3A_434 = arith.index_cast %parallel_loop3A_346 : i32 to index
        %parallel_loop3A_435 = arith.constant 48 : index
        %parallel_loop3A_436 = tpu.vector_load %arg10[%parallel_loop3A_433, %parallel_loop3A_434, %parallel_loop3A_435] {strides = array<i32>} : memref<2x80x128xf32, #tpu.memory_space<vmem>>, vector<1x1x16xf32>,
        %parallel_loop3A_437 = vector.shape_cast %parallel_loop3A_436 : vector<1x1x16xf32> to vector<16xf32>
        %parallel_loop3A_438 = vector.shape_cast %parallel_loop3A_431 : vector<16xf32> to vector<1x1x16xf32>
        tpu.vector_store %arg10[%parallel_loop3A_433, %parallel_loop3A_434, %parallel_loop3A_435], %parallel_loop3A_438 {strides = array<i32>} : memref<2x80x128xf32, #tpu.memory_space<vmem>>, vector<1x1x16xf32>,
        %parallel_loop3A_439 = arith.constant 1 : i32
        %parallel_loop3A_440 = arith.index_cast %parallel_loop3A_439 : i32 to index
        %parallel_loop3A_441 = arith.index_cast %parallel_loop3A_346 : i32 to index
        %parallel_loop3A_442 = arith.constant 64 : index
        %parallel_loop3A_443 = tpu.vector_load %arg10[%parallel_loop3A_440, %parallel_loop3A_441, %parallel_loop3A_442] {strides = array<i32>} : memref<2x80x128xf32, #tpu.memory_space<vmem>>, vector<1x1x16xf32>,
        %parallel_loop3A_444 = vector.shape_cast %parallel_loop3A_443 : vector<1x1x16xf32> to vector<16xf32>
        %parallel_loop3A_445 = arith.constant 1 : i32
        %parallel_loop3A_446 = arith.index_cast %parallel_loop3A_445 : i32 to index
        %parallel_loop3A_447 = arith.index_cast %parallel_loop3A_346 : i32 to index
        %parallel_loop3A_448 = arith.constant 64 : index
        %parallel_loop3A_449 = tpu.vector_load %arg11[%parallel_loop3A_446, %parallel_loop3A_447, %parallel_loop3A_448] {strides = array<i32>} : memref<2x80x128xf32, #tpu.memory_space<vmem>>, vector<1x1x16xf32>,
        %parallel_loop3A_450 = vector.shape_cast %parallel_loop3A_449 : vector<1x1x16xf32> to vector<16xf32>
        %parallel_loop3A_451 = arith.addf %parallel_loop3A_444, %parallel_loop3A_450 : vector<16xf32>
        %parallel_loop3A_452 = arith.constant 0.000000e+00 : f32
        %parallel_loop3A_453 = vector.broadcast %parallel_loop3A_452 : f32 to vector<16xf32>
        %parallel_loop3A_454 = arith.maximumf %parallel_loop3A_451, %parallel_loop3A_453 : vector<16xf32>
        %parallel_loop3A_455 = arith.constant 1 : i32
        %parallel_loop3A_456 = arith.index_cast %parallel_loop3A_455 : i32 to index
        %parallel_loop3A_457 = arith.index_cast %parallel_loop3A_346 : i32 to index
        %parallel_loop3A_458 = arith.constant 64 : index
        %parallel_loop3A_459 = tpu.vector_load %arg10[%parallel_loop3A_456, %parallel_loop3A_457, %parallel_loop3A_458] {strides = array<i32>} : memref<2x80x128xf32, #tpu.memory_space<vmem>>, vector<1x1x16xf32>,
        %parallel_loop3A_460 = vector.shape_cast %parallel_loop3A_459 : vector<1x1x16xf32> to vector<16xf32>
        %parallel_loop3A_461 = vector.shape_cast %parallel_loop3A_454 : vector<16xf32> to vector<1x1x16xf32>
        tpu.vector_store %arg10[%parallel_loop3A_456, %parallel_loop3A_457, %parallel_loop3A_458], %parallel_loop3A_461 {strides = array<i32>} : memref<2x80x128xf32, #tpu.memory_space<vmem>>, vector<1x1x16xf32>,
        %parallel_loop3A_462 = arith.constant 1 : i32
        %parallel_loop3A_463 = arith.index_cast %parallel_loop3A_462 : i32 to index
        %parallel_loop3A_464 = arith.index_cast %parallel_loop3A_346 : i32 to index
        %parallel_loop3A_465 = arith.constant 80 : index
        %parallel_loop3A_466 = tpu.vector_load %arg10[%parallel_loop3A_463, %parallel_loop3A_464, %parallel_loop3A_465] {strides = array<i32>} : memref<2x80x128xf32, #tpu.memory_space<vmem>>, vector<1x1x16xf32>,
        %parallel_loop3A_467 = vector.shape_cast %parallel_loop3A_466 : vector<1x1x16xf32> to vector<16xf32>
        %parallel_loop3A_468 = arith.constant 1 : i32
        %parallel_loop3A_469 = arith.index_cast %parallel_loop3A_468 : i32 to index
        %parallel_loop3A_470 = arith.index_cast %parallel_loop3A_346 : i32 to index
        %parallel_loop3A_471 = arith.constant 80 : index
        %parallel_loop3A_472 = tpu.vector_load %arg11[%parallel_loop3A_469, %parallel_loop3A_470, %parallel_loop3A_471] {strides = array<i32>} : memref<2x80x128xf32, #tpu.memory_space<vmem>>, vector<1x1x16xf32>,
        %parallel_loop3A_473 = vector.shape_cast %parallel_loop3A_472 : vector<1x1x16xf32> to vector<16xf32>
        %parallel_loop3A_474 = arith.addf %parallel_loop3A_467, %parallel_loop3A_473 : vector<16xf32>
        %parallel_loop3A_475 = arith.constant 0.000000e+00 : f32
        %parallel_loop3A_476 = vector.broadcast %parallel_loop3A_475 : f32 to vector<16xf32>
        %parallel_loop3A_477 = arith.maximumf %parallel_loop3A_474, %parallel_loop3A_476 : vector<16xf32>
        %parallel_loop3A_478 = arith.constant 1 : i32
        %parallel_loop3A_479 = arith.index_cast %parallel_loop3A_478 : i32 to index
        %parallel_loop3A_480 = arith.index_cast %parallel_loop3A_346 : i32 to index
        %parallel_loop3A_481 = arith.constant 80 : index
        %parallel_loop3A_482 = tpu.vector_load %arg10[%parallel_loop3A_479, %parallel_loop3A_480, %parallel_loop3A_481] {strides = array<i32>} : memref<2x80x128xf32, #tpu.memory_space<vmem>>, vector<1x1x16xf32>,
        %parallel_loop3A_483 = vector.shape_cast %parallel_loop3A_482 : vector<1x1x16xf32> to vector<16xf32>
        %parallel_loop3A_484 = vector.shape_cast %parallel_loop3A_477 : vector<16xf32> to vector<1x1x16xf32>
        tpu.vector_store %arg10[%parallel_loop3A_479, %parallel_loop3A_480, %parallel_loop3A_481], %parallel_loop3A_484 {strides = array<i32>} : memref<2x80x128xf32, #tpu.memory_space<vmem>>, vector<1x1x16xf32>,
        %parallel_loop3A_485 = arith.constant 1 : i32
        %parallel_loop3A_486 = arith.index_cast %parallel_loop3A_485 : i32 to index
        %parallel_loop3A_487 = arith.index_cast %parallel_loop3A_346 : i32 to index
        %parallel_loop3A_488 = arith.constant 96 : index
        %parallel_loop3A_489 = tpu.vector_load %arg10[%parallel_loop3A_486, %parallel_loop3A_487, %parallel_loop3A_488] {strides = array<i32>} : memref<2x80x128xf32, #tpu.memory_space<vmem>>, vector<1x1x16xf32>,
        %parallel_loop3A_490 = vector.shape_cast %parallel_loop3A_489 : vector<1x1x16xf32> to vector<16xf32>
        %parallel_loop3A_491 = arith.constant 1 : i32
        %parallel_loop3A_492 = arith.index_cast %parallel_loop3A_491 : i32 to index
        %parallel_loop3A_493 = arith.index_cast %parallel_loop3A_346 : i32 to index
        %parallel_loop3A_494 = arith.constant 96 : index
        %parallel_loop3A_495 = tpu.vector_load %arg11[%parallel_loop3A_492, %parallel_loop3A_493, %parallel_loop3A_494] {strides = array<i32>} : memref<2x80x128xf32, #tpu.memory_space<vmem>>, vector<1x1x16xf32>,
        %parallel_loop3A_496 = vector.shape_cast %parallel_loop3A_495 : vector<1x1x16xf32> to vector<16xf32>
        %parallel_loop3A_497 = arith.addf %parallel_loop3A_490, %parallel_loop3A_496 : vector<16xf32>
        %parallel_loop3A_498 = arith.constant 0.000000e+00 : f32
        %parallel_loop3A_499 = vector.broadcast %parallel_loop3A_498 : f32 to vector<16xf32>
        %parallel_loop3A_500 = arith.maximumf %parallel_loop3A_497, %parallel_loop3A_499 : vector<16xf32>
        %parallel_loop3A_501 = arith.constant 1 : i32
        %parallel_loop3A_502 = arith.index_cast %parallel_loop3A_501 : i32 to index
        %parallel_loop3A_503 = arith.index_cast %parallel_loop3A_346 : i32 to index
        %parallel_loop3A_504 = arith.constant 96 : index
        %parallel_loop3A_505 = tpu.vector_load %arg10[%parallel_loop3A_502, %parallel_loop3A_503, %parallel_loop3A_504] {strides = array<i32>} : memref<2x80x128xf32, #tpu.memory_space<vmem>>, vector<1x1x16xf32>,
        %parallel_loop3A_506 = vector.shape_cast %parallel_loop3A_505 : vector<1x1x16xf32> to vector<16xf32>
        %parallel_loop3A_507 = vector.shape_cast %parallel_loop3A_500 : vector<16xf32> to vector<1x1x16xf32>
        tpu.vector_store %arg10[%parallel_loop3A_502, %parallel_loop3A_503, %parallel_loop3A_504], %parallel_loop3A_507 {strides = array<i32>} : memref<2x80x128xf32, #tpu.memory_space<vmem>>, vector<1x1x16xf32>,
        %parallel_loop3A_508 = arith.constant 1 : i32
        %parallel_loop3A_509 = arith.index_cast %parallel_loop3A_508 : i32 to index
        %parallel_loop3A_510 = arith.index_cast %parallel_loop3A_346 : i32 to index
        %parallel_loop3A_511 = arith.constant 112 : index
        %parallel_loop3A_512 = tpu.vector_load %arg10[%parallel_loop3A_509, %parallel_loop3A_510, %parallel_loop3A_511] {strides = array<i32>} : memref<2x80x128xf32, #tpu.memory_space<vmem>>, vector<1x1x16xf32>,
        %parallel_loop3A_513 = vector.shape_cast %parallel_loop3A_512 : vector<1x1x16xf32> to vector<16xf32>
        %parallel_loop3A_514 = arith.constant 1 : i32
        %parallel_loop3A_515 = arith.index_cast %parallel_loop3A_514 : i32 to index
        %parallel_loop3A_516 = arith.index_cast %parallel_loop3A_346 : i32 to index
        %parallel_loop3A_517 = arith.constant 112 : index
        %parallel_loop3A_518 = tpu.vector_load %arg11[%parallel_loop3A_515, %parallel_loop3A_516, %parallel_loop3A_517] {strides = array<i32>} : memref<2x80x128xf32, #tpu.memory_space<vmem>>, vector<1x1x16xf32>,
        %parallel_loop3A_519 = vector.shape_cast %parallel_loop3A_518 : vector<1x1x16xf32> to vector<16xf32>
        %parallel_loop3A_520 = arith.addf %parallel_loop3A_513, %parallel_loop3A_519 : vector<16xf32>
        %parallel_loop3A_521 = arith.constant 0.000000e+00 : f32
        %parallel_loop3A_522 = vector.broadcast %parallel_loop3A_521 : f32 to vector<16xf32>
        %parallel_loop3A_523 = arith.maximumf %parallel_loop3A_520, %parallel_loop3A_522 : vector<16xf32>
        %parallel_loop3A_524 = arith.constant 1 : i32
        %parallel_loop3A_525 = arith.index_cast %parallel_loop3A_524 : i32 to index
        %parallel_loop3A_526 = arith.index_cast %parallel_loop3A_346 : i32 to index
        %parallel_loop3A_527 = arith.constant 112 : index
        %parallel_loop3A_528 = tpu.vector_load %arg10[%parallel_loop3A_525, %parallel_loop3A_526, %parallel_loop3A_527] {strides = array<i32>} : memref<2x80x128xf32, #tpu.memory_space<vmem>>, vector<1x1x16xf32>,
        %parallel_loop3A_529 = vector.shape_cast %parallel_loop3A_528 : vector<1x1x16xf32> to vector<16xf32>
        %parallel_loop3A_530 = vector.shape_cast %parallel_loop3A_523 : vector<16xf32> to vector<1x1x16xf32>
        tpu.vector_store %arg10[%parallel_loop3A_525, %parallel_loop3A_526, %parallel_loop3A_527], %parallel_loop3A_530 {strides = array<i32>} : memref<2x80x128xf32, #tpu.memory_space<vmem>>, vector<1x1x16xf32>,
      } {sc.loop_unroll_factor = 4 : i64, sc.parallel_access}
      %dma_start3A_333 = arith.constant 1 : i32
      %dma_start3A_334 = arith.constant 1 : i32
      %dma_start3A_335 = arith.constant 0 : i32
      %dma_start3A_336 = arith.constant 0 : i32
      %dma_start3A_337 = tpu.memref_slice %arg10[%dma_start3A_333, %dma_start3A_335, %dma_start3A_336] : memref<2x80x128xf32, #tpu.memory_space<vmem>> -> memref<1x80x128xf32, #tpu.memory_space<vmem>>
      %dma_start3A_338 = tpu.memref_squeeze %dma_start3A_337 : memref<1x80x128xf32, #tpu.memory_space<vmem>> -> memref<80x128xf32, #tpu.memory_space<vmem>>
      %dma_start3A_339 = arith.constant 0 : i32
      %dma_start3A_340 = tpu.memref_slice %arg9[%dma_start3A_334, %dma_start3A_339] : memref<2x80xi32, #tpu.memory_space<vmem>> -> memref<1x80xi32, #tpu.memory_space<vmem>>
      %dma_start3A_341 = tpu.memref_squeeze %dma_start3A_340 : memref<1x80xi32, #tpu.memory_space<vmem>> -> memref<80xi32, #tpu.memory_space<vmem>>
      %dma_start3A_342 = arith.constant 0 : i32
      %dma_start3A_343 = arith.constant 0 : i32
      %dma_start3A_344 = tpu.memref_slice %arg7[%dma_start3A_342, %dma_start3A_343] : memref<10240x128xf32, #tpu.memory_space<vmem_shared>> -> memref<10240x128xf32, #tpu.memory_space<vmem_shared>>
      tpu.enqueue_indirect_dma source(%dma_start3A_338 : memref<80x128xf32, #tpu.memory_space<vmem>>) target(%dma_start3A_344 : memref<10240x128xf32, #tpu.memory_space<vmem_shared>>) offsets(%dma_start3A_341 : memref<80xi32, #tpu.memory_space<vmem>>) semaphore(%arg19 : memref<!tpu.dma_semaphore, #tpu.memory_space<semaphore_mem>>) {add = true}
      %scan3A_345 = arith.constant 0 : i32
      scf.yield %scan3A_345 : i32
    }
    %scan3A_168 = arith.constant 64 : i32
    %dma_wait3A = arith.constant 1 : i32
    %dma_wait3A_169 = arith.constant 1 : i32
    %dma_wait3A_170 = arith.constant 0 : i32
    %dma_wait3A_171 = arith.constant 0 : i32
    %dma_wait3A_172 = tpu.memref_slice %arg10[%dma_wait3A, %dma_wait3A_170, %dma_wait3A_171] : memref<2x80x128xf32, #tpu.memory_space<vmem>> -> memref<1x80x128xf32, #tpu.memory_space<vmem>>
    %dma_wait3A_173 = tpu.memref_squeeze %dma_wait3A_172 : memref<1x80x128xf32, #tpu.memory_space<vmem>> -> memref<80x128xf32, #tpu.memory_space<vmem>>
    %dma_wait3A_174 = arith.constant 0 : i32
    %dma_wait3A_175 = tpu.memref_slice %arg9[%dma_wait3A_169, %dma_wait3A_174] : memref<2x80xi32, #tpu.memory_space<vmem>> -> memref<1x80xi32, #tpu.memory_space<vmem>>
    %dma_wait3A_176 = tpu.memref_squeeze %dma_wait3A_175 : memref<1x80xi32, #tpu.memory_space<vmem>> -> memref<80xi32, #tpu.memory_space<vmem>>
    %dma_wait3A_177 = arith.constant 0 : i32
    %dma_wait3A_178 = arith.constant 0 : i32
    %dma_wait3A_179 = tpu.memref_slice %arg7[%dma_wait3A_177, %dma_wait3A_178] : memref<10240x128xf32, #tpu.memory_space<vmem_shared>> -> memref<10240x128xf32, #tpu.memory_space<vmem_shared>>
    tpu.wait_indirect_dma semaphore(%arg19 : memref<!tpu.dma_semaphore, #tpu.memory_space<semaphore_mem>>) src(%dma_wait3A_173 : memref<80x128xf32, #tpu.memory_space<vmem>>) dst(%dma_wait3A_179 : memref<10240x128xf32, #tpu.memory_space<vmem_shared>>)
    %barrier3A_180 = arith.constant 0 : index
    tpu.barrier barrier_id(%barrier3A_180)
    "tpu.region"() ({
      %run_scoped3A_181 = tpu.sem_alloc : memref<!tpu.dma_semaphore, #tpu.memory_space<semaphore_mem>>
      %dma_start3A_182 = arith.constant 0 : i32
      %dma_start3A_183 = tpu.memref_slice %arg6[%arg0, %mul3A_162, %dma_start3A_182] : memref<2x10240x128xf32, #tpu.memory_space<hbm>> -> memref<1x640x128xf32, #tpu.memory_space<hbm>>
      %dma_start3A_184 = tpu.memref_squeeze %dma_start3A_183 : memref<1x640x128xf32, #tpu.memory_space<hbm>> -> memref<640x128xf32, #tpu.memory_space<hbm>>
      %dma_start3A_185 = arith.constant 0 : i32
      %dma_start3A_186 = tpu.memref_slice %arg7[%mul3A_162, %dma_start3A_185] : memref<10240x128xf32, #tpu.memory_space<vmem_shared>> -> memref<640x128xf32, #tpu.memory_space<vmem_shared>>
      tpu.enqueue_dma source(%dma_start3A_186 : memref<640x128xf32, #tpu.memory_space<vmem_shared>>) target(%dma_start3A_184 : memref<640x128xf32, #tpu.memory_space<hbm>>) target_semaphore(%run_scoped3A_181 : memref<!tpu.dma_semaphore, #tpu.memory_space<semaphore_mem>>)
      %dma_wait3A_187 = arith.constant 0 : i32
      %dma_wait3A_188 = tpu.memref_slice %arg6[%arg0, %mul3A_162, %dma_wait3A_187] : memref<2x10240x128xf32, #tpu.memory_space<hbm>> -> memref<1x640x128xf32, #tpu.memory_space<hbm>>
      %dma_wait3A_189 = tpu.memref_squeeze %dma_wait3A_188 : memref<1x640x128xf32, #tpu.memory_space<hbm>> -> memref<640x128xf32, #tpu.memory_space<hbm>>
      %dma_wait3A_190 = arith.constant 0 : i32
      %dma_wait3A_191 = tpu.memref_slice %arg7[%mul3A_162, %dma_wait3A_190] : memref<10240x128xf32, #tpu.memory_space<vmem_shared>> -> memref<640x128xf32, #tpu.memory_space<vmem_shared>>
      tpu.wait_dma2 semaphore(%run_scoped3A_181 : memref<!tpu.dma_semaphore, #tpu.memory_space<semaphore_mem>>) src(%dma_wait3A_191 : memref<640x128xf32, #tpu.memory_space<vmem_shared>>) dst(%dma_wait3A_189 : memref<640x128xf32, #tpu.memory_space<hbm>>)
      tpu.yield
    }) : () -> ()
    return
  }
}

module attributes {stable_mosaic.version = 14 : i64} {
  func.func @_emb_body(%arg0: i32, %arg1: memref<2560x16xf32, #tpu.memory_space<vmem>>, %arg2: memref<16x128xf32, #tpu.memory_space<vmem>>, %arg3: memref<16x128xf32, #tpu.memory_space<vmem>>, %arg4: memref<16x128xf32, #tpu.memory_space<vmem>>, %arg5: memref<2560x128xf32, #tpu.memory_space<vmem>>, %arg6: memref<2560x128xf32, #tpu.memory_space<vmem>>, %arg7: memref<2560x128xf32, #tpu.memory_space<vmem>>) attributes {dimension_semantics = [#tpu.dimension_semantics<arbitrary>], iteration_bounds = array<i64: 128>, scalar_prefetch = 0 : i64, scratch_operands = 0 : i64, tpu.core_type = #tpu.core_type<tc>, window_params = [{transform_indices = @transform_0, window_bounds = array<i64: 2560, 16>}, {pipeline_mode = #tpu.pipeline_mode<synchronous>, transform_indices = @transform_1, window_bounds = array<i64: 16, 128>}, {pipeline_mode = #tpu.pipeline_mode<synchronous>, transform_indices = @transform_2, window_bounds = array<i64: 16, 128>}, {pipeline_mode = #tpu.pipeline_mode<synchronous>, transform_indices = @transform_3, window_bounds = array<i64: 16, 128>}, {transform_indices = @transform_4, window_bounds = array<i64: 2560, 128>}, {transform_indices = @transform_5, window_bounds = array<i64: 2560, 128>}, {transform_indices = @transform_6, window_bounds = array<i64: 2560, 128>}]} {
    %get3A = arith.constant 0 : index
    %get3A_0 = arith.constant 0 : index
    %get3A_1 = vector.load %arg1[%get3A, %get3A_0] : memref<2560x16xf32, #tpu.memory_space<vmem>>, vector<2560x16xf32>
    %get3A_2 = arith.constant 0 : index
    %get3A_3 = arith.constant 0 : index
    %get3A_4 = vector.load %arg2[%get3A_2, %get3A_3] : memref<16x128xf32, #tpu.memory_space<vmem>>, vector<16x128xf32>
    %dot_general3A = arith.constant dense<0.000000e+00> : vector<2560x128xf32>
    %dot_general3A_5 = tpu.matmul %get3A_1, %get3A_4, %dot_general3A {dimension_numbers = #tpu.dot_dimension_numbers<[1], [0], [0], [1], [0, 0, 1, 1], [], []>, transpose_lhs_hint = false} : vector<2560x16xf32>, vector<16x128xf32>, vector<2560x128xf32> -> vector<2560x128xf32>
    %swap3A = arith.constant 0 : index
    %swap3A_6 = arith.constant 0 : index
    %swap3A_7 = vector.load %arg5[%swap3A, %swap3A_6] : memref<2560x128xf32, #tpu.memory_space<vmem>>, vector<2560x128xf32>
    tpu.vector_store %arg5[%swap3A, %swap3A_6], %dot_general3A_5 {strides = array<i32>} : memref<2560x128xf32, #tpu.memory_space<vmem>>, vector<2560x128xf32>,
    %get3A_8 = arith.constant 0 : index
    %get3A_9 = arith.constant 0 : index
    %get3A_10 = vector.load %arg3[%get3A_8, %get3A_9] : memref<16x128xf32, #tpu.memory_space<vmem>>, vector<16x128xf32>
    %dot_general3A_11 = arith.constant dense<0.000000e+00> : vector<2560x128xf32>
    %dot_general3A_12 = tpu.matmul %get3A_1, %get3A_10, %dot_general3A_11 {dimension_numbers = #tpu.dot_dimension_numbers<[1], [0], [0], [1], [0, 0, 1, 1], [], []>, transpose_lhs_hint = false} : vector<2560x16xf32>, vector<16x128xf32>, vector<2560x128xf32> -> vector<2560x128xf32>
    %swap3A_13 = arith.constant 0 : index
    %swap3A_14 = arith.constant 0 : index
    %swap3A_15 = vector.load %arg6[%swap3A_13, %swap3A_14] : memref<2560x128xf32, #tpu.memory_space<vmem>>, vector<2560x128xf32>
    tpu.vector_store %arg6[%swap3A_13, %swap3A_14], %dot_general3A_12 {strides = array<i32>} : memref<2560x128xf32, #tpu.memory_space<vmem>>, vector<2560x128xf32>,
    %get3A_16 = arith.constant 0 : index
    %get3A_17 = arith.constant 0 : index
    %get3A_18 = vector.load %arg4[%get3A_16, %get3A_17] : memref<16x128xf32, #tpu.memory_space<vmem>>, vector<16x128xf32>
    %dot_general3A_19 = arith.constant dense<0.000000e+00> : vector<2560x128xf32>
    %dot_general3A_20 = tpu.matmul %get3A_1, %get3A_18, %dot_general3A_19 {dimension_numbers = #tpu.dot_dimension_numbers<[1], [0], [0], [1], [0, 0, 1, 1], [], []>, transpose_lhs_hint = false} : vector<2560x16xf32>, vector<16x128xf32>, vector<2560x128xf32> -> vector<2560x128xf32>
    %swap3A_21 = arith.constant 0 : index
    %swap3A_22 = arith.constant 0 : index
    %swap3A_23 = vector.load %arg7[%swap3A_21, %swap3A_22] : memref<2560x128xf32, #tpu.memory_space<vmem>>, vector<2560x128xf32>
    tpu.vector_store %arg7[%swap3A_21, %swap3A_22], %dot_general3A_20 {strides = array<i32>} : memref<2560x128xf32, #tpu.memory_space<vmem>>, vector<2560x128xf32>,
    return
  }
  func.func @transform_0(%arg0: i32) -> (i32, i32) {
    %c0_i32 = arith.constant 0 : i32
    %c0_i32_0 = arith.constant 0 : i32
    return %arg0, %c0_i32 : i32, i32
  }
  func.func @transform_1(%arg0: i32) -> (i32, i32) {
    %c0_i32 = arith.constant 0 : i32
    %c0_i32_0 = arith.constant 0 : i32
    %c0_i32_1 = arith.constant 0 : i32
    return %c0_i32, %c0_i32_0 : i32, i32
  }
  func.func @transform_2(%arg0: i32) -> (i32, i32) {
    %c0_i32 = arith.constant 0 : i32
    %c0_i32_0 = arith.constant 0 : i32
    %c0_i32_1 = arith.constant 0 : i32
    return %c0_i32, %c0_i32_0 : i32, i32
  }
  func.func @transform_3(%arg0: i32) -> (i32, i32) {
    %c0_i32 = arith.constant 0 : i32
    %c0_i32_0 = arith.constant 0 : i32
    %c0_i32_1 = arith.constant 0 : i32
    return %c0_i32, %c0_i32_0 : i32, i32
  }
  func.func @transform_4(%arg0: i32) -> (i32, i32) {
    %c0_i32 = arith.constant 0 : i32
    %c0_i32_0 = arith.constant 0 : i32
    return %arg0, %c0_i32 : i32, i32
  }
  func.func @transform_5(%arg0: i32) -> (i32, i32) {
    %c0_i32 = arith.constant 0 : i32
    %c0_i32_0 = arith.constant 0 : i32
    return %arg0, %c0_i32 : i32, i32
  }
  func.func @transform_6(%arg0: i32) -> (i32, i32) {
    %c0_i32 = arith.constant 0 : i32
    %c0_i32_0 = arith.constant 0 : i32
    return %arg0, %c0_i32 : i32, i32
  }
}

module attributes {stable_mosaic.version = 14 : i64} {
  func.func @_dense_bn_body(%arg0: i32, %arg1: memref<10000x128xf32, #tpu.memory_space<vmem>>, %arg2: memref<1x10000x128xf32, #tpu.memory_space<vmem>>, %arg3: memref<1x10000x128xf32, #tpu.memory_space<vmem>>, %arg4: memref<128x128xf32, #tpu.memory_space<vmem>>, %arg5: memref<1x128xf32, #tpu.memory_space<vmem>>, %arg6: memref<1x128xf32, #tpu.memory_space<vmem>>, %arg7: memref<10000x128xf32, #tpu.memory_space<vmem>>) attributes {dimension_semantics = [#tpu.dimension_semantics<arbitrary>], iteration_bounds = array<i64: 1>, scalar_prefetch = 0 : i64, scratch_operands = 0 : i64, tpu.core_type = #tpu.core_type<tc>, window_params = [{pipeline_mode = #tpu.pipeline_mode<synchronous>, transform_indices = @transform_0, window_bounds = array<i64: 10000, 128>}, {transform_indices = @transform_1, window_bounds = array<i64: 1, 10000, 128>}, {transform_indices = @transform_2, window_bounds = array<i64: 1, 10000, 128>}, {pipeline_mode = #tpu.pipeline_mode<synchronous>, transform_indices = @transform_3, window_bounds = array<i64: 128, 128>}, {pipeline_mode = #tpu.pipeline_mode<synchronous>, transform_indices = @transform_4, window_bounds = array<i64: 1, 128>}, {pipeline_mode = #tpu.pipeline_mode<synchronous>, transform_indices = @transform_5, window_bounds = array<i64: 1, 128>}, {pipeline_mode = #tpu.pipeline_mode<synchronous>, transform_indices = @transform_6, window_bounds = array<i64: 10000, 128>}]} {
    %get3A = arith.constant 0 : index
    %get3A_0 = arith.constant 0 : index
    %get3A_1 = vector.load %arg1[%get3A, %get3A_0] : memref<10000x128xf32, #tpu.memory_space<vmem>>, vector<10000x128xf32>
    %get3A_2 = arith.constant 0 : index
    %get3A_3 = arith.constant 0 : index
    %get3A_4 = arith.constant 0 : index
    %get3A_5 = vector.load %arg2[%get3A_2, %get3A_3, %get3A_4] : memref<1x10000x128xf32, #tpu.memory_space<vmem>>, vector<1x10000x128xf32>
    %get3A_6 = vector.shape_cast %get3A_5 : vector<1x10000x128xf32> to vector<10000x128xf32>
    %add3A = arith.addf %get3A_1, %get3A_6 : vector<10000x128xf32>
    %get3A_7 = arith.constant 0 : index
    %get3A_8 = arith.constant 0 : index
    %get3A_9 = arith.constant 0 : index
    %get3A_10 = vector.load %arg3[%get3A_7, %get3A_8, %get3A_9] : memref<1x10000x128xf32, #tpu.memory_space<vmem>>, vector<1x10000x128xf32>
    %get3A_11 = vector.shape_cast %get3A_10 : vector<1x10000x128xf32> to vector<10000x128xf32>
    %add3A_12 = arith.addf %add3A, %get3A_11 : vector<10000x128xf32>
    %get3A_13 = arith.constant 0 : index
    %get3A_14 = arith.constant 0 : index
    %get3A_15 = vector.load %arg4[%get3A_13, %get3A_14] : memref<128x128xf32, #tpu.memory_space<vmem>>, vector<128x128xf32>
    %dot_general3A = arith.constant dense<0.000000e+00> : vector<10000x128xf32>
    %dot_general3A_16 = tpu.matmul %add3A_12, %get3A_15, %dot_general3A {dimension_numbers = #tpu.dot_dimension_numbers<[1], [0], [0], [1], [0, 0, 1, 1], [], []>, transpose_lhs_hint = false} : vector<10000x128xf32>, vector<128x128xf32>, vector<10000x128xf32> -> vector<10000x128xf32>
    %max3A = arith.constant 0.000000e+00 : f32
    %max3A_17 = vector.broadcast %max3A : f32 to vector<10000x128xf32>
    %max3A_18 = arith.maximumf %dot_general3A_16, %max3A_17 : vector<10000x128xf32>
    %reduce_sum3A = arith.constant dense<0.000000e+00> : vector<128xf32>
    %reduce_sum3A_19 = vector.multi_reduction <add>, %max3A_18, %reduce_sum3A [0] : vector<10000x128xf32> to vector<128xf32>
    %broadcast_in_dim3A = vector.shape_cast %reduce_sum3A_19 : vector<128xf32> to vector<1x128xf32>
    %div3A = arith.constant 1.000000e+04 : f32
    %div3A_20 = vector.broadcast %div3A : f32 to vector<1x128xf32>
    %div3A_21 = arith.divf %broadcast_in_dim3A, %div3A_20 : vector<1x128xf32>
    %mul3A = arith.mulf %max3A_18, %max3A_18 : vector<10000x128xf32>
    %reduce_sum3A_22 = arith.constant dense<0.000000e+00> : vector<128xf32>
    %reduce_sum3A_23 = vector.multi_reduction <add>, %mul3A, %reduce_sum3A_22 [0] : vector<10000x128xf32> to vector<128xf32>
    %broadcast_in_dim3A_24 = vector.shape_cast %reduce_sum3A_23 : vector<128xf32> to vector<1x128xf32>
    %div3A_25 = arith.constant 1.000000e+04 : f32
    %div3A_26 = vector.broadcast %div3A_25 : f32 to vector<1x128xf32>
    %div3A_27 = arith.divf %broadcast_in_dim3A_24, %div3A_26 : vector<1x128xf32>
    %mul3A_28 = arith.mulf %div3A_21, %div3A_21 : vector<1x128xf32>
    %sub3A = arith.subf %div3A_27, %mul3A_28 : vector<1x128xf32>
    %add3A_29 = arith.constant 9.99999974E-6 : f32
    %add3A_30 = vector.broadcast %add3A_29 : f32 to vector<1x128xf32>
    %add3A_31 = arith.addf %sub3A, %add3A_30 : vector<1x128xf32>
    %rsqrt3A = math.rsqrt %add3A_31 : vector<1x128xf32>
    %sub3A_32 = vector.broadcast %div3A_21 : vector<1x128xf32> to vector<10000x128xf32>
    %sub3A_33 = arith.subf %max3A_18, %sub3A_32 : vector<10000x128xf32>
    %mul3A_34 = vector.broadcast %rsqrt3A : vector<1x128xf32> to vector<10000x128xf32>
    %mul3A_35 = arith.mulf %sub3A_33, %mul3A_34 : vector<10000x128xf32>
    %get3A_36 = arith.constant 0 : index
    %get3A_37 = arith.constant 0 : index
    %get3A_38 = vector.load %arg5[%get3A_36, %get3A_37] : memref<1x128xf32, #tpu.memory_space<vmem>>, vector<1x128xf32>
    %mul3A_39 = vector.broadcast %get3A_38 : vector<1x128xf32> to vector<10000x128xf32>
    %mul3A_40 = arith.mulf %mul3A_35, %mul3A_39 : vector<10000x128xf32>
    %get3A_41 = arith.constant 0 : index
    %get3A_42 = arith.constant 0 : index
    %get3A_43 = vector.load %arg6[%get3A_41, %get3A_42] : memref<1x128xf32, #tpu.memory_space<vmem>>, vector<1x128xf32>
    %add3A_44 = vector.broadcast %get3A_43 : vector<1x128xf32> to vector<10000x128xf32>
    %add3A_45 = arith.addf %mul3A_40, %add3A_44 : vector<10000x128xf32>
    %get3A_46 = arith.constant 0 : index
    %get3A_47 = arith.constant 0 : index
    %get3A_48 = vector.load %arg1[%get3A_46, %get3A_47] : memref<10000x128xf32, #tpu.memory_space<vmem>>, vector<10000x128xf32>
    %add3A_49 = arith.addf %add3A_45, %get3A_48 : vector<10000x128xf32>
    %swap3A = arith.constant 0 : index
    %swap3A_50 = arith.constant 0 : index
    %swap3A_51 = vector.load %arg7[%swap3A, %swap3A_50] : memref<10000x128xf32, #tpu.memory_space<vmem>>, vector<10000x128xf32>
    tpu.vector_store %arg7[%swap3A, %swap3A_50], %add3A_49 {strides = array<i32>} : memref<10000x128xf32, #tpu.memory_space<vmem>>, vector<10000x128xf32>,
    return
  }
  func.func @transform_0(%arg0: i32) -> (i32, i32) {
    %c0_i32 = arith.constant 0 : i32
    %c0_i32_0 = arith.constant 0 : i32
    %c0_i32_1 = arith.constant 0 : i32
    return %c0_i32, %c0_i32_0 : i32, i32
  }
  func.func @transform_1(%arg0: i32) -> (i32, i32, i32) {
    %c0_i32 = arith.constant 0 : i32
    %c0_i32_0 = arith.constant 0 : i32
    %c0_i32_1 = arith.constant 0 : i32
    %c0_i32_2 = arith.constant 0 : i32
    return %c0_i32, %c0_i32_0, %c0_i32_1 : i32, i32, i32
  }
  func.func @transform_2(%arg0: i32) -> (i32, i32, i32) {
    %c1_i32 = arith.constant 1 : i32
    %c0_i32 = arith.constant 0 : i32
    %c0_i32_0 = arith.constant 0 : i32
    %c0_i32_1 = arith.constant 0 : i32
    return %c1_i32, %c0_i32, %c0_i32_0 : i32, i32, i32
  }
  func.func @transform_3(%arg0: i32) -> (i32, i32) {
    %c0_i32 = arith.constant 0 : i32
    %c0_i32_0 = arith.constant 0 : i32
    %c0_i32_1 = arith.constant 0 : i32
    return %c0_i32, %c0_i32_0 : i32, i32
  }
  func.func @transform_4(%arg0: i32) -> (i32, i32) {
    %c0_i32 = arith.constant 0 : i32
    %c0_i32_0 = arith.constant 0 : i32
    %c0_i32_1 = arith.constant 0 : i32
    return %c0_i32, %c0_i32_0 : i32, i32
  }
  func.func @transform_5(%arg0: i32) -> (i32, i32) {
    %c0_i32 = arith.constant 0 : i32
    %c0_i32_0 = arith.constant 0 : i32
    %c0_i32_1 = arith.constant 0 : i32
    return %c0_i32, %c0_i32_0 : i32, i32
  }
  func.func @transform_6(%arg0: i32) -> (i32, i32) {
    %c0_i32 = arith.constant 0 : i32
    %c0_i32_0 = arith.constant 0 : i32
    %c0_i32_1 = arith.constant 0 : i32
    return %c0_i32, %c0_i32_0 : i32, i32
  }
}

module attributes {stable_mosaic.version = 14 : i64} {
  func.func @_dense_bn_body(%arg0: i32, %arg1: memref<10000x128xf32, #tpu.memory_space<vmem>>, %arg2: memref<1x10000x128xf32, #tpu.memory_space<vmem>>, %arg3: memref<1x10000x128xf32, #tpu.memory_space<vmem>>, %arg4: memref<128x128xf32, #tpu.memory_space<vmem>>, %arg5: memref<1x128xf32, #tpu.memory_space<vmem>>, %arg6: memref<1x128xf32, #tpu.memory_space<vmem>>, %arg7: memref<10000x128xf32, #tpu.memory_space<vmem>>) attributes {dimension_semantics = [#tpu.dimension_semantics<arbitrary>], iteration_bounds = array<i64: 1>, scalar_prefetch = 0 : i64, scratch_operands = 0 : i64, tpu.core_type = #tpu.core_type<tc>, window_params = [{pipeline_mode = #tpu.pipeline_mode<synchronous>, transform_indices = @transform_0, window_bounds = array<i64: 10000, 128>}, {transform_indices = @transform_1, window_bounds = array<i64: 1, 10000, 128>}, {transform_indices = @transform_2, window_bounds = array<i64: 1, 10000, 128>}, {pipeline_mode = #tpu.pipeline_mode<synchronous>, transform_indices = @transform_3, window_bounds = array<i64: 128, 128>}, {pipeline_mode = #tpu.pipeline_mode<synchronous>, transform_indices = @transform_4, window_bounds = array<i64: 1, 128>}, {pipeline_mode = #tpu.pipeline_mode<synchronous>, transform_indices = @transform_5, window_bounds = array<i64: 1, 128>}, {pipeline_mode = #tpu.pipeline_mode<synchronous>, transform_indices = @transform_6, window_bounds = array<i64: 10000, 128>}]} {
    %get3A = arith.constant 0 : index
    %get3A_0 = arith.constant 0 : index
    %get3A_1 = vector.load %arg1[%get3A, %get3A_0] : memref<10000x128xf32, #tpu.memory_space<vmem>>, vector<10000x128xf32>
    %get3A_2 = arith.constant 0 : index
    %get3A_3 = arith.constant 0 : index
    %get3A_4 = arith.constant 0 : index
    %get3A_5 = vector.load %arg2[%get3A_2, %get3A_3, %get3A_4] : memref<1x10000x128xf32, #tpu.memory_space<vmem>>, vector<1x10000x128xf32>
    %get3A_6 = vector.shape_cast %get3A_5 : vector<1x10000x128xf32> to vector<10000x128xf32>
    %add3A = arith.addf %get3A_1, %get3A_6 : vector<10000x128xf32>
    %get3A_7 = arith.constant 0 : index
    %get3A_8 = arith.constant 0 : index
    %get3A_9 = arith.constant 0 : index
    %get3A_10 = vector.load %arg3[%get3A_7, %get3A_8, %get3A_9] : memref<1x10000x128xf32, #tpu.memory_space<vmem>>, vector<1x10000x128xf32>
    %get3A_11 = vector.shape_cast %get3A_10 : vector<1x10000x128xf32> to vector<10000x128xf32>
    %add3A_12 = arith.addf %add3A, %get3A_11 : vector<10000x128xf32>
    %get3A_13 = arith.constant 0 : index
    %get3A_14 = arith.constant 0 : index
    %get3A_15 = vector.load %arg4[%get3A_13, %get3A_14] : memref<128x128xf32, #tpu.memory_space<vmem>>, vector<128x128xf32>
    %dot_general3A = arith.constant dense<0.000000e+00> : vector<10000x128xf32>
    %dot_general3A_16 = tpu.matmul %add3A_12, %get3A_15, %dot_general3A {dimension_numbers = #tpu.dot_dimension_numbers<[1], [0], [0], [1], [0, 0, 1, 1], [], []>, transpose_lhs_hint = false} : vector<10000x128xf32>, vector<128x128xf32>, vector<10000x128xf32> -> vector<10000x128xf32>
    %max3A = arith.constant 0.000000e+00 : f32
    %max3A_17 = vector.broadcast %max3A : f32 to vector<10000x128xf32>
    %max3A_18 = arith.maximumf %dot_general3A_16, %max3A_17 : vector<10000x128xf32>
    %reduce_sum3A = arith.constant dense<0.000000e+00> : vector<128xf32>
    %reduce_sum3A_19 = vector.multi_reduction <add>, %max3A_18, %reduce_sum3A [0] : vector<10000x128xf32> to vector<128xf32>
    %broadcast_in_dim3A = vector.shape_cast %reduce_sum3A_19 : vector<128xf32> to vector<1x128xf32>
    %div3A = arith.constant 1.000000e+04 : f32
    %div3A_20 = vector.broadcast %div3A : f32 to vector<1x128xf32>
    %div3A_21 = arith.divf %broadcast_in_dim3A, %div3A_20 : vector<1x128xf32>
    %mul3A = arith.mulf %max3A_18, %max3A_18 : vector<10000x128xf32>
    %reduce_sum3A_22 = arith.constant dense<0.000000e+00> : vector<128xf32>
    %reduce_sum3A_23 = vector.multi_reduction <add>, %mul3A, %reduce_sum3A_22 [0] : vector<10000x128xf32> to vector<128xf32>
    %broadcast_in_dim3A_24 = vector.shape_cast %reduce_sum3A_23 : vector<128xf32> to vector<1x128xf32>
    %div3A_25 = arith.constant 1.000000e+04 : f32
    %div3A_26 = vector.broadcast %div3A_25 : f32 to vector<1x128xf32>
    %div3A_27 = arith.divf %broadcast_in_dim3A_24, %div3A_26 : vector<1x128xf32>
    %mul3A_28 = arith.mulf %div3A_21, %div3A_21 : vector<1x128xf32>
    %sub3A = arith.subf %div3A_27, %mul3A_28 : vector<1x128xf32>
    %add3A_29 = arith.constant 9.99999974E-6 : f32
    %add3A_30 = vector.broadcast %add3A_29 : f32 to vector<1x128xf32>
    %add3A_31 = arith.addf %sub3A, %add3A_30 : vector<1x128xf32>
    %rsqrt3A = math.rsqrt %add3A_31 : vector<1x128xf32>
    %sub3A_32 = vector.broadcast %div3A_21 : vector<1x128xf32> to vector<10000x128xf32>
    %sub3A_33 = arith.subf %max3A_18, %sub3A_32 : vector<10000x128xf32>
    %mul3A_34 = vector.broadcast %rsqrt3A : vector<1x128xf32> to vector<10000x128xf32>
    %mul3A_35 = arith.mulf %sub3A_33, %mul3A_34 : vector<10000x128xf32>
    %get3A_36 = arith.constant 0 : index
    %get3A_37 = arith.constant 0 : index
    %get3A_38 = vector.load %arg5[%get3A_36, %get3A_37] : memref<1x128xf32, #tpu.memory_space<vmem>>, vector<1x128xf32>
    %mul3A_39 = vector.broadcast %get3A_38 : vector<1x128xf32> to vector<10000x128xf32>
    %mul3A_40 = arith.mulf %mul3A_35, %mul3A_39 : vector<10000x128xf32>
    %get3A_41 = arith.constant 0 : index
    %get3A_42 = arith.constant 0 : index
    %get3A_43 = vector.load %arg6[%get3A_41, %get3A_42] : memref<1x128xf32, #tpu.memory_space<vmem>>, vector<1x128xf32>
    %add3A_44 = vector.broadcast %get3A_43 : vector<1x128xf32> to vector<10000x128xf32>
    %add3A_45 = arith.addf %mul3A_40, %add3A_44 : vector<10000x128xf32>
    %get3A_46 = arith.constant 0 : index
    %get3A_47 = arith.constant 0 : index
    %get3A_48 = vector.load %arg1[%get3A_46, %get3A_47] : memref<10000x128xf32, #tpu.memory_space<vmem>>, vector<10000x128xf32>
    %add3A_49 = arith.addf %add3A_45, %get3A_48 : vector<10000x128xf32>
    %swap3A = arith.constant 0 : index
    %swap3A_50 = arith.constant 0 : index
    %swap3A_51 = vector.load %arg7[%swap3A, %swap3A_50] : memref<10000x128xf32, #tpu.memory_space<vmem>>, vector<10000x128xf32>
    tpu.vector_store %arg7[%swap3A, %swap3A_50], %add3A_49 {strides = array<i32>} : memref<10000x128xf32, #tpu.memory_space<vmem>>, vector<10000x128xf32>,
    return
  }
  func.func @transform_0(%arg0: i32) -> (i32, i32) {
    %c0_i32 = arith.constant 0 : i32
    %c0_i32_0 = arith.constant 0 : i32
    %c0_i32_1 = arith.constant 0 : i32
    return %c0_i32, %c0_i32_0 : i32, i32
  }
  func.func @transform_1(%arg0: i32) -> (i32, i32, i32) {
    %c0_i32 = arith.constant 0 : i32
    %c0_i32_0 = arith.constant 0 : i32
    %c0_i32_1 = arith.constant 0 : i32
    %c0_i32_2 = arith.constant 0 : i32
    return %c0_i32, %c0_i32_0, %c0_i32_1 : i32, i32, i32
  }
  func.func @transform_2(%arg0: i32) -> (i32, i32, i32) {
    %c1_i32 = arith.constant 1 : i32
    %c0_i32 = arith.constant 0 : i32
    %c0_i32_0 = arith.constant 0 : i32
    %c0_i32_1 = arith.constant 0 : i32
    return %c1_i32, %c0_i32, %c0_i32_0 : i32, i32, i32
  }
  func.func @transform_3(%arg0: i32) -> (i32, i32) {
    %c0_i32 = arith.constant 0 : i32
    %c0_i32_0 = arith.constant 0 : i32
    %c0_i32_1 = arith.constant 0 : i32
    return %c0_i32, %c0_i32_0 : i32, i32
  }
  func.func @transform_4(%arg0: i32) -> (i32, i32) {
    %c0_i32 = arith.constant 0 : i32
    %c0_i32_0 = arith.constant 0 : i32
    %c0_i32_1 = arith.constant 0 : i32
    return %c0_i32, %c0_i32_0 : i32, i32
  }
  func.func @transform_5(%arg0: i32) -> (i32, i32) {
    %c0_i32 = arith.constant 0 : i32
    %c0_i32_0 = arith.constant 0 : i32
    %c0_i32_1 = arith.constant 0 : i32
    return %c0_i32, %c0_i32_0 : i32, i32
  }
  func.func @transform_6(%arg0: i32) -> (i32, i32) {
    %c0_i32 = arith.constant 0 : i32
    %c0_i32_0 = arith.constant 0 : i32
    %c0_i32_1 = arith.constant 0 : i32
    return %c0_i32, %c0_i32_0 : i32, i32
  }
}

</mosaic_0001>

<sc_bundles>
// kernel: kernel.12.cloned.1.call-start
scs
__scs_entry_jumppad:
0x0: {  	(pc) =	sbr.rel $0x88, $3  }
0x1: {  	(tag) =	ssettag $0x0;
	lr =	simm.s32 $0x1  }
0x2: {  	[smem:$0x3F92] =	sst lr;
	_ =	strace $0xD0000000  }
0x3: {  	_ = 	snop  }
0x4: {  	_ = 	snop  }
0x5: {  	_ = 	snop  }
0x6: {  	_ = 	snop  }
0x7: {  	_ = 	snop  }
__scs_overlays_trampoline_lowered:
0x8: {  	[smem:$0x3FA1] =	sst s0  }
0x9: {  	[smem:$0x3FA2] =	sst s1  }
0xa: {  	[smem:$0x3FA3] =	sst s2  }
0xb: {  	[smem:$0x3FA4] =	sst s3  }
0xc: {  	[smem:$0x3FA5] =	sst s4  }
0xd: {  	[smem:$0x3FA6] =	sst s5  }
0xe: {  	[smem:$0x3FA7] =	sst s6  }
0xf: {  	[smem:$0x3FA8] =	sst s7  }
0x10: {  	[smem:$0x3FA9] =	sst s8  }
0x11: {  	[smem:$0x3FAA] =	sst s9;
	s0 =	simm.s32 @!p0 $0x0  }
0x12: {  	s1 =	sld [smem:$0x3F90];
	s0 =	simm.s32 @p0 $0x1  }
0x13: {  	[smem:$0x3FAB] =	sst s0;
	s0 =	simm.s32 @!p1 $0x0  }
0x14: {  	s2 =	sld [smem:$0x3F8F];
	s0 =	simm.s32 @p1 $0x1  }
0x15: {  	[smem:$0x3FAC] =	sst s0;
	s0 =	simm.s32 @!p2 $0x0  }
0x16: {  	s3 =	sld [smem:$0x3FDB];
	s0 =	simm.s32 @p2 $0x1  }
0x17: {  	s4 =	simm.s32 $0x1BF5;
	[smem:$0x3FAE] =	sst s0  }
0x18: {  	s0 =	sld [smem:$0x3F91];
	_ =	swait.ge [sflag:s4], $0x0  }
0x19: {  	s7 =	sld [smem:$0x3F92]  }
0x1a: {  	s8 =	sadd.s32 $0xFFFFE003, lr  }
0x1b: {  	s9 =	sadd.s32 $0xFFFFFEF7, lr;
	s5 =	simm.s32 $0xFFFFFFFF;
	p2 =	slt.u32 s8, $0xFFFFF086  }
0x1c: {  	p1 =	slt.u32 s9, $0xF7A;
	s5 =	simm.s32 @!p2 $0x0  }
0x1d: {  	s5 =	simm.s32 @p1 $0x1;
	p0 =	seq.s32 s7, s2  }
0x1e: {  	s7 =	smul.u32 @!p0 $0xF7A, s2;
	p2 =	seq.s32 @!p0 s5, $0x0  }
0x1f: {  	s9 =	smul.u32 $0xF7A, s1;
	s8 =	simm.s32 @!p0 $0x1BF5;
	p2 =	por !p2, p0  }
0x20: {  	[sflag:s8] =	ssyncset.s32 @!p0 $0xFFFFF086;
	s6 =	sadd.s32 @!p0 s3, s7;
	s7 =	simm.s32 @!p0 $0x108  }
0x21: {  	s3 =	sadd.s32 s3, s9;
	s6 =	sadd.s32 @!p0 $0x88, s6;
	s7 =	simm.s32 @p2 $0x1082  }
0x22: {  	[simem:s7], [sflag:s8] =	dma.local @!p0 [hbm:s6], $0xF7A  }
0x23: {  	s9 =	sor.u32 $0xD0000000, s2;
	s6 =	simm.s32 $0x108;
	_ =	swait.ge @!p0 [sflag:s8], $0x0  }
0x24: {  	s3 =	sadd.s32 $0x88, s3;
	s6 =	simm.s32 @!p1 $0x1082;
	[sflag:s4] =	ssyncset.s32 $0xFFFFF086  }
0x25: {  	[simem:s6], [sflag:s4] =	dma.local [hbm:s3], $0xF7A  }
0x26: {  	[smem:$0x3F92] =	sst s1;
	(tag) =	ssettag s2;
	_ =	strace s9  }
0x27: {  	s1 =	sld [smem:$0x3FA2]  }
0x28: {  	s2 =	sld [smem:$0x3FA3]  }
0x29: {  	s4 =	sld [smem:$0x3FA5]  }
0x2a: {  	p0 =	seq.s32 s5, $0x0;
	s5 =	sld [smem:$0x3FA6]  }
0x2b: {  	s6 =	sld [smem:$0x3FA7]  }
0x2c: {  	s7 =	sld [smem:$0x3FA8]  }
0x2d: {  	s3 =	simm.s32 $0x108;
	s8 =	sld [smem:$0x3FA9]  }
0x2e: {  	s3 =	simm.s32 @!p0 $0x1082;
	s9 =	sld [smem:$0x3FAA]  }
0x2f: {  	lr =	sadd.s32 s0, s3;
	s0 =	sld [smem:$0x3FA1]  }
0x30: {  	s3 =	sld [smem:$0x3FA4]  }
0x31: {  	[smem:$0x3FAD] =	sst s10  }
0x32: {  	s10 =	sld [smem:$0x3FAB];
	_ =	sdelay $0x3  }
0x33: {  	p0 =	seq.s32 s10, $0x1;
	s10 =	sld [smem:$0x3FAD];
	_ =	sdelay $0x3  }
0x34: {  	[smem:$0x3FAD] =	sst s10  }
0x35: {  	s10 =	sld [smem:$0x3FAC];
	_ =	sdelay $0x3  }
0x36: {  	p1 =	seq.s32 s10, $0x1;
	s10 =	sld [smem:$0x3FAD];
	_ =	sdelay $0x3  }
0x37: {  	[smem:$0x3FAD] =	sst s10  }
0x38: {  	s10 =	sld [smem:$0x3FAE]  }
0x39: {  	_ = 	snop;
	(pc) =	sbr.ind lr, $3  }
0x3a: {  	_ = 	snop  }
0x3b: {  	_ = 	snop  }
0x3c: {  	p2 =	seq.s32 s10, $0x1;
	s10 =	sld [smem:$0x3FAD]  }
0x3d: {  	_ =	shalt  }
0x3e: {  	_ =	shalt  }
0x3f: {  	_ =	shalt  }
0x40: {  	_ =	shalt  }
0x41: {  	_ =	shalt  }
0x42: {  	_ =	shalt  }
0x43: {  	_ =	shalt  }
0x44: {  	_ =	shalt  }
0x45: {  	_ =	shalt  }
0x46: {  	_ =	shalt  }
0x47: {  	_ =	shalt  }
0x48: {  	_ =	shalt  }
0x49: {  	_ =	shalt  }
0x4a: {  	_ =	shalt  }
0x4b: {  	_ =	shalt  }
0x4c: {  	_ =	shalt  }
0x4d: {  	_ =	shalt  }
0x4e: {  	_ =	shalt  }
0x4f: {  	_ =	shalt  }
0x50: {  	_ =	shalt  }
0x51: {  	_ =	shalt  }
0x52: {  	_ =	shalt  }
0x53: {  	_ =	shalt  }
0x54: {  	_ =	shalt  }
0x55: {  	_ =	shalt  }
0x56: {  	_ =	shalt  }
0x57: {  	_ =	shalt  }
0x58: {  	_ =	shalt  }
0x59: {  	_ =	shalt  }
0x5a: {  	_ =	shalt  }
0x5b: {  	_ =	shalt  }
0x5c: {  	_ =	shalt  }
0x5d: {  	_ =	shalt  }
0x5e: {  	_ =	shalt  }
0x5f: {  	_ =	shalt  }
0x60: {  	_ =	shalt  }
0x61: {  	_ =	shalt  }
0x62: {  	_ =	shalt  }
0x63: {  	_ =	shalt  }
0x64: {  	_ =	shalt  }
0x65: {  	_ =	shalt  }
0x66: {  	_ =	shalt  }
0x67: {  	_ =	shalt  }
0x68: {  	_ =	shalt  }
0x69: {  	_ =	shalt  }
0x6a: {  	_ =	shalt  }
0x6b: {  	_ =	shalt  }
0x6c: {  	_ =	shalt  }
0x6d: {  	_ =	shalt  }
0x6e: {  	_ =	shalt  }
0x6f: {  	_ =	shalt  }
0x70: {  	_ =	shalt  }
0x71: {  	_ =	shalt  }
0x72: {  	_ =	shalt  }
0x73: {  	_ =	shalt  }
0x74: {  	_ =	shalt  }
0x75: {  	_ =	shalt  }
0x76: {  	_ =	shalt  }
0x77: {  	_ =	shalt  }
0x78: {  	_ =	shalt  }
0x79: {  	_ =	shalt  }
0x7a: {  	_ =	shalt  }
0x7b: {  	_ =	shalt  }
0x7c: {  	_ =	shalt  }
0x7d: {  	_ =	shalt  }
0x7e: {  	_ =	shalt  }
0x7f: {  	_ =	shalt  }
0x80: {  	_ =	shalt  }
0x81: {  	_ =	shalt  }
0x82: {  	_ =	shalt  }
0x83: {  	_ =	shalt  }
0x84: {  	_ =	shalt  }
0x85: {  	_ =	shalt  }
0x86: {  	_ =	shalt  }
0x87: {  	_ =	shalt  }
.Lfunc_end0:
.L_simem_size_0:
called_computation.1_lowered:
.L_overlay_start_0:
0x88: {  	s2 =	sld [smem:$0x3FD9]  }
0x89: {  	s3 =	sld [smem:$0x3FFE];
	_ =	sdelay $0x1  }
0x8a: {  	s1 =	srdreg.scid  }
0x8b: {  	s0 =	sand.u32 $0x1, s1  }
0x8c: {  	s17 =	sshll.u32 s0, $0xA;
	s2 =	sadd.s32 s3, s2  }
0x8d: {  	s2 =	sadd.s32 s2, s17  }
0x8e: {  	[smem:$0x3FB9] =	sst s2  }
0x8f: {  	_ = 	snop  }
0x90: {  	s2 =	sld [smem:$0x3FD0];
	(tm) =	ssettm $0x1  }
0x91: {  	s18 =	sld [smem:$0x3FFB];
	_ =	sdelay $0x3  }
0x92: {  	_ =	strace s18  }
0x93: {  	s3 =	sld [smem:$0x3FFC];
	_ =	sdelay $0x3  }
0x94: {  	_ =	strace s3  }
0x95: {  	s3 =	sld [smem:$0x3FFD];
	_ =	sdelay $0x3  }
0x96: {  	_ =	strace s3  }
0x97: {  	_ =	strace $0x8FFFFFFF  }
0x98: {  	s19 =	sld [smem:$0x3FDB];
	_ =	sdelay $0x1  }
0x99: {  	s4 =	simm.s32 $_scs_section_size  }
0x9a: {  	s5 =	simm.s32 $_size__tile_overlayer_lowered;
	s6 =	simm.s32 $_tile_overlayer_lowered  }
0x9b: {  	s22 =	simm.s32 $0x1BFF;
	s21 =	sshll.u32 s6, $0x1;
	s3 =	sadd.s32 s4, s19  }
0x9c: {  	s7 =	simm.s32 $0x0;
	s20 =	sshll.u32 s5, $0x1;
	s5 =	sadd.s32 s21, s3  }
0x9d: {  	[timem:s7], [sflag:s22] =	dma.local [hbm:s5], s20  }
0x9e: {  	_ =	swait.ge [sflag:s22], s20  }
0x9f: {  	s4 =	ssub.s32 $0x0, s20;
	[sflag:s22] =	ssyncset.done $0x0  }
0xa0: {  	[sflag:s22] =	ssyncadd.s32 s4;
	_ =	sdelay $0x1  }
0xa1: {  	s23 =	simm.s32 $0x1B8B  }
0xa2: {  	_ =	swait.ge [sflag:s23], $0x1  }
0xa3: {  	[sflag:s23] =	ssyncset.done $0x0  }
0xa4: {  	s25 =	simm.s32 $0x1B8E;
	s24 =	sld [smem:$0x3FFE];
	[sflag:s23] =	ssyncadd.s32 $0xFFFFFFFF  }
0xa5: {  	s26 =	simm.s32 $execute0_lowered;
	[smem:$0x3FD2] =	sst s25  }
0xa6: {  	s5 =	sshll.u32 s26, $0x1;
	_ =	strace $0x80000049;
	[dreg:$0x1] =	wrdreg $0xFFFFFFFF  }
0xa7: {  	s28 =	simm.s32 $_size_execute0_lowered;
	s3 =	sadd.s32 s3, s5;
	[dreg:$0x0] =	wrdreg $0x0  }
0xa8: {  	s5 =	sshll.u32 s28, $0x1;
	[dreg:$0x2] =	wrdreg s3  }
0xa9: {  	[dreg:$0x3] =	wrdreg s5  }
0xaa: {  	[dreg:$0x4] =	wrdreg $0xC0  }
0xab: {  	_ =	task [dreg:s7], $0x5FFFF  }
0xac: {  	[dreg:$0x1] =	wrdreg $0xFFFFFFFF  }
0xad: {  	[dreg:$0x0] =	wrdreg $0x60  }
0xae: {  	[dreg:$0x2] =	wrdreg s2  }
0xaf: {  	[dreg:$0x3] =	wrdreg s24  }
0xb0: {  	[dreg:$0x4] =	wrdreg $0x0  }
0xb1: {  	[dreg:$0x5] =	wrdreg $0x9  }
0xb2: {  	_ =	task.clear_ibuf [dreg:s7], $0x6FFFF;
	_ =	strace $0x90000049  }
0xb3: {  	s29 =	simm.s32 $0x9;
	_ =	strace $0x8000004B  }
0xb4: {  	_ =	swait.ge [sflag:s29], $0x1  }
0xb5: {  	[sflag:s29] =	ssyncadd.s32 $0xFFFFFFFF  }
0xb6: {  	_ =	strace $0x9000004B  }
0xb7: {  	_ =	sfence  }
0xb8: {  	s30 =	sld [smem:$0x0];
	_ =	sdelay $0x2  }
0xb9: {  	s31 =	sshll.u32 s1, $0xD;
	s1 =	sshrl.u32 s1, $0x2  }
0xba: {  	s3 =	sand.u32 $0x4000, s31;
	s1 =	sadd.s32 s1, s30  }
0xbb: {  	s0 =	sor.u32 s3, s0;
	s1 =	sshll.u32 s1, $0x11  }
0xbc: {  	s0 =	sor.u32 s1, s0  }
0xbd: {  	s0 =	sadd.s32 $0x8F2B, s0  }
0xbe: {  	[sflag:s0] =	ssyncadd.remote.s32 $0x1  }
0xbf: {  	_ =	sfence.sel $0xFFFF  }
0xc0: {  	[dreg:$0x0] =	wrdreg $0xFFFFFFFF;
	(pc) =	sbr.abs _section_cstart, $3  }
0xc1: {  	[dreg:$0x1] =	wrdreg $0xFFFFFFFF  }
0xc2: {  	_ =	task.clear_ibuf [dreg:s7], $0x2FFFF;
	_ =	strace $0x9FFFFFFF  }
0xc3: {  	(tm) =	ssettm $0x7FFFFFFF  }
tec
execute0_lowered:
.L_overlay_start_1:
0x0: {  	(tag) =	ssettag $0x1  }
0x1: {  	s2 =	rddreg [dreg:$0x0]  }
0x2: {  	s0 =	rddreg [dreg:$0x1]  }
0x3: {  	s3 =	rddreg [dreg:$0x2]  }
0x4: {  	s1 =	srdreg.scid;
	s14 =	stileid.u32;
	s4 =	simm.s32 $0x0  }
0x5: {  	s16 =	simm.s32 $0x14000;
	s17 =	simm.s32 $0x9;
	s18 =	simm.s32 $0x14100  }
0x6: {  	s19 =	simm.s32 $0x50;
	s28 =	simm.s32 $0x5;
	s29 =	simm.s32 $0x14200  }
0x7: {  	s30 =	simm.s32 $0x7;
	s31 =	simm.s32 $0x4;
	s1 =	sand.u32 $0x1, s1  }
0x8: {  	s5 =	sshll.u32 s14, $0x1;
	s6 =	smul.u32 $0x14000, s14;
	[smem:$0x7FF] =	sst s4  }
0x9: {  	s12 =	smul.u32 $0x50000, s14;
	s26 =	sshll.u32 s14, $0x6;
	s8 =	sor.u32 s1, s5  }
0xa: {  	s7 =	smul.u32 $0x140000, s1;
	_ =	strace $0x8000004A;
	s1 =	ssub.s32 $0x2, s1  }
0xb: {  	s5 =	sshll.u32 s8, $0xC;
	s10 =	sshrl.u32 s6, $0x3;
	s20 =	sshrl.u32 s1, $0x1  }
0xc: {  	s21 =	sshrl.u32 s12, $0x2;
	s12 =	sadd.s32 $0x4E5040, s0;
	s9 =	sadd.s32 s5, s0  }
0xd: {  	s5 =	sadd.s32 $0xF05000, s0;
	s10 =	sadd.s32 s10, s0;
	s6 =	sadd.s32 s6, s7  }
0xe: {  	s1 =	ssub.s32 s1, s20;
	s22 =	sadd.s32 s21, s3;
	s20 =	simm.s32 $0x14300  }
0xf: {  	s7 =	sshrl.u32 s6, $0x3;
	s6 =	smul.u32 $0x2800, s8;
	s13 =	sadd.s32 $0x4E5000, s9  }
0x10: {  	s9 =	sadd.s32 $0x4E5020, s9;
	s23 =	sadd.s32 $0x3000, s10;
	[dreg:$0x4] =	wrdreg s13  }
0x11: {  	s25 =	smax.u32 s1, $0x1;
	s14 =	sshrl.u32 s22, $0x3;
	[dreg:$0x5] =	wrdreg s9  }
0x12: {  	s1 =	simm.s32 $0x14280;
	s11 =	sadd.s32 s7, s0;
	[dreg:$0x7] =	wrdreg s23  }
0x13: {  	s7 =	sshll.u32 s8, $0x7;
	s8 =	smul.u32 $0x28000, s8;
	[dreg:$0x9] =	wrdreg s25  }
0x14: {  	s25 =	simm.s32 $0x1BB00;
	s0 =	simm.s32 $0x6;
	[dreg:$0xa] =	wrdreg s14  }
0x15: {  	s13 =	sor.u32 $0xA0, s6;
	s24 =	sadd.s32 $0x2B000, s11;
	s11 =	sor.u32 $0x1C09, s26  }
0x16: {  	s26 =	simm.s32 $0x3;
	s8 =	sadd.s32 s5, s8;
	[dreg:$0x8] =	wrdreg s24  }
0x17: {  	s24 =	simm.s32 $0x16B00;
	[dreg:$0x6] =	wrdreg s8;
	s8 =	simm.s32 $0x0  }
.LBB2_1:
0x18: {  	s9 =	rddreg [dreg:$0x4]  }
0x19: {  	[tilespmem:s16], [sflag:$0x9] =	stream.linear.gather [hbm4b:s9+s4], $0x100, $0x38;
	[tilespmem:$0x1E300] =	vst v63  }
0x1a: {  	_ =	swait.ge [sflag:s17], $0x100  }
0x1b: {  	[sflag:s17] =	ssyncset.done $0x0  }
0x1c: {  	s15 =	rddreg [dreg:$0x5];
	[sflag:s17] =	ssyncadd.s32 $0xFFFFFF00  }
0x1d: {  	[tilespmem:s18], [sflag:$0x9] =	stream.linear.gather [hbm4b:s15+s4], $0x100, $0x38;
	[tilespmem:$0x1E300] =	vst v63  }
0x1e: {  	_ =	swait.ge [sflag:s17], $0x100  }
0x1f: {  	[sflag:s17] =	ssyncset.done $0x0  }
0x20: {  	[sflag:s17] =	ssyncadd.s32 $0xFFFFFF00  }
0x21: {  	v0 =	vld [tilespmem:$0x14080]  }
0x22: {  	v1 =	vld [tilespmem:$0x14090]  }
0x23: {  	v2 =	vld [tilespmem:$0x140A0]  }
0x24: {  	v3 =	vld [tilespmem:$0x140B0]  }
0x25: {  	v4 =	vld [tilespmem:$0x140C0]  }
0x26: {  	v59 =	vld [tilespmem:$0x14180];
	[tilespmem:$0x14200] =	vst v0  }
0x27: {  	v60 =	vld [tilespmem:$0x14190];
	[tilespmem:$0x14210] =	vst v1  }
0x28: {  	v61 =	vld [tilespmem:$0x141A0];
	[tilespmem:$0x14220] =	vst v2  }
0x29: {  	v62 =	vld [tilespmem:$0x141B0];
	[tilespmem:$0x14230] =	vst v3  }
0x2a: {  	v63 =	vld [tilespmem:$0x141C0];
	[tilespmem:$0x14240] =	vst v4  }
0x2b: {  	[tilespmem:$0x14280] =	vst v59  }
0x2c: {  	[tilespmem:$0x14290] =	vst v60  }
0x2d: {  	[tilespmem:$0x142A0] =	vst v61  }
0x2e: {  	[tilespmem:$0x142B0] =	vst v62  }
0x2f: {  	s21 =	rddreg [dreg:$0x6];
	[tilespmem:$0x142C0] =	vst v63  }
0x30: {  	[tilespmem:s20], [sflag:$0x3] =	stream.indirect.gather [hbm4b:s2+s19], $0x80, s16, s19, $0xb8;
	[tilespmem:$0x1E300] =	vst v63  }
0x31: {  	s10 =	simm.s32 $0x19300;
	s22 =	rddreg [dreg:$0x7]  }
0x32: {  	[tilespmem:s10], [sflag:$0x5] =	stream.linear.gather [hbm4b:s21+s4], $0x2800, $0x38;
	[tilespmem:$0x1E300] =	vst v63  }
0x33: {  	[spmem:s14], [sflag:s11] =	dma.local [hbm:s22], $0x2800  }
0x34: {  	_ =	swait.ge [sflag:s17], $0x2800  }
0x35: {  	[sflag:s17] =	ssyncset.done $0x0  }
0x36: {  	[sflag:s17] =	ssyncadd.s32 $0xFFFFD800  }
0x37: {  	s23 =	smov.u32 s11;
	s9 =	simm.s32 $0x0;
	[bflag:$0x0] =	sbarrier.arrive $0xFFFF  }
.LBB2_2:
0x38: {  	p0 =	seq.s32 s9, $0x0  }
0x39: {  	s10 =	simm.s32 @!p0 $0x8  }
0x3a: {  	_ =	swait.ge @!p0 [sflag:s10], $0x2800  }
0x3b: {  	[sflag:s10] =	ssyncset.done @!p0 $0x0  }
0x3c: {  	s11 =	sshll.u32 s9, $0x1;
	s14 =	simm.s32 @!p0 $0x2;
	[sflag:s10] =	ssyncadd.s32 @!p0 $0xFFFFD800  }
0x3d: {  	s10 =	sor.u32 @!p0 $0x1, s11;
	_ =	swait.ge @!p0 [sflag:s14], $0x100  }
0x3e: {  	s10 =	simm.s32 @p0 $0x1;
	[sflag:s14] =	ssyncset.done @!p0 $0x0  }
0x3f: {  	s22 =	smul.u32 $0x50, s10;
	[sflag:s14] =	ssyncadd.s32 @!p0 $0xFFFFFF00  }
0x40: {  	[tilespmem:s24], [sflag:$0x4] =	stream.indirect.gather [hbm4b:s2+s19], $0x80, s18, s19, $0xb8;
	[tilespmem:$0x1E300] =	vst v63  }
0x41: {  	s14 =	sadd.s32 s6, s22  }
0x42: {  	s14 =	sshll.u32 s14, $0x4  }
0x43: {  	s14 =	sadd.s32 s5, s14  }
0x44: {  	[tilespmem:s25], [sflag:$0x6] =	stream.linear.gather [hbm4b:s14+s4], $0x2800, $0x38;
	[tilespmem:$0x1E300] =	vst v63  }
0x45: {  	v0 =	vld @!p0 [tilespmem:$0x14180]  }
0x46: {  	v1 =	vld @!p0 [tilespmem:$0x14190]  }
0x47: {  	v2 =	vld @!p0 [tilespmem:$0x141A0]  }
0x48: {  	v3 =	vld @!p0 [tilespmem:$0x141B0]  }
0x49: {  	v4 =	vld @!p0 [tilespmem:$0x141C0]  }
0x4a: {  	p1 =	seq.s32 @!p0 s9, $0x3F;
	[tilespmem:$0x14280] =	vst @!p0 v0  }
0x4b: {  	p1 =	por p0, !p1;
	[tilespmem:$0x14290] =	vst @!p0 v1  }
0x4c: {  	s11 =	sadd.s32 @p1 s7, s11;
	[tilespmem:$0x142A0] =	vst @!p0 v2  }
0x4d: {  	s11 =	sshll.u32 @p1 s11, $0x5;
	[tilespmem:$0x142B0] =	vst @!p0 v3  }
0x4e: {  	s11 =	sadd.s32 @p1 s11, s12;
	[tilespmem:$0x142C0] =	vst @!p0 v4  }
0x4f: {  	[tilespmem:s16], [sflag:$0x1] =	stream.linear.gather @p1 [hbm4b:s11+s4], $0x100, $0x38;
	[tilespmem:$0x1E300] =	vst v63  }
0x50: {  	_ =	swait.ge [sflag:s26], $0x2800  }
0x51: {  	[sflag:s26] =	ssyncset.done $0x0  }
0x52: {  	[sflag:s26] =	ssyncadd.s32 $0xFFFFD800  }
0x53: {  	_ =	swait.ge [sflag:s28], $0x2800  }
0x54: {  	[sflag:s28] =	ssyncset.done $0x0  }
0x55: {  	s11 =	simm.s32 $0x14400;
	[sflag:s28] =	ssyncadd.s32 $0xFFFFD800  }
0x56: {  	s14 =	simm.s32 $0x19400;
	v0 =	vld [tilespmem:s11+$0x80]  }
0x57: {  	v1 =	vld [tilespmem:s14+$0x80]  }
0x58: {  	v2 =	vld [tilespmem:s14+$0xFFFFFF00]  }
0x59: {  	v3 =	vld [tilespmem:s11+$0xFFFFFF80]  }
0x5a: {  	v4 =	vld [tilespmem:s14+$0xFFFFFF80]  }
0x5b: {  	v5 =	vld [tilespmem:s14+$0x0]  }
0x5c: {  	v0 =	vadd.f32 v1, v0;
	v1 =	vld [tilespmem:s11+$0x0]  }
0x5d: {  	v6 =	vld [tilespmem:s11+$0xFFFFFF00]  }
0x5e: {  	v0 =	vmax.f32 v0, $0.0e+00  }
0x5f: {  	v3 =	vadd.f32 v4, v3;
	[tilespmem:s11+$0x80] =	vst v0;
	v0 =	vld [tilespmem:s11+$0x90]  }
0x60: {  	v7 =	vld [tilespmem:s14+$0x90]  }
0x61: {  	v8 =	vld [tilespmem:s11+$0xFFFFFF90];
	v3 =	vmax.f32 v3, $0.0e+00;
	v1 =	vadd.f32 v5, v1  }
0x62: {  	v4 =	vld [tilespmem:s11+$0xFFFFFF10];
	v2 =	vadd.f32 v2, v6;
	[tilespmem:s11+$0xFFFFFF80] =	vst v3  }
0x63: {  	v5 =	vld [tilespmem:s14+$0xFFFFFF90];
	v1 =	vmax.f32 v1, $0.0e+00  }
0x64: {  	v2 =	vmax.f32 v2, $0.0e+00;
	v3 =	vld [tilespmem:s11+$0x10];
	[tilespmem:s11+$0x0] =	vst v1  }
0x65: {  	[tilespmem:s11+$0xFFFFFF00] =	vst v2;
	v0 =	vadd.f32 v7, v0;
	v1 =	vld [tilespmem:s14+$0x10]  }
0x66: {  	v2 =	vld [tilespmem:s14+$0xFFFFFF10]  }
0x67: {  	v0 =	vmax.f32 v0, $0.0e+00  }
0x68: {  	v5 =	vadd.f32 v5, v8;
	[tilespmem:s11+$0x90] =	vst v0;
	v0 =	vld [tilespmem:s11+$0xA0]  }
0x69: {  	v7 =	vld [tilespmem:s14+$0xA0]  }
0x6a: {  	v6 =	vld [tilespmem:s11+$0xFFFFFF20];
	v5 =	vmax.f32 v5, $0.0e+00;
	v1 =	vadd.f32 v1, v3  }
0x6b: {  	v2 =	vadd.f32 v2, v4;
	v8 =	vld [tilespmem:s11+$0xFFFFFFA0];
	[tilespmem:s11+$0xFFFFFF90] =	vst v5  }
0x6c: {  	v4 =	vld [tilespmem:s14+$0xFFFFFFA0];
	v1 =	vmax.f32 v1, $0.0e+00  }
0x6d: {  	v2 =	vmax.f32 v2, $0.0e+00;
	v3 =	vld [tilespmem:s11+$0x20];
	[tilespmem:s11+$0x10] =	vst v1  }
0x6e: {  	[tilespmem:s11+$0xFFFFFF10] =	vst v2;
	v0 =	vadd.f32 v7, v0;
	v1 =	vld [tilespmem:s14+$0x20]  }
0x6f: {  	v2 =	vld [tilespmem:s14+$0xFFFFFF20]  }
0x70: {  	v0 =	vmax.f32 v0, $0.0e+00  }
0x71: {  	v4 =	vadd.f32 v4, v8;
	[tilespmem:s11+$0xA0] =	vst v0;
	v0 =	vld [tilespmem:s11+$0xB0]  }
0x72: {  	v7 =	vld [tilespmem:s14+$0xB0]  }
0x73: {  	v9 =	vld [tilespmem:s11+$0x30];
	v4 =	vmax.f32 v4, $0.0e+00;
	v1 =	vadd.f32 v1, v3  }
0x74: {  	v2 =	vadd.f32 v2, v6;
	v8 =	vld [tilespmem:s11+$0xFFFFFFB0];
	[tilespmem:s11+$0xFFFFFFA0] =	vst v4  }
0x75: {  	v3 =	vld [tilespmem:s14+$0xFFFFFFB0];
	v1 =	vmax.f32 v1, $0.0e+00  }
0x76: {  	v5 =	vld [tilespmem:s11+$0xFFFFFF30];
	[tilespmem:s11+$0x20] =	vst v1;
	v1 =	vmax.f32 v2, $0.0e+00  }
0x77: {  	v0 =	vadd.f32 v7, v0;
	[tilespmem:s11+$0xFFFFFF20] =	vst v1;
	v1 =	vld [tilespmem:s14+$0x30]  }
0x78: {  	v6 =	vld [tilespmem:s14+$0xFFFFFF30]  }
0x79: {  	v10 =	vld [tilespmem:s11+$0xFFFFFF40];
	v0 =	vmax.f32 v0, $0.0e+00  }
0x7a: {  	v3 =	vadd.f32 v3, v8;
	[tilespmem:s11+$0xB0] =	vst v0;
	v0 =	vld [tilespmem:s11+$0xC0]  }
0x7b: {  	v7 =	vld [tilespmem:s14+$0xC0]  }
0x7c: {  	v11 =	vld [tilespmem:s11+$0xFFFFFFD0];
	v3 =	vmax.f32 v3, $0.0e+00;
	v1 =	vadd.f32 v1, v9  }
0x7d: {  	v4 =	vld [tilespmem:s11+$0xFFFFFFC0];
	[tilespmem:s11+$0xFFFFFFB0] =	vst v3;
	v5 =	vadd.f32 v6, v5  }
0x7e: {  	v6 =	vld [tilespmem:s14+$0xFFFFFFC0];
	v1 =	vmax.f32 v1, $0.0e+00  }
0x7f: {  	v2 =	vld [tilespmem:s11+$0x40];
	[tilespmem:s11+$0x30] =	vst v1;
	v1 =	vmax.f32 v5, $0.0e+00  }
0x80: {  	v0 =	vadd.f32 v7, v0;
	v5 =	vld [tilespmem:s14+$0x40];
	[tilespmem:s11+$0xFFFFFF30] =	vst v1  }
0x81: {  	v1 =	vld [tilespmem:s14+$0xFFFFFF40]  }
0x82: {  	v8 =	vld [tilespmem:s11+$0xFFFFFF50];
	v0 =	vmax.f32 v0, $0.0e+00  }
0x83: {  	[tilespmem:s11+$0xC0] =	vst v0;
	v0 =	vadd.f32 v6, v4;
	v6 =	vld [tilespmem:s11+$0xD0]  }
0x84: {  	v7 =	vld [tilespmem:s14+$0xD0]  }
0x85: {  	v3 =	vld [tilespmem:s11+$0xFFFFFF60];
	v0 =	vmax.f32 v0, $0.0e+00;
	v2 =	vadd.f32 v5, v2  }
0x86: {  	v9 =	vld [tilespmem:s11+$0x50];
	[tilespmem:s11+$0xFFFFFFC0] =	vst v0;
	v0 =	vadd.f32 v1, v10  }
0x87: {  	v1 =	vld [tilespmem:s14+$0xFFFFFFD0];
	v2 =	vmax.f32 v2, $0.0e+00  }
0x88: {  	v4 =	vld [tilespmem:s11+$0xFFFFFFE0];
	[tilespmem:s11+$0x40] =	vst v2;
	v0 =	vmax.f32 v0, $0.0e+00  }
0x89: {  	v2 =	vld [tilespmem:s14+$0x50];
	v6 =	vadd.f32 v7, v6;
	[tilespmem:s11+$0xFFFFFF40] =	vst v0  }
0x8a: {  	v0 =	vld [tilespmem:s14+$0xFFFFFF50]  }
0x8b: {  	v5 =	vld [tilespmem:s11+$0x60];
	v6 =	vmax.f32 v6, $0.0e+00  }
0x8c: {  	v1 =	vadd.f32 v1, v11;
	[tilespmem:s11+$0xD0] =	vst v6;
	v6 =	vld [tilespmem:s11+$0xE0]  }
0x8d: {  	v10 =	vld [tilespmem:s14+$0xE0]  }
0x8e: {  	v1 =	vmax.f32 v1, $0.0e+00;
	v7 =	vadd.f32 v2, v9;
	v2 =	vld [tilespmem:s11+$0xFFFFFF70]  }
0x8f: {  	[tilespmem:s11+$0xFFFFFFD0] =	vst v1;
	v0 =	vadd.f32 v0, v8;
	v1 =	vld [tilespmem:s11+$0xFFFFFFF0]  }
0x90: {  	v8 =	vmax.f32 v7, $0.0e+00;
	v7 =	vld [tilespmem:s14+$0xFFFFFFE0]  }
0x91: {  	[tilespmem:s11+$0x50] =	vst v8;
	v8 =	vmax.f32 v0, $0.0e+00;
	v0 =	vld [tilespmem:s11+$0x70]  }
0x92: {  	[tilespmem:s11+$0xFFFFFF50] =	vst v8;
	v8 =	vld [tilespmem:s14+$0x60];
	v6 =	vadd.f32 v10, v6  }
0x93: {  	s15 =	simm.s32 $0x0;
	p0 =	por @!p0 $0x1, $0x1;
	v9 =	vld [tilespmem:s14+$0xFFFFFF60]  }
0x94: {  	s21 =	simm.s32 $0x14600;
	s22 =	simm.s32 $0x19400;
	p0 =	por @p1 $0x0, $0x0;
	v10 =	vmax.f32 v6, $0.0e+00;
	v6 =	vld [tilespmem:s11+$0xF0]  }
.LBB2_3:
0x95: {  	v11 =	vld [tilespmem:s21+$0x80];
	v4 =	vadd.f32 v7, v4;
	[tilespmem:s11+$0xE0] =	vst v10  }
0x96: {  	s22 =	sadd.s32 $0x200, s22;
	v7 =	vld [tilespmem:s14+$0xF0]  }
0x97: {  	s15 =	sadd.s32 $0x4, s15;
	v10 =	vld [tilespmem:s22+$0x80];
	v4 =	vmax.f32 v4, $0.0e+00;
	v5 =	vadd.f32 v8, v5  }
0x98: {  	p1 =	slt.u32 s15, $0x4C;
	v8 =	vld [tilespmem:s22+$0xFFFFFF00];
	v3 =	vadd.f32 v9, v3;
	[tilespmem:s11+$0xFFFFFFE0] =	vst v4  }
0x99: {  	v4 =	vld [tilespmem:s21+$0xFFFFFF80];
	v5 =	vmax.f32 v5, $0.0e+00  }
0x9a: {  	v9 =	vld [tilespmem:s22+$0xFFFFFF80];
	v3 =	vmax.f32 v3, $0.0e+00;
	[tilespmem:s11+$0x60] =	vst v5  }
0x9b: {  	v5 =	vld [tilespmem:s21+$0x0];
	[tilespmem:s11+$0xFFFFFF60] =	vst v3;
	v3 =	vadd.f32 v7, v6  }
0x9c: {  	v6 =	vld [tilespmem:s22+$0x0];
	v7 =	vadd.f32 v10, v11  }
0x9d: {  	v10 =	vld [tilespmem:s21+$0xFFFFFF00];
	v3 =	vmax.f32 v3, $0.0e+00  }
0x9e: {  	v11 =	vld [tilespmem:s21+$0xFFFFFF10];
	v7 =	vmax.f32 v7, $0.0e+00;
	[tilespmem:s11+$0xF0] =	vst v3  }
0x9f: {  	v3 =	vadd.f32 v9, v4;
	[tilespmem:s21+$0x80] =	vst v7;
	v4 =	vld [tilespmem:s21+$0x90]  }
0xa0: {  	v7 =	vld [tilespmem:s22+$0x90]  }
0xa1: {  	v3 =	vmax.f32 v3, $0.0e+00;
	v9 =	vld [tilespmem:s21+$0xFFFFFF90];
	v5 =	vadd.f32 v6, v5  }
0xa2: {  	v6 =	vadd.f32 v8, v10;
	[tilespmem:s21+$0xFFFFFF80] =	vst v3;
	v3 =	vld [tilespmem:s21+$0x10]  }
0xa3: {  	v8 =	vld [tilespmem:s22+$0xFFFFFF90];
	v5 =	vmax.f32 v5, $0.0e+00  }
0xa4: {  	v6 =	vmax.f32 v6, $0.0e+00;
	v10 =	vld [tilespmem:s21+$0xFFFFFF20];
	[tilespmem:s21+$0x0] =	vst v5  }
0xa5: {  	[tilespmem:s21+$0xFFFFFF00] =	vst v6;
	v5 =	vld [tilespmem:s22+$0x10];
	v4 =	vadd.f32 v7, v4  }
0xa6: {  	v6 =	vld [tilespmem:s22+$0xFFFFFF10]  }
0xa7: {  	v7 =	vld [tilespmem:s21+$0xFFFFFFA0];
	v4 =	vmax.f32 v4, $0.0e+00  }
0xa8: {  	v8 =	vadd.f32 v8, v9;
	[tilespmem:s21+$0x90] =	vst v4;
	v4 =	vld [tilespmem:s21+$0xA0]  }
0xa9: {  	v9 =	vld [tilespmem:s22+$0xA0]  }
0xaa: {  	v8 =	vmax.f32 v8, $0.0e+00;
	v3 =	vadd.f32 v5, v3;
	v5 =	vld [tilespmem:s21+$0x20]  }
0xab: {  	v6 =	vadd.f32 v6, v11;
	v11 =	vld [tilespmem:s21+$0xFFFFFF30];
	[tilespmem:s21+$0xFFFFFF90] =	vst v8  }
0xac: {  	v8 =	vld [tilespmem:s22+$0xFFFFFFA0];
	v3 =	vmax.f32 v3, $0.0e+00  }
0xad: {  	v6 =	vmax.f32 v6, $0.0e+00;
	v12 =	vld [tilespmem:s21+$0xFFFFFFB0];
	[tilespmem:s21+$0x10] =	vst v3  }
0xae: {  	[tilespmem:s21+$0xFFFFFF10] =	vst v6;
	v3 =	vld [tilespmem:s22+$0x20];
	v4 =	vadd.f32 v9, v4  }
0xaf: {  	v6 =	vld [tilespmem:s22+$0xFFFFFF20]  }
0xb0: {  	v9 =	vld [tilespmem:s21+$0x30];
	v4 =	vmax.f32 v4, $0.0e+00  }
0xb1: {  	v7 =	vadd.f32 v8, v7;
	[tilespmem:s21+$0xA0] =	vst v4;
	v4 =	vld [tilespmem:s21+$0xB0]  }
0xb2: {  	v8 =	vld [tilespmem:s22+$0xB0]  }
0xb3: {  	v13 =	vld [tilespmem:s21+$0xFFFFFF40];
	v7 =	vmax.f32 v7, $0.0e+00;
	v3 =	vadd.f32 v3, v5  }
0xb4: {  	v5 =	vadd.f32 v6, v10;
	[tilespmem:s21+$0xFFFFFFA0] =	vst v7;
	v6 =	vld [tilespmem:s21+$0xFFFFFFC0]  }
0xb5: {  	v7 =	vld [tilespmem:s22+$0xFFFFFFB0];
	v3 =	vmax.f32 v3, $0.0e+00  }
0xb6: {  	v5 =	vmax.f32 v5, $0.0e+00;
	[tilespmem:s21+$0x20] =	vst v3;
	v10 =	vld [tilespmem:s21+$0x40]  }
0xb7: {  	[tilespmem:s21+$0xFFFFFF20] =	vst v5;
	v3 =	vld [tilespmem:s22+$0x30];
	v4 =	vadd.f32 v8, v4  }
0xb8: {  	v5 =	vld [tilespmem:s22+$0xFFFFFF30]  }
0xb9: {  	v8 =	vld [tilespmem:s21+$0xFFFFFF50];
	v4 =	vmax.f32 v4, $0.0e+00  }
0xba: {  	v7 =	vadd.f32 v7, v12;
	[tilespmem:s21+$0xB0] =	vst v4;
	v4 =	vld [tilespmem:s21+$0xC0]  }
0xbb: {  	v12 =	vld [tilespmem:s22+$0xC0]  }
0xbc: {  	v7 =	vmax.f32 v7, $0.0e+00;
	v14 =	vld [tilespmem:s21+$0xFFFFFFD0];
	v3 =	vadd.f32 v3, v9  }
0xbd: {  	v5 =	vadd.f32 v5, v11;
	[tilespmem:s21+$0xFFFFFFB0] =	vst v7;
	v7 =	vld [tilespmem:s21+$0x50]  }
0xbe: {  	v9 =	vld [tilespmem:s22+$0xFFFFFFC0];
	v11 =	vmax.f32 v3, $0.0e+00  }
0xbf: {  	v5 =	vmax.f32 v5, $0.0e+00;
	v3 =	vld [tilespmem:s21+$0xFFFFFF60];
	[tilespmem:s21+$0x30] =	vst v11  }
0xc0: {  	[tilespmem:s21+$0xFFFFFF30] =	vst v5;
	v5 =	vld [tilespmem:s22+$0x40];
	v11 =	vadd.f32 v12, v4  }
0xc1: {  	v12 =	vld [tilespmem:s22+$0xFFFFFF40]  }
0xc2: {  	v4 =	vld [tilespmem:s21+$0xFFFFFFE0];
	v11 =	vmax.f32 v11, $0.0e+00  }
0xc3: {  	v6 =	vadd.f32 v9, v6;
	[tilespmem:s21+$0xC0] =	vst v11;
	v9 =	vld [tilespmem:s21+$0xD0]  }
0xc4: {  	v11 =	vld [tilespmem:s22+$0xD0]  }
0xc5: {  	v6 =	vmax.f32 v6, $0.0e+00;
	v10 =	vadd.f32 v5, v10;
	v5 =	vld [tilespmem:s21+$0x60]  }
0xc6: {  	v12 =	vadd.f32 v12, v13;
	[tilespmem:s21+$0xFFFFFFC0] =	vst v6;
	v6 =	vld [tilespmem:s14+$0xFFFFFF70]  }
0xc7: {  	v13 =	vld [tilespmem:s22+$0xFFFFFFD0];
	v10 =	vmax.f32 v10, $0.0e+00  }
0xc8: {  	v12 =	vmax.f32 v12, $0.0e+00;
	[tilespmem:s21+$0x40] =	vst v10;
	v10 =	vld [tilespmem:s14+$0xFFFFFFF0]  }
0xc9: {  	[tilespmem:s21+$0xFFFFFF40] =	vst v12;
	v12 =	vld [tilespmem:s22+$0x50];
	v9 =	vadd.f32 v11, v9  }
0xca: {  	v11 =	vld [tilespmem:s22+$0xFFFFFF50]  }
0xcb: {  	v9 =	vmax.f32 v9, $0.0e+00;
	v2 =	vadd.f32 v6, v2;
	v6 =	vld [tilespmem:s14+$0x70];
	s14 =	smov.u32 s22  }
0xcc: {  	v13 =	vadd.f32 v13, v14;
	[tilespmem:s21+$0xD0] =	vst v9;
	v9 =	vld [tilespmem:s21+$0xE0]  }
0xcd: {  	v14 =	vld [tilespmem:s22+$0xE0];
	v15 =	vmax.f32 v2, $0.0e+00;
	v10 =	vadd.f32 v10, v1  }
0xce: {  	v2 =	vld [tilespmem:s21+$0xFFFFFF70];
	v1 =	vmax.f32 v13, $0.0e+00;
	v12 =	vadd.f32 v12, v7;
	[tilespmem:s11+$0xFFFFFF70] =	vst v15  }
0xcf: {  	v8 =	vadd.f32 v11, v8;
	[tilespmem:s21+$0xFFFFFFD0] =	vst v1;
	v1 =	vld [tilespmem:s21+$0xFFFFFFF0];
	v10 =	vmax.f32 v10, $0.0e+00  }
.Ltmp0:
0xd0: {  	v7 =	vld [tilespmem:s22+$0xFFFFFFE0];
	v11 =	vmax.f32 v12, $0.0e+00;
	[tilespmem:s11+$0xFFFFFFF0] =	vst v10;
	v6 =	vadd.f32 v6, v0;
	(pc) =	sbr.rel @p1 .LBB2_3-.Ltmp0, $4  }
0xd1: {  	v8 =	vmax.f32 v8, $0.0e+00;
	[tilespmem:s21+$0x50] =	vst v11;
	v0 =	vld [tilespmem:s21+$0x70]  }
0xd2: {  	[tilespmem:s21+$0xFFFFFF50] =	vst v8;
	v8 =	vld [tilespmem:s22+$0x60];
	v10 =	vadd.f32 v14, v9;
	v6 =	vmax.f32 v6, $0.0e+00  }
0xd3: {  	v9 =	vld [tilespmem:s22+$0xFFFFFF60];
	[tilespmem:s11+$0x70] =	vst v6;
	s11 =	smov.u32 s21  }
0xd4: {  	s21 =	sadd.s32 $0x200, s21;
	v10 =	vmax.f32 v10, $0.0e+00;
	v6 =	vld [tilespmem:s11+$0xF0]  }
0xd5: {  	_ =	sdelay $0x2  }
0xd6: {  	v3 =	vadd.f32 v9, v3  }
0xd7: {  	v4 =	vadd.f32 v7, v4  }
0xd8: {  	[tilespmem:s11+$0xE0] =	vst v10;
	v5 =	vadd.f32 v8, v5;
	v3 =	vmax.f32 v3, $0.0e+00  }
0xd9: {  	v7 =	vld [tilespmem:s14+$0xF0];
	v4 =	vmax.f32 v4, $0.0e+00;
	[tilespmem:s11+$0xFFFFFF60] =	vst v3  }
0xda: {  	[tilespmem:s11+$0xFFFFFFE0] =	vst v4;
	v3 =	vmax.f32 v5, $0.0e+00;
	v4 =	vld [tilespmem:s14+$0xFFFFFF70]  }
0xdb: {  	[tilespmem:s11+$0x60] =	vst v3;
	v3 =	vld [tilespmem:s14+$0xFFFFFFF0]  }
0xdc: {  	v5 =	vld [tilespmem:s14+$0x70];
	_ =	sdelay $0x1  }
0xdd: {  	v6 =	vadd.f32 v7, v6  }
0xde: {  	v2 =	vadd.f32 v4, v2  }
0xdf: {  	v4 =	vmax.f32 v6, $0.0e+00;
	v1 =	vadd.f32 v3, v1  }
0xe0: {  	[tilespmem:s11+$0xF0] =	vst v4;
	v0 =	vadd.f32 v5, v0;
	v2 =	vmax.f32 v2, $0.0e+00  }
0xe1: {  	v1 =	vmax.f32 v1, $0.0e+00;
	[tilespmem:s11+$0xFFFFFF70] =	vst v2  }
0xe2: {  	[tilespmem:s11+$0xFFFFFFF0] =	vst v1;
	v0 =	vmax.f32 v0, $0.0e+00  }
0xe3: {  	[tilespmem:s11+$0x70] =	vst v0  }
0xe4: {  	[spmem:s3] =	stream.indirect.scatter.add.f32 [tilespmem:s20], [sflag:$0x7], $0x80, s29, s19, $0xb8;
	[tilespmem:$0x1E300] =	vst v63  }
0xe5: {  	_ =	swait.ge [sflag:s30], $0x2800  }
0xe6: {  	[sflag:s30] =	ssyncset.done $0x0  }
0xe7: {  	s11 =	simm.s32 @!p0 $0x1;
	[sflag:s30] =	ssyncadd.s32 $0xFFFFD800  }
0xe8: {  	_ =	swait.ge @!p0 [sflag:s11], $0x100  }
0xe9: {  	s15 =	simm.s32 @!p0 $0x14300;
	s21 =	smul.u32 @!p0 $0xA0, s9;
	[sflag:s11] =	ssyncset.done @!p0 $0x0  }
0xea: {  	s14 =	simm.s32 @!p0 $0x14000;
	[sflag:s11] =	ssyncadd.s32 @!p0 $0xFFFFFF00;
	s11 =	simm.s32 @!p0 $0x50  }
0xeb: {  	[tilespmem:s15], [sflag:$0x3] =	stream.indirect.gather @!p0 [hbm4b:s2+s11], $0x80, s14, s11, $0xb8;
	[tilespmem:$0x1E300] =	vst v63  }
0xec: {  	s11 =	sadd.s32 @!p0 s21, s13  }
0xed: {  	s11 =	sshll.u32 @!p0 s11, $0x4  }
0xee: {  	s14 =	simm.s32 @!p0 $0x0;
	s15 =	simm.s32 @!p0 $0x19300;
	s11 =	sadd.s32 @!p0 s5, s11  }
0xef: {  	[tilespmem:s15], [sflag:$0x5] =	stream.linear.gather @!p0 [hbm4b:s11+s14], $0x2800, $0x38;
	[tilespmem:$0x1E300] =	vst v63  }
0xf0: {  	v0 =	vld @!p0 [tilespmem:$0x14080]  }
0xf1: {  	v1 =	vld @!p0 [tilespmem:$0x14090]  }
0xf2: {  	v2 =	vld @!p0 [tilespmem:$0x140A0]  }
0xf3: {  	v3 =	vld @!p0 [tilespmem:$0x140B0]  }
0xf4: {  	v4 =	vld @!p0 [tilespmem:$0x140C0]  }
0xf5: {  	[tilespmem:$0x14200] =	vst @!p0 v0  }
0xf6: {  	[tilespmem:$0x14210] =	vst @!p0 v1  }
0xf7: {  	s10 =	sadd.s32 @!p0 s7, s10;
	[tilespmem:$0x14220] =	vst @!p0 v2  }
0xf8: {  	s10 =	sshll.u32 @!p0 s10, $0x5;
	[tilespmem:$0x14230] =	vst @!p0 v3  }
0xf9: {  	s10 =	sadd.s32 @!p0 s10, s12;
	s11 =	simm.s32 @!p0 $0x14100;
	[tilespmem:$0x14240] =	vst @!p0 v4  }
0xfa: {  	[tilespmem:s11], [sflag:$0x2] =	stream.linear.gather @!p0 [hbm4b:s10+s14], $0x100, $0x38;
	[tilespmem:$0x1E300] =	vst v63  }
0xfb: {  	_ =	swait.ge [sflag:s31], $0x2800  }
0xfc: {  	[sflag:s31] =	ssyncset.done $0x0  }
0xfd: {  	[sflag:s31] =	ssyncadd.s32 $0xFFFFD800  }
0xfe: {  	_ =	swait.ge [sflag:s0], $0x2800  }
0xff: {  	[sflag:s0] =	ssyncset.done $0x0  }
0x100: {  	s10 =	simm.s32 $0x16CF0;
	[sflag:s0] =	ssyncadd.s32 $0xFFFFD800  }
0x101: {  	s11 =	simm.s32 $0x1BCF0;
	v0 =	vld [tilespmem:s10+$0xFFFFFF90]  }
0x102: {  	v1 =	vld [tilespmem:s11+$0xFFFFFF90]  }
0x103: {  	v2 =	vld [tilespmem:s11+$0xFFFFFE10]  }
0x104: {  	v3 =	vld [tilespmem:s10+$0xFFFFFE90]  }
0x105: {  	v4 =	vld [tilespmem:s11+$0xFFFFFE90]  }
0x106: {  	v5 =	vld [tilespmem:s11+$0xFFFFFF10]  }
0x107: {  	v0 =	vadd.f32 v1, v0;
	v1 =	vld [tilespmem:s10+$0xFFFFFF10]  }
0x108: {  	v6 =	vld [tilespmem:s10+$0xFFFFFE10]  }
0x109: {  	v0 =	vmax.f32 v0, $0.0e+00  }
0x10a: {  	v3 =	vadd.f32 v4, v3;
	[tilespmem:s10+$0xFFFFFF90] =	vst v0;
	v0 =	vld [tilespmem:s10+$0xFFFFFFA0]  }
0x10b: {  	v7 =	vld [tilespmem:s11+$0xFFFFFFA0]  }
0x10c: {  	v8 =	vld [tilespmem:s10+$0xFFFFFEA0];
	v3 =	vmax.f32 v3, $0.0e+00;
	v1 =	vadd.f32 v5, v1  }
0x10d: {  	v4 =	vld [tilespmem:s10+$0xFFFFFE20];
	v2 =	vadd.f32 v2, v6;
	[tilespmem:s10+$0xFFFFFE90] =	vst v3  }
0x10e: {  	v5 =	vld [tilespmem:s11+$0xFFFFFEA0];
	v1 =	vmax.f32 v1, $0.0e+00  }
0x10f: {  	v2 =	vmax.f32 v2, $0.0e+00;
	v3 =	vld [tilespmem:s10+$0xFFFFFF20];
	[tilespmem:s10+$0xFFFFFF10] =	vst v1  }
0x110: {  	[tilespmem:s10+$0xFFFFFE10] =	vst v2;
	v0 =	vadd.f32 v7, v0;
	v1 =	vld [tilespmem:s11+$0xFFFFFF20]  }
0x111: {  	v2 =	vld [tilespmem:s11+$0xFFFFFE20]  }
0x112: {  	v0 =	vmax.f32 v0, $0.0e+00  }
0x113: {  	v5 =	vadd.f32 v5, v8;
	[tilespmem:s10+$0xFFFFFFA0] =	vst v0;
	v0 =	vld [tilespmem:s10+$0xFFFFFFB0]  }
0x114: {  	v7 =	vld [tilespmem:s11+$0xFFFFFFB0]  }
0x115: {  	v6 =	vld [tilespmem:s10+$0xFFFFFE30];
	v5 =	vmax.f32 v5, $0.0e+00;
	v1 =	vadd.f32 v1, v3  }
0x116: {  	v2 =	vadd.f32 v2, v4;
	v8 =	vld [tilespmem:s10+$0xFFFFFEB0];
	[tilespmem:s10+$0xFFFFFEA0] =	vst v5  }
0x117: {  	v4 =	vld [tilespmem:s11+$0xFFFFFEB0];
	v1 =	vmax.f32 v1, $0.0e+00  }
0x118: {  	v2 =	vmax.f32 v2, $0.0e+00;
	v3 =	vld [tilespmem:s10+$0xFFFFFF30];
	[tilespmem:s10+$0xFFFFFF20] =	vst v1  }
0x119: {  	[tilespmem:s10+$0xFFFFFE20] =	vst v2;
	v0 =	vadd.f32 v7, v0;
	v1 =	vld [tilespmem:s11+$0xFFFFFF30]  }
0x11a: {  	v2 =	vld [tilespmem:s11+$0xFFFFFE30]  }
0x11b: {  	v0 =	vmax.f32 v0, $0.0e+00  }
0x11c: {  	v4 =	vadd.f32 v4, v8;
	[tilespmem:s10+$0xFFFFFFB0] =	vst v0;
	v0 =	vld [tilespmem:s10+$0xFFFFFFC0]  }
0x11d: {  	v7 =	vld [tilespmem:s11+$0xFFFFFFC0]  }
0x11e: {  	v9 =	vld [tilespmem:s10+$0xFFFFFF40];
	v4 =	vmax.f32 v4, $0.0e+00;
	v1 =	vadd.f32 v1, v3  }
0x11f: {  	v2 =	vadd.f32 v2, v6;
	v8 =	vld [tilespmem:s10+$0xFFFFFEC0];
	[tilespmem:s10+$0xFFFFFEB0] =	vst v4  }
0x120: {  	v3 =	vld [tilespmem:s11+$0xFFFFFEC0];
	v1 =	vmax.f32 v1, $0.0e+00  }
0x121: {  	v5 =	vld [tilespmem:s10+$0xFFFFFE40];
	[tilespmem:s10+$0xFFFFFF30] =	vst v1;
	v1 =	vmax.f32 v2, $0.0e+00  }
0x122: {  	v0 =	vadd.f32 v7, v0;
	[tilespmem:s10+$0xFFFFFE30] =	vst v1;
	v1 =	vld [tilespmem:s11+$0xFFFFFF40]  }
0x123: {  	v6 =	vld [tilespmem:s11+$0xFFFFFE40]  }
0x124: {  	v10 =	vld [tilespmem:s10+$0xFFFFFE50];
	v0 =	vmax.f32 v0, $0.0e+00  }
0x125: {  	v3 =	vadd.f32 v3, v8;
	[tilespmem:s10+$0xFFFFFFC0] =	vst v0;
	v0 =	vld [tilespmem:s10+$0xFFFFFFD0]  }
0x126: {  	v7 =	vld [tilespmem:s11+$0xFFFFFFD0]  }
0x127: {  	v11 =	vld [tilespmem:s10+$0xFFFFFEE0];
	v3 =	vmax.f32 v3, $0.0e+00;
	v1 =	vadd.f32 v1, v9  }
0x128: {  	v4 =	vld [tilespmem:s10+$0xFFFFFED0];
	[tilespmem:s10+$0xFFFFFEC0] =	vst v3;
	v5 =	vadd.f32 v6, v5  }
0x129: {  	v6 =	vld [tilespmem:s11+$0xFFFFFED0];
	v1 =	vmax.f32 v1, $0.0e+00  }
0x12a: {  	v2 =	vld [tilespmem:s10+$0xFFFFFF50];
	[tilespmem:s10+$0xFFFFFF40] =	vst v1;
	v1 =	vmax.f32 v5, $0.0e+00  }
0x12b: {  	v0 =	vadd.f32 v7, v0;
	v5 =	vld [tilespmem:s11+$0xFFFFFF50];
	[tilespmem:s10+$0xFFFFFE40] =	vst v1  }
0x12c: {  	v1 =	vld [tilespmem:s11+$0xFFFFFE50]  }
0x12d: {  	v8 =	vld [tilespmem:s10+$0xFFFFFE60];
	v0 =	vmax.f32 v0, $0.0e+00  }
0x12e: {  	[tilespmem:s10+$0xFFFFFFD0] =	vst v0;
	v0 =	vadd.f32 v6, v4;
	v6 =	vld [tilespmem:s10+$0xFFFFFFE0]  }
0x12f: {  	v7 =	vld [tilespmem:s11+$0xFFFFFFE0]  }
0x130: {  	v3 =	vld [tilespmem:s10+$0xFFFFFE70];
	v0 =	vmax.f32 v0, $0.0e+00;
	v2 =	vadd.f32 v5, v2  }
0x131: {  	v9 =	vld [tilespmem:s10+$0xFFFFFF60];
	[tilespmem:s10+$0xFFFFFED0] =	vst v0;
	v0 =	vadd.f32 v1, v10  }
0x132: {  	v1 =	vld [tilespmem:s11+$0xFFFFFEE0];
	v2 =	vmax.f32 v2, $0.0e+00  }
0x133: {  	v4 =	vld [tilespmem:s10+$0xFFFFFEF0];
	[tilespmem:s10+$0xFFFFFF50] =	vst v2;
	v0 =	vmax.f32 v0, $0.0e+00  }
0x134: {  	v2 =	vld [tilespmem:s11+$0xFFFFFF60];
	v6 =	vadd.f32 v7, v6;
	[tilespmem:s10+$0xFFFFFE50] =	vst v0  }
0x135: {  	v0 =	vld [tilespmem:s11+$0xFFFFFE60]  }
0x136: {  	v5 =	vld [tilespmem:s10+$0xFFFFFF70];
	v6 =	vmax.f32 v6, $0.0e+00  }
0x137: {  	v1 =	vadd.f32 v1, v11;
	[tilespmem:s10+$0xFFFFFFE0] =	vst v6;
	v6 =	vld [tilespmem:s10+$0xFFFFFFF0]  }
0x138: {  	v10 =	vld [tilespmem:s11+$0xFFFFFFF0]  }
0x139: {  	v1 =	vmax.f32 v1, $0.0e+00;
	v7 =	vadd.f32 v2, v9;
	v2 =	vld [tilespmem:s10+$0xFFFFFE80]  }
0x13a: {  	[tilespmem:s10+$0xFFFFFEE0] =	vst v1;
	v0 =	vadd.f32 v0, v8;
	v1 =	vld [tilespmem:s10+$0xFFFFFF00]  }
0x13b: {  	v8 =	vmax.f32 v7, $0.0e+00;
	v7 =	vld [tilespmem:s11+$0xFFFFFEF0]  }
0x13c: {  	[tilespmem:s10+$0xFFFFFF60] =	vst v8;
	v8 =	vmax.f32 v0, $0.0e+00;
	v0 =	vld [tilespmem:s10+$0xFFFFFF80]  }
0x13d: {  	[tilespmem:s10+$0xFFFFFE60] =	vst v8;
	v8 =	vld [tilespmem:s11+$0xFFFFFF70];
	v6 =	vadd.f32 v10, v6  }
0x13e: {  	v9 =	vld [tilespmem:s11+$0xFFFFFE70]  }
0x13f: {  	s21 =	simm.s32 $0x1BCF0;
	s15 =	simm.s32 $0x16EF0;
	s14 =	simm.s32 $0x0;
	v10 =	vmax.f32 v6, $0.0e+00;
	v6 =	vld [tilespmem:s10+$0x0]  }
.LBB2_5:
0x140: {  	v11 =	vld [tilespmem:s15+$0xFFFFFF90];
	v4 =	vadd.f32 v7, v4;
	[tilespmem:s10+$0xFFFFFFF0] =	vst v10  }
0x141: {  	s21 =	sadd.s32 $0x200, s21;
	v7 =	vld [tilespmem:s11+$0x0]  }
0x142: {  	s14 =	sadd.s32 $0x4, s14;
	v10 =	vld [tilespmem:s21+$0xFFFFFF90];
	v4 =	vmax.f32 v4, $0.0e+00;
	v5 =	vadd.f32 v8, v5  }
0x143: {  	p0 =	slt.u32 s14, $0x4C;
	v8 =	vld [tilespmem:s21+$0xFFFFFE10];
	v3 =	vadd.f32 v9, v3;
	[tilespmem:s10+$0xFFFFFEF0] =	vst v4  }
0x144: {  	v4 =	vld [tilespmem:s15+$0xFFFFFE90];
	v5 =	vmax.f32 v5, $0.0e+00  }
0x145: {  	v9 =	vld [tilespmem:s21+$0xFFFFFE90];
	v3 =	vmax.f32 v3, $0.0e+00;
	[tilespmem:s10+$0xFFFFFF70] =	vst v5  }
0x146: {  	v5 =	vld [tilespmem:s15+$0xFFFFFF10];
	[tilespmem:s10+$0xFFFFFE70] =	vst v3;
	v3 =	vadd.f32 v7, v6  }
0x147: {  	v6 =	vld [tilespmem:s21+$0xFFFFFF10];
	v7 =	vadd.f32 v10, v11  }
0x148: {  	v10 =	vld [tilespmem:s15+$0xFFFFFE10];
	v3 =	vmax.f32 v3, $0.0e+00  }
0x149: {  	v11 =	vld [tilespmem:s15+$0xFFFFFE20];
	v7 =	vmax.f32 v7, $0.0e+00;
	[tilespmem:s10+$0x0] =	vst v3  }
0x14a: {  	v3 =	vadd.f32 v9, v4;
	[tilespmem:s15+$0xFFFFFF90] =	vst v7;
	v4 =	vld [tilespmem:s15+$0xFFFFFFA0]  }
0x14b: {  	v7 =	vld [tilespmem:s21+$0xFFFFFFA0]  }
0x14c: {  	v3 =	vmax.f32 v3, $0.0e+00;
	v9 =	vld [tilespmem:s15+$0xFFFFFEA0];
	v5 =	vadd.f32 v6, v5  }
0x14d: {  	v6 =	vadd.f32 v8, v10;
	[tilespmem:s15+$0xFFFFFE90] =	vst v3;
	v3 =	vld [tilespmem:s15+$0xFFFFFF20]  }
0x14e: {  	v8 =	vld [tilespmem:s21+$0xFFFFFEA0];
	v5 =	vmax.f32 v5, $0.0e+00  }
0x14f: {  	v6 =	vmax.f32 v6, $0.0e+00;
	v10 =	vld [tilespmem:s15+$0xFFFFFE30];
	[tilespmem:s15+$0xFFFFFF10] =	vst v5  }
0x150: {  	[tilespmem:s15+$0xFFFFFE10] =	vst v6;
	v5 =	vld [tilespmem:s21+$0xFFFFFF20];
	v4 =	vadd.f32 v7, v4  }
0x151: {  	v6 =	vld [tilespmem:s21+$0xFFFFFE20]  }
0x152: {  	v7 =	vld [tilespmem:s15+$0xFFFFFEB0];
	v4 =	vmax.f32 v4, $0.0e+00  }
0x153: {  	v8 =	vadd.f32 v8, v9;
	[tilespmem:s15+$0xFFFFFFA0] =	vst v4;
	v4 =	vld [tilespmem:s15+$0xFFFFFFB0]  }
0x154: {  	v9 =	vld [tilespmem:s21+$0xFFFFFFB0]  }
0x155: {  	v8 =	vmax.f32 v8, $0.0e+00;
	v3 =	vadd.f32 v5, v3;
	v5 =	vld [tilespmem:s15+$0xFFFFFF30]  }
0x156: {  	v6 =	vadd.f32 v6, v11;
	v11 =	vld [tilespmem:s15+$0xFFFFFE40];
	[tilespmem:s15+$0xFFFFFEA0] =	vst v8  }
0x157: {  	v8 =	vld [tilespmem:s21+$0xFFFFFEB0];
	v3 =	vmax.f32 v3, $0.0e+00  }
0x158: {  	v6 =	vmax.f32 v6, $0.0e+00;
	v12 =	vld [tilespmem:s15+$0xFFFFFEC0];
	[tilespmem:s15+$0xFFFFFF20] =	vst v3  }
0x159: {  	[tilespmem:s15+$0xFFFFFE20] =	vst v6;
	v3 =	vld [tilespmem:s21+$0xFFFFFF30];
	v4 =	vadd.f32 v9, v4  }
0x15a: {  	v6 =	vld [tilespmem:s21+$0xFFFFFE30]  }
0x15b: {  	v9 =	vld [tilespmem:s15+$0xFFFFFF40];
	v4 =	vmax.f32 v4, $0.0e+00  }
0x15c: {  	v7 =	vadd.f32 v8, v7;
	[tilespmem:s15+$0xFFFFFFB0] =	vst v4;
	v4 =	vld [tilespmem:s15+$0xFFFFFFC0]  }
0x15d: {  	v8 =	vld [tilespmem:s21+$0xFFFFFFC0]  }
0x15e: {  	v13 =	vld [tilespmem:s15+$0xFFFFFE50];
	v7 =	vmax.f32 v7, $0.0e+00;
	v3 =	vadd.f32 v3, v5  }
0x15f: {  	v5 =	vadd.f32 v6, v10;
	[tilespmem:s15+$0xFFFFFEB0] =	vst v7;
	v6 =	vld [tilespmem:s15+$0xFFFFFED0]  }
0x160: {  	v7 =	vld [tilespmem:s21+$0xFFFFFEC0];
	v3 =	vmax.f32 v3, $0.0e+00  }
0x161: {  	v5 =	vmax.f32 v5, $0.0e+00;
	[tilespmem:s15+$0xFFFFFF30] =	vst v3;
	v10 =	vld [tilespmem:s15+$0xFFFFFF50]  }
0x162: {  	[tilespmem:s15+$0xFFFFFE30] =	vst v5;
	v3 =	vld [tilespmem:s21+$0xFFFFFF40];
	v4 =	vadd.f32 v8, v4  }
0x163: {  	v5 =	vld [tilespmem:s21+$0xFFFFFE40]  }
0x164: {  	v8 =	vld [tilespmem:s15+$0xFFFFFE60];
	v4 =	vmax.f32 v4, $0.0e+00  }
0x165: {  	v7 =	vadd.f32 v7, v12;
	[tilespmem:s15+$0xFFFFFFC0] =	vst v4;
	v4 =	vld [tilespmem:s15+$0xFFFFFFD0]  }
0x166: {  	v12 =	vld [tilespmem:s21+$0xFFFFFFD0]  }
0x167: {  	v7 =	vmax.f32 v7, $0.0e+00;
	v14 =	vld [tilespmem:s15+$0xFFFFFEE0];
	v3 =	vadd.f32 v3, v9  }
0x168: {  	v5 =	vadd.f32 v5, v11;
	[tilespmem:s15+$0xFFFFFEC0] =	vst v7;
	v7 =	vld [tilespmem:s15+$0xFFFFFF60]  }
0x169: {  	v9 =	vld [tilespmem:s21+$0xFFFFFED0];
	v11 =	vmax.f32 v3, $0.0e+00  }
0x16a: {  	v5 =	vmax.f32 v5, $0.0e+00;
	v3 =	vld [tilespmem:s15+$0xFFFFFE70];
	[tilespmem:s15+$0xFFFFFF40] =	vst v11  }
0x16b: {  	[tilespmem:s15+$0xFFFFFE40] =	vst v5;
	v5 =	vld [tilespmem:s21+$0xFFFFFF50];
	v11 =	vadd.f32 v12, v4  }
0x16c: {  	v12 =	vld [tilespmem:s21+$0xFFFFFE50]  }
0x16d: {  	v4 =	vld [tilespmem:s15+$0xFFFFFEF0];
	v11 =	vmax.f32 v11, $0.0e+00  }
0x16e: {  	v6 =	vadd.f32 v9, v6;
	[tilespmem:s15+$0xFFFFFFD0] =	vst v11;
	v9 =	vld [tilespmem:s15+$0xFFFFFFE0]  }
0x16f: {  	v11 =	vld [tilespmem:s21+$0xFFFFFFE0]  }
0x170: {  	v6 =	vmax.f32 v6, $0.0e+00;
	v10 =	vadd.f32 v5, v10;
	v5 =	vld [tilespmem:s15+$0xFFFFFF70]  }
0x171: {  	v12 =	vadd.f32 v12, v13;
	[tilespmem:s15+$0xFFFFFED0] =	vst v6;
	v6 =	vld [tilespmem:s11+$0xFFFFFE80]  }
0x172: {  	v13 =	vld [tilespmem:s21+$0xFFFFFEE0];
	v10 =	vmax.f32 v10, $0.0e+00  }
0x173: {  	v12 =	vmax.f32 v12, $0.0e+00;
	[tilespmem:s15+$0xFFFFFF50] =	vst v10;
	v10 =	vld [tilespmem:s11+$0xFFFFFF00]  }
0x174: {  	[tilespmem:s15+$0xFFFFFE50] =	vst v12;
	v12 =	vld [tilespmem:s21+$0xFFFFFF60];
	v9 =	vadd.f32 v11, v9  }
0x175: {  	v11 =	vld [tilespmem:s21+$0xFFFFFE60]  }
0x176: {  	v9 =	vmax.f32 v9, $0.0e+00;
	v2 =	vadd.f32 v6, v2;
	v6 =	vld [tilespmem:s11+$0xFFFFFF80];
	s11 =	smov.u32 s21  }
0x177: {  	v13 =	vadd.f32 v13, v14;
	[tilespmem:s15+$0xFFFFFFE0] =	vst v9;
	v9 =	vld [tilespmem:s15+$0xFFFFFFF0]  }
0x178: {  	v14 =	vld [tilespmem:s21+$0xFFFFFFF0];
	v15 =	vmax.f32 v2, $0.0e+00;
	v10 =	vadd.f32 v10, v1  }
0x179: {  	v2 =	vld [tilespmem:s15+$0xFFFFFE80];
	v1 =	vmax.f32 v13, $0.0e+00;
	v12 =	vadd.f32 v12, v7;
	[tilespmem:s10+$0xFFFFFE80] =	vst v15  }
0x17a: {  	v8 =	vadd.f32 v11, v8;
	[tilespmem:s15+$0xFFFFFEE0] =	vst v1;
	v1 =	vld [tilespmem:s15+$0xFFFFFF00];
	v10 =	vmax.f32 v10, $0.0e+00  }
.Ltmp1:
0x17b: {  	v7 =	vld [tilespmem:s21+$0xFFFFFEF0];
	v11 =	vmax.f32 v12, $0.0e+00;
	[tilespmem:s10+$0xFFFFFF00] =	vst v10;
	v6 =	vadd.f32 v6, v0;
	(pc) =	sbr.rel @p0 .LBB2_5-.Ltmp1, $4  }
0x17c: {  	v8 =	vmax.f32 v8, $0.0e+00;
	[tilespmem:s15+$0xFFFFFF60] =	vst v11;
	v0 =	vld [tilespmem:s15+$0xFFFFFF80]  }
0x17d: {  	[tilespmem:s15+$0xFFFFFE60] =	vst v8;
	v8 =	vld [tilespmem:s21+$0xFFFFFF70];
	v10 =	vadd.f32 v14, v9;
	v6 =	vmax.f32 v6, $0.0e+00  }
0x17e: {  	v9 =	vld [tilespmem:s21+$0xFFFFFE70];
	[tilespmem:s10+$0xFFFFFF80] =	vst v6;
	s10 =	smov.u32 s15  }
0x17f: {  	s15 =	sadd.s32 $0x200, s15;
	v10 =	vmax.f32 v10, $0.0e+00;
	v6 =	vld [tilespmem:s10+$0x0]  }
0x180: {  	_ = 	snop  }
0x181: {  	v4 =	vadd.f32 v7, v4  }
0x182: {  	v5 =	vadd.f32 v8, v5  }
0x183: {  	[tilespmem:s10+$0xFFFFFFF0] =	vst v10;
	v4 =	vmax.f32 v4, $0.0e+00;
	v3 =	vadd.f32 v9, v3  }
0x184: {  	v58 =	vld [tilespmem:s11+$0x0];
	[tilespmem:s10+$0xFFFFFEF0] =	vst v4;
	v59 =	vmax.f32 v5, $0.0e+00  }
0x185: {  	v61 =	vld [tilespmem:s11+$0xFFFFFF00];
	v3 =	vmax.f32 v3, $0.0e+00;
	[tilespmem:s10+$0xFFFFFF70] =	vst v59  }
0x186: {  	[tilespmem:s10+$0xFFFFFE70] =	vst v3;
	v62 =	vld [tilespmem:s11+$0xFFFFFF80]  }
0x187: {  	v60 =	vld [tilespmem:s11+$0xFFFFFE80];
	_ =	sdelay $0x1  }
0x188: {  	v6 =	vadd.f32 v58, v6  }
0x189: {  	s9 =	sadd.s32 $0x1, s9;
	v1 =	vadd.f32 v61, v1  }
0x18a: {  	p0 =	sne.s32 s9, $0x40;
	v63 =	vmax.f32 v6, $0.0e+00;
	v0 =	vadd.f32 v62, v0  }
.Ltmp2:
0x18b: {  	[tilespmem:s10+$0x0] =	vst v63;
	v1 =	vmax.f32 v1, $0.0e+00;
	v2 =	vadd.f32 v60, v2;
	(pc) =	sbr.rel @p0 .LBB2_2-.Ltmp2, $4  }
0x18c: {  	[tilespmem:s10+$0xFFFFFF00] =	vst v1;
	v0 =	vmax.f32 v0, $0.0e+00  }
0x18d: {  	v2 =	vmax.f32 v2, $0.0e+00;
	[tilespmem:s10+$0xFFFFFF80] =	vst v0  }
0x18e: {  	[tilespmem:s10+$0xFFFFFE80] =	vst v2  }
0x18f: {  	[spmem:s3] =	stream.indirect.scatter.add.f32 [tilespmem:s24], [sflag:$0x8], $0x80, s1, s19, $0xb8;
	[tilespmem:$0x1E300] =	vst v63  }
0x190: {  	s9 =	simm.s32 $0x8  }
0x191: {  	_ =	swait.ge [sflag:s9], $0x2800  }
0x192: {  	[sflag:s9] =	ssyncset.done $0x0  }
0x193: {  	[sflag:s9] =	ssyncadd.s32 $0xFFFFD800  }
0x194: {  	[bflag:$0x0] =	sbarrier.arrive $0xFFFF  }
0x195: {  	s22 =	rddreg [dreg:$0x8]  }
0x196: {  	s14 =	rddreg [dreg:$0xa]  }
0x197: {  	[hbm:s22], [sflag:s23] =	dma.local [spmem:s14], $0x2800  }
0x198: {  	_ =	swait.ge [sflag:s17], $0x2800  }
0x199: {  	s11 =	smov.u32 s23;
	s8 =	sadd.s32 $0x1, s8;
	s23 =	rddreg [dreg:$0x9]  }
0x19a: {  	p0 =	sne.s32 s8, s23  }
.Ltmp3:
0x19b: {  	_ = 	snop;
	(pc) =	sbr.rel @p0 .LBB2_1-.Ltmp3, $3  }
0x19c: {  	_ =	sdelay $0x1  }
0x19d: {  	[sflag:s17] =	ssyncset.done $0x0  }
0x19e: {  	[sflag:s17] =	ssyncadd.s32 $0xFFFFD800  }
0x19f: {  	_ =	sfence.sel $0x180000  }
0x1a0: {  	[bflag:$0x0] =	sbarrier.arrive $0xFFFF  }
0x1a1: {  	_ =	strace $0x9000004A  }
0x1a2: {  	s0 =	stileid.u32;
	[bflag:$0x2] =	sbarrier.arrive $0xFFFF  }
0x1a3: {  	p0 =	sne.s32 s0, $0x0;
	s0 =	rddreg [dreg:$0x3]  }
0x1a4: {  	s0 =	sadd.s32 @!p0 $0x100000, s0  }
0x1a5: {  	[sflag:s0] =	ssyncadd.tile.s32 @!p0 $0x1;
	_ =	shalt  }
.Lfunc_end2:
_tile_overlayer_lowered:
.L_overlay_start_2:
0x1a6: {  	(tag) =	ssettag $0x2  }
0x1a7: {  	s0 =	rddreg [dreg:$0x0];
	s2 =	stileid.u32  }
0x1a8: {  	s1 =	rddreg [dreg:$0x1];
	p0 =	sne.s32 s2, $0x0  }
0x1a9: {  	s3 =	rddreg [dreg:$0x2];
	[bflag:$0x3] =	sbarrier.arrive $0xFFFF;
	s2 =	simm.s32 @!p0 $0x1C09  }
0x1aa: {  	[timem:s3], [sflag:s2] =	dma.local @!p0 [hbm:s0], s1  }
0x1ab: {  	s0 =	simm.s32 @!p0 $0x9  }
0x1ac: {  	_ =	swait.ge @!p0 [sflag:s0], s1  }
0x1ad: {  	s1 =	ssub.s32 @!p0 $0x0, s1;
	[sflag:s0] =	ssyncset.done @!p0 $0x0  }
0x1ae: {  	[sflag:s0] =	ssyncadd.s32 @!p0 s1  }
0x1af: {  	[bflag:$0x3] =	sbarrier.arrive $0xFFFF  }
0x1b0: {  	_ =	shalt  }

// kernel: kernel.15.cloned.1.call-start
scs
__scs_entry_jumppad:
0x0: {  	(pc) =	sbr.rel $0x88, $3  }
0x1: {  	(tag) =	ssettag $0x0;
	lr =	simm.s32 $0x1  }
0x2: {  	[smem:$0x3F92] =	sst lr;
	_ =	strace $0xD0000000  }
0x3: {  	_ = 	snop  }
0x4: {  	_ = 	snop  }
0x5: {  	_ = 	snop  }
0x6: {  	_ = 	snop  }
0x7: {  	_ = 	snop  }
__scs_overlays_trampoline_lowered:
0x8: {  	[smem:$0x3FA1] =	sst s0  }
0x9: {  	[smem:$0x3FA2] =	sst s1  }
0xa: {  	[smem:$0x3FA3] =	sst s2  }
0xb: {  	[smem:$0x3FA4] =	sst s3  }
0xc: {  	[smem:$0x3FA5] =	sst s4  }
0xd: {  	[smem:$0x3FA6] =	sst s5  }
0xe: {  	[smem:$0x3FA7] =	sst s6  }
0xf: {  	[smem:$0x3FA8] =	sst s7  }
0x10: {  	[smem:$0x3FA9] =	sst s8  }
0x11: {  	[smem:$0x3FAA] =	sst s9;
	s0 =	simm.s32 @!p0 $0x0  }
0x12: {  	s1 =	sld [smem:$0x3F90];
	s0 =	simm.s32 @p0 $0x1  }
0x13: {  	[smem:$0x3FAB] =	sst s0;
	s0 =	simm.s32 @!p1 $0x0  }
0x14: {  	s2 =	sld [smem:$0x3F8F];
	s0 =	simm.s32 @p1 $0x1  }
0x15: {  	[smem:$0x3FAC] =	sst s0;
	s0 =	simm.s32 @!p2 $0x0  }
0x16: {  	s3 =	sld [smem:$0x3FDB];
	s0 =	simm.s32 @p2 $0x1  }
0x17: {  	s4 =	simm.s32 $0x1BF5;
	[smem:$0x3FAE] =	sst s0  }
0x18: {  	s0 =	sld [smem:$0x3F91];
	_ =	swait.ge [sflag:s4], $0x0  }
0x19: {  	s7 =	sld [smem:$0x3F92]  }
0x1a: {  	s8 =	sadd.s32 $0xFFFFE003, lr  }
0x1b: {  	s9 =	sadd.s32 $0xFFFFFEF7, lr;
	s5 =	simm.s32 $0xFFFFFFFF;
	p2 =	slt.u32 s8, $0xFFFFF086  }
0x1c: {  	p1 =	slt.u32 s9, $0xF7A;
	s5 =	simm.s32 @!p2 $0x0  }
0x1d: {  	s5 =	simm.s32 @p1 $0x1;
	p0 =	seq.s32 s7, s2  }
0x1e: {  	s7 =	smul.u32 @!p0 $0xF7A, s2;
	p2 =	seq.s32 @!p0 s5, $0x0  }
0x1f: {  	s9 =	smul.u32 $0xF7A, s1;
	s8 =	simm.s32 @!p0 $0x1BF5;
	p2 =	por !p2, p0  }
0x20: {  	[sflag:s8] =	ssyncset.s32 @!p0 $0xFFFFF086;
	s6 =	sadd.s32 @!p0 s3, s7;
	s7 =	simm.s32 @!p0 $0x108  }
0x21: {  	s3 =	sadd.s32 s3, s9;
	s6 =	sadd.s32 @!p0 $0x88, s6;
	s7 =	simm.s32 @p2 $0x1082  }
0x22: {  	[simem:s7], [sflag:s8] =	dma.local @!p0 [hbm:s6], $0xF7A  }
0x23: {  	s9 =	sor.u32 $0xD0000000, s2;
	s6 =	simm.s32 $0x108;
	_ =	swait.ge @!p0 [sflag:s8], $0x0  }
0x24: {  	s3 =	sadd.s32 $0x88, s3;
	s6 =	simm.s32 @!p1 $0x1082;
	[sflag:s4] =	ssyncset.s32 $0xFFFFF086  }
0x25: {  	[simem:s6], [sflag:s4] =	dma.local [hbm:s3], $0xF7A  }
0x26: {  	[smem:$0x3F92] =	sst s1;
	(tag) =	ssettag s2;
	_ =	strace s9  }
0x27: {  	s1 =	sld [smem:$0x3FA2]  }
0x28: {  	s2 =	sld [smem:$0x3FA3]  }
0x29: {  	s4 =	sld [smem:$0x3FA5]  }
0x2a: {  	p0 =	seq.s32 s5, $0x0;
	s5 =	sld [smem:$0x3FA6]  }
0x2b: {  	s6 =	sld [smem:$0x3FA7]  }
0x2c: {  	s7 =	sld [smem:$0x3FA8]  }
0x2d: {  	s3 =	simm.s32 $0x108;
	s8 =	sld [smem:$0x3FA9]  }
0x2e: {  	s3 =	simm.s32 @!p0 $0x1082;
	s9 =	sld [smem:$0x3FAA]  }
0x2f: {  	lr =	sadd.s32 s0, s3;
	s0 =	sld [smem:$0x3FA1]  }
0x30: {  	s3 =	sld [smem:$0x3FA4]  }
0x31: {  	[smem:$0x3FAD] =	sst s10  }
0x32: {  	s10 =	sld [smem:$0x3FAB];
	_ =	sdelay $0x3  }
0x33: {  	p0 =	seq.s32 s10, $0x1;
	s10 =	sld [smem:$0x3FAD];
	_ =	sdelay $0x3  }
0x34: {  	[smem:$0x3FAD] =	sst s10  }
0x35: {  	s10 =	sld [smem:$0x3FAC];
	_ =	sdelay $0x3  }
0x36: {  	p1 =	seq.s32 s10, $0x1;
	s10 =	sld [smem:$0x3FAD];
	_ =	sdelay $0x3  }
0x37: {  	[smem:$0x3FAD] =	sst s10  }
0x38: {  	s10 =	sld [smem:$0x3FAE]  }
0x39: {  	_ = 	snop;
	(pc) =	sbr.ind lr, $3  }
0x3a: {  	_ = 	snop  }
0x3b: {  	_ = 	snop  }
0x3c: {  	p2 =	seq.s32 s10, $0x1;
	s10 =	sld [smem:$0x3FAD]  }
0x3d: {  	_ =	shalt  }
0x3e: {  	_ =	shalt  }
0x3f: {  	_ =	shalt  }
0x40: {  	_ =	shalt  }
0x41: {  	_ =	shalt  }
0x42: {  	_ =	shalt  }
0x43: {  	_ =	shalt  }
0x44: {  	_ =	shalt  }
0x45: {  	_ =	shalt  }
0x46: {  	_ =	shalt  }
0x47: {  	_ =	shalt  }
0x48: {  	_ =	shalt  }
0x49: {  	_ =	shalt  }
0x4a: {  	_ =	shalt  }
0x4b: {  	_ =	shalt  }
0x4c: {  	_ =	shalt  }
0x4d: {  	_ =	shalt  }
0x4e: {  	_ =	shalt  }
0x4f: {  	_ =	shalt  }
0x50: {  	_ =	shalt  }
0x51: {  	_ =	shalt  }
0x52: {  	_ =	shalt  }
0x53: {  	_ =	shalt  }
0x54: {  	_ =	shalt  }
0x55: {  	_ =	shalt  }
0x56: {  	_ =	shalt  }
0x57: {  	_ =	shalt  }
0x58: {  	_ =	shalt  }
0x59: {  	_ =	shalt  }
0x5a: {  	_ =	shalt  }
0x5b: {  	_ =	shalt  }
0x5c: {  	_ =	shalt  }
0x5d: {  	_ =	shalt  }
0x5e: {  	_ =	shalt  }
0x5f: {  	_ =	shalt  }
0x60: {  	_ =	shalt  }
0x61: {  	_ =	shalt  }
0x62: {  	_ =	shalt  }
0x63: {  	_ =	shalt  }
0x64: {  	_ =	shalt  }
0x65: {  	_ =	shalt  }
0x66: {  	_ =	shalt  }
0x67: {  	_ =	shalt  }
0x68: {  	_ =	shalt  }
0x69: {  	_ =	shalt  }
0x6a: {  	_ =	shalt  }
0x6b: {  	_ =	shalt  }
0x6c: {  	_ =	shalt  }
0x6d: {  	_ =	shalt  }
0x6e: {  	_ =	shalt  }
0x6f: {  	_ =	shalt  }
0x70: {  	_ =	shalt  }
0x71: {  	_ =	shalt  }
0x72: {  	_ =	shalt  }
0x73: {  	_ =	shalt  }
0x74: {  	_ =	shalt  }
0x75: {  	_ =	shalt  }
0x76: {  	_ =	shalt  }
0x77: {  	_ =	shalt  }
0x78: {  	_ =	shalt  }
0x79: {  	_ =	shalt  }
0x7a: {  	_ =	shalt  }
0x7b: {  	_ =	shalt  }
0x7c: {  	_ =	shalt  }
0x7d: {  	_ =	shalt  }
0x7e: {  	_ =	shalt  }
0x7f: {  	_ =	shalt  }
0x80: {  	_ =	shalt  }
0x81: {  	_ =	shalt  }
0x82: {  	_ =	shalt  }
0x83: {  	_ =	shalt  }
0x84: {  	_ =	shalt  }
0x85: {  	_ =	shalt  }
0x86: {  	_ =	shalt  }
0x87: {  	_ =	shalt  }
.Lfunc_end0:
.L_simem_size_0:
called_computation.2_lowered:
.L_overlay_start_0:
0x88: {  	s2 =	sld [smem:$0x3FD9]  }
0x89: {  	s3 =	sld [smem:$0x3FFE];
	_ =	sdelay $0x1  }
0x8a: {  	s1 =	srdreg.scid  }
0x8b: {  	s0 =	sand.u32 $0x1, s1  }
0x8c: {  	s17 =	sshll.u32 s0, $0xA;
	s2 =	sadd.s32 s3, s2  }
0x8d: {  	s2 =	sadd.s32 s2, s17  }
0x8e: {  	[smem:$0x3FB9] =	sst s2  }
0x8f: {  	_ = 	snop  }
0x90: {  	s2 =	sld [smem:$0x3FD0];
	(tm) =	ssettm $0x1  }
0x91: {  	s18 =	sld [smem:$0x3FFB];
	_ =	sdelay $0x3  }
0x92: {  	_ =	strace s18  }
0x93: {  	s3 =	sld [smem:$0x3FFC];
	_ =	sdelay $0x3  }
0x94: {  	_ =	strace s3  }
0x95: {  	s3 =	sld [smem:$0x3FFD];
	_ =	sdelay $0x3  }
0x96: {  	_ =	strace s3  }
0x97: {  	_ =	strace $0x8FFFFFFF  }
0x98: {  	s19 =	sld [smem:$0x3FDB];
	_ =	sdelay $0x1  }
0x99: {  	s4 =	simm.s32 $_scs_section_size  }
0x9a: {  	s5 =	simm.s32 $_size__tile_overlayer_lowered;
	s6 =	simm.s32 $_tile_overlayer_lowered  }
0x9b: {  	s22 =	simm.s32 $0x1BFF;
	s21 =	sshll.u32 s6, $0x1;
	s3 =	sadd.s32 s4, s19  }
0x9c: {  	s7 =	simm.s32 $0x0;
	s20 =	sshll.u32 s5, $0x1;
	s5 =	sadd.s32 s21, s3  }
0x9d: {  	[timem:s7], [sflag:s22] =	dma.local [hbm:s5], s20  }
0x9e: {  	_ =	swait.ge [sflag:s22], s20  }
0x9f: {  	s4 =	ssub.s32 $0x0, s20;
	[sflag:s22] =	ssyncset.done $0x0  }
0xa0: {  	[sflag:s22] =	ssyncadd.s32 s4;
	_ =	sdelay $0x1  }
0xa1: {  	s23 =	simm.s32 $0x1B8B  }
0xa2: {  	_ =	swait.ge [sflag:s23], $0x1  }
0xa3: {  	[sflag:s23] =	ssyncset.done $0x0  }
0xa4: {  	s25 =	simm.s32 $0x1B8E;
	s24 =	sld [smem:$0x3FFE];
	[sflag:s23] =	ssyncadd.s32 $0xFFFFFFFF  }
0xa5: {  	s26 =	simm.s32 $execute0_lowered;
	[smem:$0x3FD2] =	sst s25  }
0xa6: {  	s5 =	sshll.u32 s26, $0x1;
	_ =	strace $0x8000004C;
	[dreg:$0x1] =	wrdreg $0xFFFFFFFF  }
0xa7: {  	s28 =	simm.s32 $_size_execute0_lowered;
	s3 =	sadd.s32 s3, s5;
	[dreg:$0x0] =	wrdreg $0x0  }
0xa8: {  	s5 =	sshll.u32 s28, $0x1;
	[dreg:$0x2] =	wrdreg s3  }
0xa9: {  	[dreg:$0x3] =	wrdreg s5  }
0xaa: {  	[dreg:$0x4] =	wrdreg $0xC0  }
0xab: {  	_ =	task [dreg:s7], $0x5FFFF  }
0xac: {  	[dreg:$0x1] =	wrdreg $0xFFFFFFFF  }
0xad: {  	[dreg:$0x0] =	wrdreg $0x60  }
0xae: {  	[dreg:$0x2] =	wrdreg s2  }
0xaf: {  	[dreg:$0x3] =	wrdreg s24  }
0xb0: {  	[dreg:$0x4] =	wrdreg $0x0  }
0xb1: {  	[dreg:$0x5] =	wrdreg $0x9  }
0xb2: {  	_ =	task.clear_ibuf [dreg:s7], $0x6FFFF;
	_ =	strace $0x9000004C  }
0xb3: {  	s29 =	simm.s32 $0x9;
	_ =	strace $0x8000004E  }
0xb4: {  	_ =	swait.ge [sflag:s29], $0x1  }
0xb5: {  	[sflag:s29] =	ssyncadd.s32 $0xFFFFFFFF  }
0xb6: {  	_ =	strace $0x9000004E  }
0xb7: {  	_ =	sfence  }
0xb8: {  	s30 =	sld [smem:$0x0];
	_ =	sdelay $0x2  }
0xb9: {  	s31 =	sshll.u32 s1, $0xD;
	s1 =	sshrl.u32 s1, $0x2  }
0xba: {  	s3 =	sand.u32 $0x4000, s31;
	s1 =	sadd.s32 s1, s30  }
0xbb: {  	s0 =	sor.u32 s3, s0;
	s1 =	sshll.u32 s1, $0x11  }
0xbc: {  	s0 =	sor.u32 s1, s0  }
0xbd: {  	s0 =	sadd.s32 $0x8F2B, s0  }
0xbe: {  	[sflag:s0] =	ssyncadd.remote.s32 $0x1  }
0xbf: {  	_ =	sfence.sel $0xFFFF  }
0xc0: {  	[dreg:$0x0] =	wrdreg $0xFFFFFFFF;
	(pc) =	sbr.abs _section_cstart, $3  }
0xc1: {  	[dreg:$0x1] =	wrdreg $0xFFFFFFFF  }
0xc2: {  	_ =	task.clear_ibuf [dreg:s7], $0x2FFFF;
	_ =	strace $0x9FFFFFFF  }
0xc3: {  	(tm) =	ssettm $0x7FFFFFFF  }
tec
execute0_lowered:
.L_overlay_start_1:
0x0: {  	(tag) =	ssettag $0x1  }
0x1: {  	s2 =	rddreg [dreg:$0x0]  }
0x2: {  	s0 =	rddreg [dreg:$0x1]  }
0x3: {  	s3 =	rddreg [dreg:$0x2]  }
0x4: {  	s1 =	srdreg.scid;
	s14 =	stileid.u32;
	s4 =	simm.s32 $0x0  }
0x5: {  	s16 =	simm.s32 $0x14000;
	s17 =	simm.s32 $0x9;
	s18 =	simm.s32 $0x14100  }
0x6: {  	s19 =	simm.s32 $0x50;
	s28 =	simm.s32 $0x5;
	s29 =	simm.s32 $0x14200  }
0x7: {  	s30 =	simm.s32 $0x7;
	s31 =	simm.s32 $0x4;
	s1 =	sand.u32 $0x1, s1  }
0x8: {  	s5 =	sshll.u32 s14, $0x1;
	s6 =	smul.u32 $0x14000, s14;
	[smem:$0x7FF] =	sst s4  }
0x9: {  	s12 =	smul.u32 $0x50000, s14;
	s26 =	sshll.u32 s14, $0x6;
	s8 =	sor.u32 s1, s5  }
0xa: {  	s7 =	smul.u32 $0x140000, s1;
	_ =	strace $0x8000004D;
	s1 =	ssub.s32 $0x2, s1  }
0xb: {  	s5 =	sshll.u32 s8, $0xC;
	s10 =	sshrl.u32 s6, $0x3;
	s20 =	sshrl.u32 s1, $0x1  }
0xc: {  	s21 =	sshrl.u32 s12, $0x2;
	s12 =	sadd.s32 $0x4E5040, s0;
	s9 =	sadd.s32 s5, s0  }
0xd: {  	s5 =	sadd.s32 $0x1405000, s0;
	s10 =	sadd.s32 s10, s0;
	s6 =	sadd.s32 s6, s7  }
0xe: {  	s1 =	ssub.s32 s1, s20;
	s22 =	sadd.s32 s21, s3;
	s20 =	simm.s32 $0x14300  }
0xf: {  	s7 =	sshrl.u32 s6, $0x3;
	s6 =	smul.u32 $0x2800, s8;
	s13 =	sadd.s32 $0x4E5000, s9  }
0x10: {  	s9 =	sadd.s32 $0x4E5020, s9;
	s23 =	sadd.s32 $0x3000, s10;
	[dreg:$0x4] =	wrdreg s13  }
0x11: {  	s25 =	smax.u32 s1, $0x1;
	s14 =	sshrl.u32 s22, $0x3;
	[dreg:$0x5] =	wrdreg s9  }
0x12: {  	s1 =	simm.s32 $0x14280;
	s11 =	sadd.s32 s7, s0;
	[dreg:$0x7] =	wrdreg s23  }
0x13: {  	s7 =	sshll.u32 s8, $0x7;
	s8 =	smul.u32 $0x28000, s8;
	[dreg:$0x9] =	wrdreg s25  }
0x14: {  	s25 =	simm.s32 $0x1BB00;
	s0 =	simm.s32 $0x6;
	[dreg:$0xa] =	wrdreg s14  }
0x15: {  	s13 =	sor.u32 $0xA0, s6;
	s24 =	sadd.s32 $0x2B000, s11;
	s11 =	sor.u32 $0x1C09, s26  }
0x16: {  	s26 =	simm.s32 $0x3;
	s8 =	sadd.s32 s5, s8;
	[dreg:$0x8] =	wrdreg s24  }
0x17: {  	s24 =	simm.s32 $0x16B00;
	[dreg:$0x6] =	wrdreg s8;
	s8 =	simm.s32 $0x0  }
.LBB2_1:
0x18: {  	s9 =	rddreg [dreg:$0x4]  }
0x19: {  	[tilespmem:s16], [sflag:$0x9] =	stream.linear.gather [hbm4b:s9+s4], $0x100, $0x38;
	[tilespmem:$0x1E300] =	vst v63  }
0x1a: {  	_ =	swait.ge [sflag:s17], $0x100  }
0x1b: {  	[sflag:s17] =	ssyncset.done $0x0  }
0x1c: {  	s15 =	rddreg [dreg:$0x5];
	[sflag:s17] =	ssyncadd.s32 $0xFFFFFF00  }
0x1d: {  	[tilespmem:s18], [sflag:$0x9] =	stream.linear.gather [hbm4b:s15+s4], $0x100, $0x38;
	[tilespmem:$0x1E300] =	vst v63  }
0x1e: {  	_ =	swait.ge [sflag:s17], $0x100  }
0x1f: {  	[sflag:s17] =	ssyncset.done $0x0  }
0x20: {  	[sflag:s17] =	ssyncadd.s32 $0xFFFFFF00  }
0x21: {  	v0 =	vld [tilespmem:$0x14080]  }
0x22: {  	v1 =	vld [tilespmem:$0x14090]  }
0x23: {  	v2 =	vld [tilespmem:$0x140A0]  }
0x24: {  	v3 =	vld [tilespmem:$0x140B0]  }
0x25: {  	v4 =	vld [tilespmem:$0x140C0]  }
0x26: {  	v59 =	vld [tilespmem:$0x14180];
	[tilespmem:$0x14200] =	vst v0  }
0x27: {  	v60 =	vld [tilespmem:$0x14190];
	[tilespmem:$0x14210] =	vst v1  }
0x28: {  	v61 =	vld [tilespmem:$0x141A0];
	[tilespmem:$0x14220] =	vst v2  }
0x29: {  	v62 =	vld [tilespmem:$0x141B0];
	[tilespmem:$0x14230] =	vst v3  }
0x2a: {  	v63 =	vld [tilespmem:$0x141C0];
	[tilespmem:$0x14240] =	vst v4  }
0x2b: {  	[tilespmem:$0x14280] =	vst v59  }
0x2c: {  	[tilespmem:$0x14290] =	vst v60  }
0x2d: {  	[tilespmem:$0x142A0] =	vst v61  }
0x2e: {  	[tilespmem:$0x142B0] =	vst v62  }
0x2f: {  	s21 =	rddreg [dreg:$0x6];
	[tilespmem:$0x142C0] =	vst v63  }
0x30: {  	[tilespmem:s20], [sflag:$0x3] =	stream.indirect.gather [hbm4b:s2+s19], $0x80, s16, s19, $0xb8;
	[tilespmem:$0x1E300] =	vst v63  }
0x31: {  	s10 =	simm.s32 $0x19300;
	s22 =	rddreg [dreg:$0x7]  }
0x32: {  	[tilespmem:s10], [sflag:$0x5] =	stream.linear.gather [hbm4b:s21+s4], $0x2800, $0x38;
	[tilespmem:$0x1E300] =	vst v63  }
0x33: {  	[spmem:s14], [sflag:s11] =	dma.local [hbm:s22], $0x2800  }
0x34: {  	_ =	swait.ge [sflag:s17], $0x2800  }
0x35: {  	[sflag:s17] =	ssyncset.done $0x0  }
0x36: {  	[sflag:s17] =	ssyncadd.s32 $0xFFFFD800  }
0x37: {  	s23 =	smov.u32 s11;
	s9 =	simm.s32 $0x0;
	[bflag:$0x0] =	sbarrier.arrive $0xFFFF  }
.LBB2_2:
0x38: {  	p0 =	seq.s32 s9, $0x0  }
0x39: {  	s10 =	simm.s32 @!p0 $0x8  }
0x3a: {  	_ =	swait.ge @!p0 [sflag:s10], $0x2800  }
0x3b: {  	[sflag:s10] =	ssyncset.done @!p0 $0x0  }
0x3c: {  	s11 =	sshll.u32 s9, $0x1;
	s14 =	simm.s32 @!p0 $0x2;
	[sflag:s10] =	ssyncadd.s32 @!p0 $0xFFFFD800  }
0x3d: {  	s10 =	sor.u32 @!p0 $0x1, s11;
	_ =	swait.ge @!p0 [sflag:s14], $0x100  }
0x3e: {  	s10 =	simm.s32 @p0 $0x1;
	[sflag:s14] =	ssyncset.done @!p0 $0x0  }
0x3f: {  	s22 =	smul.u32 $0x50, s10;
	[sflag:s14] =	ssyncadd.s32 @!p0 $0xFFFFFF00  }
0x40: {  	[tilespmem:s24], [sflag:$0x4] =	stream.indirect.gather [hbm4b:s2+s19], $0x80, s18, s19, $0xb8;
	[tilespmem:$0x1E300] =	vst v63  }
0x41: {  	s14 =	sadd.s32 s6, s22  }
0x42: {  	s14 =	sshll.u32 s14, $0x4  }
0x43: {  	s14 =	sadd.s32 s5, s14  }
0x44: {  	[tilespmem:s25], [sflag:$0x6] =	stream.linear.gather [hbm4b:s14+s4], $0x2800, $0x38;
	[tilespmem:$0x1E300] =	vst v63  }
0x45: {  	v0 =	vld @!p0 [tilespmem:$0x14180]  }
0x46: {  	v1 =	vld @!p0 [tilespmem:$0x14190]  }
0x47: {  	v2 =	vld @!p0 [tilespmem:$0x141A0]  }
0x48: {  	v3 =	vld @!p0 [tilespmem:$0x141B0]  }
0x49: {  	v4 =	vld @!p0 [tilespmem:$0x141C0]  }
0x4a: {  	p1 =	seq.s32 @!p0 s9, $0x3F;
	[tilespmem:$0x14280] =	vst @!p0 v0  }
0x4b: {  	p1 =	por p0, !p1;
	[tilespmem:$0x14290] =	vst @!p0 v1  }
0x4c: {  	s11 =	sadd.s32 @p1 s7, s11;
	[tilespmem:$0x142A0] =	vst @!p0 v2  }
0x4d: {  	s11 =	sshll.u32 @p1 s11, $0x5;
	[tilespmem:$0x142B0] =	vst @!p0 v3  }
0x4e: {  	s11 =	sadd.s32 @p1 s11, s12;
	[tilespmem:$0x142C0] =	vst @!p0 v4  }
0x4f: {  	[tilespmem:s16], [sflag:$0x1] =	stream.linear.gather @p1 [hbm4b:s11+s4], $0x100, $0x38;
	[tilespmem:$0x1E300] =	vst v63  }
0x50: {  	_ =	swait.ge [sflag:s26], $0x2800  }
0x51: {  	[sflag:s26] =	ssyncset.done $0x0  }
0x52: {  	[sflag:s26] =	ssyncadd.s32 $0xFFFFD800  }
0x53: {  	_ =	swait.ge [sflag:s28], $0x2800  }
0x54: {  	[sflag:s28] =	ssyncset.done $0x0  }
0x55: {  	s11 =	simm.s32 $0x14400;
	[sflag:s28] =	ssyncadd.s32 $0xFFFFD800  }
0x56: {  	s14 =	simm.s32 $0x19400;
	v0 =	vld [tilespmem:s11+$0x80]  }
0x57: {  	v1 =	vld [tilespmem:s14+$0x80]  }
0x58: {  	v2 =	vld [tilespmem:s14+$0xFFFFFF00]  }
0x59: {  	v3 =	vld [tilespmem:s11+$0xFFFFFF80]  }
0x5a: {  	v4 =	vld [tilespmem:s14+$0xFFFFFF80]  }
0x5b: {  	v5 =	vld [tilespmem:s14+$0x0]  }
0x5c: {  	v0 =	vadd.f32 v1, v0;
	v1 =	vld [tilespmem:s11+$0x0]  }
0x5d: {  	v6 =	vld [tilespmem:s11+$0xFFFFFF00]  }
0x5e: {  	v0 =	vmax.f32 v0, $0.0e+00  }
0x5f: {  	v3 =	vadd.f32 v4, v3;
	[tilespmem:s11+$0x80] =	vst v0;
	v0 =	vld [tilespmem:s11+$0x90]  }
0x60: {  	v7 =	vld [tilespmem:s14+$0x90]  }
0x61: {  	v8 =	vld [tilespmem:s11+$0xFFFFFF90];
	v3 =	vmax.f32 v3, $0.0e+00;
	v1 =	vadd.f32 v5, v1  }
0x62: {  	v4 =	vld [tilespmem:s11+$0xFFFFFF10];
	v2 =	vadd.f32 v2, v6;
	[tilespmem:s11+$0xFFFFFF80] =	vst v3  }
0x63: {  	v5 =	vld [tilespmem:s14+$0xFFFFFF90];
	v1 =	vmax.f32 v1, $0.0e+00  }
0x64: {  	v2 =	vmax.f32 v2, $0.0e+00;
	v3 =	vld [tilespmem:s11+$0x10];
	[tilespmem:s11+$0x0] =	vst v1  }
0x65: {  	[tilespmem:s11+$0xFFFFFF00] =	vst v2;
	v0 =	vadd.f32 v7, v0;
	v1 =	vld [tilespmem:s14+$0x10]  }
0x66: {  	v2 =	vld [tilespmem:s14+$0xFFFFFF10]  }
0x67: {  	v0 =	vmax.f32 v0, $0.0e+00  }
0x68: {  	v5 =	vadd.f32 v5, v8;
	[tilespmem:s11+$0x90] =	vst v0;
	v0 =	vld [tilespmem:s11+$0xA0]  }
0x69: {  	v7 =	vld [tilespmem:s14+$0xA0]  }
0x6a: {  	v6 =	vld [tilespmem:s11+$0xFFFFFF20];
	v5 =	vmax.f32 v5, $0.0e+00;
	v1 =	vadd.f32 v1, v3  }
0x6b: {  	v2 =	vadd.f32 v2, v4;
	v8 =	vld [tilespmem:s11+$0xFFFFFFA0];
	[tilespmem:s11+$0xFFFFFF90] =	vst v5  }
0x6c: {  	v4 =	vld [tilespmem:s14+$0xFFFFFFA0];
	v1 =	vmax.f32 v1, $0.0e+00  }
0x6d: {  	v2 =	vmax.f32 v2, $0.0e+00;
	v3 =	vld [tilespmem:s11+$0x20];
	[tilespmem:s11+$0x10] =	vst v1  }
0x6e: {  	[tilespmem:s11+$0xFFFFFF10] =	vst v2;
	v0 =	vadd.f32 v7, v0;
	v1 =	vld [tilespmem:s14+$0x20]  }
0x6f: {  	v2 =	vld [tilespmem:s14+$0xFFFFFF20]  }
0x70: {  	v0 =	vmax.f32 v0, $0.0e+00  }
0x71: {  	v4 =	vadd.f32 v4, v8;
	[tilespmem:s11+$0xA0] =	vst v0;
	v0 =	vld [tilespmem:s11+$0xB0]  }
0x72: {  	v7 =	vld [tilespmem:s14+$0xB0]  }
0x73: {  	v9 =	vld [tilespmem:s11+$0x30];
	v4 =	vmax.f32 v4, $0.0e+00;
	v1 =	vadd.f32 v1, v3  }
0x74: {  	v2 =	vadd.f32 v2, v6;
	v8 =	vld [tilespmem:s11+$0xFFFFFFB0];
	[tilespmem:s11+$0xFFFFFFA0] =	vst v4  }
0x75: {  	v3 =	vld [tilespmem:s14+$0xFFFFFFB0];
	v1 =	vmax.f32 v1, $0.0e+00  }
0x76: {  	v5 =	vld [tilespmem:s11+$0xFFFFFF30];
	[tilespmem:s11+$0x20] =	vst v1;
	v1 =	vmax.f32 v2, $0.0e+00  }
0x77: {  	v0 =	vadd.f32 v7, v0;
	[tilespmem:s11+$0xFFFFFF20] =	vst v1;
	v1 =	vld [tilespmem:s14+$0x30]  }
0x78: {  	v6 =	vld [tilespmem:s14+$0xFFFFFF30]  }
0x79: {  	v10 =	vld [tilespmem:s11+$0xFFFFFF40];
	v0 =	vmax.f32 v0, $0.0e+00  }
0x7a: {  	v3 =	vadd.f32 v3, v8;
	[tilespmem:s11+$0xB0] =	vst v0;
	v0 =	vld [tilespmem:s11+$0xC0]  }
0x7b: {  	v7 =	vld [tilespmem:s14+$0xC0]  }
0x7c: {  	v11 =	vld [tilespmem:s11+$0xFFFFFFD0];
	v3 =	vmax.f32 v3, $0.0e+00;
	v1 =	vadd.f32 v1, v9  }
0x7d: {  	v4 =	vld [tilespmem:s11+$0xFFFFFFC0];
	[tilespmem:s11+$0xFFFFFFB0] =	vst v3;
	v5 =	vadd.f32 v6, v5  }
0x7e: {  	v6 =	vld [tilespmem:s14+$0xFFFFFFC0];
	v1 =	vmax.f32 v1, $0.0e+00  }
0x7f: {  	v2 =	vld [tilespmem:s11+$0x40];
	[tilespmem:s11+$0x30] =	vst v1;
	v1 =	vmax.f32 v5, $0.0e+00  }
0x80: {  	v0 =	vadd.f32 v7, v0;
	v5 =	vld [tilespmem:s14+$0x40];
	[tilespmem:s11+$0xFFFFFF30] =	vst v1  }
0x81: {  	v1 =	vld [tilespmem:s14+$0xFFFFFF40]  }
0x82: {  	v8 =	vld [tilespmem:s11+$0xFFFFFF50];
	v0 =	vmax.f32 v0, $0.0e+00  }
0x83: {  	[tilespmem:s11+$0xC0] =	vst v0;
	v0 =	vadd.f32 v6, v4;
	v6 =	vld [tilespmem:s11+$0xD0]  }
0x84: {  	v7 =	vld [tilespmem:s14+$0xD0]  }
0x85: {  	v3 =	vld [tilespmem:s11+$0xFFFFFF60];
	v0 =	vmax.f32 v0, $0.0e+00;
	v2 =	vadd.f32 v5, v2  }
0x86: {  	v9 =	vld [tilespmem:s11+$0x50];
	[tilespmem:s11+$0xFFFFFFC0] =	vst v0;
	v0 =	vadd.f32 v1, v10  }
0x87: {  	v1 =	vld [tilespmem:s14+$0xFFFFFFD0];
	v2 =	vmax.f32 v2, $0.0e+00  }
0x88: {  	v4 =	vld [tilespmem:s11+$0xFFFFFFE0];
	[tilespmem:s11+$0x40] =	vst v2;
	v0 =	vmax.f32 v0, $0.0e+00  }
0x89: {  	v2 =	vld [tilespmem:s14+$0x50];
	v6 =	vadd.f32 v7, v6;
	[tilespmem:s11+$0xFFFFFF40] =	vst v0  }
0x8a: {  	v0 =	vld [tilespmem:s14+$0xFFFFFF50]  }
0x8b: {  	v5 =	vld [tilespmem:s11+$0x60];
	v6 =	vmax.f32 v6, $0.0e+00  }
0x8c: {  	v1 =	vadd.f32 v1, v11;
	[tilespmem:s11+$0xD0] =	vst v6;
	v6 =	vld [tilespmem:s11+$0xE0]  }
0x8d: {  	v10 =	vld [tilespmem:s14+$0xE0]  }
0x8e: {  	v1 =	vmax.f32 v1, $0.0e+00;
	v7 =	vadd.f32 v2, v9;
	v2 =	vld [tilespmem:s11+$0xFFFFFF70]  }
0x8f: {  	[tilespmem:s11+$0xFFFFFFD0] =	vst v1;
	v0 =	vadd.f32 v0, v8;
	v1 =	vld [tilespmem:s11+$0xFFFFFFF0]  }
0x90: {  	v8 =	vmax.f32 v7, $0.0e+00;
	v7 =	vld [tilespmem:s14+$0xFFFFFFE0]  }
0x91: {  	[tilespmem:s11+$0x50] =	vst v8;
	v8 =	vmax.f32 v0, $0.0e+00;
	v0 =	vld [tilespmem:s11+$0x70]  }
0x92: {  	[tilespmem:s11+$0xFFFFFF50] =	vst v8;
	v8 =	vld [tilespmem:s14+$0x60];
	v6 =	vadd.f32 v10, v6  }
0x93: {  	s15 =	simm.s32 $0x0;
	p0 =	por @!p0 $0x1, $0x1;
	v9 =	vld [tilespmem:s14+$0xFFFFFF60]  }
0x94: {  	s21 =	simm.s32 $0x14600;
	s22 =	simm.s32 $0x19400;
	p0 =	por @p1 $0x0, $0x0;
	v10 =	vmax.f32 v6, $0.0e+00;
	v6 =	vld [tilespmem:s11+$0xF0]  }
.LBB2_3:
0x95: {  	v11 =	vld [tilespmem:s21+$0x80];
	v4 =	vadd.f32 v7, v4;
	[tilespmem:s11+$0xE0] =	vst v10  }
0x96: {  	s22 =	sadd.s32 $0x200, s22;
	v7 =	vld [tilespmem:s14+$0xF0]  }
0x97: {  	s15 =	sadd.s32 $0x4, s15;
	v10 =	vld [tilespmem:s22+$0x80];
	v4 =	vmax.f32 v4, $0.0e+00;
	v5 =	vadd.f32 v8, v5  }
0x98: {  	p1 =	slt.u32 s15, $0x4C;
	v8 =	vld [tilespmem:s22+$0xFFFFFF00];
	v3 =	vadd.f32 v9, v3;
	[tilespmem:s11+$0xFFFFFFE0] =	vst v4  }
0x99: {  	v4 =	vld [tilespmem:s21+$0xFFFFFF80];
	v5 =	vmax.f32 v5, $0.0e+00  }
0x9a: {  	v9 =	vld [tilespmem:s22+$0xFFFFFF80];
	v3 =	vmax.f32 v3, $0.0e+00;
	[tilespmem:s11+$0x60] =	vst v5  }
0x9b: {  	v5 =	vld [tilespmem:s21+$0x0];
	[tilespmem:s11+$0xFFFFFF60] =	vst v3;
	v3 =	vadd.f32 v7, v6  }
0x9c: {  	v6 =	vld [tilespmem:s22+$0x0];
	v7 =	vadd.f32 v10, v11  }
0x9d: {  	v10 =	vld [tilespmem:s21+$0xFFFFFF00];
	v3 =	vmax.f32 v3, $0.0e+00  }
0x9e: {  	v11 =	vld [tilespmem:s21+$0xFFFFFF10];
	v7 =	vmax.f32 v7, $0.0e+00;
	[tilespmem:s11+$0xF0] =	vst v3  }
0x9f: {  	v3 =	vadd.f32 v9, v4;
	[tilespmem:s21+$0x80] =	vst v7;
	v4 =	vld [tilespmem:s21+$0x90]  }
0xa0: {  	v7 =	vld [tilespmem:s22+$0x90]  }
0xa1: {  	v3 =	vmax.f32 v3, $0.0e+00;
	v9 =	vld [tilespmem:s21+$0xFFFFFF90];
	v5 =	vadd.f32 v6, v5  }
0xa2: {  	v6 =	vadd.f32 v8, v10;
	[tilespmem:s21+$0xFFFFFF80] =	vst v3;
	v3 =	vld [tilespmem:s21+$0x10]  }
0xa3: {  	v8 =	vld [tilespmem:s22+$0xFFFFFF90];
	v5 =	vmax.f32 v5, $0.0e+00  }
0xa4: {  	v6 =	vmax.f32 v6, $0.0e+00;
	v10 =	vld [tilespmem:s21+$0xFFFFFF20];
	[tilespmem:s21+$0x0] =	vst v5  }
0xa5: {  	[tilespmem:s21+$0xFFFFFF00] =	vst v6;
	v5 =	vld [tilespmem:s22+$0x10];
	v4 =	vadd.f32 v7, v4  }
0xa6: {  	v6 =	vld [tilespmem:s22+$0xFFFFFF10]  }
0xa7: {  	v7 =	vld [tilespmem:s21+$0xFFFFFFA0];
	v4 =	vmax.f32 v4, $0.0e+00  }
0xa8: {  	v8 =	vadd.f32 v8, v9;
	[tilespmem:s21+$0x90] =	vst v4;
	v4 =	vld [tilespmem:s21+$0xA0]  }
0xa9: {  	v9 =	vld [tilespmem:s22+$0xA0]  }
0xaa: {  	v8 =	vmax.f32 v8, $0.0e+00;
	v3 =	vadd.f32 v5, v3;
	v5 =	vld [tilespmem:s21+$0x20]  }
0xab: {  	v6 =	vadd.f32 v6, v11;
	v11 =	vld [tilespmem:s21+$0xFFFFFF30];
	[tilespmem:s21+$0xFFFFFF90] =	vst v8  }
0xac: {  	v8 =	vld [tilespmem:s22+$0xFFFFFFA0];
	v3 =	vmax.f32 v3, $0.0e+00  }
0xad: {  	v6 =	vmax.f32 v6, $0.0e+00;
	v12 =	vld [tilespmem:s21+$0xFFFFFFB0];
	[tilespmem:s21+$0x10] =	vst v3  }
0xae: {  	[tilespmem:s21+$0xFFFFFF10] =	vst v6;
	v3 =	vld [tilespmem:s22+$0x20];
	v4 =	vadd.f32 v9, v4  }
0xaf: {  	v6 =	vld [tilespmem:s22+$0xFFFFFF20]  }
0xb0: {  	v9 =	vld [tilespmem:s21+$0x30];
	v4 =	vmax.f32 v4, $0.0e+00  }
0xb1: {  	v7 =	vadd.f32 v8, v7;
	[tilespmem:s21+$0xA0] =	vst v4;
	v4 =	vld [tilespmem:s21+$0xB0]  }
0xb2: {  	v8 =	vld [tilespmem:s22+$0xB0]  }
0xb3: {  	v13 =	vld [tilespmem:s21+$0xFFFFFF40];
	v7 =	vmax.f32 v7, $0.0e+00;
	v3 =	vadd.f32 v3, v5  }
0xb4: {  	v5 =	vadd.f32 v6, v10;
	[tilespmem:s21+$0xFFFFFFA0] =	vst v7;
	v6 =	vld [tilespmem:s21+$0xFFFFFFC0]  }
0xb5: {  	v7 =	vld [tilespmem:s22+$0xFFFFFFB0];
	v3 =	vmax.f32 v3, $0.0e+00  }
0xb6: {  	v5 =	vmax.f32 v5, $0.0e+00;
	[tilespmem:s21+$0x20] =	vst v3;
	v10 =	vld [tilespmem:s21+$0x40]  }
0xb7: {  	[tilespmem:s21+$0xFFFFFF20] =	vst v5;
	v3 =	vld [tilespmem:s22+$0x30];
	v4 =	vadd.f32 v8, v4  }
0xb8: {  	v5 =	vld [tilespmem:s22+$0xFFFFFF30]  }
0xb9: {  	v8 =	vld [tilespmem:s21+$0xFFFFFF50];
	v4 =	vmax.f32 v4, $0.0e+00  }
0xba: {  	v7 =	vadd.f32 v7, v12;
	[tilespmem:s21+$0xB0] =	vst v4;
	v4 =	vld [tilespmem:s21+$0xC0]  }
0xbb: {  	v12 =	vld [tilespmem:s22+$0xC0]  }
0xbc: {  	v7 =	vmax.f32 v7, $0.0e+00;
	v14 =	vld [tilespmem:s21+$0xFFFFFFD0];
	v3 =	vadd.f32 v3, v9  }
0xbd: {  	v5 =	vadd.f32 v5, v11;
	[tilespmem:s21+$0xFFFFFFB0] =	vst v7;
	v7 =	vld [tilespmem:s21+$0x50]  }
0xbe: {  	v9 =	vld [tilespmem:s22+$0xFFFFFFC0];
	v11 =	vmax.f32 v3, $0.0e+00  }
0xbf: {  	v5 =	vmax.f32 v5, $0.0e+00;
	v3 =	vld [tilespmem:s21+$0xFFFFFF60];
	[tilespmem:s21+$0x30] =	vst v11  }
0xc0: {  	[tilespmem:s21+$0xFFFFFF30] =	vst v5;
	v5 =	vld [tilespmem:s22+$0x40];
	v11 =	vadd.f32 v12, v4  }
0xc1: {  	v12 =	vld [tilespmem:s22+$0xFFFFFF40]  }
0xc2: {  	v4 =	vld [tilespmem:s21+$0xFFFFFFE0];
	v11 =	vmax.f32 v11, $0.0e+00  }
0xc3: {  	v6 =	vadd.f32 v9, v6;
	[tilespmem:s21+$0xC0] =	vst v11;
	v9 =	vld [tilespmem:s21+$0xD0]  }
0xc4: {  	v11 =	vld [tilespmem:s22+$0xD0]  }
0xc5: {  	v6 =	vmax.f32 v6, $0.0e+00;
	v10 =	vadd.f32 v5, v10;
	v5 =	vld [tilespmem:s21+$0x60]  }
0xc6: {  	v12 =	vadd.f32 v12, v13;
	[tilespmem:s21+$0xFFFFFFC0] =	vst v6;
	v6 =	vld [tilespmem:s14+$0xFFFFFF70]  }
0xc7: {  	v13 =	vld [tilespmem:s22+$0xFFFFFFD0];
	v10 =	vmax.f32 v10, $0.0e+00  }
0xc8: {  	v12 =	vmax.f32 v12, $0.0e+00;
	[tilespmem:s21+$0x40] =	vst v10;
	v10 =	vld [tilespmem:s14+$0xFFFFFFF0]  }
0xc9: {  	[tilespmem:s21+$0xFFFFFF40] =	vst v12;
	v12 =	vld [tilespmem:s22+$0x50];
	v9 =	vadd.f32 v11, v9  }
0xca: {  	v11 =	vld [tilespmem:s22+$0xFFFFFF50]  }
0xcb: {  	v9 =	vmax.f32 v9, $0.0e+00;
	v2 =	vadd.f32 v6, v2;
	v6 =	vld [tilespmem:s14+$0x70];
	s14 =	smov.u32 s22  }
0xcc: {  	v13 =	vadd.f32 v13, v14;
	[tilespmem:s21+$0xD0] =	vst v9;
	v9 =	vld [tilespmem:s21+$0xE0]  }
0xcd: {  	v14 =	vld [tilespmem:s22+$0xE0];
	v15 =	vmax.f32 v2, $0.0e+00;
	v10 =	vadd.f32 v10, v1  }
0xce: {  	v2 =	vld [tilespmem:s21+$0xFFFFFF70];
	v1 =	vmax.f32 v13, $0.0e+00;
	v12 =	vadd.f32 v12, v7;
	[tilespmem:s11+$0xFFFFFF70] =	vst v15  }
0xcf: {  	v8 =	vadd.f32 v11, v8;
	[tilespmem:s21+$0xFFFFFFD0] =	vst v1;
	v1 =	vld [tilespmem:s21+$0xFFFFFFF0];
	v10 =	vmax.f32 v10, $0.0e+00  }
.Ltmp0:
0xd0: {  	v7 =	vld [tilespmem:s22+$0xFFFFFFE0];
	v11 =	vmax.f32 v12, $0.0e+00;
	[tilespmem:s11+$0xFFFFFFF0] =	vst v10;
	v6 =	vadd.f32 v6, v0;
	(pc) =	sbr.rel @p1 .LBB2_3-.Ltmp0, $4  }
0xd1: {  	v8 =	vmax.f32 v8, $0.0e+00;
	[tilespmem:s21+$0x50] =	vst v11;
	v0 =	vld [tilespmem:s21+$0x70]  }
0xd2: {  	[tilespmem:s21+$0xFFFFFF50] =	vst v8;
	v8 =	vld [tilespmem:s22+$0x60];
	v10 =	vadd.f32 v14, v9;
	v6 =	vmax.f32 v6, $0.0e+00  }
0xd3: {  	v9 =	vld [tilespmem:s22+$0xFFFFFF60];
	[tilespmem:s11+$0x70] =	vst v6;
	s11 =	smov.u32 s21  }
0xd4: {  	s21 =	sadd.s32 $0x200, s21;
	v10 =	vmax.f32 v10, $0.0e+00;
	v6 =	vld [tilespmem:s11+$0xF0]  }
0xd5: {  	_ =	sdelay $0x2  }
0xd6: {  	v3 =	vadd.f32 v9, v3  }
0xd7: {  	v4 =	vadd.f32 v7, v4  }
0xd8: {  	[tilespmem:s11+$0xE0] =	vst v10;
	v5 =	vadd.f32 v8, v5;
	v3 =	vmax.f32 v3, $0.0e+00  }
0xd9: {  	v7 =	vld [tilespmem:s14+$0xF0];
	v4 =	vmax.f32 v4, $0.0e+00;
	[tilespmem:s11+$0xFFFFFF60] =	vst v3  }
0xda: {  	[tilespmem:s11+$0xFFFFFFE0] =	vst v4;
	v3 =	vmax.f32 v5, $0.0e+00;
	v4 =	vld [tilespmem:s14+$0xFFFFFF70]  }
0xdb: {  	[tilespmem:s11+$0x60] =	vst v3;
	v3 =	vld [tilespmem:s14+$0xFFFFFFF0]  }
0xdc: {  	v5 =	vld [tilespmem:s14+$0x70];
	_ =	sdelay $0x1  }
0xdd: {  	v6 =	vadd.f32 v7, v6  }
0xde: {  	v2 =	vadd.f32 v4, v2  }
0xdf: {  	v4 =	vmax.f32 v6, $0.0e+00;
	v1 =	vadd.f32 v3, v1  }
0xe0: {  	[tilespmem:s11+$0xF0] =	vst v4;
	v0 =	vadd.f32 v5, v0;
	v2 =	vmax.f32 v2, $0.0e+00  }
0xe1: {  	v1 =	vmax.f32 v1, $0.0e+00;
	[tilespmem:s11+$0xFFFFFF70] =	vst v2  }
0xe2: {  	[tilespmem:s11+$0xFFFFFFF0] =	vst v1;
	v0 =	vmax.f32 v0, $0.0e+00  }
0xe3: {  	[tilespmem:s11+$0x70] =	vst v0  }
0xe4: {  	[spmem:s3] =	stream.indirect.scatter.add.f32 [tilespmem:s20], [sflag:$0x7], $0x80, s29, s19, $0xb8;
	[tilespmem:$0x1E300] =	vst v63  }
0xe5: {  	_ =	swait.ge [sflag:s30], $0x2800  }
0xe6: {  	[sflag:s30] =	ssyncset.done $0x0  }
0xe7: {  	s11 =	simm.s32 @!p0 $0x1;
	[sflag:s30] =	ssyncadd.s32 $0xFFFFD800  }
0xe8: {  	_ =	swait.ge @!p0 [sflag:s11], $0x100  }
0xe9: {  	s15 =	simm.s32 @!p0 $0x14300;
	s21 =	smul.u32 @!p0 $0xA0, s9;
	[sflag:s11] =	ssyncset.done @!p0 $0x0  }
0xea: {  	s14 =	simm.s32 @!p0 $0x14000;
	[sflag:s11] =	ssyncadd.s32 @!p0 $0xFFFFFF00;
	s11 =	simm.s32 @!p0 $0x50  }
0xeb: {  	[tilespmem:s15], [sflag:$0x3] =	stream.indirect.gather @!p0 [hbm4b:s2+s11], $0x80, s14, s11, $0xb8;
	[tilespmem:$0x1E300] =	vst v63  }
0xec: {  	s11 =	sadd.s32 @!p0 s21, s13  }
0xed: {  	s11 =	sshll.u32 @!p0 s11, $0x4  }
0xee: {  	s14 =	simm.s32 @!p0 $0x0;
	s15 =	simm.s32 @!p0 $0x19300;
	s11 =	sadd.s32 @!p0 s5, s11  }
0xef: {  	[tilespmem:s15], [sflag:$0x5] =	stream.linear.gather @!p0 [hbm4b:s11+s14], $0x2800, $0x38;
	[tilespmem:$0x1E300] =	vst v63  }
0xf0: {  	v0 =	vld @!p0 [tilespmem:$0x14080]  }
0xf1: {  	v1 =	vld @!p0 [tilespmem:$0x14090]  }
0xf2: {  	v2 =	vld @!p0 [tilespmem:$0x140A0]  }
0xf3: {  	v3 =	vld @!p0 [tilespmem:$0x140B0]  }
0xf4: {  	v4 =	vld @!p0 [tilespmem:$0x140C0]  }
0xf5: {  	[tilespmem:$0x14200] =	vst @!p0 v0  }
0xf6: {  	[tilespmem:$0x14210] =	vst @!p0 v1  }
0xf7: {  	s10 =	sadd.s32 @!p0 s7, s10;
	[tilespmem:$0x14220] =	vst @!p0 v2  }
0xf8: {  	s10 =	sshll.u32 @!p0 s10, $0x5;
	[tilespmem:$0x14230] =	vst @!p0 v3  }
0xf9: {  	s10 =	sadd.s32 @!p0 s10, s12;
	s11 =	simm.s32 @!p0 $0x14100;
	[tilespmem:$0x14240] =	vst @!p0 v4  }
0xfa: {  	[tilespmem:s11], [sflag:$0x2] =	stream.linear.gather @!p0 [hbm4b:s10+s14], $0x100, $0x38;
	[tilespmem:$0x1E300] =	vst v63  }
0xfb: {  	_ =	swait.ge [sflag:s31], $0x2800  }
0xfc: {  	[sflag:s31] =	ssyncset.done $0x0  }
0xfd: {  	[sflag:s31] =	ssyncadd.s32 $0xFFFFD800  }
0xfe: {  	_ =	swait.ge [sflag:s0], $0x2800  }
0xff: {  	[sflag:s0] =	ssyncset.done $0x0  }
0x100: {  	s10 =	simm.s32 $0x16CF0;
	[sflag:s0] =	ssyncadd.s32 $0xFFFFD800  }
0x101: {  	s11 =	simm.s32 $0x1BCF0;
	v0 =	vld [tilespmem:s10+$0xFFFFFF90]  }
0x102: {  	v1 =	vld [tilespmem:s11+$0xFFFFFF90]  }
0x103: {  	v2 =	vld [tilespmem:s11+$0xFFFFFE10]  }
0x104: {  	v3 =	vld [tilespmem:s10+$0xFFFFFE90]  }
0x105: {  	v4 =	vld [tilespmem:s11+$0xFFFFFE90]  }
0x106: {  	v5 =	vld [tilespmem:s11+$0xFFFFFF10]  }
0x107: {  	v0 =	vadd.f32 v1, v0;
	v1 =	vld [tilespmem:s10+$0xFFFFFF10]  }
0x108: {  	v6 =	vld [tilespmem:s10+$0xFFFFFE10]  }
0x109: {  	v0 =	vmax.f32 v0, $0.0e+00  }
0x10a: {  	v3 =	vadd.f32 v4, v3;
	[tilespmem:s10+$0xFFFFFF90] =	vst v0;
	v0 =	vld [tilespmem:s10+$0xFFFFFFA0]  }
0x10b: {  	v7 =	vld [tilespmem:s11+$0xFFFFFFA0]  }
0x10c: {  	v8 =	vld [tilespmem:s10+$0xFFFFFEA0];
	v3 =	vmax.f32 v3, $0.0e+00;
	v1 =	vadd.f32 v5, v1  }
0x10d: {  	v4 =	vld [tilespmem:s10+$0xFFFFFE20];
	v2 =	vadd.f32 v2, v6;
	[tilespmem:s10+$0xFFFFFE90] =	vst v3  }
0x10e: {  	v5 =	vld [tilespmem:s11+$0xFFFFFEA0];
	v1 =	vmax.f32 v1, $0.0e+00  }
0x10f: {  	v2 =	vmax.f32 v2, $0.0e+00;
	v3 =	vld [tilespmem:s10+$0xFFFFFF20];
	[tilespmem:s10+$0xFFFFFF10] =	vst v1  }
0x110: {  	[tilespmem:s10+$0xFFFFFE10] =	vst v2;
	v0 =	vadd.f32 v7, v0;
	v1 =	vld [tilespmem:s11+$0xFFFFFF20]  }
0x111: {  	v2 =	vld [tilespmem:s11+$0xFFFFFE20]  }
0x112: {  	v0 =	vmax.f32 v0, $0.0e+00  }
0x113: {  	v5 =	vadd.f32 v5, v8;
	[tilespmem:s10+$0xFFFFFFA0] =	vst v0;
	v0 =	vld [tilespmem:s10+$0xFFFFFFB0]  }
0x114: {  	v7 =	vld [tilespmem:s11+$0xFFFFFFB0]  }
0x115: {  	v6 =	vld [tilespmem:s10+$0xFFFFFE30];
	v5 =	vmax.f32 v5, $0.0e+00;
	v1 =	vadd.f32 v1, v3  }
0x116: {  	v2 =	vadd.f32 v2, v4;
	v8 =	vld [tilespmem:s10+$0xFFFFFEB0];
	[tilespmem:s10+$0xFFFFFEA0] =	vst v5  }
0x117: {  	v4 =	vld [tilespmem:s11+$0xFFFFFEB0];
	v1 =	vmax.f32 v1, $0.0e+00  }
0x118: {  	v2 =	vmax.f32 v2, $0.0e+00;
	v3 =	vld [tilespmem:s10+$0xFFFFFF30];
	[tilespmem:s10+$0xFFFFFF20] =	vst v1  }
0x119: {  	[tilespmem:s10+$0xFFFFFE20] =	vst v2;
	v0 =	vadd.f32 v7, v0;
	v1 =	vld [tilespmem:s11+$0xFFFFFF30]  }
0x11a: {  	v2 =	vld [tilespmem:s11+$0xFFFFFE30]  }
0x11b: {  	v0 =	vmax.f32 v0, $0.0e+00  }
0x11c: {  	v4 =	vadd.f32 v4, v8;
	[tilespmem:s10+$0xFFFFFFB0] =	vst v0;
	v0 =	vld [tilespmem:s10+$0xFFFFFFC0]  }
0x11d: {  	v7 =	vld [tilespmem:s11+$0xFFFFFFC0]  }
0x11e: {  	v9 =	vld [tilespmem:s10+$0xFFFFFF40];
	v4 =	vmax.f32 v4, $0.0e+00;
	v1 =	vadd.f32 v1, v3  }
0x11f: {  	v2 =	vadd.f32 v2, v6;
	v8 =	vld [tilespmem:s10+$0xFFFFFEC0];
	[tilespmem:s10+$0xFFFFFEB0] =	vst v4  }
0x120: {  	v3 =	vld [tilespmem:s11+$0xFFFFFEC0];
	v1 =	vmax.f32 v1, $0.0e+00  }
0x121: {  	v5 =	vld [tilespmem:s10+$0xFFFFFE40];
	[tilespmem:s10+$0xFFFFFF30] =	vst v1;
	v1 =	vmax.f32 v2, $0.0e+00  }
0x122: {  	v0 =	vadd.f32 v7, v0;
	[tilespmem:s10+$0xFFFFFE30] =	vst v1;
	v1 =	vld [tilespmem:s11+$0xFFFFFF40]  }
0x123: {  	v6 =	vld [tilespmem:s11+$0xFFFFFE40]  }
0x124: {  	v10 =	vld [tilespmem:s10+$0xFFFFFE50];
	v0 =	vmax.f32 v0, $0.0e+00  }
0x125: {  	v3 =	vadd.f32 v3, v8;
	[tilespmem:s10+$0xFFFFFFC0] =	vst v0;
	v0 =	vld [tilespmem:s10+$0xFFFFFFD0]  }
0x126: {  	v7 =	vld [tilespmem:s11+$0xFFFFFFD0]  }
0x127: {  	v11 =	vld [tilespmem:s10+$0xFFFFFEE0];
	v3 =	vmax.f32 v3, $0.0e+00;
	v1 =	vadd.f32 v1, v9  }
0x128: {  	v4 =	vld [tilespmem:s10+$0xFFFFFED0];
	[tilespmem:s10+$0xFFFFFEC0] =	vst v3;
	v5 =	vadd.f32 v6, v5  }
0x129: {  	v6 =	vld [tilespmem:s11+$0xFFFFFED0];
	v1 =	vmax.f32 v1, $0.0e+00  }
0x12a: {  	v2 =	vld [tilespmem:s10+$0xFFFFFF50];
	[tilespmem:s10+$0xFFFFFF40] =	vst v1;
	v1 =	vmax.f32 v5, $0.0e+00  }
0x12b: {  	v0 =	vadd.f32 v7, v0;
	v5 =	vld [tilespmem:s11+$0xFFFFFF50];
	[tilespmem:s10+$0xFFFFFE40] =	vst v1  }
0x12c: {  	v1 =	vld [tilespmem:s11+$0xFFFFFE50]  }
0x12d: {  	v8 =	vld [tilespmem:s10+$0xFFFFFE60];
	v0 =	vmax.f32 v0, $0.0e+00  }
0x12e: {  	[tilespmem:s10+$0xFFFFFFD0] =	vst v0;
	v0 =	vadd.f32 v6, v4;
	v6 =	vld [tilespmem:s10+$0xFFFFFFE0]  }
0x12f: {  	v7 =	vld [tilespmem:s11+$0xFFFFFFE0]  }
0x130: {  	v3 =	vld [tilespmem:s10+$0xFFFFFE70];
	v0 =	vmax.f32 v0, $0.0e+00;
	v2 =	vadd.f32 v5, v2  }
0x131: {  	v9 =	vld [tilespmem:s10+$0xFFFFFF60];
	[tilespmem:s10+$0xFFFFFED0] =	vst v0;
	v0 =	vadd.f32 v1, v10  }
0x132: {  	v1 =	vld [tilespmem:s11+$0xFFFFFEE0];
	v2 =	vmax.f32 v2, $0.0e+00  }
0x133: {  	v4 =	vld [tilespmem:s10+$0xFFFFFEF0];
	[tilespmem:s10+$0xFFFFFF50] =	vst v2;
	v0 =	vmax.f32 v0, $0.0e+00  }
0x134: {  	v2 =	vld [tilespmem:s11+$0xFFFFFF60];
	v6 =	vadd.f32 v7, v6;
	[tilespmem:s10+$0xFFFFFE50] =	vst v0  }
0x135: {  	v0 =	vld [tilespmem:s11+$0xFFFFFE60]  }
0x136: {  	v5 =	vld [tilespmem:s10+$0xFFFFFF70];
	v6 =	vmax.f32 v6, $0.0e+00  }
0x137: {  	v1 =	vadd.f32 v1, v11;
	[tilespmem:s10+$0xFFFFFFE0] =	vst v6;
	v6 =	vld [tilespmem:s10+$0xFFFFFFF0]  }
0x138: {  	v10 =	vld [tilespmem:s11+$0xFFFFFFF0]  }
0x139: {  	v1 =	vmax.f32 v1, $0.0e+00;
	v7 =	vadd.f32 v2, v9;
	v2 =	vld [tilespmem:s10+$0xFFFFFE80]  }
0x13a: {  	[tilespmem:s10+$0xFFFFFEE0] =	vst v1;
	v0 =	vadd.f32 v0, v8;
	v1 =	vld [tilespmem:s10+$0xFFFFFF00]  }
0x13b: {  	v8 =	vmax.f32 v7, $0.0e+00;
	v7 =	vld [tilespmem:s11+$0xFFFFFEF0]  }
0x13c: {  	[tilespmem:s10+$0xFFFFFF60] =	vst v8;
	v8 =	vmax.f32 v0, $0.0e+00;
	v0 =	vld [tilespmem:s10+$0xFFFFFF80]  }
0x13d: {  	[tilespmem:s10+$0xFFFFFE60] =	vst v8;
	v8 =	vld [tilespmem:s11+$0xFFFFFF70];
	v6 =	vadd.f32 v10, v6  }
0x13e: {  	v9 =	vld [tilespmem:s11+$0xFFFFFE70]  }
0x13f: {  	s21 =	simm.s32 $0x1BCF0;
	s15 =	simm.s32 $0x16EF0;
	s14 =	simm.s32 $0x0;
	v10 =	vmax.f32 v6, $0.0e+00;
	v6 =	vld [tilespmem:s10+$0x0]  }
.LBB2_5:
0x140: {  	v11 =	vld [tilespmem:s15+$0xFFFFFF90];
	v4 =	vadd.f32 v7, v4;
	[tilespmem:s10+$0xFFFFFFF0] =	vst v10  }
0x141: {  	s21 =	sadd.s32 $0x200, s21;
	v7 =	vld [tilespmem:s11+$0x0]  }
0x142: {  	s14 =	sadd.s32 $0x4, s14;
	v10 =	vld [tilespmem:s21+$0xFFFFFF90];
	v4 =	vmax.f32 v4, $0.0e+00;
	v5 =	vadd.f32 v8, v5  }
0x143: {  	p0 =	slt.u32 s14, $0x4C;
	v8 =	vld [tilespmem:s21+$0xFFFFFE10];
	v3 =	vadd.f32 v9, v3;
	[tilespmem:s10+$0xFFFFFEF0] =	vst v4  }
0x144: {  	v4 =	vld [tilespmem:s15+$0xFFFFFE90];
	v5 =	vmax.f32 v5, $0.0e+00  }
0x145: {  	v9 =	vld [tilespmem:s21+$0xFFFFFE90];
	v3 =	vmax.f32 v3, $0.0e+00;
	[tilespmem:s10+$0xFFFFFF70] =	vst v5  }
0x146: {  	v5 =	vld [tilespmem:s15+$0xFFFFFF10];
	[tilespmem:s10+$0xFFFFFE70] =	vst v3;
	v3 =	vadd.f32 v7, v6  }
0x147: {  	v6 =	vld [tilespmem:s21+$0xFFFFFF10];
	v7 =	vadd.f32 v10, v11  }
0x148: {  	v10 =	vld [tilespmem:s15+$0xFFFFFE10];
	v3 =	vmax.f32 v3, $0.0e+00  }
0x149: {  	v11 =	vld [tilespmem:s15+$0xFFFFFE20];
	v7 =	vmax.f32 v7, $0.0e+00;
	[tilespmem:s10+$0x0] =	vst v3  }
0x14a: {  	v3 =	vadd.f32 v9, v4;
	[tilespmem:s15+$0xFFFFFF90] =	vst v7;
	v4 =	vld [tilespmem:s15+$0xFFFFFFA0]  }
0x14b: {  	v7 =	vld [tilespmem:s21+$0xFFFFFFA0]  }
0x14c: {  	v3 =	vmax.f32 v3, $0.0e+00;
	v9 =	vld [tilespmem:s15+$0xFFFFFEA0];
	v5 =	vadd.f32 v6, v5  }
0x14d: {  	v6 =	vadd.f32 v8, v10;
	[tilespmem:s15+$0xFFFFFE90] =	vst v3;
	v3 =	vld [tilespmem:s15+$0xFFFFFF20]  }
0x14e: {  	v8 =	vld [tilespmem:s21+$0xFFFFFEA0];
	v5 =	vmax.f32 v5, $0.0e+00  }
0x14f: {  	v6 =	vmax.f32 v6, $0.0e+00;
	v10 =	vld [tilespmem:s15+$0xFFFFFE30];
	[tilespmem:s15+$0xFFFFFF10] =	vst v5  }
0x150: {  	[tilespmem:s15+$0xFFFFFE10] =	vst v6;
	v5 =	vld [tilespmem:s21+$0xFFFFFF20];
	v4 =	vadd.f32 v7, v4  }
0x151: {  	v6 =	vld [tilespmem:s21+$0xFFFFFE20]  }
0x152: {  	v7 =	vld [tilespmem:s15+$0xFFFFFEB0];
	v4 =	vmax.f32 v4, $0.0e+00  }
0x153: {  	v8 =	vadd.f32 v8, v9;
	[tilespmem:s15+$0xFFFFFFA0] =	vst v4;
	v4 =	vld [tilespmem:s15+$0xFFFFFFB0]  }
0x154: {  	v9 =	vld [tilespmem:s21+$0xFFFFFFB0]  }
0x155: {  	v8 =	vmax.f32 v8, $0.0e+00;
	v3 =	vadd.f32 v5, v3;
	v5 =	vld [tilespmem:s15+$0xFFFFFF30]  }
0x156: {  	v6 =	vadd.f32 v6, v11;
	v11 =	vld [tilespmem:s15+$0xFFFFFE40];
	[tilespmem:s15+$0xFFFFFEA0] =	vst v8  }
0x157: {  	v8 =	vld [tilespmem:s21+$0xFFFFFEB0];
	v3 =	vmax.f32 v3, $0.0e+00  }
0x158: {  	v6 =	vmax.f32 v6, $0.0e+00;
	v12 =	vld [tilespmem:s15+$0xFFFFFEC0];
	[tilespmem:s15+$0xFFFFFF20] =	vst v3  }
0x159: {  	[tilespmem:s15+$0xFFFFFE20] =	vst v6;
	v3 =	vld [tilespmem:s21+$0xFFFFFF30];
	v4 =	vadd.f32 v9, v4  }
0x15a: {  	v6 =	vld [tilespmem:s21+$0xFFFFFE30]  }
0x15b: {  	v9 =	vld [tilespmem:s15+$0xFFFFFF40];
	v4 =	vmax.f32 v4, $0.0e+00  }
0x15c: {  	v7 =	vadd.f32 v8, v7;
	[tilespmem:s15+$0xFFFFFFB0] =	vst v4;
	v4 =	vld [tilespmem:s15+$0xFFFFFFC0]  }
0x15d: {  	v8 =	vld [tilespmem:s21+$0xFFFFFFC0]  }
0x15e: {  	v13 =	vld [tilespmem:s15+$0xFFFFFE50];
	v7 =	vmax.f32 v7, $0.0e+00;
	v3 =	vadd.f32 v3, v5  }
0x15f: {  	v5 =	vadd.f32 v6, v10;
	[tilespmem:s15+$0xFFFFFEB0] =	vst v7;
	v6 =	vld [tilespmem:s15+$0xFFFFFED0]  }
0x160: {  	v7 =	vld [tilespmem:s21+$0xFFFFFEC0];
	v3 =	vmax.f32 v3, $0.0e+00  }
0x161: {  	v5 =	vmax.f32 v5, $0.0e+00;
	[tilespmem:s15+$0xFFFFFF30] =	vst v3;
	v10 =	vld [tilespmem:s15+$0xFFFFFF50]  }
0x162: {  	[tilespmem:s15+$0xFFFFFE30] =	vst v5;
	v3 =	vld [tilespmem:s21+$0xFFFFFF40];
	v4 =	vadd.f32 v8, v4  }
0x163: {  	v5 =	vld [tilespmem:s21+$0xFFFFFE40]  }
0x164: {  	v8 =	vld [tilespmem:s15+$0xFFFFFE60];
	v4 =	vmax.f32 v4, $0.0e+00  }
0x165: {  	v7 =	vadd.f32 v7, v12;
	[tilespmem:s15+$0xFFFFFFC0] =	vst v4;
	v4 =	vld [tilespmem:s15+$0xFFFFFFD0]  }
0x166: {  	v12 =	vld [tilespmem:s21+$0xFFFFFFD0]  }
0x167: {  	v7 =	vmax.f32 v7, $0.0e+00;
	v14 =	vld [tilespmem:s15+$0xFFFFFEE0];
	v3 =	vadd.f32 v3, v9  }
0x168: {  	v5 =	vadd.f32 v5, v11;
	[tilespmem:s15+$0xFFFFFEC0] =	vst v7;
	v7 =	vld [tilespmem:s15+$0xFFFFFF60]  }
0x169: {  	v9 =	vld [tilespmem:s21+$0xFFFFFED0];
	v11 =	vmax.f32 v3, $0.0e+00  }
0x16a: {  	v5 =	vmax.f32 v5, $0.0e+00;
	v3 =	vld [tilespmem:s15+$0xFFFFFE70];
	[tilespmem:s15+$0xFFFFFF40] =	vst v11  }
0x16b: {  	[tilespmem:s15+$0xFFFFFE40] =	vst v5;
	v5 =	vld [tilespmem:s21+$0xFFFFFF50];
	v11 =	vadd.f32 v12, v4  }
0x16c: {  	v12 =	vld [tilespmem:s21+$0xFFFFFE50]  }
0x16d: {  	v4 =	vld [tilespmem:s15+$0xFFFFFEF0];
	v11 =	vmax.f32 v11, $0.0e+00  }
0x16e: {  	v6 =	vadd.f32 v9, v6;
	[tilespmem:s15+$0xFFFFFFD0] =	vst v11;
	v9 =	vld [tilespmem:s15+$0xFFFFFFE0]  }
0x16f: {  	v11 =	vld [tilespmem:s21+$0xFFFFFFE0]  }
0x170: {  	v6 =	vmax.f32 v6, $0.0e+00;
	v10 =	vadd.f32 v5, v10;
	v5 =	vld [tilespmem:s15+$0xFFFFFF70]  }
0x171: {  	v12 =	vadd.f32 v12, v13;
	[tilespmem:s15+$0xFFFFFED0] =	vst v6;
	v6 =	vld [tilespmem:s11+$0xFFFFFE80]  }
0x172: {  	v13 =	vld [tilespmem:s21+$0xFFFFFEE0];
	v10 =	vmax.f32 v10, $0.0e+00  }
0x173: {  	v12 =	vmax.f32 v12, $0.0e+00;
	[tilespmem:s15+$0xFFFFFF50] =	vst v10;
	v10 =	vld [tilespmem:s11+$0xFFFFFF00]  }
0x174: {  	[tilespmem:s15+$0xFFFFFE50] =	vst v12;
	v12 =	vld [tilespmem:s21+$0xFFFFFF60];
	v9 =	vadd.f32 v11, v9  }
0x175: {  	v11 =	vld [tilespmem:s21+$0xFFFFFE60]  }
0x176: {  	v9 =	vmax.f32 v9, $0.0e+00;
	v2 =	vadd.f32 v6, v2;
	v6 =	vld [tilespmem:s11+$0xFFFFFF80];
	s11 =	smov.u32 s21  }
0x177: {  	v13 =	vadd.f32 v13, v14;
	[tilespmem:s15+$0xFFFFFFE0] =	vst v9;
	v9 =	vld [tilespmem:s15+$0xFFFFFFF0]  }
0x178: {  	v14 =	vld [tilespmem:s21+$0xFFFFFFF0];
	v15 =	vmax.f32 v2, $0.0e+00;
	v10 =	vadd.f32 v10, v1  }
0x179: {  	v2 =	vld [tilespmem:s15+$0xFFFFFE80];
	v1 =	vmax.f32 v13, $0.0e+00;
	v12 =	vadd.f32 v12, v7;
	[tilespmem:s10+$0xFFFFFE80] =	vst v15  }
0x17a: {  	v8 =	vadd.f32 v11, v8;
	[tilespmem:s15+$0xFFFFFEE0] =	vst v1;
	v1 =	vld [tilespmem:s15+$0xFFFFFF00];
	v10 =	vmax.f32 v10, $0.0e+00  }
.Ltmp1:
0x17b: {  	v7 =	vld [tilespmem:s21+$0xFFFFFEF0];
	v11 =	vmax.f32 v12, $0.0e+00;
	[tilespmem:s10+$0xFFFFFF00] =	vst v10;
	v6 =	vadd.f32 v6, v0;
	(pc) =	sbr.rel @p0 .LBB2_5-.Ltmp1, $4  }
0x17c: {  	v8 =	vmax.f32 v8, $0.0e+00;
	[tilespmem:s15+$0xFFFFFF60] =	vst v11;
	v0 =	vld [tilespmem:s15+$0xFFFFFF80]  }
0x17d: {  	[tilespmem:s15+$0xFFFFFE60] =	vst v8;
	v8 =	vld [tilespmem:s21+$0xFFFFFF70];
	v10 =	vadd.f32 v14, v9;
	v6 =	vmax.f32 v6, $0.0e+00  }
0x17e: {  	v9 =	vld [tilespmem:s21+$0xFFFFFE70];
	[tilespmem:s10+$0xFFFFFF80] =	vst v6;
	s10 =	smov.u32 s15  }
0x17f: {  	s15 =	sadd.s32 $0x200, s15;
	v10 =	vmax.f32 v10, $0.0e+00;
	v6 =	vld [tilespmem:s10+$0x0]  }
0x180: {  	_ = 	snop  }
0x181: {  	v4 =	vadd.f32 v7, v4  }
0x182: {  	v5 =	vadd.f32 v8, v5  }
0x183: {  	[tilespmem:s10+$0xFFFFFFF0] =	vst v10;
	v4 =	vmax.f32 v4, $0.0e+00;
	v3 =	vadd.f32 v9, v3  }
0x184: {  	v58 =	vld [tilespmem:s11+$0x0];
	[tilespmem:s10+$0xFFFFFEF0] =	vst v4;
	v59 =	vmax.f32 v5, $0.0e+00  }
0x185: {  	v61 =	vld [tilespmem:s11+$0xFFFFFF00];
	v3 =	vmax.f32 v3, $0.0e+00;
	[tilespmem:s10+$0xFFFFFF70] =	vst v59  }
0x186: {  	[tilespmem:s10+$0xFFFFFE70] =	vst v3;
	v62 =	vld [tilespmem:s11+$0xFFFFFF80]  }
0x187: {  	v60 =	vld [tilespmem:s11+$0xFFFFFE80];
	_ =	sdelay $0x1  }
0x188: {  	v6 =	vadd.f32 v58, v6  }
0x189: {  	s9 =	sadd.s32 $0x1, s9;
	v1 =	vadd.f32 v61, v1  }
0x18a: {  	p0 =	sne.s32 s9, $0x40;
	v63 =	vmax.f32 v6, $0.0e+00;
	v0 =	vadd.f32 v62, v0  }
.Ltmp2:
0x18b: {  	[tilespmem:s10+$0x0] =	vst v63;
	v1 =	vmax.f32 v1, $0.0e+00;
	v2 =	vadd.f32 v60, v2;
	(pc) =	sbr.rel @p0 .LBB2_2-.Ltmp2, $4  }
0x18c: {  	[tilespmem:s10+$0xFFFFFF00] =	vst v1;
	v0 =	vmax.f32 v0, $0.0e+00  }
0x18d: {  	v2 =	vmax.f32 v2, $0.0e+00;
	[tilespmem:s10+$0xFFFFFF80] =	vst v0  }
0x18e: {  	[tilespmem:s10+$0xFFFFFE80] =	vst v2  }
0x18f: {  	[spmem:s3] =	stream.indirect.scatter.add.f32 [tilespmem:s24], [sflag:$0x8], $0x80, s1, s19, $0xb8;
	[tilespmem:$0x1E300] =	vst v63  }
0x190: {  	s9 =	simm.s32 $0x8  }
0x191: {  	_ =	swait.ge [sflag:s9], $0x2800  }
0x192: {  	[sflag:s9] =	ssyncset.done $0x0  }
0x193: {  	[sflag:s9] =	ssyncadd.s32 $0xFFFFD800  }
0x194: {  	[bflag:$0x0] =	sbarrier.arrive $0xFFFF  }
0x195: {  	s22 =	rddreg [dreg:$0x8]  }
0x196: {  	s14 =	rddreg [dreg:$0xa]  }
0x197: {  	[hbm:s22], [sflag:s23] =	dma.local [spmem:s14], $0x2800  }
0x198: {  	_ =	swait.ge [sflag:s17], $0x2800  }
0x199: {  	s11 =	smov.u32 s23;
	s8 =	sadd.s32 $0x1, s8;
	s23 =	rddreg [dreg:$0x9]  }
0x19a: {  	p0 =	sne.s32 s8, s23  }
.Ltmp3:
0x19b: {  	_ = 	snop;
	(pc) =	sbr.rel @p0 .LBB2_1-.Ltmp3, $3  }
0x19c: {  	_ =	sdelay $0x1  }
0x19d: {  	[sflag:s17] =	ssyncset.done $0x0  }
0x19e: {  	[sflag:s17] =	ssyncadd.s32 $0xFFFFD800  }
0x19f: {  	_ =	sfence.sel $0x180000  }
0x1a0: {  	[bflag:$0x0] =	sbarrier.arrive $0xFFFF  }
0x1a1: {  	_ =	strace $0x9000004D  }
0x1a2: {  	s0 =	stileid.u32;
	[bflag:$0x2] =	sbarrier.arrive $0xFFFF  }
0x1a3: {  	p0 =	sne.s32 s0, $0x0;
	s0 =	rddreg [dreg:$0x3]  }
0x1a4: {  	s0 =	sadd.s32 @!p0 $0x100000, s0  }
0x1a5: {  	[sflag:s0] =	ssyncadd.tile.s32 @!p0 $0x1;
	_ =	shalt  }
.Lfunc_end2:
_tile_overlayer_lowered:
.L_overlay_start_2:
0x1a6: {  	(tag) =	ssettag $0x2  }
0x1a7: {  	s0 =	rddreg [dreg:$0x0];
	s2 =	stileid.u32  }
0x1a8: {  	s1 =	rddreg [dreg:$0x1];
	p0 =	sne.s32 s2, $0x0  }
0x1a9: {  	s3 =	rddreg [dreg:$0x2];
	[bflag:$0x3] =	sbarrier.arrive $0xFFFF;
	s2 =	simm.s32 @!p0 $0x1C09  }
0x1aa: {  	[timem:s3], [sflag:s2] =	dma.local @!p0 [hbm:s0], s1  }
0x1ab: {  	s0 =	simm.s32 @!p0 $0x9  }
0x1ac: {  	_ =	swait.ge @!p0 [sflag:s0], s1  }
0x1ad: {  	s1 =	ssub.s32 @!p0 $0x0, s1;
	[sflag:s0] =	ssyncset.done @!p0 $0x0  }
0x1ae: {  	[sflag:s0] =	ssyncadd.s32 @!p0 s1  }
0x1af: {  	[bflag:$0x3] =	sbarrier.arrive $0xFFFF  }
0x1b0: {  	_ =	shalt  }

// kernel: kernel.9.cloned.1.call-start
scs
__scs_entry_jumppad:
0x0: {  	(pc) =	sbr.rel $0x88, $3  }
0x1: {  	(tag) =	ssettag $0x0;
	lr =	simm.s32 $0x1  }
0x2: {  	[smem:$0x3F92] =	sst lr;
	_ =	strace $0xD0000000  }
0x3: {  	_ = 	snop  }
0x4: {  	_ = 	snop  }
0x5: {  	_ = 	snop  }
0x6: {  	_ = 	snop  }
0x7: {  	_ = 	snop  }
__scs_overlays_trampoline_lowered:
0x8: {  	[smem:$0x3FA1] =	sst s0  }
0x9: {  	[smem:$0x3FA2] =	sst s1  }
0xa: {  	[smem:$0x3FA3] =	sst s2  }
0xb: {  	[smem:$0x3FA4] =	sst s3  }
0xc: {  	[smem:$0x3FA5] =	sst s4  }
0xd: {  	[smem:$0x3FA6] =	sst s5  }
0xe: {  	[smem:$0x3FA7] =	sst s6  }
0xf: {  	[smem:$0x3FA8] =	sst s7  }
0x10: {  	[smem:$0x3FA9] =	sst s8  }
0x11: {  	[smem:$0x3FAA] =	sst s9;
	s0 =	simm.s32 @!p0 $0x0  }
0x12: {  	s1 =	sld [smem:$0x3F90];
	s0 =	simm.s32 @p0 $0x1  }
0x13: {  	[smem:$0x3FAB] =	sst s0;
	s0 =	simm.s32 @!p1 $0x0  }
0x14: {  	s2 =	sld [smem:$0x3F8F];
	s0 =	simm.s32 @p1 $0x1  }
0x15: {  	[smem:$0x3FAC] =	sst s0;
	s0 =	simm.s32 @!p2 $0x0  }
0x16: {  	s3 =	sld [smem:$0x3FDB];
	s0 =	simm.s32 @p2 $0x1  }
0x17: {  	s4 =	simm.s32 $0x1BF5;
	[smem:$0x3FAE] =	sst s0  }
0x18: {  	s0 =	sld [smem:$0x3F91];
	_ =	swait.ge [sflag:s4], $0x0  }
0x19: {  	s7 =	sld [smem:$0x3F92]  }
0x1a: {  	s8 =	sadd.s32 $0xFFFFE003, lr  }
0x1b: {  	s9 =	sadd.s32 $0xFFFFFEF7, lr;
	s5 =	simm.s32 $0xFFFFFFFF;
	p2 =	slt.u32 s8, $0xFFFFF086  }
0x1c: {  	p1 =	slt.u32 s9, $0xF7A;
	s5 =	simm.s32 @!p2 $0x0  }
0x1d: {  	s5 =	simm.s32 @p1 $0x1;
	p0 =	seq.s32 s7, s2  }
0x1e: {  	s7 =	smul.u32 @!p0 $0xF7A, s2;
	p2 =	seq.s32 @!p0 s5, $0x0  }
0x1f: {  	s9 =	smul.u32 $0xF7A, s1;
	s8 =	simm.s32 @!p0 $0x1BF5;
	p2 =	por !p2, p0  }
0x20: {  	[sflag:s8] =	ssyncset.s32 @!p0 $0xFFFFF086;
	s6 =	sadd.s32 @!p0 s3, s7;
	s7 =	simm.s32 @!p0 $0x108  }
0x21: {  	s3 =	sadd.s32 s3, s9;
	s6 =	sadd.s32 @!p0 $0x88, s6;
	s7 =	simm.s32 @p2 $0x1082  }
0x22: {  	[simem:s7], [sflag:s8] =	dma.local @!p0 [hbm:s6], $0xF7A  }
0x23: {  	s9 =	sor.u32 $0xD0000000, s2;
	s6 =	simm.s32 $0x108;
	_ =	swait.ge @!p0 [sflag:s8], $0x0  }
0x24: {  	s3 =	sadd.s32 $0x88, s3;
	s6 =	simm.s32 @!p1 $0x1082;
	[sflag:s4] =	ssyncset.s32 $0xFFFFF086  }
0x25: {  	[simem:s6], [sflag:s4] =	dma.local [hbm:s3], $0xF7A  }
0x26: {  	[smem:$0x3F92] =	sst s1;
	(tag) =	ssettag s2;
	_ =	strace s9  }
0x27: {  	s1 =	sld [smem:$0x3FA2]  }
0x28: {  	s2 =	sld [smem:$0x3FA3]  }
0x29: {  	s4 =	sld [smem:$0x3FA5]  }
0x2a: {  	p0 =	seq.s32 s5, $0x0;
	s5 =	sld [smem:$0x3FA6]  }
0x2b: {  	s6 =	sld [smem:$0x3FA7]  }
0x2c: {  	s7 =	sld [smem:$0x3FA8]  }
0x2d: {  	s3 =	simm.s32 $0x108;
	s8 =	sld [smem:$0x3FA9]  }
0x2e: {  	s3 =	simm.s32 @!p0 $0x1082;
	s9 =	sld [smem:$0x3FAA]  }
0x2f: {  	lr =	sadd.s32 s0, s3;
	s0 =	sld [smem:$0x3FA1]  }
0x30: {  	s3 =	sld [smem:$0x3FA4]  }
0x31: {  	[smem:$0x3FAD] =	sst s10  }
0x32: {  	s10 =	sld [smem:$0x3FAB];
	_ =	sdelay $0x3  }
0x33: {  	p0 =	seq.s32 s10, $0x1;
	s10 =	sld [smem:$0x3FAD];
	_ =	sdelay $0x3  }
0x34: {  	[smem:$0x3FAD] =	sst s10  }
0x35: {  	s10 =	sld [smem:$0x3FAC];
	_ =	sdelay $0x3  }
0x36: {  	p1 =	seq.s32 s10, $0x1;
	s10 =	sld [smem:$0x3FAD];
	_ =	sdelay $0x3  }
0x37: {  	[smem:$0x3FAD] =	sst s10  }
0x38: {  	s10 =	sld [smem:$0x3FAE]  }
0x39: {  	_ = 	snop;
	(pc) =	sbr.ind lr, $3  }
0x3a: {  	_ = 	snop  }
0x3b: {  	_ = 	snop  }
0x3c: {  	p2 =	seq.s32 s10, $0x1;
	s10 =	sld [smem:$0x3FAD]  }
0x3d: {  	_ =	shalt  }
0x3e: {  	_ =	shalt  }
0x3f: {  	_ =	shalt  }
0x40: {  	_ =	shalt  }
0x41: {  	_ =	shalt  }
0x42: {  	_ =	shalt  }
0x43: {  	_ =	shalt  }
0x44: {  	_ =	shalt  }
0x45: {  	_ =	shalt  }
0x46: {  	_ =	shalt  }
0x47: {  	_ =	shalt  }
0x48: {  	_ =	shalt  }
0x49: {  	_ =	shalt  }
0x4a: {  	_ =	shalt  }
0x4b: {  	_ =	shalt  }
0x4c: {  	_ =	shalt  }
0x4d: {  	_ =	shalt  }
0x4e: {  	_ =	shalt  }
0x4f: {  	_ =	shalt  }
0x50: {  	_ =	shalt  }
0x51: {  	_ =	shalt  }
0x52: {  	_ =	shalt  }
0x53: {  	_ =	shalt  }
0x54: {  	_ =	shalt  }
0x55: {  	_ =	shalt  }
0x56: {  	_ =	shalt  }
0x57: {  	_ =	shalt  }
0x58: {  	_ =	shalt  }
0x59: {  	_ =	shalt  }
0x5a: {  	_ =	shalt  }
0x5b: {  	_ =	shalt  }
0x5c: {  	_ =	shalt  }
0x5d: {  	_ =	shalt  }
0x5e: {  	_ =	shalt  }
0x5f: {  	_ =	shalt  }
0x60: {  	_ =	shalt  }
0x61: {  	_ =	shalt  }
0x62: {  	_ =	shalt  }
0x63: {  	_ =	shalt  }
0x64: {  	_ =	shalt  }
0x65: {  	_ =	shalt  }
0x66: {  	_ =	shalt  }
0x67: {  	_ =	shalt  }
0x68: {  	_ =	shalt  }
0x69: {  	_ =	shalt  }
0x6a: {  	_ =	shalt  }
0x6b: {  	_ =	shalt  }
0x6c: {  	_ =	shalt  }
0x6d: {  	_ =	shalt  }
0x6e: {  	_ =	shalt  }
0x6f: {  	_ =	shalt  }
0x70: {  	_ =	shalt  }
0x71: {  	_ =	shalt  }
0x72: {  	_ =	shalt  }
0x73: {  	_ =	shalt  }
0x74: {  	_ =	shalt  }
0x75: {  	_ =	shalt  }
0x76: {  	_ =	shalt  }
0x77: {  	_ =	shalt  }
0x78: {  	_ =	shalt  }
0x79: {  	_ =	shalt  }
0x7a: {  	_ =	shalt  }
0x7b: {  	_ =	shalt  }
0x7c: {  	_ =	shalt  }
0x7d: {  	_ =	shalt  }
0x7e: {  	_ =	shalt  }
0x7f: {  	_ =	shalt  }
0x80: {  	_ =	shalt  }
0x81: {  	_ =	shalt  }
0x82: {  	_ =	shalt  }
0x83: {  	_ =	shalt  }
0x84: {  	_ =	shalt  }
0x85: {  	_ =	shalt  }
0x86: {  	_ =	shalt  }
0x87: {  	_ =	shalt  }
.Lfunc_end0:
.L_simem_size_0:
called_computation_lowered:
.L_overlay_start_0:
0x88: {  	s2 =	sld [smem:$0x3FD9]  }
0x89: {  	s3 =	sld [smem:$0x3FFE];
	_ =	sdelay $0x1  }
0x8a: {  	s1 =	srdreg.scid  }
0x8b: {  	s0 =	sand.u32 $0x1, s1  }
0x8c: {  	s17 =	sshll.u32 s0, $0xA;
	s2 =	sadd.s32 s3, s2  }
0x8d: {  	s2 =	sadd.s32 s2, s17  }
0x8e: {  	[smem:$0x3FB9] =	sst s2  }
0x8f: {  	_ = 	snop  }
0x90: {  	s2 =	sld [smem:$0x3FC9];
	(tm) =	ssettm $0x1  }
0x91: {  	s18 =	sld [smem:$0x3FFB];
	_ =	sdelay $0x3  }
0x92: {  	_ =	strace s18  }
0x93: {  	s3 =	sld [smem:$0x3FFC];
	_ =	sdelay $0x3  }
0x94: {  	_ =	strace s3  }
0x95: {  	s3 =	sld [smem:$0x3FFD];
	_ =	sdelay $0x3  }
0x96: {  	_ =	strace s3  }
0x97: {  	_ =	strace $0x8FFFFFFF  }
0x98: {  	s19 =	sld [smem:$0x3FDB];
	_ =	sdelay $0x1  }
0x99: {  	s4 =	simm.s32 $_scs_section_size  }
0x9a: {  	s5 =	simm.s32 $_size__tile_overlayer_lowered;
	s6 =	simm.s32 $_tile_overlayer_lowered  }
0x9b: {  	s22 =	simm.s32 $0x1BFF;
	s21 =	sshll.u32 s6, $0x1;
	s3 =	sadd.s32 s4, s19  }
0x9c: {  	s7 =	simm.s32 $0x0;
	s20 =	sshll.u32 s5, $0x1;
	s5 =	sadd.s32 s21, s3  }
0x9d: {  	[timem:s7], [sflag:s22] =	dma.local [hbm:s5], s20  }
0x9e: {  	_ =	swait.ge [sflag:s22], s20  }
0x9f: {  	s4 =	ssub.s32 $0x0, s20;
	[sflag:s22] =	ssyncset.done $0x0  }
0xa0: {  	[sflag:s22] =	ssyncadd.s32 s4;
	_ =	sdelay $0x1  }
0xa1: {  	s23 =	simm.s32 $0x1B8B  }
0xa2: {  	_ =	swait.ge [sflag:s23], $0x1  }
0xa3: {  	[sflag:s23] =	ssyncset.done $0x0  }
0xa4: {  	s25 =	simm.s32 $0x1B8E;
	s24 =	sld [smem:$0x3FFE];
	[sflag:s23] =	ssyncadd.s32 $0xFFFFFFFF  }
0xa5: {  	s26 =	simm.s32 $execute0_lowered;
	[smem:$0x3FD2] =	sst s25  }
0xa6: {  	s5 =	sshll.u32 s26, $0x1;
	_ =	strace $0x80000046;
	[dreg:$0x1] =	wrdreg $0xFFFFFFFF  }
0xa7: {  	s28 =	simm.s32 $_size_execute0_lowered;
	s3 =	sadd.s32 s3, s5;
	[dreg:$0x0] =	wrdreg $0x0  }
0xa8: {  	s5 =	sshll.u32 s28, $0x1;
	[dreg:$0x2] =	wrdreg s3  }
0xa9: {  	[dreg:$0x3] =	wrdreg s5  }
0xaa: {  	[dreg:$0x4] =	wrdreg $0xC0  }
0xab: {  	_ =	task [dreg:s7], $0x5FFFF  }
0xac: {  	[dreg:$0x1] =	wrdreg $0xFFFFFFFF  }
0xad: {  	[dreg:$0x0] =	wrdreg $0x60  }
0xae: {  	[dreg:$0x2] =	wrdreg s2  }
0xaf: {  	[dreg:$0x3] =	wrdreg s24  }
0xb0: {  	[dreg:$0x4] =	wrdreg $0x0  }
0xb1: {  	[dreg:$0x5] =	wrdreg $0x9  }
0xb2: {  	_ =	task.clear_ibuf [dreg:s7], $0x6FFFF;
	_ =	strace $0x90000046  }
0xb3: {  	s29 =	simm.s32 $0x9;
	_ =	strace $0x80000048  }
0xb4: {  	_ =	swait.ge [sflag:s29], $0x1  }
0xb5: {  	[sflag:s29] =	ssyncadd.s32 $0xFFFFFFFF  }
0xb6: {  	_ =	strace $0x90000048  }
0xb7: {  	_ =	sfence  }
0xb8: {  	s30 =	sld [smem:$0x0];
	_ =	sdelay $0x2  }
0xb9: {  	s31 =	sshll.u32 s1, $0xD;
	s1 =	sshrl.u32 s1, $0x2  }
0xba: {  	s3 =	sand.u32 $0x4000, s31;
	s1 =	sadd.s32 s1, s30  }
0xbb: {  	s0 =	sor.u32 s3, s0;
	s1 =	sshll.u32 s1, $0x11  }
0xbc: {  	s0 =	sor.u32 s1, s0  }
0xbd: {  	s0 =	sadd.s32 $0x8F2B, s0  }
0xbe: {  	[sflag:s0] =	ssyncadd.remote.s32 $0x1  }
0xbf: {  	_ =	sfence.sel $0xFFFF  }
0xc0: {  	[dreg:$0x0] =	wrdreg $0xFFFFFFFF;
	(pc) =	sbr.abs _section_cstart, $3  }
0xc1: {  	[dreg:$0x1] =	wrdreg $0xFFFFFFFF  }
0xc2: {  	_ =	task.clear_ibuf [dreg:s7], $0x2FFFF;
	_ =	strace $0x9FFFFFFF  }
0xc3: {  	(tm) =	ssettm $0x7FFFFFFF  }
tec
execute0_lowered:
.L_overlay_start_1:
0x0: {  	(tag) =	ssettag $0x1  }
0x1: {  	s2 =	rddreg [dreg:$0x0]  }
0x2: {  	s0 =	rddreg [dreg:$0x1]  }
0x3: {  	s3 =	rddreg [dreg:$0x2]  }
0x4: {  	s1 =	srdreg.scid;
	s14 =	stileid.u32;
	s4 =	simm.s32 $0x0  }
0x5: {  	s16 =	simm.s32 $0x14000;
	s17 =	simm.s32 $0x9;
	s18 =	simm.s32 $0x14100  }
0x6: {  	s19 =	simm.s32 $0x50;
	s28 =	simm.s32 $0x5;
	s29 =	simm.s32 $0x14200  }
0x7: {  	s30 =	simm.s32 $0x7;
	s31 =	simm.s32 $0x4;
	s1 =	sand.u32 $0x1, s1  }
0x8: {  	s5 =	sshll.u32 s14, $0x1;
	s6 =	smul.u32 $0x14000, s14;
	[smem:$0x7FF] =	sst s4  }
0x9: {  	s12 =	smul.u32 $0x50000, s14;
	s26 =	sshll.u32 s14, $0x6;
	s8 =	sor.u32 s1, s5  }
0xa: {  	s7 =	smul.u32 $0x140000, s1;
	_ =	strace $0x80000047;
	s1 =	ssub.s32 $0x2, s1  }
0xb: {  	s5 =	sshll.u32 s8, $0xC;
	s10 =	sshrl.u32 s6, $0x3;
	s20 =	sshrl.u32 s1, $0x1  }
0xc: {  	s21 =	sshrl.u32 s12, $0x2;
	s12 =	sadd.s32 $0x4E5040, s0;
	s9 =	sadd.s32 s5, s0  }
0xd: {  	s5 =	sadd.s32 $0xA05000, s0;
	s10 =	sadd.s32 s10, s0;
	s6 =	sadd.s32 s6, s7  }
0xe: {  	s1 =	ssub.s32 s1, s20;
	s22 =	sadd.s32 s21, s3;
	s20 =	simm.s32 $0x14300  }
0xf: {  	s7 =	sshrl.u32 s6, $0x3;
	s6 =	smul.u32 $0x2800, s8;
	s13 =	sadd.s32 $0x4E5000, s9  }
0x10: {  	s9 =	sadd.s32 $0x4E5020, s9;
	s23 =	sadd.s32 $0x3000, s10;
	[dreg:$0x4] =	wrdreg s13  }
0x11: {  	s25 =	smax.u32 s1, $0x1;
	s14 =	sshrl.u32 s22, $0x3;
	[dreg:$0x5] =	wrdreg s9  }
0x12: {  	s1 =	simm.s32 $0x14280;
	s11 =	sadd.s32 s7, s0;
	[dreg:$0x7] =	wrdreg s23  }
0x13: {  	s7 =	sshll.u32 s8, $0x7;
	s8 =	smul.u32 $0x28000, s8;
	[dreg:$0x9] =	wrdreg s25  }
0x14: {  	s25 =	simm.s32 $0x1BB00;
	s0 =	simm.s32 $0x6;
	[dreg:$0xa] =	wrdreg s14  }
0x15: {  	s13 =	sor.u32 $0xA0, s6;
	s24 =	sadd.s32 $0x2B000, s11;
	s11 =	sor.u32 $0x1C09, s26  }
0x16: {  	s26 =	simm.s32 $0x3;
	s8 =	sadd.s32 s5, s8;
	[dreg:$0x8] =	wrdreg s24  }
0x17: {  	s24 =	simm.s32 $0x16B00;
	[dreg:$0x6] =	wrdreg s8;
	s8 =	simm.s32 $0x0  }
.LBB2_1:
0x18: {  	s9 =	rddreg [dreg:$0x4]  }
0x19: {  	[tilespmem:s16], [sflag:$0x9] =	stream.linear.gather [hbm4b:s9+s4], $0x100, $0x38;
	[tilespmem:$0x1E300] =	vst v63  }
0x1a: {  	_ =	swait.ge [sflag:s17], $0x100  }
0x1b: {  	[sflag:s17] =	ssyncset.done $0x0  }
0x1c: {  	s15 =	rddreg [dreg:$0x5];
	[sflag:s17] =	ssyncadd.s32 $0xFFFFFF00  }
0x1d: {  	[tilespmem:s18], [sflag:$0x9] =	stream.linear.gather [hbm4b:s15+s4], $0x100, $0x38;
	[tilespmem:$0x1E300] =	vst v63  }
0x1e: {  	_ =	swait.ge [sflag:s17], $0x100  }
0x1f: {  	[sflag:s17] =	ssyncset.done $0x0  }
0x20: {  	[sflag:s17] =	ssyncadd.s32 $0xFFFFFF00  }
0x21: {  	v0 =	vld [tilespmem:$0x14080]  }
0x22: {  	v1 =	vld [tilespmem:$0x14090]  }
0x23: {  	v2 =	vld [tilespmem:$0x140A0]  }
0x24: {  	v3 =	vld [tilespmem:$0x140B0]  }
0x25: {  	v4 =	vld [tilespmem:$0x140C0]  }
0x26: {  	v59 =	vld [tilespmem:$0x14180];
	[tilespmem:$0x14200] =	vst v0  }
0x27: {  	v60 =	vld [tilespmem:$0x14190];
	[tilespmem:$0x14210] =	vst v1  }
0x28: {  	v61 =	vld [tilespmem:$0x141A0];
	[tilespmem:$0x14220] =	vst v2  }
0x29: {  	v62 =	vld [tilespmem:$0x141B0];
	[tilespmem:$0x14230] =	vst v3  }
0x2a: {  	v63 =	vld [tilespmem:$0x141C0];
	[tilespmem:$0x14240] =	vst v4  }
0x2b: {  	[tilespmem:$0x14280] =	vst v59  }
0x2c: {  	[tilespmem:$0x14290] =	vst v60  }
0x2d: {  	[tilespmem:$0x142A0] =	vst v61  }
0x2e: {  	[tilespmem:$0x142B0] =	vst v62  }
0x2f: {  	s21 =	rddreg [dreg:$0x6];
	[tilespmem:$0x142C0] =	vst v63  }
0x30: {  	[tilespmem:s20], [sflag:$0x3] =	stream.indirect.gather [hbm4b:s2+s19], $0x80, s16, s19, $0xb8;
	[tilespmem:$0x1E300] =	vst v63  }
0x31: {  	s10 =	simm.s32 $0x19300;
	s22 =	rddreg [dreg:$0x7]  }
0x32: {  	[tilespmem:s10], [sflag:$0x5] =	stream.linear.gather [hbm4b:s21+s4], $0x2800, $0x38;
	[tilespmem:$0x1E300] =	vst v63  }
0x33: {  	[spmem:s14], [sflag:s11] =	dma.local [hbm:s22], $0x2800  }
0x34: {  	_ =	swait.ge [sflag:s17], $0x2800  }
0x35: {  	[sflag:s17] =	ssyncset.done $0x0  }
0x36: {  	[sflag:s17] =	ssyncadd.s32 $0xFFFFD800  }
0x37: {  	s23 =	smov.u32 s11;
	s9 =	simm.s32 $0x0;
	[bflag:$0x0] =	sbarrier.arrive $0xFFFF  }
.LBB2_2:
0x38: {  	p0 =	seq.s32 s9, $0x0  }
0x39: {  	s10 =	simm.s32 @!p0 $0x8  }
0x3a: {  	_ =	swait.ge @!p0 [sflag:s10], $0x2800  }
0x3b: {  	[sflag:s10] =	ssyncset.done @!p0 $0x0  }
0x3c: {  	s11 =	sshll.u32 s9, $0x1;
	s14 =	simm.s32 @!p0 $0x2;
	[sflag:s10] =	ssyncadd.s32 @!p0 $0xFFFFD800  }
0x3d: {  	s10 =	sor.u32 @!p0 $0x1, s11;
	_ =	swait.ge @!p0 [sflag:s14], $0x100  }
0x3e: {  	s10 =	simm.s32 @p0 $0x1;
	[sflag:s14] =	ssyncset.done @!p0 $0x0  }
0x3f: {  	s22 =	smul.u32 $0x50, s10;
	[sflag:s14] =	ssyncadd.s32 @!p0 $0xFFFFFF00  }
0x40: {  	[tilespmem:s24], [sflag:$0x4] =	stream.indirect.gather [hbm4b:s2+s19], $0x80, s18, s19, $0xb8;
	[tilespmem:$0x1E300] =	vst v63  }
0x41: {  	s14 =	sadd.s32 s6, s22  }
0x42: {  	s14 =	sshll.u32 s14, $0x4  }
0x43: {  	s14 =	sadd.s32 s5, s14  }
0x44: {  	[tilespmem:s25], [sflag:$0x6] =	stream.linear.gather [hbm4b:s14+s4], $0x2800, $0x38;
	[tilespmem:$0x1E300] =	vst v63  }
0x45: {  	v0 =	vld @!p0 [tilespmem:$0x14180]  }
0x46: {  	v1 =	vld @!p0 [tilespmem:$0x14190]  }
0x47: {  	v2 =	vld @!p0 [tilespmem:$0x141A0]  }
0x48: {  	v3 =	vld @!p0 [tilespmem:$0x141B0]  }
0x49: {  	v4 =	vld @!p0 [tilespmem:$0x141C0]  }
0x4a: {  	p1 =	seq.s32 @!p0 s9, $0x3F;
	[tilespmem:$0x14280] =	vst @!p0 v0  }
0x4b: {  	p1 =	por p0, !p1;
	[tilespmem:$0x14290] =	vst @!p0 v1  }
0x4c: {  	s11 =	sadd.s32 @p1 s7, s11;
	[tilespmem:$0x142A0] =	vst @!p0 v2  }
0x4d: {  	s11 =	sshll.u32 @p1 s11, $0x5;
	[tilespmem:$0x142B0] =	vst @!p0 v3  }
0x4e: {  	s11 =	sadd.s32 @p1 s11, s12;
	[tilespmem:$0x142C0] =	vst @!p0 v4  }
0x4f: {  	[tilespmem:s16], [sflag:$0x1] =	stream.linear.gather @p1 [hbm4b:s11+s4], $0x100, $0x38;
	[tilespmem:$0x1E300] =	vst v63  }
0x50: {  	_ =	swait.ge [sflag:s26], $0x2800  }
0x51: {  	[sflag:s26] =	ssyncset.done $0x0  }
0x52: {  	[sflag:s26] =	ssyncadd.s32 $0xFFFFD800  }
0x53: {  	_ =	swait.ge [sflag:s28], $0x2800  }
0x54: {  	[sflag:s28] =	ssyncset.done $0x0  }
0x55: {  	s11 =	simm.s32 $0x14400;
	[sflag:s28] =	ssyncadd.s32 $0xFFFFD800  }
0x56: {  	s14 =	simm.s32 $0x19400;
	v0 =	vld [tilespmem:s11+$0x80]  }
0x57: {  	v1 =	vld [tilespmem:s14+$0x80]  }
0x58: {  	v2 =	vld [tilespmem:s14+$0xFFFFFF00]  }
0x59: {  	v3 =	vld [tilespmem:s11+$0xFFFFFF80]  }
0x5a: {  	v4 =	vld [tilespmem:s14+$0xFFFFFF80]  }
0x5b: {  	v5 =	vld [tilespmem:s14+$0x0]  }
0x5c: {  	v0 =	vadd.f32 v1, v0;
	v1 =	vld [tilespmem:s11+$0x0]  }
0x5d: {  	v6 =	vld [tilespmem:s11+$0xFFFFFF00]  }
0x5e: {  	v0 =	vmax.f32 v0, $0.0e+00  }
0x5f: {  	v3 =	vadd.f32 v4, v3;
	[tilespmem:s11+$0x80] =	vst v0;
	v0 =	vld [tilespmem:s11+$0x90]  }
0x60: {  	v7 =	vld [tilespmem:s14+$0x90]  }
0x61: {  	v8 =	vld [tilespmem:s11+$0xFFFFFF90];
	v3 =	vmax.f32 v3, $0.0e+00;
	v1 =	vadd.f32 v5, v1  }
0x62: {  	v4 =	vld [tilespmem:s11+$0xFFFFFF10];
	v2 =	vadd.f32 v2, v6;
	[tilespmem:s11+$0xFFFFFF80] =	vst v3  }
0x63: {  	v5 =	vld [tilespmem:s14+$0xFFFFFF90];
	v1 =	vmax.f32 v1, $0.0e+00  }
0x64: {  	v2 =	vmax.f32 v2, $0.0e+00;
	v3 =	vld [tilespmem:s11+$0x10];
	[tilespmem:s11+$0x0] =	vst v1  }
0x65: {  	[tilespmem:s11+$0xFFFFFF00] =	vst v2;
	v0 =	vadd.f32 v7, v0;
	v1 =	vld [tilespmem:s14+$0x10]  }
0x66: {  	v2 =	vld [tilespmem:s14+$0xFFFFFF10]  }
0x67: {  	v0 =	vmax.f32 v0, $0.0e+00  }
0x68: {  	v5 =	vadd.f32 v5, v8;
	[tilespmem:s11+$0x90] =	vst v0;
	v0 =	vld [tilespmem:s11+$0xA0]  }
0x69: {  	v7 =	vld [tilespmem:s14+$0xA0]  }
0x6a: {  	v6 =	vld [tilespmem:s11+$0xFFFFFF20];
	v5 =	vmax.f32 v5, $0.0e+00;
	v1 =	vadd.f32 v1, v3  }
0x6b: {  	v2 =	vadd.f32 v2, v4;
	v8 =	vld [tilespmem:s11+$0xFFFFFFA0];
	[tilespmem:s11+$0xFFFFFF90] =	vst v5  }
0x6c: {  	v4 =	vld [tilespmem:s14+$0xFFFFFFA0];
	v1 =	vmax.f32 v1, $0.0e+00  }
0x6d: {  	v2 =	vmax.f32 v2, $0.0e+00;
	v3 =	vld [tilespmem:s11+$0x20];
	[tilespmem:s11+$0x10] =	vst v1  }
0x6e: {  	[tilespmem:s11+$0xFFFFFF10] =	vst v2;
	v0 =	vadd.f32 v7, v0;
	v1 =	vld [tilespmem:s14+$0x20]  }
0x6f: {  	v2 =	vld [tilespmem:s14+$0xFFFFFF20]  }
0x70: {  	v0 =	vmax.f32 v0, $0.0e+00  }
0x71: {  	v4 =	vadd.f32 v4, v8;
	[tilespmem:s11+$0xA0] =	vst v0;
	v0 =	vld [tilespmem:s11+$0xB0]  }
0x72: {  	v7 =	vld [tilespmem:s14+$0xB0]  }
0x73: {  	v9 =	vld [tilespmem:s11+$0x30];
	v4 =	vmax.f32 v4, $0.0e+00;
	v1 =	vadd.f32 v1, v3  }
0x74: {  	v2 =	vadd.f32 v2, v6;
	v8 =	vld [tilespmem:s11+$0xFFFFFFB0];
	[tilespmem:s11+$0xFFFFFFA0] =	vst v4  }
0x75: {  	v3 =	vld [tilespmem:s14+$0xFFFFFFB0];
	v1 =	vmax.f32 v1, $0.0e+00  }
0x76: {  	v5 =	vld [tilespmem:s11+$0xFFFFFF30];
	[tilespmem:s11+$0x20] =	vst v1;
	v1 =	vmax.f32 v2, $0.0e+00  }
0x77: {  	v0 =	vadd.f32 v7, v0;
	[tilespmem:s11+$0xFFFFFF20] =	vst v1;
	v1 =	vld [tilespmem:s14+$0x30]  }
0x78: {  	v6 =	vld [tilespmem:s14+$0xFFFFFF30]  }
0x79: {  	v10 =	vld [tilespmem:s11+$0xFFFFFF40];
	v0 =	vmax.f32 v0, $0.0e+00  }
0x7a: {  	v3 =	vadd.f32 v3, v8;
	[tilespmem:s11+$0xB0] =	vst v0;
	v0 =	vld [tilespmem:s11+$0xC0]  }
0x7b: {  	v7 =	vld [tilespmem:s14+$0xC0]  }
0x7c: {  	v11 =	vld [tilespmem:s11+$0xFFFFFFD0];
	v3 =	vmax.f32 v3, $0.0e+00;
	v1 =	vadd.f32 v1, v9  }
0x7d: {  	v4 =	vld [tilespmem:s11+$0xFFFFFFC0];
	[tilespmem:s11+$0xFFFFFFB0] =	vst v3;
	v5 =	vadd.f32 v6, v5  }
0x7e: {  	v6 =	vld [tilespmem:s14+$0xFFFFFFC0];
	v1 =	vmax.f32 v1, $0.0e+00  }
0x7f: {  	v2 =	vld [tilespmem:s11+$0x40];
	[tilespmem:s11+$0x30] =	vst v1;
	v1 =	vmax.f32 v5, $0.0e+00  }
0x80: {  	v0 =	vadd.f32 v7, v0;
	v5 =	vld [tilespmem:s14+$0x40];
	[tilespmem:s11+$0xFFFFFF30] =	vst v1  }
0x81: {  	v1 =	vld [tilespmem:s14+$0xFFFFFF40]  }
0x82: {  	v8 =	vld [tilespmem:s11+$0xFFFFFF50];
	v0 =	vmax.f32 v0, $0.0e+00  }
0x83: {  	[tilespmem:s11+$0xC0] =	vst v0;
	v0 =	vadd.f32 v6, v4;
	v6 =	vld [tilespmem:s11+$0xD0]  }
0x84: {  	v7 =	vld [tilespmem:s14+$0xD0]  }
0x85: {  	v3 =	vld [tilespmem:s11+$0xFFFFFF60];
	v0 =	vmax.f32 v0, $0.0e+00;
	v2 =	vadd.f32 v5, v2  }
0x86: {  	v9 =	vld [tilespmem:s11+$0x50];
	[tilespmem:s11+$0xFFFFFFC0] =	vst v0;
	v0 =	vadd.f32 v1, v10  }
0x87: {  	v1 =	vld [tilespmem:s14+$0xFFFFFFD0];
	v2 =	vmax.f32 v2, $0.0e+00  }
0x88: {  	v4 =	vld [tilespmem:s11+$0xFFFFFFE0];
	[tilespmem:s11+$0x40] =	vst v2;
	v0 =	vmax.f32 v0, $0.0e+00  }
0x89: {  	v2 =	vld [tilespmem:s14+$0x50];
	v6 =	vadd.f32 v7, v6;
	[tilespmem:s11+$0xFFFFFF40] =	vst v0  }
0x8a: {  	v0 =	vld [tilespmem:s14+$0xFFFFFF50]  }
0x8b: {  	v5 =	vld [tilespmem:s11+$0x60];
	v6 =	vmax.f32 v6, $0.0e+00  }
0x8c: {  	v1 =	vadd.f32 v1, v11;
	[tilespmem:s11+$0xD0] =	vst v6;
	v6 =	vld [tilespmem:s11+$0xE0]  }
0x8d: {  	v10 =	vld [tilespmem:s14+$0xE0]  }
0x8e: {  	v1 =	vmax.f32 v1, $0.0e+00;
	v7 =	vadd.f32 v2, v9;
	v2 =	vld [tilespmem:s11+$0xFFFFFF70]  }
0x8f: {  	[tilespmem:s11+$0xFFFFFFD0] =	vst v1;
	v0 =	vadd.f32 v0, v8;
	v1 =	vld [tilespmem:s11+$0xFFFFFFF0]  }
0x90: {  	v8 =	vmax.f32 v7, $0.0e+00;
	v7 =	vld [tilespmem:s14+$0xFFFFFFE0]  }
0x91: {  	[tilespmem:s11+$0x50] =	vst v8;
	v8 =	vmax.f32 v0, $0.0e+00;
	v0 =	vld [tilespmem:s11+$0x70]  }
0x92: {  	[tilespmem:s11+$0xFFFFFF50] =	vst v8;
	v8 =	vld [tilespmem:s14+$0x60];
	v6 =	vadd.f32 v10, v6  }
0x93: {  	s15 =	simm.s32 $0x0;
	p0 =	por @!p0 $0x1, $0x1;
	v9 =	vld [tilespmem:s14+$0xFFFFFF60]  }
0x94: {  	s21 =	simm.s32 $0x14600;
	s22 =	simm.s32 $0x19400;
	p0 =	por @p1 $0x0, $0x0;
	v10 =	vmax.f32 v6, $0.0e+00;
	v6 =	vld [tilespmem:s11+$0xF0]  }
.LBB2_3:
0x95: {  	v11 =	vld [tilespmem:s21+$0x80];
	v4 =	vadd.f32 v7, v4;
	[tilespmem:s11+$0xE0] =	vst v10  }
0x96: {  	s22 =	sadd.s32 $0x200, s22;
	v7 =	vld [tilespmem:s14+$0xF0]  }
0x97: {  	s15 =	sadd.s32 $0x4, s15;
	v10 =	vld [tilespmem:s22+$0x80];
	v4 =	vmax.f32 v4, $0.0e+00;
	v5 =	vadd.f32 v8, v5  }
0x98: {  	p1 =	slt.u32 s15, $0x4C;
	v8 =	vld [tilespmem:s22+$0xFFFFFF00];
	v3 =	vadd.f32 v9, v3;
	[tilespmem:s11+$0xFFFFFFE0] =	vst v4  }
0x99: {  	v4 =	vld [tilespmem:s21+$0xFFFFFF80];
	v5 =	vmax.f32 v5, $0.0e+00  }
0x9a: {  	v9 =	vld [tilespmem:s22+$0xFFFFFF80];
	v3 =	vmax.f32 v3, $0.0e+00;
	[tilespmem:s11+$0x60] =	vst v5  }
0x9b: {  	v5 =	vld [tilespmem:s21+$0x0];
	[tilespmem:s11+$0xFFFFFF60] =	vst v3;
	v3 =	vadd.f32 v7, v6  }
0x9c: {  	v6 =	vld [tilespmem:s22+$0x0];
	v7 =	vadd.f32 v10, v11  }
0x9d: {  	v10 =	vld [tilespmem:s21+$0xFFFFFF00];
	v3 =	vmax.f32 v3, $0.0e+00  }
0x9e: {  	v11 =	vld [tilespmem:s21+$0xFFFFFF10];
	v7 =	vmax.f32 v7, $0.0e+00;
	[tilespmem:s11+$0xF0] =	vst v3  }
0x9f: {  	v3 =	vadd.f32 v9, v4;
	[tilespmem:s21+$0x80] =	vst v7;
	v4 =	vld [tilespmem:s21+$0x90]  }
0xa0: {  	v7 =	vld [tilespmem:s22+$0x90]  }
0xa1: {  	v3 =	vmax.f32 v3, $0.0e+00;
	v9 =	vld [tilespmem:s21+$0xFFFFFF90];
	v5 =	vadd.f32 v6, v5  }
0xa2: {  	v6 =	vadd.f32 v8, v10;
	[tilespmem:s21+$0xFFFFFF80] =	vst v3;
	v3 =	vld [tilespmem:s21+$0x10]  }
0xa3: {  	v8 =	vld [tilespmem:s22+$0xFFFFFF90];
	v5 =	vmax.f32 v5, $0.0e+00  }
0xa4: {  	v6 =	vmax.f32 v6, $0.0e+00;
	v10 =	vld [tilespmem:s21+$0xFFFFFF20];
	[tilespmem:s21+$0x0] =	vst v5  }
0xa5: {  	[tilespmem:s21+$0xFFFFFF00] =	vst v6;
	v5 =	vld [tilespmem:s22+$0x10];
	v4 =	vadd.f32 v7, v4  }
0xa6: {  	v6 =	vld [tilespmem:s22+$0xFFFFFF10]  }
0xa7: {  	v7 =	vld [tilespmem:s21+$0xFFFFFFA0];
	v4 =	vmax.f32 v4, $0.0e+00  }
0xa8: {  	v8 =	vadd.f32 v8, v9;
	[tilespmem:s21+$0x90] =	vst v4;
	v4 =	vld [tilespmem:s21+$0xA0]  }
0xa9: {  	v9 =	vld [tilespmem:s22+$0xA0]  }
0xaa: {  	v8 =	vmax.f32 v8, $0.0e+00;
	v3 =	vadd.f32 v5, v3;
	v5 =	vld [tilespmem:s21+$0x20]  }
0xab: {  	v6 =	vadd.f32 v6, v11;
	v11 =	vld [tilespmem:s21+$0xFFFFFF30];
	[tilespmem:s21+$0xFFFFFF90] =	vst v8  }
0xac: {  	v8 =	vld [tilespmem:s22+$0xFFFFFFA0];
	v3 =	vmax.f32 v3, $0.0e+00  }
0xad: {  	v6 =	vmax.f32 v6, $0.0e+00;
	v12 =	vld [tilespmem:s21+$0xFFFFFFB0];
	[tilespmem:s21+$0x10] =	vst v3  }
0xae: {  	[tilespmem:s21+$0xFFFFFF10] =	vst v6;
	v3 =	vld [tilespmem:s22+$0x20];
	v4 =	vadd.f32 v9, v4  }
0xaf: {  	v6 =	vld [tilespmem:s22+$0xFFFFFF20]  }
0xb0: {  	v9 =	vld [tilespmem:s21+$0x30];
	v4 =	vmax.f32 v4, $0.0e+00  }
0xb1: {  	v7 =	vadd.f32 v8, v7;
	[tilespmem:s21+$0xA0] =	vst v4;
	v4 =	vld [tilespmem:s21+$0xB0]  }
0xb2: {  	v8 =	vld [tilespmem:s22+$0xB0]  }
0xb3: {  	v13 =	vld [tilespmem:s21+$0xFFFFFF40];
	v7 =	vmax.f32 v7, $0.0e+00;
	v3 =	vadd.f32 v3, v5  }
0xb4: {  	v5 =	vadd.f32 v6, v10;
	[tilespmem:s21+$0xFFFFFFA0] =	vst v7;
	v6 =	vld [tilespmem:s21+$0xFFFFFFC0]  }
0xb5: {  	v7 =	vld [tilespmem:s22+$0xFFFFFFB0];
	v3 =	vmax.f32 v3, $0.0e+00  }
0xb6: {  	v5 =	vmax.f32 v5, $0.0e+00;
	[tilespmem:s21+$0x20] =	vst v3;
	v10 =	vld [tilespmem:s21+$0x40]  }
0xb7: {  	[tilespmem:s21+$0xFFFFFF20] =	vst v5;
	v3 =	vld [tilespmem:s22+$0x30];
	v4 =	vadd.f32 v8, v4  }
0xb8: {  	v5 =	vld [tilespmem:s22+$0xFFFFFF30]  }
0xb9: {  	v8 =	vld [tilespmem:s21+$0xFFFFFF50];
	v4 =	vmax.f32 v4, $0.0e+00  }
0xba: {  	v7 =	vadd.f32 v7, v12;
	[tilespmem:s21+$0xB0] =	vst v4;
	v4 =	vld [tilespmem:s21+$0xC0]  }
0xbb: {  	v12 =	vld [tilespmem:s22+$0xC0]  }
0xbc: {  	v7 =	vmax.f32 v7, $0.0e+00;
	v14 =	vld [tilespmem:s21+$0xFFFFFFD0];
	v3 =	vadd.f32 v3, v9  }
0xbd: {  	v5 =	vadd.f32 v5, v11;
	[tilespmem:s21+$0xFFFFFFB0] =	vst v7;
	v7 =	vld [tilespmem:s21+$0x50]  }
0xbe: {  	v9 =	vld [tilespmem:s22+$0xFFFFFFC0];
	v11 =	vmax.f32 v3, $0.0e+00  }
0xbf: {  	v5 =	vmax.f32 v5, $0.0e+00;
	v3 =	vld [tilespmem:s21+$0xFFFFFF60];
	[tilespmem:s21+$0x30] =	vst v11  }
0xc0: {  	[tilespmem:s21+$0xFFFFFF30] =	vst v5;
	v5 =	vld [tilespmem:s22+$0x40];
	v11 =	vadd.f32 v12, v4  }
0xc1: {  	v12 =	vld [tilespmem:s22+$0xFFFFFF40]  }
0xc2: {  	v4 =	vld [tilespmem:s21+$0xFFFFFFE0];
	v11 =	vmax.f32 v11, $0.0e+00  }
0xc3: {  	v6 =	vadd.f32 v9, v6;
	[tilespmem:s21+$0xC0] =	vst v11;
	v9 =	vld [tilespmem:s21+$0xD0]  }
0xc4: {  	v11 =	vld [tilespmem:s22+$0xD0]  }
0xc5: {  	v6 =	vmax.f32 v6, $0.0e+00;
	v10 =	vadd.f32 v5, v10;
	v5 =	vld [tilespmem:s21+$0x60]  }
0xc6: {  	v12 =	vadd.f32 v12, v13;
	[tilespmem:s21+$0xFFFFFFC0] =	vst v6;
	v6 =	vld [tilespmem:s14+$0xFFFFFF70]  }
0xc7: {  	v13 =	vld [tilespmem:s22+$0xFFFFFFD0];
	v10 =	vmax.f32 v10, $0.0e+00  }
0xc8: {  	v12 =	vmax.f32 v12, $0.0e+00;
	[tilespmem:s21+$0x40] =	vst v10;
	v10 =	vld [tilespmem:s14+$0xFFFFFFF0]  }
0xc9: {  	[tilespmem:s21+$0xFFFFFF40] =	vst v12;
	v12 =	vld [tilespmem:s22+$0x50];
	v9 =	vadd.f32 v11, v9  }
0xca: {  	v11 =	vld [tilespmem:s22+$0xFFFFFF50]  }
0xcb: {  	v9 =	vmax.f32 v9, $0.0e+00;
	v2 =	vadd.f32 v6, v2;
	v6 =	vld [tilespmem:s14+$0x70];
	s14 =	smov.u32 s22  }
0xcc: {  	v13 =	vadd.f32 v13, v14;
	[tilespmem:s21+$0xD0] =	vst v9;
	v9 =	vld [tilespmem:s21+$0xE0]  }
0xcd: {  	v14 =	vld [tilespmem:s22+$0xE0];
	v15 =	vmax.f32 v2, $0.0e+00;
	v10 =	vadd.f32 v10, v1  }
0xce: {  	v2 =	vld [tilespmem:s21+$0xFFFFFF70];
	v1 =	vmax.f32 v13, $0.0e+00;
	v12 =	vadd.f32 v12, v7;
	[tilespmem:s11+$0xFFFFFF70] =	vst v15  }
0xcf: {  	v8 =	vadd.f32 v11, v8;
	[tilespmem:s21+$0xFFFFFFD0] =	vst v1;
	v1 =	vld [tilespmem:s21+$0xFFFFFFF0];
	v10 =	vmax.f32 v10, $0.0e+00  }
.Ltmp0:
0xd0: {  	v7 =	vld [tilespmem:s22+$0xFFFFFFE0];
	v11 =	vmax.f32 v12, $0.0e+00;
	[tilespmem:s11+$0xFFFFFFF0] =	vst v10;
	v6 =	vadd.f32 v6, v0;
	(pc) =	sbr.rel @p1 .LBB2_3-.Ltmp0, $4  }
0xd1: {  	v8 =	vmax.f32 v8, $0.0e+00;
	[tilespmem:s21+$0x50] =	vst v11;
	v0 =	vld [tilespmem:s21+$0x70]  }
0xd2: {  	[tilespmem:s21+$0xFFFFFF50] =	vst v8;
	v8 =	vld [tilespmem:s22+$0x60];
	v10 =	vadd.f32 v14, v9;
	v6 =	vmax.f32 v6, $0.0e+00  }
0xd3: {  	v9 =	vld [tilespmem:s22+$0xFFFFFF60];
	[tilespmem:s11+$0x70] =	vst v6;
	s11 =	smov.u32 s21  }
0xd4: {  	s21 =	sadd.s32 $0x200, s21;
	v10 =	vmax.f32 v10, $0.0e+00;
	v6 =	vld [tilespmem:s11+$0xF0]  }
0xd5: {  	_ =	sdelay $0x2  }
0xd6: {  	v3 =	vadd.f32 v9, v3  }
0xd7: {  	v4 =	vadd.f32 v7, v4  }
0xd8: {  	[tilespmem:s11+$0xE0] =	vst v10;
	v5 =	vadd.f32 v8, v5;
	v3 =	vmax.f32 v3, $0.0e+00  }
0xd9: {  	v7 =	vld [tilespmem:s14+$0xF0];
	v4 =	vmax.f32 v4, $0.0e+00;
	[tilespmem:s11+$0xFFFFFF60] =	vst v3  }
0xda: {  	[tilespmem:s11+$0xFFFFFFE0] =	vst v4;
	v3 =	vmax.f32 v5, $0.0e+00;
	v4 =	vld [tilespmem:s14+$0xFFFFFF70]  }
0xdb: {  	[tilespmem:s11+$0x60] =	vst v3;
	v3 =	vld [tilespmem:s14+$0xFFFFFFF0]  }
0xdc: {  	v5 =	vld [tilespmem:s14+$0x70];
	_ =	sdelay $0x1  }
0xdd: {  	v6 =	vadd.f32 v7, v6  }
0xde: {  	v2 =	vadd.f32 v4, v2  }
0xdf: {  	v4 =	vmax.f32 v6, $0.0e+00;
	v1 =	vadd.f32 v3, v1  }
0xe0: {  	[tilespmem:s11+$0xF0] =	vst v4;
	v0 =	vadd.f32 v5, v0;
	v2 =	vmax.f32 v2, $0.0e+00  }
0xe1: {  	v1 =	vmax.f32 v1, $0.0e+00;
	[tilespmem:s11+$0xFFFFFF70] =	vst v2  }
0xe2: {  	[tilespmem:s11+$0xFFFFFFF0] =	vst v1;
	v0 =	vmax.f32 v0, $0.0e+00  }
0xe3: {  	[tilespmem:s11+$0x70] =	vst v0  }
0xe4: {  	[spmem:s3] =	stream.indirect.scatter.add.f32 [tilespmem:s20], [sflag:$0x7], $0x80, s29, s19, $0xb8;
	[tilespmem:$0x1E300] =	vst v63  }
0xe5: {  	_ =	swait.ge [sflag:s30], $0x2800  }
0xe6: {  	[sflag:s30] =	ssyncset.done $0x0  }
0xe7: {  	s11 =	simm.s32 @!p0 $0x1;
	[sflag:s30] =	ssyncadd.s32 $0xFFFFD800  }
0xe8: {  	_ =	swait.ge @!p0 [sflag:s11], $0x100  }
0xe9: {  	s15 =	simm.s32 @!p0 $0x14300;
	s21 =	smul.u32 @!p0 $0xA0, s9;
	[sflag:s11] =	ssyncset.done @!p0 $0x0  }
0xea: {  	s14 =	simm.s32 @!p0 $0x14000;
	[sflag:s11] =	ssyncadd.s32 @!p0 $0xFFFFFF00;
	s11 =	simm.s32 @!p0 $0x50  }
0xeb: {  	[tilespmem:s15], [sflag:$0x3] =	stream.indirect.gather @!p0 [hbm4b:s2+s11], $0x80, s14, s11, $0xb8;
	[tilespmem:$0x1E300] =	vst v63  }
0xec: {  	s11 =	sadd.s32 @!p0 s21, s13  }
0xed: {  	s11 =	sshll.u32 @!p0 s11, $0x4  }
0xee: {  	s14 =	simm.s32 @!p0 $0x0;
	s15 =	simm.s32 @!p0 $0x19300;
	s11 =	sadd.s32 @!p0 s5, s11  }
0xef: {  	[tilespmem:s15], [sflag:$0x5] =	stream.linear.gather @!p0 [hbm4b:s11+s14], $0x2800, $0x38;
	[tilespmem:$0x1E300] =	vst v63  }
0xf0: {  	v0 =	vld @!p0 [tilespmem:$0x14080]  }
0xf1: {  	v1 =	vld @!p0 [tilespmem:$0x14090]  }
0xf2: {  	v2 =	vld @!p0 [tilespmem:$0x140A0]  }
0xf3: {  	v3 =	vld @!p0 [tilespmem:$0x140B0]  }
0xf4: {  	v4 =	vld @!p0 [tilespmem:$0x140C0]  }
0xf5: {  	[tilespmem:$0x14200] =	vst @!p0 v0  }
0xf6: {  	[tilespmem:$0x14210] =	vst @!p0 v1  }
0xf7: {  	s10 =	sadd.s32 @!p0 s7, s10;
	[tilespmem:$0x14220] =	vst @!p0 v2  }
0xf8: {  	s10 =	sshll.u32 @!p0 s10, $0x5;
	[tilespmem:$0x14230] =	vst @!p0 v3  }
0xf9: {  	s10 =	sadd.s32 @!p0 s10, s12;
	s11 =	simm.s32 @!p0 $0x14100;
	[tilespmem:$0x14240] =	vst @!p0 v4  }
0xfa: {  	[tilespmem:s11], [sflag:$0x2] =	stream.linear.gather @!p0 [hbm4b:s10+s14], $0x100, $0x38;
	[tilespmem:$0x1E300] =	vst v63  }
0xfb: {  	_ =	swait.ge [sflag:s31], $0x2800  }
0xfc: {  	[sflag:s31] =	ssyncset.done $0x0  }
0xfd: {  	[sflag:s31] =	ssyncadd.s32 $0xFFFFD800  }
0xfe: {  	_ =	swait.ge [sflag:s0], $0x2800  }
0xff: {  	[sflag:s0] =	ssyncset.done $0x0  }
0x100: {  	s10 =	simm.s32 $0x16CF0;
	[sflag:s0] =	ssyncadd.s32 $0xFFFFD800  }
0x101: {  	s11 =	simm.s32 $0x1BCF0;
	v0 =	vld [tilespmem:s10+$0xFFFFFF90]  }
0x102: {  	v1 =	vld [tilespmem:s11+$0xFFFFFF90]  }
0x103: {  	v2 =	vld [tilespmem:s11+$0xFFFFFE10]  }
0x104: {  	v3 =	vld [tilespmem:s10+$0xFFFFFE90]  }
0x105: {  	v4 =	vld [tilespmem:s11+$0xFFFFFE90]  }
0x106: {  	v5 =	vld [tilespmem:s11+$0xFFFFFF10]  }
0x107: {  	v0 =	vadd.f32 v1, v0;
	v1 =	vld [tilespmem:s10+$0xFFFFFF10]  }
0x108: {  	v6 =	vld [tilespmem:s10+$0xFFFFFE10]  }
0x109: {  	v0 =	vmax.f32 v0, $0.0e+00  }
0x10a: {  	v3 =	vadd.f32 v4, v3;
	[tilespmem:s10+$0xFFFFFF90] =	vst v0;
	v0 =	vld [tilespmem:s10+$0xFFFFFFA0]  }
0x10b: {  	v7 =	vld [tilespmem:s11+$0xFFFFFFA0]  }
0x10c: {  	v8 =	vld [tilespmem:s10+$0xFFFFFEA0];
	v3 =	vmax.f32 v3, $0.0e+00;
	v1 =	vadd.f32 v5, v1  }
0x10d: {  	v4 =	vld [tilespmem:s10+$0xFFFFFE20];
	v2 =	vadd.f32 v2, v6;
	[tilespmem:s10+$0xFFFFFE90] =	vst v3  }
0x10e: {  	v5 =	vld [tilespmem:s11+$0xFFFFFEA0];
	v1 =	vmax.f32 v1, $0.0e+00  }
0x10f: {  	v2 =	vmax.f32 v2, $0.0e+00;
	v3 =	vld [tilespmem:s10+$0xFFFFFF20];
	[tilespmem:s10+$0xFFFFFF10] =	vst v1  }
0x110: {  	[tilespmem:s10+$0xFFFFFE10] =	vst v2;
	v0 =	vadd.f32 v7, v0;
	v1 =	vld [tilespmem:s11+$0xFFFFFF20]  }
0x111: {  	v2 =	vld [tilespmem:s11+$0xFFFFFE20]  }
0x112: {  	v0 =	vmax.f32 v0, $0.0e+00  }
0x113: {  	v5 =	vadd.f32 v5, v8;
	[tilespmem:s10+$0xFFFFFFA0] =	vst v0;
	v0 =	vld [tilespmem:s10+$0xFFFFFFB0]  }
0x114: {  	v7 =	vld [tilespmem:s11+$0xFFFFFFB0]  }
0x115: {  	v6 =	vld [tilespmem:s10+$0xFFFFFE30];
	v5 =	vmax.f32 v5, $0.0e+00;
	v1 =	vadd.f32 v1, v3  }
0x116: {  	v2 =	vadd.f32 v2, v4;
	v8 =	vld [tilespmem:s10+$0xFFFFFEB0];
	[tilespmem:s10+$0xFFFFFEA0] =	vst v5  }
0x117: {  	v4 =	vld [tilespmem:s11+$0xFFFFFEB0];
	v1 =	vmax.f32 v1, $0.0e+00  }
0x118: {  	v2 =	vmax.f32 v2, $0.0e+00;
	v3 =	vld [tilespmem:s10+$0xFFFFFF30];
	[tilespmem:s10+$0xFFFFFF20] =	vst v1  }
0x119: {  	[tilespmem:s10+$0xFFFFFE20] =	vst v2;
	v0 =	vadd.f32 v7, v0;
	v1 =	vld [tilespmem:s11+$0xFFFFFF30]  }
0x11a: {  	v2 =	vld [tilespmem:s11+$0xFFFFFE30]  }
0x11b: {  	v0 =	vmax.f32 v0, $0.0e+00  }
0x11c: {  	v4 =	vadd.f32 v4, v8;
	[tilespmem:s10+$0xFFFFFFB0] =	vst v0;
	v0 =	vld [tilespmem:s10+$0xFFFFFFC0]  }
0x11d: {  	v7 =	vld [tilespmem:s11+$0xFFFFFFC0]  }
0x11e: {  	v9 =	vld [tilespmem:s10+$0xFFFFFF40];
	v4 =	vmax.f32 v4, $0.0e+00;
	v1 =	vadd.f32 v1, v3  }
0x11f: {  	v2 =	vadd.f32 v2, v6;
	v8 =	vld [tilespmem:s10+$0xFFFFFEC0];
	[tilespmem:s10+$0xFFFFFEB0] =	vst v4  }
0x120: {  	v3 =	vld [tilespmem:s11+$0xFFFFFEC0];
	v1 =	vmax.f32 v1, $0.0e+00  }
0x121: {  	v5 =	vld [tilespmem:s10+$0xFFFFFE40];
	[tilespmem:s10+$0xFFFFFF30] =	vst v1;
	v1 =	vmax.f32 v2, $0.0e+00  }
0x122: {  	v0 =	vadd.f32 v7, v0;
	[tilespmem:s10+$0xFFFFFE30] =	vst v1;
	v1 =	vld [tilespmem:s11+$0xFFFFFF40]  }
0x123: {  	v6 =	vld [tilespmem:s11+$0xFFFFFE40]  }
0x124: {  	v10 =	vld [tilespmem:s10+$0xFFFFFE50];
	v0 =	vmax.f32 v0, $0.0e+00  }
0x125: {  	v3 =	vadd.f32 v3, v8;
	[tilespmem:s10+$0xFFFFFFC0] =	vst v0;
	v0 =	vld [tilespmem:s10+$0xFFFFFFD0]  }
0x126: {  	v7 =	vld [tilespmem:s11+$0xFFFFFFD0]  }
0x127: {  	v11 =	vld [tilespmem:s10+$0xFFFFFEE0];
	v3 =	vmax.f32 v3, $0.0e+00;
	v1 =	vadd.f32 v1, v9  }
0x128: {  	v4 =	vld [tilespmem:s10+$0xFFFFFED0];
	[tilespmem:s10+$0xFFFFFEC0] =	vst v3;
	v5 =	vadd.f32 v6, v5  }
0x129: {  	v6 =	vld [tilespmem:s11+$0xFFFFFED0];
	v1 =	vmax.f32 v1, $0.0e+00  }
0x12a: {  	v2 =	vld [tilespmem:s10+$0xFFFFFF50];
	[tilespmem:s10+$0xFFFFFF40] =	vst v1;
	v1 =	vmax.f32 v5, $0.0e+00  }
0x12b: {  	v0 =	vadd.f32 v7, v0;
	v5 =	vld [tilespmem:s11+$0xFFFFFF50];
	[tilespmem:s10+$0xFFFFFE40] =	vst v1  }
0x12c: {  	v1 =	vld [tilespmem:s11+$0xFFFFFE50]  }
0x12d: {  	v8 =	vld [tilespmem:s10+$0xFFFFFE60];
	v0 =	vmax.f32 v0, $0.0e+00  }
0x12e: {  	[tilespmem:s10+$0xFFFFFFD0] =	vst v0;
	v0 =	vadd.f32 v6, v4;
	v6 =	vld [tilespmem:s10+$0xFFFFFFE0]  }
0x12f: {  	v7 =	vld [tilespmem:s11+$0xFFFFFFE0]  }
0x130: {  	v3 =	vld [tilespmem:s10+$0xFFFFFE70];
	v0 =	vmax.f32 v0, $0.0e+00;
	v2 =	vadd.f32 v5, v2  }
0x131: {  	v9 =	vld [tilespmem:s10+$0xFFFFFF60];
	[tilespmem:s10+$0xFFFFFED0] =	vst v0;
	v0 =	vadd.f32 v1, v10  }
0x132: {  	v1 =	vld [tilespmem:s11+$0xFFFFFEE0];
	v2 =	vmax.f32 v2, $0.0e+00  }
0x133: {  	v4 =	vld [tilespmem:s10+$0xFFFFFEF0];
	[tilespmem:s10+$0xFFFFFF50] =	vst v2;
	v0 =	vmax.f32 v0, $0.0e+00  }
0x134: {  	v2 =	vld [tilespmem:s11+$0xFFFFFF60];
	v6 =	vadd.f32 v7, v6;
	[tilespmem:s10+$0xFFFFFE50] =	vst v0  }
0x135: {  	v0 =	vld [tilespmem:s11+$0xFFFFFE60]  }
0x136: {  	v5 =	vld [tilespmem:s10+$0xFFFFFF70];
	v6 =	vmax.f32 v6, $0.0e+00  }
0x137: {  	v1 =	vadd.f32 v1, v11;
	[tilespmem:s10+$0xFFFFFFE0] =	vst v6;
	v6 =	vld [tilespmem:s10+$0xFFFFFFF0]  }
0x138: {  	v10 =	vld [tilespmem:s11+$0xFFFFFFF0]  }
0x139: {  	v1 =	vmax.f32 v1, $0.0e+00;
	v7 =	vadd.f32 v2, v9;
	v2 =	vld [tilespmem:s10+$0xFFFFFE80]  }
0x13a: {  	[tilespmem:s10+$0xFFFFFEE0] =	vst v1;
	v0 =	vadd.f32 v0, v8;
	v1 =	vld [tilespmem:s10+$0xFFFFFF00]  }
0x13b: {  	v8 =	vmax.f32 v7, $0.0e+00;
	v7 =	vld [tilespmem:s11+$0xFFFFFEF0]  }
0x13c: {  	[tilespmem:s10+$0xFFFFFF60] =	vst v8;
	v8 =	vmax.f32 v0, $0.0e+00;
	v0 =	vld [tilespmem:s10+$0xFFFFFF80]  }
0x13d: {  	[tilespmem:s10+$0xFFFFFE60] =	vst v8;
	v8 =	vld [tilespmem:s11+$0xFFFFFF70];
	v6 =	vadd.f32 v10, v6  }
0x13e: {  	v9 =	vld [tilespmem:s11+$0xFFFFFE70]  }
0x13f: {  	s21 =	simm.s32 $0x1BCF0;
	s15 =	simm.s32 $0x16EF0;
	s14 =	simm.s32 $0x0;
	v10 =	vmax.f32 v6, $0.0e+00;
	v6 =	vld [tilespmem:s10+$0x0]  }
.LBB2_5:
0x140: {  	v11 =	vld [tilespmem:s15+$0xFFFFFF90];
	v4 =	vadd.f32 v7, v4;
	[tilespmem:s10+$0xFFFFFFF0] =	vst v10  }
0x141: {  	s21 =	sadd.s32 $0x200, s21;
	v7 =	vld [tilespmem:s11+$0x0]  }
0x142: {  	s14 =	sadd.s32 $0x4, s14;
	v10 =	vld [tilespmem:s21+$0xFFFFFF90];
	v4 =	vmax.f32 v4, $0.0e+00;
	v5 =	vadd.f32 v8, v5  }
0x143: {  	p0 =	slt.u32 s14, $0x4C;
	v8 =	vld [tilespmem:s21+$0xFFFFFE10];
	v3 =	vadd.f32 v9, v3;
	[tilespmem:s10+$0xFFFFFEF0] =	vst v4  }
0x144: {  	v4 =	vld [tilespmem:s15+$0xFFFFFE90];
	v5 =	vmax.f32 v5, $0.0e+00  }
0x145: {  	v9 =	vld [tilespmem:s21+$0xFFFFFE90];
	v3 =	vmax.f32 v3, $0.0e+00;
	[tilespmem:s10+$0xFFFFFF70] =	vst v5  }
0x146: {  	v5 =	vld [tilespmem:s15+$0xFFFFFF10];
	[tilespmem:s10+$0xFFFFFE70] =	vst v3;
	v3 =	vadd.f32 v7, v6  }
0x147: {  	v6 =	vld [tilespmem:s21+$0xFFFFFF10];
	v7 =	vadd.f32 v10, v11  }
0x148: {  	v10 =	vld [tilespmem:s15+$0xFFFFFE10];
	v3 =	vmax.f32 v3, $0.0e+00  }
0x149: {  	v11 =	vld [tilespmem:s15+$0xFFFFFE20];
	v7 =	vmax.f32 v7, $0.0e+00;
	[tilespmem:s10+$0x0] =	vst v3  }
0x14a: {  	v3 =	vadd.f32 v9, v4;
	[tilespmem:s15+$0xFFFFFF90] =	vst v7;
	v4 =	vld [tilespmem:s15+$0xFFFFFFA0]  }
0x14b: {  	v7 =	vld [tilespmem:s21+$0xFFFFFFA0]  }
0x14c: {  	v3 =	vmax.f32 v3, $0.0e+00;
	v9 =	vld [tilespmem:s15+$0xFFFFFEA0];
	v5 =	vadd.f32 v6, v5  }
0x14d: {  	v6 =	vadd.f32 v8, v10;
	[tilespmem:s15+$0xFFFFFE90] =	vst v3;
	v3 =	vld [tilespmem:s15+$0xFFFFFF20]  }
0x14e: {  	v8 =	vld [tilespmem:s21+$0xFFFFFEA0];
	v5 =	vmax.f32 v5, $0.0e+00  }
0x14f: {  	v6 =	vmax.f32 v6, $0.0e+00;
	v10 =	vld [tilespmem:s15+$0xFFFFFE30];
	[tilespmem:s15+$0xFFFFFF10] =	vst v5  }
0x150: {  	[tilespmem:s15+$0xFFFFFE10] =	vst v6;
	v5 =	vld [tilespmem:s21+$0xFFFFFF20];
	v4 =	vadd.f32 v7, v4  }
0x151: {  	v6 =	vld [tilespmem:s21+$0xFFFFFE20]  }
0x152: {  	v7 =	vld [tilespmem:s15+$0xFFFFFEB0];
	v4 =	vmax.f32 v4, $0.0e+00  }
0x153: {  	v8 =	vadd.f32 v8, v9;
	[tilespmem:s15+$0xFFFFFFA0] =	vst v4;
	v4 =	vld [tilespmem:s15+$0xFFFFFFB0]  }
0x154: {  	v9 =	vld [tilespmem:s21+$0xFFFFFFB0]  }
0x155: {  	v8 =	vmax.f32 v8, $0.0e+00;
	v3 =	vadd.f32 v5, v3;
	v5 =	vld [tilespmem:s15+$0xFFFFFF30]  }
0x156: {  	v6 =	vadd.f32 v6, v11;
	v11 =	vld [tilespmem:s15+$0xFFFFFE40];
	[tilespmem:s15+$0xFFFFFEA0] =	vst v8  }
0x157: {  	v8 =	vld [tilespmem:s21+$0xFFFFFEB0];
	v3 =	vmax.f32 v3, $0.0e+00  }
0x158: {  	v6 =	vmax.f32 v6, $0.0e+00;
	v12 =	vld [tilespmem:s15+$0xFFFFFEC0];
	[tilespmem:s15+$0xFFFFFF20] =	vst v3  }
0x159: {  	[tilespmem:s15+$0xFFFFFE20] =	vst v6;
	v3 =	vld [tilespmem:s21+$0xFFFFFF30];
	v4 =	vadd.f32 v9, v4  }
0x15a: {  	v6 =	vld [tilespmem:s21+$0xFFFFFE30]  }
0x15b: {  	v9 =	vld [tilespmem:s15+$0xFFFFFF40];
	v4 =	vmax.f32 v4, $0.0e+00  }
0x15c: {  	v7 =	vadd.f32 v8, v7;
	[tilespmem:s15+$0xFFFFFFB0] =	vst v4;
	v4 =	vld [tilespmem:s15+$0xFFFFFFC0]  }
0x15d: {  	v8 =	vld [tilespmem:s21+$0xFFFFFFC0]  }
0x15e: {  	v13 =	vld [tilespmem:s15+$0xFFFFFE50];
	v7 =	vmax.f32 v7, $0.0e+00;
	v3 =	vadd.f32 v3, v5  }
0x15f: {  	v5 =	vadd.f32 v6, v10;
	[tilespmem:s15+$0xFFFFFEB0] =	vst v7;
	v6 =	vld [tilespmem:s15+$0xFFFFFED0]  }
0x160: {  	v7 =	vld [tilespmem:s21+$0xFFFFFEC0];
	v3 =	vmax.f32 v3, $0.0e+00  }
0x161: {  	v5 =	vmax.f32 v5, $0.0e+00;
	[tilespmem:s15+$0xFFFFFF30] =	vst v3;
	v10 =	vld [tilespmem:s15+$0xFFFFFF50]  }
0x162: {  	[tilespmem:s15+$0xFFFFFE30] =	vst v5;
	v3 =	vld [tilespmem:s21+$0xFFFFFF40];
	v4 =	vadd.f32 v8, v4  }
0x163: {  	v5 =	vld [tilespmem:s21+$0xFFFFFE40]  }
0x164: {  	v8 =	vld [tilespmem:s15+$0xFFFFFE60];
	v4 =	vmax.f32 v4, $0.0e+00  }
0x165: {  	v7 =	vadd.f32 v7, v12;
	[tilespmem:s15+$0xFFFFFFC0] =	vst v4;
	v4 =	vld [tilespmem:s15+$0xFFFFFFD0]  }
0x166: {  	v12 =	vld [tilespmem:s21+$0xFFFFFFD0]  }
0x167: {  	v7 =	vmax.f32 v7, $0.0e+00;
	v14 =	vld [tilespmem:s15+$0xFFFFFEE0];
	v3 =	vadd.f32 v3, v9  }
0x168: {  	v5 =	vadd.f32 v5, v11;
	[tilespmem:s15+$0xFFFFFEC0] =	vst v7;
	v7 =	vld [tilespmem:s15+$0xFFFFFF60]  }
0x169: {  	v9 =	vld [tilespmem:s21+$0xFFFFFED0];
	v11 =	vmax.f32 v3, $0.0e+00  }
0x16a: {  	v5 =	vmax.f32 v5, $0.0e+00;
	v3 =	vld [tilespmem:s15+$0xFFFFFE70];
	[tilespmem:s15+$0xFFFFFF40] =	vst v11  }
0x16b: {  	[tilespmem:s15+$0xFFFFFE40] =	vst v5;
	v5 =	vld [tilespmem:s21+$0xFFFFFF50];
	v11 =	vadd.f32 v12, v4  }
0x16c: {  	v12 =	vld [tilespmem:s21+$0xFFFFFE50]  }
0x16d: {  	v4 =	vld [tilespmem:s15+$0xFFFFFEF0];
	v11 =	vmax.f32 v11, $0.0e+00  }
0x16e: {  	v6 =	vadd.f32 v9, v6;
	[tilespmem:s15+$0xFFFFFFD0] =	vst v11;
	v9 =	vld [tilespmem:s15+$0xFFFFFFE0]  }
0x16f: {  	v11 =	vld [tilespmem:s21+$0xFFFFFFE0]  }
0x170: {  	v6 =	vmax.f32 v6, $0.0e+00;
	v10 =	vadd.f32 v5, v10;
	v5 =	vld [tilespmem:s15+$0xFFFFFF70]  }
0x171: {  	v12 =	vadd.f32 v12, v13;
	[tilespmem:s15+$0xFFFFFED0] =	vst v6;
	v6 =	vld [tilespmem:s11+$0xFFFFFE80]  }
0x172: {  	v13 =	vld [tilespmem:s21+$0xFFFFFEE0];
	v10 =	vmax.f32 v10, $0.0e+00  }
0x173: {  	v12 =	vmax.f32 v12, $0.0e+00;
	[tilespmem:s15+$0xFFFFFF50] =	vst v10;
	v10 =	vld [tilespmem:s11+$0xFFFFFF00]  }
0x174: {  	[tilespmem:s15+$0xFFFFFE50] =	vst v12;
	v12 =	vld [tilespmem:s21+$0xFFFFFF60];
	v9 =	vadd.f32 v11, v9  }
0x175: {  	v11 =	vld [tilespmem:s21+$0xFFFFFE60]  }
0x176: {  	v9 =	vmax.f32 v9, $0.0e+00;
	v2 =	vadd.f32 v6, v2;
	v6 =	vld [tilespmem:s11+$0xFFFFFF80];
	s11 =	smov.u32 s21  }
0x177: {  	v13 =	vadd.f32 v13, v14;
	[tilespmem:s15+$0xFFFFFFE0] =	vst v9;
	v9 =	vld [tilespmem:s15+$0xFFFFFFF0]  }
0x178: {  	v14 =	vld [tilespmem:s21+$0xFFFFFFF0];
	v15 =	vmax.f32 v2, $0.0e+00;
	v10 =	vadd.f32 v10, v1  }
0x179: {  	v2 =	vld [tilespmem:s15+$0xFFFFFE80];
	v1 =	vmax.f32 v13, $0.0e+00;
	v12 =	vadd.f32 v12, v7;
	[tilespmem:s10+$0xFFFFFE80] =	vst v15  }
0x17a: {  	v8 =	vadd.f32 v11, v8;
	[tilespmem:s15+$0xFFFFFEE0] =	vst v1;
	v1 =	vld [tilespmem:s15+$0xFFFFFF00];
	v10 =	vmax.f32 v10, $0.0e+00  }
.Ltmp1:
0x17b: {  	v7 =	vld [tilespmem:s21+$0xFFFFFEF0];
	v11 =	vmax.f32 v12, $0.0e+00;
	[tilespmem:s10+$0xFFFFFF00] =	vst v10;
	v6 =	vadd.f32 v6, v0;
	(pc) =	sbr.rel @p0 .LBB2_5-.Ltmp1, $4  }
0x17c: {  	v8 =	vmax.f32 v8, $0.0e+00;
	[tilespmem:s15+$0xFFFFFF60] =	vst v11;
	v0 =	vld [tilespmem:s15+$0xFFFFFF80]  }
0x17d: {  	[tilespmem:s15+$0xFFFFFE60] =	vst v8;
	v8 =	vld [tilespmem:s21+$0xFFFFFF70];
	v10 =	vadd.f32 v14, v9;
	v6 =	vmax.f32 v6, $0.0e+00  }
0x17e: {  	v9 =	vld [tilespmem:s21+$0xFFFFFE70];
	[tilespmem:s10+$0xFFFFFF80] =	vst v6;
	s10 =	smov.u32 s15  }
0x17f: {  	s15 =	sadd.s32 $0x200, s15;
	v10 =	vmax.f32 v10, $0.0e+00;
	v6 =	vld [tilespmem:s10+$0x0]  }
0x180: {  	_ = 	snop  }
0x181: {  	v4 =	vadd.f32 v7, v4  }
0x182: {  	v5 =	vadd.f32 v8, v5  }
0x183: {  	[tilespmem:s10+$0xFFFFFFF0] =	vst v10;
	v4 =	vmax.f32 v4, $0.0e+00;
	v3 =	vadd.f32 v9, v3  }
0x184: {  	v58 =	vld [tilespmem:s11+$0x0];
	[tilespmem:s10+$0xFFFFFEF0] =	vst v4;
	v59 =	vmax.f32 v5, $0.0e+00  }
0x185: {  	v61 =	vld [tilespmem:s11+$0xFFFFFF00];
	v3 =	vmax.f32 v3, $0.0e+00;
	[tilespmem:s10+$0xFFFFFF70] =	vst v59  }
0x186: {  	[tilespmem:s10+$0xFFFFFE70] =	vst v3;
	v62 =	vld [tilespmem:s11+$0xFFFFFF80]  }
0x187: {  	v60 =	vld [tilespmem:s11+$0xFFFFFE80];
	_ =	sdelay $0x1  }
0x188: {  	v6 =	vadd.f32 v58, v6  }
0x189: {  	s9 =	sadd.s32 $0x1, s9;
	v1 =	vadd.f32 v61, v1  }
0x18a: {  	p0 =	sne.s32 s9, $0x40;
	v63 =	vmax.f32 v6, $0.0e+00;
	v0 =	vadd.f32 v62, v0  }
.Ltmp2:
0x18b: {  	[tilespmem:s10+$0x0] =	vst v63;
	v1 =	vmax.f32 v1, $0.0e+00;
	v2 =	vadd.f32 v60, v2;
	(pc) =	sbr.rel @p0 .LBB2_2-.Ltmp2, $4  }
0x18c: {  	[tilespmem:s10+$0xFFFFFF00] =	vst v1;
	v0 =	vmax.f32 v0, $0.0e+00  }
0x18d: {  	v2 =	vmax.f32 v2, $0.0e+00;
	[tilespmem:s10+$0xFFFFFF80] =	vst v0  }
0x18e: {  	[tilespmem:s10+$0xFFFFFE80] =	vst v2  }
0x18f: {  	[spmem:s3] =	stream.indirect.scatter.add.f32 [tilespmem:s24], [sflag:$0x8], $0x80, s1, s19, $0xb8;
	[tilespmem:$0x1E300] =	vst v63  }
0x190: {  	s9 =	simm.s32 $0x8  }
0x191: {  	_ =	swait.ge [sflag:s9], $0x2800  }
0x192: {  	[sflag:s9] =	ssyncset.done $0x0  }
0x193: {  	[sflag:s9] =	ssyncadd.s32 $0xFFFFD800  }
0x194: {  	[bflag:$0x0] =	sbarrier.arrive $0xFFFF  }
0x195: {  	s22 =	rddreg [dreg:$0x8]  }
0x196: {  	s14 =	rddreg [dreg:$0xa]  }
0x197: {  	[hbm:s22], [sflag:s23] =	dma.local [spmem:s14], $0x2800  }
0x198: {  	_ =	swait.ge [sflag:s17], $0x2800  }
0x199: {  	s11 =	smov.u32 s23;
	s8 =	sadd.s32 $0x1, s8;
	s23 =	rddreg [dreg:$0x9]  }
0x19a: {  	p0 =	sne.s32 s8, s23  }
.Ltmp3:
0x19b: {  	_ = 	snop;
	(pc) =	sbr.rel @p0 .LBB2_1-.Ltmp3, $3  }
0x19c: {  	_ =	sdelay $0x1  }
0x19d: {  	[sflag:s17] =	ssyncset.done $0x0  }
0x19e: {  	[sflag:s17] =	ssyncadd.s32 $0xFFFFD800  }
0x19f: {  	_ =	sfence.sel $0x180000  }
0x1a0: {  	[bflag:$0x0] =	sbarrier.arrive $0xFFFF  }
0x1a1: {  	_ =	strace $0x90000047  }
0x1a2: {  	s0 =	stileid.u32;
	[bflag:$0x2] =	sbarrier.arrive $0xFFFF  }
0x1a3: {  	p0 =	sne.s32 s0, $0x0;
	s0 =	rddreg [dreg:$0x3]  }
0x1a4: {  	s0 =	sadd.s32 @!p0 $0x100000, s0  }
0x1a5: {  	[sflag:s0] =	ssyncadd.tile.s32 @!p0 $0x1;
	_ =	shalt  }
.Lfunc_end2:
_tile_overlayer_lowered:
.L_overlay_start_2:
0x1a6: {  	(tag) =	ssettag $0x2  }
0x1a7: {  	s0 =	rddreg [dreg:$0x0];
	s2 =	stileid.u32  }
0x1a8: {  	s1 =	rddreg [dreg:$0x1];
	p0 =	sne.s32 s2, $0x0  }
0x1a9: {  	s3 =	rddreg [dreg:$0x2];
	[bflag:$0x3] =	sbarrier.arrive $0xFFFF;
	s2 =	simm.s32 @!p0 $0x1C09  }
0x1aa: {  	[timem:s3], [sflag:s2] =	dma.local @!p0 [hbm:s0], s1  }
0x1ab: {  	s0 =	simm.s32 @!p0 $0x9  }
0x1ac: {  	_ =	swait.ge @!p0 [sflag:s0], s1  }
0x1ad: {  	s1 =	ssub.s32 @!p0 $0x0, s1;
	[sflag:s0] =	ssyncset.done @!p0 $0x0  }
0x1ae: {  	[sflag:s0] =	ssyncadd.s32 @!p0 s1  }
0x1af: {  	[bflag:$0x3] =	sbarrier.arrive $0xFFFF  }
0x1b0: {  	_ =	shalt  }

</sc_bundles>
